<compile_context>
chip_gen: v7x
topology: tpu7x:2x2x1
jax: 0.10.2.dev20260603
libtpu: 0.0.44.dev20260713+nightly
codegen_flags: <defaults>
</compile_context>

<pallas_src>
import functools

import jax
import jax.numpy as jnp
from jax import lax
from jax.experimental import pallas as pl
from jax.experimental.pallas import tpu as pltpu
from jax.experimental.pallas import tpu_sc as plsc

N = 10000
E = 320000
D = 128
HW = 64

NC = 2
NS = 16
L = 16

CHUNK = 80
N_CHUNKS = E // CHUNK
PER_TILE = N_CHUNKS // NS
BLK = 10
N_BLK = PER_TILE // BLK
N_PAD = 10240
ROWS_PER_TILE = N_PAD // NS
WB = 128


def _mm1_body(x_ref, w1_ref, b1_ref, a_ref, b_ref):
    x = x_ref[...]
    w1a = w1_ref[:D, :]
    w1b = w1_ref[D:, :]
    a = jnp.dot(x, w1a - w1b, preferred_element_type=jnp.float32) + b1_ref[...]
    b = jnp.dot(x, w1b, preferred_element_type=jnp.float32)
    a_ref[:N, :] = a[:, :HW]
    a_ref[N:, :] = a[:, HW:]
    b_ref[:N, :] = b[:, :HW]
    b_ref[N:, :] = b[:, HW:]


def _mm1(x, W1, b1_2d):
    return pl.pallas_call(
        _mm1_body,
        out_shape=[
            jax.ShapeDtypeStruct((2 * N, HW), jnp.float32),
            jax.ShapeDtypeStruct((2 * N, HW), jnp.float32),
        ],
    )(x, W1, b1_2d)


def _mm2_body(s_ref, dg_ref, w2_ref, b2_ref, o_ref):
    s = jnp.concatenate([s_ref[0, :N], s_ref[1, :N]], axis=1)
    deg = dg_ref[0, :N, :1]
    o_ref[...] = (
        jnp.dot(s, w2_ref[...], preferred_element_type=jnp.float32)
        + deg * b2_ref[...]
    )


def _mm2(S2, Dg2, W2, b2_2d):
    return pl.pallas_call(
        _mm2_body,
        out_shape=jax.ShapeDtypeStruct((N, D), jnp.float32),
    )(S2, Dg2, W2, b2_2d)


_sc_mesh = plsc.VectorSubcoreMesh(core_axis_name="c", subcore_axis_name="s")

_SLOT_SCRATCH = [
    pltpu.VMEM((CHUNK,), jnp.int32),
    pltpu.VMEM((CHUNK,), jnp.int32),
    pltpu.VMEM((CHUNK,), jnp.int32),
    pltpu.VMEM((CHUNK, HW), jnp.float32),
    pltpu.SemaphoreType.DMA,
    pltpu.SemaphoreType.DMA,
    pltpu.SemaphoreType.DMA,
]


@functools.partial(
    pl.kernel,
    out_type=[
        jax.ShapeDtypeStruct((NC * N_PAD, HW), jnp.float32),
        jax.ShapeDtypeStruct((NC * N_PAD, L), jnp.float32),
    ],
    mesh=_sc_mesh,
    compiler_params=pltpu.CompilerParams(use_tc_tiling_on_sc=False),
    scratch_types=_SLOT_SCRATCH + _SLOT_SCRATCH + [
        pltpu.VMEM((BLK * CHUNK,), jnp.int32),
        pltpu.VMEM((BLK * CHUNK,), jnp.int32),
        pltpu.VMEM((CHUNK, L), jnp.float32),
        pltpu.VMEM((WB, HW), jnp.float32),
        pltpu.VMEM((WB, L), jnp.float32),
        pltpu.VMEM_SHARED((N_PAD, HW), jnp.float32),
        pltpu.VMEM_SHARED((N_PAD, L), jnp.float32),
    ],
)
def _sc_edges(a_hbm, b_hbm, src_hbm, dst_hbm, s_out, d_out,
              is0, id0, ig0, bm0, sa0, sb0, sc0,
              is1, id1, ig1, bm1, sa1, sb1, sc1,
              src_blk, dst_blk, ones_buf, zf_buf, z16_buf, acc, dacc):
    cid = lax.axis_index("c")
    sid = lax.axis_index("s")
    row_off = cid * N
    tile_base = sid * PER_TILE

    slots = ((is0, id0, ig0, bm0, sa0, sb0, sc0),
             (is1, id1, ig1, bm1, sa1, sb1, sc1))

    zeros_v = jnp.zeros((L,), jnp.float32)
    ones_v = jnp.ones((L,), jnp.float32)

    def init_row(i, carry):
        for c in range(HW // L):
            zf_buf[i, pl.ds(c * L, L)] = zeros_v
        z16_buf[i, pl.ds(0, L)] = zeros_v
        return carry

    lax.fori_loop(0, WB, init_row, 0)

    def init_ones(i, carry):
        ones_buf[i, pl.ds(0, L)] = ones_v
        return carry

    lax.fori_loop(0, CHUNK, init_ones, 0)

    base = sid * ROWS_PER_TILE
    for k in range(ROWS_PER_TILE // WB):
        r0 = base + k * WB
        pltpu.sync_copy(zf_buf, acc.at[pl.ds(r0, WB)])
        pltpu.sync_copy(z16_buf, dacc.at[pl.ds(r0, WB)])

    plsc.subcore_barrier()

    def wait_scatter(slot):
        idx_s, idx_d, idx_g, buf_m, sem_a, sem_b, sem_sc = slot
        pltpu.make_async_copy(buf_m, acc.at[idx_d], sem_sc).wait()
        pltpu.make_async_copy(ones_buf, dacc.at[idx_d], sem_sc).wait()

    def prep(u, slot):
        idx_s, idx_d, idx_g, buf_m, sem_a, sem_b, sem_sc = slot
        for c in range(CHUNK // L):
            sl = pl.ds(c * L, L)
            bsl = pl.ds(u * CHUNK + c * L, L)
            d = dst_blk[bsl]
            idx_d[sl] = d
            idx_g[sl] = d + row_off
            idx_s[sl] = src_blk[bsl] + row_off
        pltpu.async_copy(a_hbm.at[idx_g], buf_m, sem_a)

    def finish(slot):
        idx_s, idx_d, idx_g, buf_m, sem_a, sem_b, sem_sc = slot
        pltpu.make_async_copy(a_hbm.at[idx_g], buf_m, sem_a).wait()
        pltpu.async_copy(b_hbm.at[idx_s], buf_m, sem_b, add=True)

    def finalize(slot):
        idx_s, idx_d, idx_g, buf_m, sem_a, sem_b, sem_sc = slot
        pltpu.make_async_copy(b_hbm.at[idx_s], buf_m, sem_b).wait()

        def relu_row(i, carry):
            for c in range(HW // L):
                sl = pl.ds(c * L, L)
                buf_m[i, sl] = jnp.maximum(buf_m[i, sl], 0.0)
            return carry

        lax.fori_loop(0, CHUNK, relu_row, 0, unroll=4)
        pltpu.async_copy(buf_m, acc.at[idx_d], sem_sc, add=True)
        pltpu.async_copy(ones_buf, dacc.at[idx_d], sem_sc, add=True)

    def block_body(jb, carry):
        e0 = (tile_base + jb * BLK) * CHUNK
        pltpu.sync_copy(src_hbm.at[pl.ds(e0, BLK * CHUNK)], src_blk)
        pltpu.sync_copy(dst_hbm.at[pl.ds(e0, BLK * CHUNK)], dst_blk)

        @pl.when(jb > 0)
        def _():
            wait_scatter(slots[0])

        prep(0, slots[0])
        for u in range(BLK):
            s = slots[u % 2]
            finish(s)
            if u + 1 < BLK:
                ns = slots[(u + 1) % 2]
                if u + 1 == 1:
                    @pl.when(jb > 0)
                    def _():
                        wait_scatter(ns)
                else:
                    wait_scatter(ns)
                prep(u + 1, ns)
            finalize(s)
        return carry

    lax.fori_loop(0, N_BLK, block_body, 0)

    for s in slots:
        wait_scatter(s)

    plsc.subcore_barrier()

    for k in range(ROWS_PER_TILE // WB):
        r_loc = base + k * WB
        r_out = cid * N_PAD + r_loc
        pltpu.sync_copy(acc.at[pl.ds(r_loc, WB)], s_out.at[pl.ds(r_out, WB)])
        pltpu.sync_copy(dacc.at[pl.ds(r_loc, WB)], d_out.at[pl.ds(r_out, WB)])


def kernel(x, edge_index, W1, b1, W2, b2):
    src = edge_index[0]
    dst = edge_index[1]
    A, B = _mm1(x, W1, b1.reshape(1, D))
    S_flat, Dg_flat = _sc_edges(A, B, src, dst)
    S2 = S_flat.reshape(NC, N_PAD, HW)
    Dg2 = Dg_flat.reshape(NC, N_PAD, L)
    return _mm2(S2, Dg2, W2, b2.reshape(1, D))

# --- scband reference (transcript-rebuilt; emitter-appended) ---
"""Pipeline reference for scband-efn-76441827934547 (READ-ONLY COPY).

The authoritative reference and input builder live on the scoring server;
editing this copy changes nothing except your own understanding.
"""

import jax, jax.numpy as jnp
import numpy as np

N_NODES = 10000
N_EDGES = 320000
D_FEAT = 128


def setup_inputs(seed: int = 0) -> dict:
    key = jax.random.key(seed)
    k1, k2, k3, k4 = jax.random.split(key, 4)
    x = jax.random.normal(k1, (N_NODES, D_FEAT), dtype=jnp.float32)
    edge_index = jax.random.randint(k2, (2, N_EDGES), 0, N_NODES, dtype=jnp.int32)
    # Edge-network MLP parameters (the `nn` passed to PTConv): 2*d_feat -> d_feat -> d_feat
    W1 = jax.random.normal(k3, (2 * D_FEAT, D_FEAT), dtype=jnp.float32) * (1.0 / np.sqrt(2 * D_FEAT))
    b1 = jnp.zeros((D_FEAT,), dtype=jnp.float32)
    W2 = jax.random.normal(k4, (D_FEAT, D_FEAT), dtype=jnp.float32) * (1.0 / np.sqrt(D_FEAT))
    b2 = jnp.zeros((D_FEAT,), dtype=jnp.float32)
    return {"x": x, "edge_index": edge_index, "W1": W1, "b1": b1, "W2": W2, "b2": b2}


def reference(x, edge_index, W1, b1, W2, b2):
    # EFN.forward -> PTConv (EdgeConv-style message passing, aggr='add'):
    # message_e = nn(cat([x_i, x_j - x_i])) for each edge (j -> i)
    # out_i = sum_{e: dst(e)=i} message_e
    src = edge_index[0]
    dst = edge_index[1]
    x_i = jnp.take(x, dst, axis=0)   # gather (SparseCore)
    x_j = jnp.take(x, src, axis=0)   # gather (SparseCore)
    h = jnp.concatenate([x_i, x_j - x_i], axis=-1)
    h = jnp.maximum(h @ W1 + b1, 0.0)
    m = h @ W2 + b2
    out = jax.ops.segment_sum(m, dst, num_segments=N_NODES)  # scatter-add
    return out

if __name__ == "__main__":
    import jax
    _d = setup_inputs()
    print(jax.jit(kernel)(*tuple(_d.values())))

</pallas_src>

<mosaic_0001>
#map = affine_map<(d0, d1) -> (0, 0)>
#map1 = affine_map<(d0, d1) -> (0)>
module attributes {stable_mosaic.version = 14 : i64} {
  func.func @_sc_edges(%arg0: i32, %arg1: i32, %arg2: memref<20000x64xf32, #tpu.memory_space<hbm>>, %arg3: memref<20000x64xf32, #tpu.memory_space<hbm>>, %arg4: memref<320000xi32, #tpu.memory_space<hbm>>, %arg5: memref<320000xi32, #tpu.memory_space<hbm>>, %arg6: memref<20480x64xf32, #tpu.memory_space<hbm>>, %arg7: memref<20480x16xf32, #tpu.memory_space<hbm>>, %arg8: memref<80xi32, #tpu.memory_space<vmem>>, %arg9: memref<80xi32, #tpu.memory_space<vmem>>, %arg10: memref<80xi32, #tpu.memory_space<vmem>>, %arg11: memref<80x64xf32, #tpu.memory_space<vmem>>, %arg12: memref<!tpu.dma_semaphore, #tpu.memory_space<semaphore_mem>>, %arg13: memref<!tpu.dma_semaphore, #tpu.memory_space<semaphore_mem>>, %arg14: memref<!tpu.dma_semaphore, #tpu.memory_space<semaphore_mem>>, %arg15: memref<80xi32, #tpu.memory_space<vmem>>, %arg16: memref<80xi32, #tpu.memory_space<vmem>>, %arg17: memref<80xi32, #tpu.memory_space<vmem>>, %arg18: memref<80x64xf32, #tpu.memory_space<vmem>>, %arg19: memref<!tpu.dma_semaphore, #tpu.memory_space<semaphore_mem>>, %arg20: memref<!tpu.dma_semaphore, #tpu.memory_space<semaphore_mem>>, %arg21: memref<!tpu.dma_semaphore, #tpu.memory_space<semaphore_mem>>, %arg22: memref<800xi32, #tpu.memory_space<vmem>>, %arg23: memref<800xi32, #tpu.memory_space<vmem>>, %arg24: memref<80x16xf32, #tpu.memory_space<vmem>>, %arg25: memref<128x64xf32, #tpu.memory_space<vmem>>, %arg26: memref<128x16xf32, #tpu.memory_space<vmem>>, %arg27: memref<10240x64xf32, #tpu.memory_space<vmem_shared>>, %arg28: memref<10240x16xf32, #tpu.memory_space<vmem_shared>>) attributes {dimension_semantics = [#tpu.dimension_semantics<core_parallel>, #tpu.dimension_semantics<subcore_parallel>], iteration_bounds = array<i64: 2, 16>, scalar_prefetch = 0 : i64, scratch_operands = 21 : i64, tpu.core_type = #tpu.core_type<sc_vector_subcore>, window_params = [{transform_indices = #map}, {transform_indices = #map}, {transform_indices = #map1}, {transform_indices = #map1}, {transform_indices = #map}, {transform_indices = #map}]} {
    %mul3A = arith.constant 10000 : i32
    %mul3A_0 = arith.muli %arg0, %mul3A : i32
    %mul3A_1 = arith.constant 250 : i32
    %mul3A_2 = arith.muli %arg1, %mul3A_1 : i32
    %broadcast_in_dim3A = arith.constant 0.000000e+00 : f32
    %broadcast_in_dim3A_3 = vector.broadcast %broadcast_in_dim3A : f32 to vector<16xf32>
    %broadcast_in_dim3A_4 = arith.constant 1.000000e+00 : f32
    %broadcast_in_dim3A_5 = vector.broadcast %broadcast_in_dim3A_4 : f32 to vector<16xf32>
    %scan3A = arith.constant 0 : i32
    %scan3A_6 = arith.constant 0 : i32
    %scan3A_7 = arith.constant 128 : i32
    %scan3A_8 = arith.addi %scan3A_6, %scan3A_7 : i32
    %scan3A_9 = arith.constant 1 : i32
    scf.for %scan3A_71 = %scan3A_6 to %scan3A_8 step %scan3A_9  : i32 {
      %swap3A = arith.index_cast %scan3A_71 : i32 to index
      %swap3A_72 = arith.constant 0 : index
      %swap3A_73 = tpu.vector_load %arg25[%swap3A, %swap3A_72] {strides = array<i32>} : memref<128x64xf32, #tpu.memory_space<vmem>>, vector<1x16xf32>,
      %swap3A_74 = vector.shape_cast %swap3A_73 : vector<1x16xf32> to vector<16xf32>
      %swap3A_75 = vector.shape_cast %broadcast_in_dim3A_3 : vector<16xf32> to vector<1x16xf32>
      tpu.vector_store %arg25[%swap3A, %swap3A_72], %swap3A_75 {strides = array<i32>} : memref<128x64xf32, #tpu.memory_space<vmem>>, vector<1x16xf32>,
      %swap3A_76 = arith.index_cast %scan3A_71 : i32 to index
      %swap3A_77 = arith.constant 16 : index
      %swap3A_78 = tpu.vector_load %arg25[%swap3A_76, %swap3A_77] {strides = array<i32>} : memref<128x64xf32, #tpu.memory_space<vmem>>, vector<1x16xf32>,
      %swap3A_79 = vector.shape_cast %swap3A_78 : vector<1x16xf32> to vector<16xf32>
      %swap3A_80 = vector.shape_cast %broadcast_in_dim3A_3 : vector<16xf32> to vector<1x16xf32>
      tpu.vector_store %arg25[%swap3A_76, %swap3A_77], %swap3A_80 {strides = array<i32>} : memref<128x64xf32, #tpu.memory_space<vmem>>, vector<1x16xf32>,
      %swap3A_81 = arith.index_cast %scan3A_71 : i32 to index
      %swap3A_82 = arith.constant 32 : index
      %swap3A_83 = tpu.vector_load %arg25[%swap3A_81, %swap3A_82] {strides = array<i32>} : memref<128x64xf32, #tpu.memory_space<vmem>>, vector<1x16xf32>,
      %swap3A_84 = vector.shape_cast %swap3A_83 : vector<1x16xf32> to vector<16xf32>
      %swap3A_85 = vector.shape_cast %broadcast_in_dim3A_3 : vector<16xf32> to vector<1x16xf32>
      tpu.vector_store %arg25[%swap3A_81, %swap3A_82], %swap3A_85 {strides = array<i32>} : memref<128x64xf32, #tpu.memory_space<vmem>>, vector<1x16xf32>,
      %swap3A_86 = arith.index_cast %scan3A_71 : i32 to index
      %swap3A_87 = arith.constant 48 : index
      %swap3A_88 = tpu.vector_load %arg25[%swap3A_86, %swap3A_87] {strides = array<i32>} : memref<128x64xf32, #tpu.memory_space<vmem>>, vector<1x16xf32>,
      %swap3A_89 = vector.shape_cast %swap3A_88 : vector<1x16xf32> to vector<16xf32>
      %swap3A_90 = vector.shape_cast %broadcast_in_dim3A_3 : vector<16xf32> to vector<1x16xf32>
      tpu.vector_store %arg25[%swap3A_86, %swap3A_87], %swap3A_90 {strides = array<i32>} : memref<128x64xf32, #tpu.memory_space<vmem>>, vector<1x16xf32>,
      %swap3A_91 = arith.index_cast %scan3A_71 : i32 to index
      %swap3A_92 = arith.constant 0 : index
      %swap3A_93 = tpu.vector_load %arg26[%swap3A_91, %swap3A_92] {strides = array<i32>} : memref<128x16xf32, #tpu.memory_space<vmem>>, vector<1x16xf32>,
      %swap3A_94 = vector.shape_cast %swap3A_93 : vector<1x16xf32> to vector<16xf32>
      %swap3A_95 = vector.shape_cast %broadcast_in_dim3A_3 : vector<16xf32> to vector<1x16xf32>
      tpu.vector_store %arg26[%swap3A_91, %swap3A_92], %swap3A_95 {strides = array<i32>} : memref<128x16xf32, #tpu.memory_space<vmem>>, vector<1x16xf32>,
    }
    %scan3A_10 = arith.constant 128 : i32
    %scan3A_11 = arith.constant 0 : i32
    %scan3A_12 = arith.constant 0 : i32
    %scan3A_13 = arith.constant 80 : i32
    %scan3A_14 = arith.addi %scan3A_12, %scan3A_13 : i32
    %scan3A_15 = arith.constant 1 : i32
    scf.for %scan3A_71 = %scan3A_12 to %scan3A_14 step %scan3A_15  : i32 {
      %swap3A = arith.index_cast %scan3A_71 : i32 to index
      %swap3A_72 = arith.constant 0 : index
      %swap3A_73 = tpu.vector_load %arg24[%swap3A, %swap3A_72] {strides = array<i32>} : memref<80x16xf32, #tpu.memory_space<vmem>>, vector<1x16xf32>,
      %swap3A_74 = vector.shape_cast %swap3A_73 : vector<1x16xf32> to vector<16xf32>
      %swap3A_75 = vector.shape_cast %broadcast_in_dim3A_5 : vector<16xf32> to vector<1x16xf32>
      tpu.vector_store %arg24[%swap3A, %swap3A_72], %swap3A_75 {strides = array<i32>} : memref<80x16xf32, #tpu.memory_space<vmem>>, vector<1x16xf32>,
    }
    %scan3A_16 = arith.constant 80 : i32
    %mul3A_17 = arith.constant 640 : i32
    %mul3A_18 = arith.muli %arg1, %mul3A_17 : i32
    %add3A = arith.constant 0 : i32
    %add3A_19 = arith.addi %mul3A_18, %add3A : i32
    "tpu.region"() ({
      %run_scoped3A = tpu.sem_alloc : memref<!tpu.dma_semaphore, #tpu.memory_space<semaphore_mem>>
      %dma_start3A = arith.constant 0 : i32
      %dma_start3A_71 = tpu.memref_slice %arg27[%add3A_19, %dma_start3A] : memref<10240x64xf32, #tpu.memory_space<vmem_shared>> -> memref<128x64xf32, #tpu.memory_space<vmem_shared>>
      %dma_start3A_72 = arith.constant 0 : i32
      %dma_start3A_73 = tpu.memref_slice %arg27[%add3A_19, %dma_start3A_72] : memref<10240x64xf32, #tpu.memory_space<vmem_shared>> -> memref<128x64xf32, #tpu.memory_space<vmem_shared>>
      tpu.enqueue_dma source(%arg25 : memref<128x64xf32, #tpu.memory_space<vmem>>) target(%dma_start3A_73 : memref<128x64xf32, #tpu.memory_space<vmem_shared>>) target_semaphore(%run_scoped3A : memref<!tpu.dma_semaphore, #tpu.memory_space<semaphore_mem>>)
      %dma_wait3A_74 = arith.constant 0 : i32
      %dma_wait3A_75 = tpu.memref_slice %arg27[%add3A_19, %dma_wait3A_74] : memref<10240x64xf32, #tpu.memory_space<vmem_shared>> -> memref<128x64xf32, #tpu.memory_space<vmem_shared>>
      %dma_wait3A_76 = arith.constant 0 : i32
      %dma_wait3A_77 = tpu.memref_slice %arg27[%add3A_19, %dma_wait3A_76] : memref<10240x64xf32, #tpu.memory_space<vmem_shared>> -> memref<128x64xf32, #tpu.memory_space<vmem_shared>>
      tpu.wait_dma2 semaphore(%run_scoped3A : memref<!tpu.dma_semaphore, #tpu.memory_space<semaphore_mem>>) src(%arg25 : memref<128x64xf32, #tpu.memory_space<vmem>>) dst(%dma_wait3A_77 : memref<128x64xf32, #tpu.memory_space<vmem_shared>>)
      tpu.yield
    }) : () -> ()
    "tpu.region"() ({
      %run_scoped3A = tpu.sem_alloc : memref<!tpu.dma_semaphore, #tpu.memory_space<semaphore_mem>>
      %dma_start3A = arith.constant 0 : i32
      %dma_start3A_71 = tpu.memref_slice %arg28[%add3A_19, %dma_start3A] : memref<10240x16xf32, #tpu.memory_space<vmem_shared>> -> memref<128x16xf32, #tpu.memory_space<vmem_shared>>
      %dma_start3A_72 = arith.constant 0 : i32
      %dma_start3A_73 = tpu.memref_slice %arg28[%add3A_19, %dma_start3A_72] : memref<10240x16xf32, #tpu.memory_space<vmem_shared>> -> memref<128x16xf32, #tpu.memory_space<vmem_shared>>
      tpu.enqueue_dma source(%arg26 : memref<128x16xf32, #tpu.memory_space<vmem>>) target(%dma_start3A_73 : memref<128x16xf32, #tpu.memory_space<vmem_shared>>) target_semaphore(%run_scoped3A : memref<!tpu.dma_semaphore, #tpu.memory_space<semaphore_mem>>)
      %dma_wait3A_74 = arith.constant 0 : i32
      %dma_wait3A_75 = tpu.memref_slice %arg28[%add3A_19, %dma_wait3A_74] : memref<10240x16xf32, #tpu.memory_space<vmem_shared>> -> memref<128x16xf32, #tpu.memory_space<vmem_shared>>
      %dma_wait3A_76 = arith.constant 0 : i32
      %dma_wait3A_77 = tpu.memref_slice %arg28[%add3A_19, %dma_wait3A_76] : memref<10240x16xf32, #tpu.memory_space<vmem_shared>> -> memref<128x16xf32, #tpu.memory_space<vmem_shared>>
      tpu.wait_dma2 semaphore(%run_scoped3A : memref<!tpu.dma_semaphore, #tpu.memory_space<semaphore_mem>>) src(%arg26 : memref<128x16xf32, #tpu.memory_space<vmem>>) dst(%dma_wait3A_77 : memref<128x16xf32, #tpu.memory_space<vmem_shared>>)
      tpu.yield
    }) : () -> ()
    %add3A_20 = arith.constant 128 : i32
    %add3A_21 = arith.addi %mul3A_18, %add3A_20 : i32
    "tpu.region"() ({
      %run_scoped3A = tpu.sem_alloc : memref<!tpu.dma_semaphore, #tpu.memory_space<semaphore_mem>>
      %dma_start3A = arith.constant 0 : i32
      %dma_start3A_71 = tpu.memref_slice %arg27[%add3A_21, %dma_start3A] : memref<10240x64xf32, #tpu.memory_space<vmem_shared>> -> memref<128x64xf32, #tpu.memory_space<vmem_shared>>
      %dma_start3A_72 = arith.constant 0 : i32
      %dma_start3A_73 = tpu.memref_slice %arg27[%add3A_21, %dma_start3A_72] : memref<10240x64xf32, #tpu.memory_space<vmem_shared>> -> memref<128x64xf32, #tpu.memory_space<vmem_shared>>
      tpu.enqueue_dma source(%arg25 : memref<128x64xf32, #tpu.memory_space<vmem>>) target(%dma_start3A_73 : memref<128x64xf32, #tpu.memory_space<vmem_shared>>) target_semaphore(%run_scoped3A : memref<!tpu.dma_semaphore, #tpu.memory_space<semaphore_mem>>)
      %dma_wait3A_74 = arith.constant 0 : i32
      %dma_wait3A_75 = tpu.memref_slice %arg27[%add3A_21, %dma_wait3A_74] : memref<10240x64xf32, #tpu.memory_space<vmem_shared>> -> memref<128x64xf32, #tpu.memory_space<vmem_shared>>
      %dma_wait3A_76 = arith.constant 0 : i32
      %dma_wait3A_77 = tpu.memref_slice %arg27[%add3A_21, %dma_wait3A_76] : memref<10240x64xf32, #tpu.memory_space<vmem_shared>> -> memref<128x64xf32, #tpu.memory_space<vmem_shared>>
      tpu.wait_dma2 semaphore(%run_scoped3A : memref<!tpu.dma_semaphore, #tpu.memory_space<semaphore_mem>>) src(%arg25 : memref<128x64xf32, #tpu.memory_space<vmem>>) dst(%dma_wait3A_77 : memref<128x64xf32, #tpu.memory_space<vmem_shared>>)
      tpu.yield
    }) : () -> ()
    "tpu.region"() ({
      %run_scoped3A = tpu.sem_alloc : memref<!tpu.dma_semaphore, #tpu.memory_space<semaphore_mem>>
      %dma_start3A = arith.constant 0 : i32
      %dma_start3A_71 = tpu.memref_slice %arg28[%add3A_21, %dma_start3A] : memref<10240x16xf32, #tpu.memory_space<vmem_shared>> -> memref<128x16xf32, #tpu.memory_space<vmem_shared>>
      %dma_start3A_72 = arith.constant 0 : i32
      %dma_start3A_73 = tpu.memref_slice %arg28[%add3A_21, %dma_start3A_72] : memref<10240x16xf32, #tpu.memory_space<vmem_shared>> -> memref<128x16xf32, #tpu.memory_space<vmem_shared>>
      tpu.enqueue_dma source(%arg26 : memref<128x16xf32, #tpu.memory_space<vmem>>) target(%dma_start3A_73 : memref<128x16xf32, #tpu.memory_space<vmem_shared>>) target_semaphore(%run_scoped3A : memref<!tpu.dma_semaphore, #tpu.memory_space<semaphore_mem>>)
      %dma_wait3A_74 = arith.constant 0 : i32
      %dma_wait3A_75 = tpu.memref_slice %arg28[%add3A_21, %dma_wait3A_74] : memref<10240x16xf32, #tpu.memory_space<vmem_shared>> -> memref<128x16xf32, #tpu.memory_space<vmem_shared>>
      %dma_wait3A_76 = arith.constant 0 : i32
      %dma_wait3A_77 = tpu.memref_slice %arg28[%add3A_21, %dma_wait3A_76] : memref<10240x16xf32, #tpu.memory_space<vmem_shared>> -> memref<128x16xf32, #tpu.memory_space<vmem_shared>>
      tpu.wait_dma2 semaphore(%run_scoped3A : memref<!tpu.dma_semaphore, #tpu.memory_space<semaphore_mem>>) src(%arg26 : memref<128x16xf32, #tpu.memory_space<vmem>>) dst(%dma_wait3A_77 : memref<128x16xf32, #tpu.memory_space<vmem_shared>>)
      tpu.yield
    }) : () -> ()
    %add3A_22 = arith.constant 256 : i32
    %add3A_23 = arith.addi %mul3A_18, %add3A_22 : i32
    "tpu.region"() ({
      %run_scoped3A = tpu.sem_alloc : memref<!tpu.dma_semaphore, #tpu.memory_space<semaphore_mem>>
      %dma_start3A = arith.constant 0 : i32
      %dma_start3A_71 = tpu.memref_slice %arg27[%add3A_23, %dma_start3A] : memref<10240x64xf32, #tpu.memory_space<vmem_shared>> -> memref<128x64xf32, #tpu.memory_space<vmem_shared>>
      %dma_start3A_72 = arith.constant 0 : i32
      %dma_start3A_73 = tpu.memref_slice %arg27[%add3A_23, %dma_start3A_72] : memref<10240x64xf32, #tpu.memory_space<vmem_shared>> -> memref<128x64xf32, #tpu.memory_space<vmem_shared>>
      tpu.enqueue_dma source(%arg25 : memref<128x64xf32, #tpu.memory_space<vmem>>) target(%dma_start3A_73 : memref<128x64xf32, #tpu.memory_space<vmem_shared>>) target_semaphore(%run_scoped3A : memref<!tpu.dma_semaphore, #tpu.memory_space<semaphore_mem>>)
      %dma_wait3A_74 = arith.constant 0 : i32
      %dma_wait3A_75 = tpu.memref_slice %arg27[%add3A_23, %dma_wait3A_74] : memref<10240x64xf32, #tpu.memory_space<vmem_shared>> -> memref<128x64xf32, #tpu.memory_space<vmem_shared>>
      %dma_wait3A_76 = arith.constant 0 : i32
      %dma_wait3A_77 = tpu.memref_slice %arg27[%add3A_23, %dma_wait3A_76] : memref<10240x64xf32, #tpu.memory_space<vmem_shared>> -> memref<128x64xf32, #tpu.memory_space<vmem_shared>>
      tpu.wait_dma2 semaphore(%run_scoped3A : memref<!tpu.dma_semaphore, #tpu.memory_space<semaphore_mem>>) src(%arg25 : memref<128x64xf32, #tpu.memory_space<vmem>>) dst(%dma_wait3A_77 : memref<128x64xf32, #tpu.memory_space<vmem_shared>>)
      tpu.yield
    }) : () -> ()
    "tpu.region"() ({
      %run_scoped3A = tpu.sem_alloc : memref<!tpu.dma_semaphore, #tpu.memory_space<semaphore_mem>>
      %dma_start3A = arith.constant 0 : i32
      %dma_start3A_71 = tpu.memref_slice %arg28[%add3A_23, %dma_start3A] : memref<10240x16xf32, #tpu.memory_space<vmem_shared>> -> memref<128x16xf32, #tpu.memory_space<vmem_shared>>
      %dma_start3A_72 = arith.constant 0 : i32
      %dma_start3A_73 = tpu.memref_slice %arg28[%add3A_23, %dma_start3A_72] : memref<10240x16xf32, #tpu.memory_space<vmem_shared>> -> memref<128x16xf32, #tpu.memory_space<vmem_shared>>
      tpu.enqueue_dma source(%arg26 : memref<128x16xf32, #tpu.memory_space<vmem>>) target(%dma_start3A_73 : memref<128x16xf32, #tpu.memory_space<vmem_shared>>) target_semaphore(%run_scoped3A : memref<!tpu.dma_semaphore, #tpu.memory_space<semaphore_mem>>)
      %dma_wait3A_74 = arith.constant 0 : i32
      %dma_wait3A_75 = tpu.memref_slice %arg28[%add3A_23, %dma_wait3A_74] : memref<10240x16xf32, #tpu.memory_space<vmem_shared>> -> memref<128x16xf32, #tpu.memory_space<vmem_shared>>
      %dma_wait3A_76 = arith.constant 0 : i32
      %dma_wait3A_77 = tpu.memref_slice %arg28[%add3A_23, %dma_wait3A_76] : memref<10240x16xf32, #tpu.memory_space<vmem_shared>> -> memref<128x16xf32, #tpu.memory_space<vmem_shared>>
      tpu.wait_dma2 semaphore(%run_scoped3A : memref<!tpu.dma_semaphore, #tpu.memory_space<semaphore_mem>>) src(%arg26 : memref<128x16xf32, #tpu.memory_space<vmem>>) dst(%dma_wait3A_77 : memref<128x16xf32, #tpu.memory_space<vmem_shared>>)
      tpu.yield
    }) : () -> ()
    %add3A_24 = arith.constant 384 : i32
    %add3A_25 = arith.addi %mul3A_18, %add3A_24 : i32
    "tpu.region"() ({
      %run_scoped3A = tpu.sem_alloc : memref<!tpu.dma_semaphore, #tpu.memory_space<semaphore_mem>>
      %dma_start3A = arith.constant 0 : i32
      %dma_start3A_71 = tpu.memref_slice %arg27[%add3A_25, %dma_start3A] : memref<10240x64xf32, #tpu.memory_space<vmem_shared>> -> memref<128x64xf32, #tpu.memory_space<vmem_shared>>
      %dma_start3A_72 = arith.constant 0 : i32
      %dma_start3A_73 = tpu.memref_slice %arg27[%add3A_25, %dma_start3A_72] : memref<10240x64xf32, #tpu.memory_space<vmem_shared>> -> memref<128x64xf32, #tpu.memory_space<vmem_shared>>
      tpu.enqueue_dma source(%arg25 : memref<128x64xf32, #tpu.memory_space<vmem>>) target(%dma_start3A_73 : memref<128x64xf32, #tpu.memory_space<vmem_shared>>) target_semaphore(%run_scoped3A : memref<!tpu.dma_semaphore, #tpu.memory_space<semaphore_mem>>)
      %dma_wait3A_74 = arith.constant 0 : i32
      %dma_wait3A_75 = tpu.memref_slice %arg27[%add3A_25, %dma_wait3A_74] : memref<10240x64xf32, #tpu.memory_space<vmem_shared>> -> memref<128x64xf32, #tpu.memory_space<vmem_shared>>
      %dma_wait3A_76 = arith.constant 0 : i32
      %dma_wait3A_77 = tpu.memref_slice %arg27[%add3A_25, %dma_wait3A_76] : memref<10240x64xf32, #tpu.memory_space<vmem_shared>> -> memref<128x64xf32, #tpu.memory_space<vmem_shared>>
      tpu.wait_dma2 semaphore(%run_scoped3A : memref<!tpu.dma_semaphore, #tpu.memory_space<semaphore_mem>>) src(%arg25 : memref<128x64xf32, #tpu.memory_space<vmem>>) dst(%dma_wait3A_77 : memref<128x64xf32, #tpu.memory_space<vmem_shared>>)
      tpu.yield
    }) : () -> ()
    "tpu.region"() ({
      %run_scoped3A = tpu.sem_alloc : memref<!tpu.dma_semaphore, #tpu.memory_space<semaphore_mem>>
      %dma_start3A = arith.constant 0 : i32
      %dma_start3A_71 = tpu.memref_slice %arg28[%add3A_25, %dma_start3A] : memref<10240x16xf32, #tpu.memory_space<vmem_shared>> -> memref<128x16xf32, #tpu.memory_space<vmem_shared>>
      %dma_start3A_72 = arith.constant 0 : i32
      %dma_start3A_73 = tpu.memref_slice %arg28[%add3A_25, %dma_start3A_72] : memref<10240x16xf32, #tpu.memory_space<vmem_shared>> -> memref<128x16xf32, #tpu.memory_space<vmem_shared>>
      tpu.enqueue_dma source(%arg26 : memref<128x16xf32, #tpu.memory_space<vmem>>) target(%dma_start3A_73 : memref<128x16xf32, #tpu.memory_space<vmem_shared>>) target_semaphore(%run_scoped3A : memref<!tpu.dma_semaphore, #tpu.memory_space<semaphore_mem>>)
      %dma_wait3A_74 = arith.constant 0 : i32
      %dma_wait3A_75 = tpu.memref_slice %arg28[%add3A_25, %dma_wait3A_74] : memref<10240x16xf32, #tpu.memory_space<vmem_shared>> -> memref<128x16xf32, #tpu.memory_space<vmem_shared>>
      %dma_wait3A_76 = arith.constant 0 : i32
      %dma_wait3A_77 = tpu.memref_slice %arg28[%add3A_25, %dma_wait3A_76] : memref<10240x16xf32, #tpu.memory_space<vmem_shared>> -> memref<128x16xf32, #tpu.memory_space<vmem_shared>>
      tpu.wait_dma2 semaphore(%run_scoped3A : memref<!tpu.dma_semaphore, #tpu.memory_space<semaphore_mem>>) src(%arg26 : memref<128x16xf32, #tpu.memory_space<vmem>>) dst(%dma_wait3A_77 : memref<128x16xf32, #tpu.memory_space<vmem_shared>>)
      tpu.yield
    }) : () -> ()
    %add3A_26 = arith.constant 512 : i32
    %add3A_27 = arith.addi %mul3A_18, %add3A_26 : i32
    "tpu.region"() ({
      %run_scoped3A = tpu.sem_alloc : memref<!tpu.dma_semaphore, #tpu.memory_space<semaphore_mem>>
      %dma_start3A = arith.constant 0 : i32
      %dma_start3A_71 = tpu.memref_slice %arg27[%add3A_27, %dma_start3A] : memref<10240x64xf32, #tpu.memory_space<vmem_shared>> -> memref<128x64xf32, #tpu.memory_space<vmem_shared>>
      %dma_start3A_72 = arith.constant 0 : i32
      %dma_start3A_73 = tpu.memref_slice %arg27[%add3A_27, %dma_start3A_72] : memref<10240x64xf32, #tpu.memory_space<vmem_shared>> -> memref<128x64xf32, #tpu.memory_space<vmem_shared>>
      tpu.enqueue_dma source(%arg25 : memref<128x64xf32, #tpu.memory_space<vmem>>) target(%dma_start3A_73 : memref<128x64xf32, #tpu.memory_space<vmem_shared>>) target_semaphore(%run_scoped3A : memref<!tpu.dma_semaphore, #tpu.memory_space<semaphore_mem>>)
      %dma_wait3A_74 = arith.constant 0 : i32
      %dma_wait3A_75 = tpu.memref_slice %arg27[%add3A_27, %dma_wait3A_74] : memref<10240x64xf32, #tpu.memory_space<vmem_shared>> -> memref<128x64xf32, #tpu.memory_space<vmem_shared>>
      %dma_wait3A_76 = arith.constant 0 : i32
      %dma_wait3A_77 = tpu.memref_slice %arg27[%add3A_27, %dma_wait3A_76] : memref<10240x64xf32, #tpu.memory_space<vmem_shared>> -> memref<128x64xf32, #tpu.memory_space<vmem_shared>>
      tpu.wait_dma2 semaphore(%run_scoped3A : memref<!tpu.dma_semaphore, #tpu.memory_space<semaphore_mem>>) src(%arg25 : memref<128x64xf32, #tpu.memory_space<vmem>>) dst(%dma_wait3A_77 : memref<128x64xf32, #tpu.memory_space<vmem_shared>>)
      tpu.yield
    }) : () -> ()
    "tpu.region"() ({
      %run_scoped3A = tpu.sem_alloc : memref<!tpu.dma_semaphore, #tpu.memory_space<semaphore_mem>>
      %dma_start3A = arith.constant 0 : i32
      %dma_start3A_71 = tpu.memref_slice %arg28[%add3A_27, %dma_start3A] : memref<10240x16xf32, #tpu.memory_space<vmem_shared>> -> memref<128x16xf32, #tpu.memory_space<vmem_shared>>
      %dma_start3A_72 = arith.constant 0 : i32
      %dma_start3A_73 = tpu.memref_slice %arg28[%add3A_27, %dma_start3A_72] : memref<10240x16xf32, #tpu.memory_space<vmem_shared>> -> memref<128x16xf32, #tpu.memory_space<vmem_shared>>
      tpu.enqueue_dma source(%arg26 : memref<128x16xf32, #tpu.memory_space<vmem>>) target(%dma_start3A_73 : memref<128x16xf32, #tpu.memory_space<vmem_shared>>) target_semaphore(%run_scoped3A : memref<!tpu.dma_semaphore, #tpu.memory_space<semaphore_mem>>)
      %dma_wait3A_74 = arith.constant 0 : i32
      %dma_wait3A_75 = tpu.memref_slice %arg28[%add3A_27, %dma_wait3A_74] : memref<10240x16xf32, #tpu.memory_space<vmem_shared>> -> memref<128x16xf32, #tpu.memory_space<vmem_shared>>
      %dma_wait3A_76 = arith.constant 0 : i32
      %dma_wait3A_77 = tpu.memref_slice %arg28[%add3A_27, %dma_wait3A_76] : memref<10240x16xf32, #tpu.memory_space<vmem_shared>> -> memref<128x16xf32, #tpu.memory_space<vmem_shared>>
      tpu.wait_dma2 semaphore(%run_scoped3A : memref<!tpu.dma_semaphore, #tpu.memory_space<semaphore_mem>>) src(%arg26 : memref<128x16xf32, #tpu.memory_space<vmem>>) dst(%dma_wait3A_77 : memref<128x16xf32, #tpu.memory_space<vmem_shared>>)
      tpu.yield
    }) : () -> ()
    %barrier3A = arith.constant 0 : index
    tpu.barrier barrier_id(%barrier3A)
    %scan3A_28 = arith.constant 0 : i32
    %scan3A_29 = arith.constant 0 : i32
    %scan3A_30 = arith.constant 25 : i32
    %scan3A_31 = arith.addi %scan3A_29, %scan3A_30 : i32
    %scan3A_32 = arith.constant 1 : i32
    scf.for %scan3A_71 = %scan3A_29 to %scan3A_31 step %scan3A_32  : i32 {
      %mul3A_72 = arith.constant 10 : i32
      %mul3A_73 = arith.muli %scan3A_71, %mul3A_72 : i32
      %add3A_74 = arith.addi %mul3A_2, %mul3A_73 : i32
      %mul3A_75 = arith.constant 80 : i32
      %mul3A_76 = arith.muli %add3A_74, %mul3A_75 : i32
      "tpu.region"() ({
        %run_scoped3A = tpu.sem_alloc : memref<!tpu.dma_semaphore, #tpu.memory_space<semaphore_mem>>
        %dma_start3A_1469 = tpu.memref_slice %arg4[%mul3A_76] : memref<320000xi32, #tpu.memory_space<hbm>> -> memref<800xi32, #tpu.memory_space<hbm>>
        %dma_start3A_1470 = tpu.memref_slice %arg4[%mul3A_76] : memref<320000xi32, #tpu.memory_space<hbm>> -> memref<800xi32, #tpu.memory_space<hbm>>
        tpu.enqueue_dma source(%dma_start3A_1470 : memref<800xi32, #tpu.memory_space<hbm>>) target(%arg22 : memref<800xi32, #tpu.memory_space<vmem>>) target_semaphore(%run_scoped3A : memref<!tpu.dma_semaphore, #tpu.memory_space<semaphore_mem>>)
        %dma_wait3A_1471 = tpu.memref_slice %arg4[%mul3A_76] : memref<320000xi32, #tpu.memory_space<hbm>> -> memref<800xi32, #tpu.memory_space<hbm>>
        %dma_wait3A_1472 = tpu.memref_slice %arg4[%mul3A_76] : memref<320000xi32, #tpu.memory_space<hbm>> -> memref<800xi32, #tpu.memory_space<hbm>>
        tpu.wait_dma2 semaphore(%run_scoped3A : memref<!tpu.dma_semaphore, #tpu.memory_space<semaphore_mem>>) src(%dma_wait3A_1472 : memref<800xi32, #tpu.memory_space<hbm>>) dst(%arg22 : memref<800xi32, #tpu.memory_space<vmem>>)
        tpu.yield
      }) : () -> ()
      "tpu.region"() ({
        %run_scoped3A = tpu.sem_alloc : memref<!tpu.dma_semaphore, #tpu.memory_space<semaphore_mem>>
        %dma_start3A_1469 = tpu.memref_slice %arg5[%mul3A_76] : memref<320000xi32, #tpu.memory_space<hbm>> -> memref<800xi32, #tpu.memory_space<hbm>>
        %dma_start3A_1470 = tpu.memref_slice %arg5[%mul3A_76] : memref<320000xi32, #tpu.memory_space<hbm>> -> memref<800xi32, #tpu.memory_space<hbm>>
        tpu.enqueue_dma source(%dma_start3A_1470 : memref<800xi32, #tpu.memory_space<hbm>>) target(%arg23 : memref<800xi32, #tpu.memory_space<vmem>>) target_semaphore(%run_scoped3A : memref<!tpu.dma_semaphore, #tpu.memory_space<semaphore_mem>>)
        %dma_wait3A_1471 = tpu.memref_slice %arg5[%mul3A_76] : memref<320000xi32, #tpu.memory_space<hbm>> -> memref<800xi32, #tpu.memory_space<hbm>>
        %dma_wait3A_1472 = tpu.memref_slice %arg5[%mul3A_76] : memref<320000xi32, #tpu.memory_space<hbm>> -> memref<800xi32, #tpu.memory_space<hbm>>
        tpu.wait_dma2 semaphore(%run_scoped3A : memref<!tpu.dma_semaphore, #tpu.memory_space<semaphore_mem>>) src(%dma_wait3A_1472 : memref<800xi32, #tpu.memory_space<hbm>>) dst(%arg23 : memref<800xi32, #tpu.memory_space<vmem>>)
        tpu.yield
      }) : () -> ()
      %gt3A = arith.constant 0 : i32
      %gt3A_77 = arith.cmpi sgt, %scan3A_71, %gt3A : i32
      %convert_element_type3A = arith.extui %gt3A_77 : i1 to i32
      %cond3A = arith.constant 0 : i32
      %cond3A_78 = arith.cmpi ne, %convert_element_type3A, %cond3A : i32
      scf.if %cond3A_78 {
        %dma_wait3A_1469 = arith.constant 0 : i32
        %dma_wait3A_1470 = arith.constant 0 : i32
        %dma_wait3A_1471 = tpu.memref_slice %arg27[%dma_wait3A_1469, %dma_wait3A_1470] : memref<10240x64xf32, #tpu.memory_space<vmem_shared>> -> memref<10240x64xf32, #tpu.memory_space<vmem_shared>>
        tpu.wait_indirect_dma semaphore(%arg14 : memref<!tpu.dma_semaphore, #tpu.memory_space<semaphore_mem>>) src(%arg11 : memref<80x64xf32, #tpu.memory_space<vmem>>) dst(%dma_wait3A_1471 : memref<10240x64xf32, #tpu.memory_space<vmem_shared>>)
        %dma_wait3A_1472 = arith.constant 0 : i32
        %dma_wait3A_1473 = arith.constant 0 : i32
        %dma_wait3A_1474 = tpu.memref_slice %arg28[%dma_wait3A_1472, %dma_wait3A_1473] : memref<10240x16xf32, #tpu.memory_space<vmem_shared>> -> memref<10240x16xf32, #tpu.memory_space<vmem_shared>>
        tpu.wait_indirect_dma semaphore(%arg14 : memref<!tpu.dma_semaphore, #tpu.memory_space<semaphore_mem>>) src(%arg24 : memref<80x16xf32, #tpu.memory_space<vmem>>) dst(%dma_wait3A_1474 : memref<10240x16xf32, #tpu.memory_space<vmem_shared>>)
      } else {
      }
      %get3A = arith.constant 0 : index
      %get3A_79 = tpu.vector_load %arg23[%get3A] {strides = array<i32>} : memref<800xi32, #tpu.memory_space<vmem>>, vector<16xi32>,
      %get3A_80 = vector.shape_cast %get3A_79 : vector<16xi32> to vector<16xi32>
      %swap3A = arith.constant 0 : index
      %swap3A_81 = tpu.vector_load %arg9[%swap3A] {strides = array<i32>} : memref<80xi32, #tpu.memory_space<vmem>>, vector<16xi32>,
      %swap3A_82 = vector.shape_cast %swap3A_81 : vector<16xi32> to vector<16xi32>
      %swap3A_83 = vector.shape_cast %get3A_80 : vector<16xi32> to vector<16xi32>
      tpu.vector_store %arg9[%swap3A], %swap3A_83 {strides = array<i32>} : memref<80xi32, #tpu.memory_space<vmem>>, vector<16xi32>,
      %add3A_84 = vector.broadcast %mul3A_0 : i32 to vector<16xi32>
      %add3A_85 = arith.addi %get3A_80, %add3A_84 : vector<16xi32>
      %swap3A_86 = arith.constant 0 : index
      %swap3A_87 = tpu.vector_load %arg10[%swap3A_86] {strides = array<i32>} : memref<80xi32, #tpu.memory_space<vmem>>, vector<16xi32>,
      %swap3A_88 = vector.shape_cast %swap3A_87 : vector<16xi32> to vector<16xi32>
      %swap3A_89 = vector.shape_cast %add3A_85 : vector<16xi32> to vector<16xi32>
      tpu.vector_store %arg10[%swap3A_86], %swap3A_89 {strides = array<i32>} : memref<80xi32, #tpu.memory_space<vmem>>, vector<16xi32>,
      %get3A_90 = arith.constant 0 : index
      %get3A_91 = tpu.vector_load %arg22[%get3A_90] {strides = array<i32>} : memref<800xi32, #tpu.memory_space<vmem>>, vector<16xi32>,
      %get3A_92 = vector.shape_cast %get3A_91 : vector<16xi32> to vector<16xi32>
      %add3A_93 = vector.broadcast %mul3A_0 : i32 to vector<16xi32>
      %add3A_94 = arith.addi %get3A_92, %add3A_93 : vector<16xi32>
      %swap3A_95 = arith.constant 0 : index
      %swap3A_96 = tpu.vector_load %arg8[%swap3A_95] {strides = array<i32>} : memref<80xi32, #tpu.memory_space<vmem>>, vector<16xi32>,
      %swap3A_97 = vector.shape_cast %swap3A_96 : vector<16xi32> to vector<16xi32>
      %swap3A_98 = vector.shape_cast %add3A_94 : vector<16xi32> to vector<16xi32>
      tpu.vector_store %arg8[%swap3A_95], %swap3A_98 {strides = array<i32>} : memref<80xi32, #tpu.memory_space<vmem>>, vector<16xi32>,
      %get3A_99 = arith.constant 16 : index
      %get3A_100 = tpu.vector_load %arg23[%get3A_99] {strides = array<i32>} : memref<800xi32, #tpu.memory_space<vmem>>, vector<16xi32>,
      %get3A_101 = vector.shape_cast %get3A_100 : vector<16xi32> to vector<16xi32>
      %swap3A_102 = arith.constant 16 : index
      %swap3A_103 = tpu.vector_load %arg9[%swap3A_102] {strides = array<i32>} : memref<80xi32, #tpu.memory_space<vmem>>, vector<16xi32>,
      %swap3A_104 = vector.shape_cast %swap3A_103 : vector<16xi32> to vector<16xi32>
      %swap3A_105 = vector.shape_cast %get3A_101 : vector<16xi32> to vector<16xi32>
      tpu.vector_store %arg9[%swap3A_102], %swap3A_105 {strides = array<i32>} : memref<80xi32, #tpu.memory_space<vmem>>, vector<16xi32>,
      %add3A_106 = vector.broadcast %mul3A_0 : i32 to vector<16xi32>
      %add3A_107 = arith.addi %get3A_101, %add3A_106 : vector<16xi32>
      %swap3A_108 = arith.constant 16 : index
      %swap3A_109 = tpu.vector_load %arg10[%swap3A_108] {strides = array<i32>} : memref<80xi32, #tpu.memory_space<vmem>>, vector<16xi32>,
      %swap3A_110 = vector.shape_cast %swap3A_109 : vector<16xi32> to vector<16xi32>
      %swap3A_111 = vector.shape_cast %add3A_107 : vector<16xi32> to vector<16xi32>
      tpu.vector_store %arg10[%swap3A_108], %swap3A_111 {strides = array<i32>} : memref<80xi32, #tpu.memory_space<vmem>>, vector<16xi32>,
      %get3A_112 = arith.constant 16 : index
      %get3A_113 = tpu.vector_load %arg22[%get3A_112] {strides = array<i32>} : memref<800xi32, #tpu.memory_space<vmem>>, vector<16xi32>,
      %get3A_114 = vector.shape_cast %get3A_113 : vector<16xi32> to vector<16xi32>
      %add3A_115 = vector.broadcast %mul3A_0 : i32 to vector<16xi32>
      %add3A_116 = arith.addi %get3A_114, %add3A_115 : vector<16xi32>
      %swap3A_117 = arith.constant 16 : index
      %swap3A_118 = tpu.vector_load %arg8[%swap3A_117] {strides = array<i32>} : memref<80xi32, #tpu.memory_space<vmem>>, vector<16xi32>,
      %swap3A_119 = vector.shape_cast %swap3A_118 : vector<16xi32> to vector<16xi32>
      %swap3A_120 = vector.shape_cast %add3A_116 : vector<16xi32> to vector<16xi32>
      tpu.vector_store %arg8[%swap3A_117], %swap3A_120 {strides = array<i32>} : memref<80xi32, #tpu.memory_space<vmem>>, vector<16xi32>,
      %get3A_121 = arith.constant 32 : index
      %get3A_122 = tpu.vector_load %arg23[%get3A_121] {strides = array<i32>} : memref<800xi32, #tpu.memory_space<vmem>>, vector<16xi32>,
      %get3A_123 = vector.shape_cast %get3A_122 : vector<16xi32> to vector<16xi32>
      %swap3A_124 = arith.constant 32 : index
      %swap3A_125 = tpu.vector_load %arg9[%swap3A_124] {strides = array<i32>} : memref<80xi32, #tpu.memory_space<vmem>>, vector<16xi32>,
      %swap3A_126 = vector.shape_cast %swap3A_125 : vector<16xi32> to vector<16xi32>
      %swap3A_127 = vector.shape_cast %get3A_123 : vector<16xi32> to vector<16xi32>
      tpu.vector_store %arg9[%swap3A_124], %swap3A_127 {strides = array<i32>} : memref<80xi32, #tpu.memory_space<vmem>>, vector<16xi32>,
      %add3A_128 = vector.broadcast %mul3A_0 : i32 to vector<16xi32>
      %add3A_129 = arith.addi %get3A_123, %add3A_128 : vector<16xi32>
      %swap3A_130 = arith.constant 32 : index
      %swap3A_131 = tpu.vector_load %arg10[%swap3A_130] {strides = array<i32>} : memref<80xi32, #tpu.memory_space<vmem>>, vector<16xi32>,
      %swap3A_132 = vector.shape_cast %swap3A_131 : vector<16xi32> to vector<16xi32>
      %swap3A_133 = vector.shape_cast %add3A_129 : vector<16xi32> to vector<16xi32>
      tpu.vector_store %arg10[%swap3A_130], %swap3A_133 {strides = array<i32>} : memref<80xi32, #tpu.memory_space<vmem>>, vector<16xi32>,
      %get3A_134 = arith.constant 32 : index
      %get3A_135 = tpu.vector_load %arg22[%get3A_134] {strides = array<i32>} : memref<800xi32, #tpu.memory_space<vmem>>, vector<16xi32>,
      %get3A_136 = vector.shape_cast %get3A_135 : vector<16xi32> to vector<16xi32>
      %add3A_137 = vector.broadcast %mul3A_0 : i32 to vector<16xi32>
      %add3A_138 = arith.addi %get3A_136, %add3A_137 : vector<16xi32>
      %swap3A_139 = arith.constant 32 : index
      %swap3A_140 = tpu.vector_load %arg8[%swap3A_139] {strides = array<i32>} : memref<80xi32, #tpu.memory_space<vmem>>, vector<16xi32>,
      %swap3A_141 = vector.shape_cast %swap3A_140 : vector<16xi32> to vector<16xi32>
      %swap3A_142 = vector.shape_cast %add3A_138 : vector<16xi32> to vector<16xi32>
      tpu.vector_store %arg8[%swap3A_139], %swap3A_142 {strides = array<i32>} : memref<80xi32, #tpu.memory_space<vmem>>, vector<16xi32>,
      %get3A_143 = arith.constant 48 : index
      %get3A_144 = tpu.vector_load %arg23[%get3A_143] {strides = array<i32>} : memref<800xi32, #tpu.memory_space<vmem>>, vector<16xi32>,
      %get3A_145 = vector.shape_cast %get3A_144 : vector<16xi32> to vector<16xi32>
      %swap3A_146 = arith.constant 48 : index
      %swap3A_147 = tpu.vector_load %arg9[%swap3A_146] {strides = array<i32>} : memref<80xi32, #tpu.memory_space<vmem>>, vector<16xi32>,
      %swap3A_148 = vector.shape_cast %swap3A_147 : vector<16xi32> to vector<16xi32>
      %swap3A_149 = vector.shape_cast %get3A_145 : vector<16xi32> to vector<16xi32>
      tpu.vector_store %arg9[%swap3A_146], %swap3A_149 {strides = array<i32>} : memref<80xi32, #tpu.memory_space<vmem>>, vector<16xi32>,
      %add3A_150 = vector.broadcast %mul3A_0 : i32 to vector<16xi32>
      %add3A_151 = arith.addi %get3A_145, %add3A_150 : vector<16xi32>
      %swap3A_152 = arith.constant 48 : index
      %swap3A_153 = tpu.vector_load %arg10[%swap3A_152] {strides = array<i32>} : memref<80xi32, #tpu.memory_space<vmem>>, vector<16xi32>,
      %swap3A_154 = vector.shape_cast %swap3A_153 : vector<16xi32> to vector<16xi32>
      %swap3A_155 = vector.shape_cast %add3A_151 : vector<16xi32> to vector<16xi32>
      tpu.vector_store %arg10[%swap3A_152], %swap3A_155 {strides = array<i32>} : memref<80xi32, #tpu.memory_space<vmem>>, vector<16xi32>,
      %get3A_156 = arith.constant 48 : index
      %get3A_157 = tpu.vector_load %arg22[%get3A_156] {strides = array<i32>} : memref<800xi32, #tpu.memory_space<vmem>>, vector<16xi32>,
      %get3A_158 = vector.shape_cast %get3A_157 : vector<16xi32> to vector<16xi32>
      %add3A_159 = vector.broadcast %mul3A_0 : i32 to vector<16xi32>
      %add3A_160 = arith.addi %get3A_158, %add3A_159 : vector<16xi32>
      %swap3A_161 = arith.constant 48 : index
      %swap3A_162 = tpu.vector_load %arg8[%swap3A_161] {strides = array<i32>} : memref<80xi32, #tpu.memory_space<vmem>>, vector<16xi32>,
      %swap3A_163 = vector.shape_cast %swap3A_162 : vector<16xi32> to vector<16xi32>
      %swap3A_164 = vector.shape_cast %add3A_160 : vector<16xi32> to vector<16xi32>
      tpu.vector_store %arg8[%swap3A_161], %swap3A_164 {strides = array<i32>} : memref<80xi32, #tpu.memory_space<vmem>>, vector<16xi32>,
      %get3A_165 = arith.constant 64 : index
      %get3A_166 = tpu.vector_load %arg23[%get3A_165] {strides = array<i32>} : memref<800xi32, #tpu.memory_space<vmem>>, vector<16xi32>,
      %get3A_167 = vector.shape_cast %get3A_166 : vector<16xi32> to vector<16xi32>
      %swap3A_168 = arith.constant 64 : index
      %swap3A_169 = tpu.vector_load %arg9[%swap3A_168] {strides = array<i32>} : memref<80xi32, #tpu.memory_space<vmem>>, vector<16xi32>,
      %swap3A_170 = vector.shape_cast %swap3A_169 : vector<16xi32> to vector<16xi32>
      %swap3A_171 = vector.shape_cast %get3A_167 : vector<16xi32> to vector<16xi32>
      tpu.vector_store %arg9[%swap3A_168], %swap3A_171 {strides = array<i32>} : memref<80xi32, #tpu.memory_space<vmem>>, vector<16xi32>,
      %add3A_172 = vector.broadcast %mul3A_0 : i32 to vector<16xi32>
      %add3A_173 = arith.addi %get3A_167, %add3A_172 : vector<16xi32>
      %swap3A_174 = arith.constant 64 : index
      %swap3A_175 = tpu.vector_load %arg10[%swap3A_174] {strides = array<i32>} : memref<80xi32, #tpu.memory_space<vmem>>, vector<16xi32>,
      %swap3A_176 = vector.shape_cast %swap3A_175 : vector<16xi32> to vector<16xi32>
      %swap3A_177 = vector.shape_cast %add3A_173 : vector<16xi32> to vector<16xi32>
      tpu.vector_store %arg10[%swap3A_174], %swap3A_177 {strides = array<i32>} : memref<80xi32, #tpu.memory_space<vmem>>, vector<16xi32>,
      %get3A_178 = arith.constant 64 : index
      %get3A_179 = tpu.vector_load %arg22[%get3A_178] {strides = array<i32>} : memref<800xi32, #tpu.memory_space<vmem>>, vector<16xi32>,
      %get3A_180 = vector.shape_cast %get3A_179 : vector<16xi32> to vector<16xi32>
      %add3A_181 = vector.broadcast %mul3A_0 : i32 to vector<16xi32>
      %add3A_182 = arith.addi %get3A_180, %add3A_181 : vector<16xi32>
      %swap3A_183 = arith.constant 64 : index
      %swap3A_184 = tpu.vector_load %arg8[%swap3A_183] {strides = array<i32>} : memref<80xi32, #tpu.memory_space<vmem>>, vector<16xi32>,
      %swap3A_185 = vector.shape_cast %swap3A_184 : vector<16xi32> to vector<16xi32>
      %swap3A_186 = vector.shape_cast %add3A_182 : vector<16xi32> to vector<16xi32>
      tpu.vector_store %arg8[%swap3A_183], %swap3A_186 {strides = array<i32>} : memref<80xi32, #tpu.memory_space<vmem>>, vector<16xi32>,
      %dma_start3A = arith.constant 0 : i32
      %dma_start3A_187 = arith.constant 0 : i32
      %dma_start3A_188 = tpu.memref_slice %arg2[%dma_start3A, %dma_start3A_187] : memref<20000x64xf32, #tpu.memory_space<hbm>> -> memref<20000x64xf32, #tpu.memory_space<hbm>>
      tpu.enqueue_indirect_dma source(%dma_start3A_188 : memref<20000x64xf32, #tpu.memory_space<hbm>>) target(%arg11 : memref<80x64xf32, #tpu.memory_space<vmem>>) offsets(%arg10 : memref<80xi32, #tpu.memory_space<vmem>>) semaphore(%arg12 : memref<!tpu.dma_semaphore, #tpu.memory_space<semaphore_mem>>)
      %dma_wait3A_189 = arith.constant 0 : i32
      %dma_wait3A_190 = arith.constant 0 : i32
      %dma_wait3A_191 = tpu.memref_slice %arg2[%dma_wait3A_189, %dma_wait3A_190] : memref<20000x64xf32, #tpu.memory_space<hbm>> -> memref<20000x64xf32, #tpu.memory_space<hbm>>
      tpu.wait_indirect_dma semaphore(%arg12 : memref<!tpu.dma_semaphore, #tpu.memory_space<semaphore_mem>>) src(%dma_wait3A_191 : memref<20000x64xf32, #tpu.memory_space<hbm>>) dst(%arg11 : memref<80x64xf32, #tpu.memory_space<vmem>>)
      %dma_start3A_192 = arith.constant 0 : i32
      %dma_start3A_193 = arith.constant 0 : i32
      %dma_start3A_194 = tpu.memref_slice %arg3[%dma_start3A_192, %dma_start3A_193] : memref<20000x64xf32, #tpu.memory_space<hbm>> -> memref<20000x64xf32, #tpu.memory_space<hbm>>
      tpu.enqueue_indirect_dma source(%dma_start3A_194 : memref<20000x64xf32, #tpu.memory_space<hbm>>) target(%arg11 : memref<80x64xf32, #tpu.memory_space<vmem>>) offsets(%arg8 : memref<80xi32, #tpu.memory_space<vmem>>) semaphore(%arg13 : memref<!tpu.dma_semaphore, #tpu.memory_space<semaphore_mem>>) {add = true}
      %gt3A_195 = arith.constant 0 : i32
      %gt3A_196 = arith.cmpi sgt, %scan3A_71, %gt3A_195 : i32
      %convert_element_type3A_197 = arith.extui %gt3A_196 : i1 to i32
      %cond3A_198 = arith.constant 0 : i32
      %cond3A_199 = arith.cmpi ne, %convert_element_type3A_197, %cond3A_198 : i32
      scf.if %cond3A_199 {
        %dma_wait3A_1469 = arith.constant 0 : i32
        %dma_wait3A_1470 = arith.constant 0 : i32
        %dma_wait3A_1471 = tpu.memref_slice %arg27[%dma_wait3A_1469, %dma_wait3A_1470] : memref<10240x64xf32, #tpu.memory_space<vmem_shared>> -> memref<10240x64xf32, #tpu.memory_space<vmem_shared>>
        tpu.wait_indirect_dma semaphore(%arg21 : memref<!tpu.dma_semaphore, #tpu.memory_space<semaphore_mem>>) src(%arg18 : memref<80x64xf32, #tpu.memory_space<vmem>>) dst(%dma_wait3A_1471 : memref<10240x64xf32, #tpu.memory_space<vmem_shared>>)
        %dma_wait3A_1472 = arith.constant 0 : i32
        %dma_wait3A_1473 = arith.constant 0 : i32
        %dma_wait3A_1474 = tpu.memref_slice %arg28[%dma_wait3A_1472, %dma_wait3A_1473] : memref<10240x16xf32, #tpu.memory_space<vmem_shared>> -> memref<10240x16xf32, #tpu.memory_space<vmem_shared>>
        tpu.wait_indirect_dma semaphore(%arg21 : memref<!tpu.dma_semaphore, #tpu.memory_space<semaphore_mem>>) src(%arg24 : memref<80x16xf32, #tpu.memory_space<vmem>>) dst(%dma_wait3A_1474 : memref<10240x16xf32, #tpu.memory_space<vmem_shared>>)
      } else {
      }
      %get3A_200 = arith.constant 80 : index
      %get3A_201 = tpu.vector_load %arg23[%get3A_200] {strides = array<i32>} : memref<800xi32, #tpu.memory_space<vmem>>, vector<16xi32>,
      %get3A_202 = vector.shape_cast %get3A_201 : vector<16xi32> to vector<16xi32>
      %swap3A_203 = arith.constant 0 : index
      %swap3A_204 = tpu.vector_load %arg16[%swap3A_203] {strides = array<i32>} : memref<80xi32, #tpu.memory_space<vmem>>, vector<16xi32>,
      %swap3A_205 = vector.shape_cast %swap3A_204 : vector<16xi32> to vector<16xi32>
      %swap3A_206 = vector.shape_cast %get3A_202 : vector<16xi32> to vector<16xi32>
      tpu.vector_store %arg16[%swap3A_203], %swap3A_206 {strides = array<i32>} : memref<80xi32, #tpu.memory_space<vmem>>, vector<16xi32>,
      %add3A_207 = vector.broadcast %mul3A_0 : i32 to vector<16xi32>
      %add3A_208 = arith.addi %get3A_202, %add3A_207 : vector<16xi32>
      %swap3A_209 = arith.constant 0 : index
      %swap3A_210 = tpu.vector_load %arg17[%swap3A_209] {strides = array<i32>} : memref<80xi32, #tpu.memory_space<vmem>>, vector<16xi32>,
      %swap3A_211 = vector.shape_cast %swap3A_210 : vector<16xi32> to vector<16xi32>
      %swap3A_212 = vector.shape_cast %add3A_208 : vector<16xi32> to vector<16xi32>
      tpu.vector_store %arg17[%swap3A_209], %swap3A_212 {strides = array<i32>} : memref<80xi32, #tpu.memory_space<vmem>>, vector<16xi32>,
      %get3A_213 = arith.constant 80 : index
      %get3A_214 = tpu.vector_load %arg22[%get3A_213] {strides = array<i32>} : memref<800xi32, #tpu.memory_space<vmem>>, vector<16xi32>,
      %get3A_215 = vector.shape_cast %get3A_214 : vector<16xi32> to vector<16xi32>
      %add3A_216 = vector.broadcast %mul3A_0 : i32 to vector<16xi32>
      %add3A_217 = arith.addi %get3A_215, %add3A_216 : vector<16xi32>
      %swap3A_218 = arith.constant 0 : index
      %swap3A_219 = tpu.vector_load %arg15[%swap3A_218] {strides = array<i32>} : memref<80xi32, #tpu.memory_space<vmem>>, vector<16xi32>,
      %swap3A_220 = vector.shape_cast %swap3A_219 : vector<16xi32> to vector<16xi32>
      %swap3A_221 = vector.shape_cast %add3A_217 : vector<16xi32> to vector<16xi32>
      tpu.vector_store %arg15[%swap3A_218], %swap3A_221 {strides = array<i32>} : memref<80xi32, #tpu.memory_space<vmem>>, vector<16xi32>,
      %get3A_222 = arith.constant 96 : index
      %get3A_223 = tpu.vector_load %arg23[%get3A_222] {strides = array<i32>} : memref<800xi32, #tpu.memory_space<vmem>>, vector<16xi32>,
      %get3A_224 = vector.shape_cast %get3A_223 : vector<16xi32> to vector<16xi32>
      %swap3A_225 = arith.constant 16 : index
      %swap3A_226 = tpu.vector_load %arg16[%swap3A_225] {strides = array<i32>} : memref<80xi32, #tpu.memory_space<vmem>>, vector<16xi32>,
      %swap3A_227 = vector.shape_cast %swap3A_226 : vector<16xi32> to vector<16xi32>
      %swap3A_228 = vector.shape_cast %get3A_224 : vector<16xi32> to vector<16xi32>
      tpu.vector_store %arg16[%swap3A_225], %swap3A_228 {strides = array<i32>} : memref<80xi32, #tpu.memory_space<vmem>>, vector<16xi32>,
      %add3A_229 = vector.broadcast %mul3A_0 : i32 to vector<16xi32>
      %add3A_230 = arith.addi %get3A_224, %add3A_229 : vector<16xi32>
      %swap3A_231 = arith.constant 16 : index
      %swap3A_232 = tpu.vector_load %arg17[%swap3A_231] {strides = array<i32>} : memref<80xi32, #tpu.memory_space<vmem>>, vector<16xi32>,
      %swap3A_233 = vector.shape_cast %swap3A_232 : vector<16xi32> to vector<16xi32>
      %swap3A_234 = vector.shape_cast %add3A_230 : vector<16xi32> to vector<16xi32>
      tpu.vector_store %arg17[%swap3A_231], %swap3A_234 {strides = array<i32>} : memref<80xi32, #tpu.memory_space<vmem>>, vector<16xi32>,
      %get3A_235 = arith.constant 96 : index
      %get3A_236 = tpu.vector_load %arg22[%get3A_235] {strides = array<i32>} : memref<800xi32, #tpu.memory_space<vmem>>, vector<16xi32>,
      %get3A_237 = vector.shape_cast %get3A_236 : vector<16xi32> to vector<16xi32>
      %add3A_238 = vector.broadcast %mul3A_0 : i32 to vector<16xi32>
      %add3A_239 = arith.addi %get3A_237, %add3A_238 : vector<16xi32>
      %swap3A_240 = arith.constant 16 : index
      %swap3A_241 = tpu.vector_load %arg15[%swap3A_240] {strides = array<i32>} : memref<80xi32, #tpu.memory_space<vmem>>, vector<16xi32>,
      %swap3A_242 = vector.shape_cast %swap3A_241 : vector<16xi32> to vector<16xi32>
      %swap3A_243 = vector.shape_cast %add3A_239 : vector<16xi32> to vector<16xi32>
      tpu.vector_store %arg15[%swap3A_240], %swap3A_243 {strides = array<i32>} : memref<80xi32, #tpu.memory_space<vmem>>, vector<16xi32>,
      %get3A_244 = arith.constant 112 : index
      %get3A_245 = tpu.vector_load %arg23[%get3A_244] {strides = array<i32>} : memref<800xi32, #tpu.memory_space<vmem>>, vector<16xi32>,
      %get3A_246 = vector.shape_cast %get3A_245 : vector<16xi32> to vector<16xi32>
      %swap3A_247 = arith.constant 32 : index
      %swap3A_248 = tpu.vector_load %arg16[%swap3A_247] {strides = array<i32>} : memref<80xi32, #tpu.memory_space<vmem>>, vector<16xi32>,
      %swap3A_249 = vector.shape_cast %swap3A_248 : vector<16xi32> to vector<16xi32>
      %swap3A_250 = vector.shape_cast %get3A_246 : vector<16xi32> to vector<16xi32>
      tpu.vector_store %arg16[%swap3A_247], %swap3A_250 {strides = array<i32>} : memref<80xi32, #tpu.memory_space<vmem>>, vector<16xi32>,
      %add3A_251 = vector.broadcast %mul3A_0 : i32 to vector<16xi32>
      %add3A_252 = arith.addi %get3A_246, %add3A_251 : vector<16xi32>
      %swap3A_253 = arith.constant 32 : index
      %swap3A_254 = tpu.vector_load %arg17[%swap3A_253] {strides = array<i32>} : memref<80xi32, #tpu.memory_space<vmem>>, vector<16xi32>,
      %swap3A_255 = vector.shape_cast %swap3A_254 : vector<16xi32> to vector<16xi32>
      %swap3A_256 = vector.shape_cast %add3A_252 : vector<16xi32> to vector<16xi32>
      tpu.vector_store %arg17[%swap3A_253], %swap3A_256 {strides = array<i32>} : memref<80xi32, #tpu.memory_space<vmem>>, vector<16xi32>,
      %get3A_257 = arith.constant 112 : index
      %get3A_258 = tpu.vector_load %arg22[%get3A_257] {strides = array<i32>} : memref<800xi32, #tpu.memory_space<vmem>>, vector<16xi32>,
      %get3A_259 = vector.shape_cast %get3A_258 : vector<16xi32> to vector<16xi32>
      %add3A_260 = vector.broadcast %mul3A_0 : i32 to vector<16xi32>
      %add3A_261 = arith.addi %get3A_259, %add3A_260 : vector<16xi32>
      %swap3A_262 = arith.constant 32 : index
      %swap3A_263 = tpu.vector_load %arg15[%swap3A_262] {strides = array<i32>} : memref<80xi32, #tpu.memory_space<vmem>>, vector<16xi32>,
      %swap3A_264 = vector.shape_cast %swap3A_263 : vector<16xi32> to vector<16xi32>
      %swap3A_265 = vector.shape_cast %add3A_261 : vector<16xi32> to vector<16xi32>
      tpu.vector_store %arg15[%swap3A_262], %swap3A_265 {strides = array<i32>} : memref<80xi32, #tpu.memory_space<vmem>>, vector<16xi32>,
      %get3A_266 = arith.constant 128 : index
      %get3A_267 = tpu.vector_load %arg23[%get3A_266] {strides = array<i32>} : memref<800xi32, #tpu.memory_space<vmem>>, vector<16xi32>,
      %get3A_268 = vector.shape_cast %get3A_267 : vector<16xi32> to vector<16xi32>
      %swap3A_269 = arith.constant 48 : index
      %swap3A_270 = tpu.vector_load %arg16[%swap3A_269] {strides = array<i32>} : memref<80xi32, #tpu.memory_space<vmem>>, vector<16xi32>,
      %swap3A_271 = vector.shape_cast %swap3A_270 : vector<16xi32> to vector<16xi32>
      %swap3A_272 = vector.shape_cast %get3A_268 : vector<16xi32> to vector<16xi32>
      tpu.vector_store %arg16[%swap3A_269], %swap3A_272 {strides = array<i32>} : memref<80xi32, #tpu.memory_space<vmem>>, vector<16xi32>,
      %add3A_273 = vector.broadcast %mul3A_0 : i32 to vector<16xi32>
      %add3A_274 = arith.addi %get3A_268, %add3A_273 : vector<16xi32>
      %swap3A_275 = arith.constant 48 : index
      %swap3A_276 = tpu.vector_load %arg17[%swap3A_275] {strides = array<i32>} : memref<80xi32, #tpu.memory_space<vmem>>, vector<16xi32>,
      %swap3A_277 = vector.shape_cast %swap3A_276 : vector<16xi32> to vector<16xi32>
      %swap3A_278 = vector.shape_cast %add3A_274 : vector<16xi32> to vector<16xi32>
      tpu.vector_store %arg17[%swap3A_275], %swap3A_278 {strides = array<i32>} : memref<80xi32, #tpu.memory_space<vmem>>, vector<16xi32>,
      %get3A_279 = arith.constant 128 : index
      %get3A_280 = tpu.vector_load %arg22[%get3A_279] {strides = array<i32>} : memref<800xi32, #tpu.memory_space<vmem>>, vector<16xi32>,
      %get3A_281 = vector.shape_cast %get3A_280 : vector<16xi32> to vector<16xi32>
      %add3A_282 = vector.broadcast %mul3A_0 : i32 to vector<16xi32>
      %add3A_283 = arith.addi %get3A_281, %add3A_282 : vector<16xi32>
      %swap3A_284 = arith.constant 48 : index
      %swap3A_285 = tpu.vector_load %arg15[%swap3A_284] {strides = array<i32>} : memref<80xi32, #tpu.memory_space<vmem>>, vector<16xi32>,
      %swap3A_286 = vector.shape_cast %swap3A_285 : vector<16xi32> to vector<16xi32>
      %swap3A_287 = vector.shape_cast %add3A_283 : vector<16xi32> to vector<16xi32>
      tpu.vector_store %arg15[%swap3A_284], %swap3A_287 {strides = array<i32>} : memref<80xi32, #tpu.memory_space<vmem>>, vector<16xi32>,
      %get3A_288 = arith.constant 144 : index
      %get3A_289 = tpu.vector_load %arg23[%get3A_288] {strides = array<i32>} : memref<800xi32, #tpu.memory_space<vmem>>, vector<16xi32>,
      %get3A_290 = vector.shape_cast %get3A_289 : vector<16xi32> to vector<16xi32>
      %swap3A_291 = arith.constant 64 : index
      %swap3A_292 = tpu.vector_load %arg16[%swap3A_291] {strides = array<i32>} : memref<80xi32, #tpu.memory_space<vmem>>, vector<16xi32>,
      %swap3A_293 = vector.shape_cast %swap3A_292 : vector<16xi32> to vector<16xi32>
      %swap3A_294 = vector.shape_cast %get3A_290 : vector<16xi32> to vector<16xi32>
      tpu.vector_store %arg16[%swap3A_291], %swap3A_294 {strides = array<i32>} : memref<80xi32, #tpu.memory_space<vmem>>, vector<16xi32>,
      %add3A_295 = vector.broadcast %mul3A_0 : i32 to vector<16xi32>
      %add3A_296 = arith.addi %get3A_290, %add3A_295 : vector<16xi32>
      %swap3A_297 = arith.constant 64 : index
      %swap3A_298 = tpu.vector_load %arg17[%swap3A_297] {strides = array<i32>} : memref<80xi32, #tpu.memory_space<vmem>>, vector<16xi32>,
      %swap3A_299 = vector.shape_cast %swap3A_298 : vector<16xi32> to vector<16xi32>
      %swap3A_300 = vector.shape_cast %add3A_296 : vector<16xi32> to vector<16xi32>
      tpu.vector_store %arg17[%swap3A_297], %swap3A_300 {strides = array<i32>} : memref<80xi32, #tpu.memory_space<vmem>>, vector<16xi32>,
      %get3A_301 = arith.constant 144 : index
      %get3A_302 = tpu.vector_load %arg22[%get3A_301] {strides = array<i32>} : memref<800xi32, #tpu.memory_space<vmem>>, vector<16xi32>,
      %get3A_303 = vector.shape_cast %get3A_302 : vector<16xi32> to vector<16xi32>
      %add3A_304 = vector.broadcast %mul3A_0 : i32 to vector<16xi32>
      %add3A_305 = arith.addi %get3A_303, %add3A_304 : vector<16xi32>
      %swap3A_306 = arith.constant 64 : index
      %swap3A_307 = tpu.vector_load %arg15[%swap3A_306] {strides = array<i32>} : memref<80xi32, #tpu.memory_space<vmem>>, vector<16xi32>,
      %swap3A_308 = vector.shape_cast %swap3A_307 : vector<16xi32> to vector<16xi32>
      %swap3A_309 = vector.shape_cast %add3A_305 : vector<16xi32> to vector<16xi32>
      tpu.vector_store %arg15[%swap3A_306], %swap3A_309 {strides = array<i32>} : memref<80xi32, #tpu.memory_space<vmem>>, vector<16xi32>,
      %dma_start3A_310 = arith.constant 0 : i32
      %dma_start3A_311 = arith.constant 0 : i32
      %dma_start3A_312 = tpu.memref_slice %arg2[%dma_start3A_310, %dma_start3A_311] : memref<20000x64xf32, #tpu.memory_space<hbm>> -> memref<20000x64xf32, #tpu.memory_space<hbm>>
      tpu.enqueue_indirect_dma source(%dma_start3A_312 : memref<20000x64xf32, #tpu.memory_space<hbm>>) target(%arg18 : memref<80x64xf32, #tpu.memory_space<vmem>>) offsets(%arg17 : memref<80xi32, #tpu.memory_space<vmem>>) semaphore(%arg19 : memref<!tpu.dma_semaphore, #tpu.memory_space<semaphore_mem>>)
      %dma_wait3A_313 = arith.constant 0 : i32
      %dma_wait3A_314 = arith.constant 0 : i32
      %dma_wait3A_315 = tpu.memref_slice %arg3[%dma_wait3A_313, %dma_wait3A_314] : memref<20000x64xf32, #tpu.memory_space<hbm>> -> memref<20000x64xf32, #tpu.memory_space<hbm>>
      tpu.wait_indirect_dma semaphore(%arg13 : memref<!tpu.dma_semaphore, #tpu.memory_space<semaphore_mem>>) src(%dma_wait3A_315 : memref<20000x64xf32, #tpu.memory_space<hbm>>) dst(%arg11 : memref<80x64xf32, #tpu.memory_space<vmem>>)
      %scan3A_316 = arith.constant 0 : i32
      %scan3A_317 = arith.constant 0 : i32
      %scan3A_318 = arith.constant 80 : i32
      %scan3A_319 = arith.addi %scan3A_317, %scan3A_318 : i32
      %scan3A_320 = arith.constant 4 : i32
      scf.for %scan3A_1469 = %scan3A_317 to %scan3A_319 step %scan3A_320  : i32 {
        %get3A_1470 = arith.index_cast %scan3A_1469 : i32 to index
        %get3A_1471 = arith.constant 0 : index
        %get3A_1472 = tpu.vector_load %arg11[%get3A_1470, %get3A_1471] {strides = array<i32>} : memref<80x64xf32, #tpu.memory_space<vmem>>, vector<1x16xf32>,
        %get3A_1473 = vector.shape_cast %get3A_1472 : vector<1x16xf32> to vector<16xf32>
        %max3A = arith.constant 0.000000e+00 : f32
        %max3A_1474 = vector.broadcast %max3A : f32 to vector<16xf32>
        %max3A_1475 = arith.maximumf %get3A_1473, %max3A_1474 : vector<16xf32>
        %swap3A_1476 = arith.index_cast %scan3A_1469 : i32 to index
        %swap3A_1477 = arith.constant 0 : index
        %swap3A_1478 = tpu.vector_load %arg11[%swap3A_1476, %swap3A_1477] {strides = array<i32>} : memref<80x64xf32, #tpu.memory_space<vmem>>, vector<1x16xf32>,
        %swap3A_1479 = vector.shape_cast %swap3A_1478 : vector<1x16xf32> to vector<16xf32>
        %swap3A_1480 = vector.shape_cast %max3A_1475 : vector<16xf32> to vector<1x16xf32>
        tpu.vector_store %arg11[%swap3A_1476, %swap3A_1477], %swap3A_1480 {strides = array<i32>} : memref<80x64xf32, #tpu.memory_space<vmem>>, vector<1x16xf32>,
        %get3A_1481 = arith.index_cast %scan3A_1469 : i32 to index
        %get3A_1482 = arith.constant 16 : index
        %get3A_1483 = tpu.vector_load %arg11[%get3A_1481, %get3A_1482] {strides = array<i32>} : memref<80x64xf32, #tpu.memory_space<vmem>>, vector<1x16xf32>,
        %get3A_1484 = vector.shape_cast %get3A_1483 : vector<1x16xf32> to vector<16xf32>
        %max3A_1485 = arith.constant 0.000000e+00 : f32
        %max3A_1486 = vector.broadcast %max3A_1485 : f32 to vector<16xf32>
        %max3A_1487 = arith.maximumf %get3A_1484, %max3A_1486 : vector<16xf32>
        %swap3A_1488 = arith.index_cast %scan3A_1469 : i32 to index
        %swap3A_1489 = arith.constant 16 : index
        %swap3A_1490 = tpu.vector_load %arg11[%swap3A_1488, %swap3A_1489] {strides = array<i32>} : memref<80x64xf32, #tpu.memory_space<vmem>>, vector<1x16xf32>,
        %swap3A_1491 = vector.shape_cast %swap3A_1490 : vector<1x16xf32> to vector<16xf32>
        %swap3A_1492 = vector.shape_cast %max3A_1487 : vector<16xf32> to vector<1x16xf32>
        tpu.vector_store %arg11[%swap3A_1488, %swap3A_1489], %swap3A_1492 {strides = array<i32>} : memref<80x64xf32, #tpu.memory_space<vmem>>, vector<1x16xf32>,
        %get3A_1493 = arith.index_cast %scan3A_1469 : i32 to index
        %get3A_1494 = arith.constant 32 : index
        %get3A_1495 = tpu.vector_load %arg11[%get3A_1493, %get3A_1494] {strides = array<i32>} : memref<80x64xf32, #tpu.memory_space<vmem>>, vector<1x16xf32>,
        %get3A_1496 = vector.shape_cast %get3A_1495 : vector<1x16xf32> to vector<16xf32>
        %max3A_1497 = arith.constant 0.000000e+00 : f32
        %max3A_1498 = vector.broadcast %max3A_1497 : f32 to vector<16xf32>
        %max3A_1499 = arith.maximumf %get3A_1496, %max3A_1498 : vector<16xf32>
        %swap3A_1500 = arith.index_cast %scan3A_1469 : i32 to index
        %swap3A_1501 = arith.constant 32 : index
        %swap3A_1502 = tpu.vector_load %arg11[%swap3A_1500, %swap3A_1501] {strides = array<i32>} : memref<80x64xf32, #tpu.memory_space<vmem>>, vector<1x16xf32>,
        %swap3A_1503 = vector.shape_cast %swap3A_1502 : vector<1x16xf32> to vector<16xf32>
        %swap3A_1504 = vector.shape_cast %max3A_1499 : vector<16xf32> to vector<1x16xf32>
        tpu.vector_store %arg11[%swap3A_1500, %swap3A_1501], %swap3A_1504 {strides = array<i32>} : memref<80x64xf32, #tpu.memory_space<vmem>>, vector<1x16xf32>,
        %get3A_1505 = arith.index_cast %scan3A_1469 : i32 to index
        %get3A_1506 = arith.constant 48 : index
        %get3A_1507 = tpu.vector_load %arg11[%get3A_1505, %get3A_1506] {strides = array<i32>} : memref<80x64xf32, #tpu.memory_space<vmem>>, vector<1x16xf32>,
        %get3A_1508 = vector.shape_cast %get3A_1507 : vector<1x16xf32> to vector<16xf32>
        %max3A_1509 = arith.constant 0.000000e+00 : f32
        %max3A_1510 = vector.broadcast %max3A_1509 : f32 to vector<16xf32>
        %max3A_1511 = arith.maximumf %get3A_1508, %max3A_1510 : vector<16xf32>
        %swap3A_1512 = arith.index_cast %scan3A_1469 : i32 to index
        %swap3A_1513 = arith.constant 48 : index
        %swap3A_1514 = tpu.vector_load %arg11[%swap3A_1512, %swap3A_1513] {strides = array<i32>} : memref<80x64xf32, #tpu.memory_space<vmem>>, vector<1x16xf32>,
        %swap3A_1515 = vector.shape_cast %swap3A_1514 : vector<1x16xf32> to vector<16xf32>
        %swap3A_1516 = vector.shape_cast %max3A_1511 : vector<16xf32> to vector<1x16xf32>
        tpu.vector_store %arg11[%swap3A_1512, %swap3A_1513], %swap3A_1516 {strides = array<i32>} : memref<80x64xf32, #tpu.memory_space<vmem>>, vector<1x16xf32>,
        %scan3A_1517 = arith.constant 1 : i32
        %scan3A_1518 = arith.addi %scan3A_1469, %scan3A_1517 : i32
        %get3A_1519 = arith.index_cast %scan3A_1518 : i32 to index
        %get3A_1520 = arith.constant 0 : index
        %get3A_1521 = tpu.vector_load %arg11[%get3A_1519, %get3A_1520] {strides = array<i32>} : memref<80x64xf32, #tpu.memory_space<vmem>>, vector<1x16xf32>,
        %get3A_1522 = vector.shape_cast %get3A_1521 : vector<1x16xf32> to vector<16xf32>
        %max3A_1523 = arith.constant 0.000000e+00 : f32
        %max3A_1524 = vector.broadcast %max3A_1523 : f32 to vector<16xf32>
        %max3A_1525 = arith.maximumf %get3A_1522, %max3A_1524 : vector<16xf32>
        %swap3A_1526 = arith.index_cast %scan3A_1518 : i32 to index
        %swap3A_1527 = arith.constant 0 : index
        %swap3A_1528 = tpu.vector_load %arg11[%swap3A_1526, %swap3A_1527] {strides = array<i32>} : memref<80x64xf32, #tpu.memory_space<vmem>>, vector<1x16xf32>,
        %swap3A_1529 = vector.shape_cast %swap3A_1528 : vector<1x16xf32> to vector<16xf32>
        %swap3A_1530 = vector.shape_cast %max3A_1525 : vector<16xf32> to vector<1x16xf32>
        tpu.vector_store %arg11[%swap3A_1526, %swap3A_1527], %swap3A_1530 {strides = array<i32>} : memref<80x64xf32, #tpu.memory_space<vmem>>, vector<1x16xf32>,
        %get3A_1531 = arith.index_cast %scan3A_1518 : i32 to index
        %get3A_1532 = arith.constant 16 : index
        %get3A_1533 = tpu.vector_load %arg11[%get3A_1531, %get3A_1532] {strides = array<i32>} : memref<80x64xf32, #tpu.memory_space<vmem>>, vector<1x16xf32>,
        %get3A_1534 = vector.shape_cast %get3A_1533 : vector<1x16xf32> to vector<16xf32>
        %max3A_1535 = arith.constant 0.000000e+00 : f32
        %max3A_1536 = vector.broadcast %max3A_1535 : f32 to vector<16xf32>
        %max3A_1537 = arith.maximumf %get3A_1534, %max3A_1536 : vector<16xf32>
        %swap3A_1538 = arith.index_cast %scan3A_1518 : i32 to index
        %swap3A_1539 = arith.constant 16 : index
        %swap3A_1540 = tpu.vector_load %arg11[%swap3A_1538, %swap3A_1539] {strides = array<i32>} : memref<80x64xf32, #tpu.memory_space<vmem>>, vector<1x16xf32>,
        %swap3A_1541 = vector.shape_cast %swap3A_1540 : vector<1x16xf32> to vector<16xf32>
        %swap3A_1542 = vector.shape_cast %max3A_1537 : vector<16xf32> to vector<1x16xf32>
        tpu.vector_store %arg11[%swap3A_1538, %swap3A_1539], %swap3A_1542 {strides = array<i32>} : memref<80x64xf32, #tpu.memory_space<vmem>>, vector<1x16xf32>,
        %get3A_1543 = arith.index_cast %scan3A_1518 : i32 to index
        %get3A_1544 = arith.constant 32 : index
        %get3A_1545 = tpu.vector_load %arg11[%get3A_1543, %get3A_1544] {strides = array<i32>} : memref<80x64xf32, #tpu.memory_space<vmem>>, vector<1x16xf32>,
        %get3A_1546 = vector.shape_cast %get3A_1545 : vector<1x16xf32> to vector<16xf32>
        %max3A_1547 = arith.constant 0.000000e+00 : f32
        %max3A_1548 = vector.broadcast %max3A_1547 : f32 to vector<16xf32>
        %max3A_1549 = arith.maximumf %get3A_1546, %max3A_1548 : vector<16xf32>
        %swap3A_1550 = arith.index_cast %scan3A_1518 : i32 to index
        %swap3A_1551 = arith.constant 32 : index
        %swap3A_1552 = tpu.vector_load %arg11[%swap3A_1550, %swap3A_1551] {strides = array<i32>} : memref<80x64xf32, #tpu.memory_space<vmem>>, vector<1x16xf32>,
        %swap3A_1553 = vector.shape_cast %swap3A_1552 : vector<1x16xf32> to vector<16xf32>
        %swap3A_1554 = vector.shape_cast %max3A_1549 : vector<16xf32> to vector<1x16xf32>
        tpu.vector_store %arg11[%swap3A_1550, %swap3A_1551], %swap3A_1554 {strides = array<i32>} : memref<80x64xf32, #tpu.memory_space<vmem>>, vector<1x16xf32>,
        %get3A_1555 = arith.index_cast %scan3A_1518 : i32 to index
        %get3A_1556 = arith.constant 48 : index
        %get3A_1557 = tpu.vector_load %arg11[%get3A_1555, %get3A_1556] {strides = array<i32>} : memref<80x64xf32, #tpu.memory_space<vmem>>, vector<1x16xf32>,
        %get3A_1558 = vector.shape_cast %get3A_1557 : vector<1x16xf32> to vector<16xf32>
        %max3A_1559 = arith.constant 0.000000e+00 : f32
        %max3A_1560 = vector.broadcast %max3A_1559 : f32 to vector<16xf32>
        %max3A_1561 = arith.maximumf %get3A_1558, %max3A_1560 : vector<16xf32>
        %swap3A_1562 = arith.index_cast %scan3A_1518 : i32 to index
        %swap3A_1563 = arith.constant 48 : index
        %swap3A_1564 = tpu.vector_load %arg11[%swap3A_1562, %swap3A_1563] {strides = array<i32>} : memref<80x64xf32, #tpu.memory_space<vmem>>, vector<1x16xf32>,
        %swap3A_1565 = vector.shape_cast %swap3A_1564 : vector<1x16xf32> to vector<16xf32>
        %swap3A_1566 = vector.shape_cast %max3A_1561 : vector<16xf32> to vector<1x16xf32>
        tpu.vector_store %arg11[%swap3A_1562, %swap3A_1563], %swap3A_1566 {strides = array<i32>} : memref<80x64xf32, #tpu.memory_space<vmem>>, vector<1x16xf32>,
        %scan3A_1567 = arith.constant 2 : i32
        %scan3A_1568 = arith.addi %scan3A_1469, %scan3A_1567 : i32
        %get3A_1569 = arith.index_cast %scan3A_1568 : i32 to index
        %get3A_1570 = arith.constant 0 : index
        %get3A_1571 = tpu.vector_load %arg11[%get3A_1569, %get3A_1570] {strides = array<i32>} : memref<80x64xf32, #tpu.memory_space<vmem>>, vector<1x16xf32>,
        %get3A_1572 = vector.shape_cast %get3A_1571 : vector<1x16xf32> to vector<16xf32>
        %max3A_1573 = arith.constant 0.000000e+00 : f32
        %max3A_1574 = vector.broadcast %max3A_1573 : f32 to vector<16xf32>
        %max3A_1575 = arith.maximumf %get3A_1572, %max3A_1574 : vector<16xf32>
        %swap3A_1576 = arith.index_cast %scan3A_1568 : i32 to index
        %swap3A_1577 = arith.constant 0 : index
        %swap3A_1578 = tpu.vector_load %arg11[%swap3A_1576, %swap3A_1577] {strides = array<i32>} : memref<80x64xf32, #tpu.memory_space<vmem>>, vector<1x16xf32>,
        %swap3A_1579 = vector.shape_cast %swap3A_1578 : vector<1x16xf32> to vector<16xf32>
        %swap3A_1580 = vector.shape_cast %max3A_1575 : vector<16xf32> to vector<1x16xf32>
        tpu.vector_store %arg11[%swap3A_1576, %swap3A_1577], %swap3A_1580 {strides = array<i32>} : memref<80x64xf32, #tpu.memory_space<vmem>>, vector<1x16xf32>,
        %get3A_1581 = arith.index_cast %scan3A_1568 : i32 to index
        %get3A_1582 = arith.constant 16 : index
        %get3A_1583 = tpu.vector_load %arg11[%get3A_1581, %get3A_1582] {strides = array<i32>} : memref<80x64xf32, #tpu.memory_space<vmem>>, vector<1x16xf32>,
        %get3A_1584 = vector.shape_cast %get3A_1583 : vector<1x16xf32> to vector<16xf32>
        %max3A_1585 = arith.constant 0.000000e+00 : f32
        %max3A_1586 = vector.broadcast %max3A_1585 : f32 to vector<16xf32>
        %max3A_1587 = arith.maximumf %get3A_1584, %max3A_1586 : vector<16xf32>
        %swap3A_1588 = arith.index_cast %scan3A_1568 : i32 to index
        %swap3A_1589 = arith.constant 16 : index
        %swap3A_1590 = tpu.vector_load %arg11[%swap3A_1588, %swap3A_1589] {strides = array<i32>} : memref<80x64xf32, #tpu.memory_space<vmem>>, vector<1x16xf32>,
        %swap3A_1591 = vector.shape_cast %swap3A_1590 : vector<1x16xf32> to vector<16xf32>
        %swap3A_1592 = vector.shape_cast %max3A_1587 : vector<16xf32> to vector<1x16xf32>
        tpu.vector_store %arg11[%swap3A_1588, %swap3A_1589], %swap3A_1592 {strides = array<i32>} : memref<80x64xf32, #tpu.memory_space<vmem>>, vector<1x16xf32>,
        %get3A_1593 = arith.index_cast %scan3A_1568 : i32 to index
        %get3A_1594 = arith.constant 32 : index
        %get3A_1595 = tpu.vector_load %arg11[%get3A_1593, %get3A_1594] {strides = array<i32>} : memref<80x64xf32, #tpu.memory_space<vmem>>, vector<1x16xf32>,
        %get3A_1596 = vector.shape_cast %get3A_1595 : vector<1x16xf32> to vector<16xf32>
        %max3A_1597 = arith.constant 0.000000e+00 : f32
        %max3A_1598 = vector.broadcast %max3A_1597 : f32 to vector<16xf32>
        %max3A_1599 = arith.maximumf %get3A_1596, %max3A_1598 : vector<16xf32>
        %swap3A_1600 = arith.index_cast %scan3A_1568 : i32 to index
        %swap3A_1601 = arith.constant 32 : index
        %swap3A_1602 = tpu.vector_load %arg11[%swap3A_1600, %swap3A_1601] {strides = array<i32>} : memref<80x64xf32, #tpu.memory_space<vmem>>, vector<1x16xf32>,
        %swap3A_1603 = vector.shape_cast %swap3A_1602 : vector<1x16xf32> to vector<16xf32>
        %swap3A_1604 = vector.shape_cast %max3A_1599 : vector<16xf32> to vector<1x16xf32>
        tpu.vector_store %arg11[%swap3A_1600, %swap3A_1601], %swap3A_1604 {strides = array<i32>} : memref<80x64xf32, #tpu.memory_space<vmem>>, vector<1x16xf32>,
        %get3A_1605 = arith.index_cast %scan3A_1568 : i32 to index
        %get3A_1606 = arith.constant 48 : index
        %get3A_1607 = tpu.vector_load %arg11[%get3A_1605, %get3A_1606] {strides = array<i32>} : memref<80x64xf32, #tpu.memory_space<vmem>>, vector<1x16xf32>,
        %get3A_1608 = vector.shape_cast %get3A_1607 : vector<1x16xf32> to vector<16xf32>
        %max3A_1609 = arith.constant 0.000000e+00 : f32
        %max3A_1610 = vector.broadcast %max3A_1609 : f32 to vector<16xf32>
        %max3A_1611 = arith.maximumf %get3A_1608, %max3A_1610 : vector<16xf32>
        %swap3A_1612 = arith.index_cast %scan3A_1568 : i32 to index
        %swap3A_1613 = arith.constant 48 : index
        %swap3A_1614 = tpu.vector_load %arg11[%swap3A_1612, %swap3A_1613] {strides = array<i32>} : memref<80x64xf32, #tpu.memory_space<vmem>>, vector<1x16xf32>,
        %swap3A_1615 = vector.shape_cast %swap3A_1614 : vector<1x16xf32> to vector<16xf32>
        %swap3A_1616 = vector.shape_cast %max3A_1611 : vector<16xf32> to vector<1x16xf32>
        tpu.vector_store %arg11[%swap3A_1612, %swap3A_1613], %swap3A_1616 {strides = array<i32>} : memref<80x64xf32, #tpu.memory_space<vmem>>, vector<1x16xf32>,
        %scan3A_1617 = arith.constant 3 : i32
        %scan3A_1618 = arith.addi %scan3A_1469, %scan3A_1617 : i32
        %get3A_1619 = arith.index_cast %scan3A_1618 : i32 to index
        %get3A_1620 = arith.constant 0 : index
        %get3A_1621 = tpu.vector_load %arg11[%get3A_1619, %get3A_1620] {strides = array<i32>} : memref<80x64xf32, #tpu.memory_space<vmem>>, vector<1x16xf32>,
        %get3A_1622 = vector.shape_cast %get3A_1621 : vector<1x16xf32> to vector<16xf32>
        %max3A_1623 = arith.constant 0.000000e+00 : f32
        %max3A_1624 = vector.broadcast %max3A_1623 : f32 to vector<16xf32>
        %max3A_1625 = arith.maximumf %get3A_1622, %max3A_1624 : vector<16xf32>
        %swap3A_1626 = arith.index_cast %scan3A_1618 : i32 to index
        %swap3A_1627 = arith.constant 0 : index
        %swap3A_1628 = tpu.vector_load %arg11[%swap3A_1626, %swap3A_1627] {strides = array<i32>} : memref<80x64xf32, #tpu.memory_space<vmem>>, vector<1x16xf32>,
        %swap3A_1629 = vector.shape_cast %swap3A_1628 : vector<1x16xf32> to vector<16xf32>
        %swap3A_1630 = vector.shape_cast %max3A_1625 : vector<16xf32> to vector<1x16xf32>
        tpu.vector_store %arg11[%swap3A_1626, %swap3A_1627], %swap3A_1630 {strides = array<i32>} : memref<80x64xf32, #tpu.memory_space<vmem>>, vector<1x16xf32>,
        %get3A_1631 = arith.index_cast %scan3A_1618 : i32 to index
        %get3A_1632 = arith.constant 16 : index
        %get3A_1633 = tpu.vector_load %arg11[%get3A_1631, %get3A_1632] {strides = array<i32>} : memref<80x64xf32, #tpu.memory_space<vmem>>, vector<1x16xf32>,
        %get3A_1634 = vector.shape_cast %get3A_1633 : vector<1x16xf32> to vector<16xf32>
        %max3A_1635 = arith.constant 0.000000e+00 : f32
        %max3A_1636 = vector.broadcast %max3A_1635 : f32 to vector<16xf32>
        %max3A_1637 = arith.maximumf %get3A_1634, %max3A_1636 : vector<16xf32>
        %swap3A_1638 = arith.index_cast %scan3A_1618 : i32 to index
        %swap3A_1639 = arith.constant 16 : index
        %swap3A_1640 = tpu.vector_load %arg11[%swap3A_1638, %swap3A_1639] {strides = array<i32>} : memref<80x64xf32, #tpu.memory_space<vmem>>, vector<1x16xf32>,
        %swap3A_1641 = vector.shape_cast %swap3A_1640 : vector<1x16xf32> to vector<16xf32>
        %swap3A_1642 = vector.shape_cast %max3A_1637 : vector<16xf32> to vector<1x16xf32>
        tpu.vector_store %arg11[%swap3A_1638, %swap3A_1639], %swap3A_1642 {strides = array<i32>} : memref<80x64xf32, #tpu.memory_space<vmem>>, vector<1x16xf32>,
        %get3A_1643 = arith.index_cast %scan3A_1618 : i32 to index
        %get3A_1644 = arith.constant 32 : index
        %get3A_1645 = tpu.vector_load %arg11[%get3A_1643, %get3A_1644] {strides = array<i32>} : memref<80x64xf32, #tpu.memory_space<vmem>>, vector<1x16xf32>,
        %get3A_1646 = vector.shape_cast %get3A_1645 : vector<1x16xf32> to vector<16xf32>
        %max3A_1647 = arith.constant 0.000000e+00 : f32
        %max3A_1648 = vector.broadcast %max3A_1647 : f32 to vector<16xf32>
        %max3A_1649 = arith.maximumf %get3A_1646, %max3A_1648 : vector<16xf32>
        %swap3A_1650 = arith.index_cast %scan3A_1618 : i32 to index
        %swap3A_1651 = arith.constant 32 : index
        %swap3A_1652 = tpu.vector_load %arg11[%swap3A_1650, %swap3A_1651] {strides = array<i32>} : memref<80x64xf32, #tpu.memory_space<vmem>>, vector<1x16xf32>,
        %swap3A_1653 = vector.shape_cast %swap3A_1652 : vector<1x16xf32> to vector<16xf32>
        %swap3A_1654 = vector.shape_cast %max3A_1649 : vector<16xf32> to vector<1x16xf32>
        tpu.vector_store %arg11[%swap3A_1650, %swap3A_1651], %swap3A_1654 {strides = array<i32>} : memref<80x64xf32, #tpu.memory_space<vmem>>, vector<1x16xf32>,
        %get3A_1655 = arith.index_cast %scan3A_1618 : i32 to index
        %get3A_1656 = arith.constant 48 : index
        %get3A_1657 = tpu.vector_load %arg11[%get3A_1655, %get3A_1656] {strides = array<i32>} : memref<80x64xf32, #tpu.memory_space<vmem>>, vector<1x16xf32>,
        %get3A_1658 = vector.shape_cast %get3A_1657 : vector<1x16xf32> to vector<16xf32>
        %max3A_1659 = arith.constant 0.000000e+00 : f32
        %max3A_1660 = vector.broadcast %max3A_1659 : f32 to vector<16xf32>
        %max3A_1661 = arith.maximumf %get3A_1658, %max3A_1660 : vector<16xf32>
        %swap3A_1662 = arith.index_cast %scan3A_1618 : i32 to index
        %swap3A_1663 = arith.constant 48 : index
        %swap3A_1664 = tpu.vector_load %arg11[%swap3A_1662, %swap3A_1663] {strides = array<i32>} : memref<80x64xf32, #tpu.memory_space<vmem>>, vector<1x16xf32>,
        %swap3A_1665 = vector.shape_cast %swap3A_1664 : vector<1x16xf32> to vector<16xf32>
        %swap3A_1666 = vector.shape_cast %max3A_1661 : vector<16xf32> to vector<1x16xf32>
        tpu.vector_store %arg11[%swap3A_1662, %swap3A_1663], %swap3A_1666 {strides = array<i32>} : memref<80x64xf32, #tpu.memory_space<vmem>>, vector<1x16xf32>,
      }
      %scan3A_321 = arith.constant 80 : i32
      %dma_start3A_322 = arith.constant 0 : i32
      %dma_start3A_323 = arith.constant 0 : i32
      %dma_start3A_324 = tpu.memref_slice %arg27[%dma_start3A_322, %dma_start3A_323] : memref<10240x64xf32, #tpu.memory_space<vmem_shared>> -> memref<10240x64xf32, #tpu.memory_space<vmem_shared>>
      tpu.enqueue_indirect_dma source(%arg11 : memref<80x64xf32, #tpu.memory_space<vmem>>) target(%dma_start3A_324 : memref<10240x64xf32, #tpu.memory_space<vmem_shared>>) offsets(%arg9 : memref<80xi32, #tpu.memory_space<vmem>>) semaphore(%arg14 : memref<!tpu.dma_semaphore, #tpu.memory_space<semaphore_mem>>) {add = true}
      %dma_start3A_325 = arith.constant 0 : i32
      %dma_start3A_326 = arith.constant 0 : i32
      %dma_start3A_327 = tpu.memref_slice %arg28[%dma_start3A_325, %dma_start3A_326] : memref<10240x16xf32, #tpu.memory_space<vmem_shared>> -> memref<10240x16xf32, #tpu.memory_space<vmem_shared>>
      tpu.enqueue_indirect_dma source(%arg24 : memref<80x16xf32, #tpu.memory_space<vmem>>) target(%dma_start3A_327 : memref<10240x16xf32, #tpu.memory_space<vmem_shared>>) offsets(%arg9 : memref<80xi32, #tpu.memory_space<vmem>>) semaphore(%arg14 : memref<!tpu.dma_semaphore, #tpu.memory_space<semaphore_mem>>) {add = true}
      %dma_wait3A_328 = arith.constant 0 : i32
      %dma_wait3A_329 = arith.constant 0 : i32
      %dma_wait3A_330 = tpu.memref_slice %arg2[%dma_wait3A_328, %dma_wait3A_329] : memref<20000x64xf32, #tpu.memory_space<hbm>> -> memref<20000x64xf32, #tpu.memory_space<hbm>>
      tpu.wait_indirect_dma semaphore(%arg19 : memref<!tpu.dma_semaphore, #tpu.memory_space<semaphore_mem>>) src(%dma_wait3A_330 : memref<20000x64xf32, #tpu.memory_space<hbm>>) dst(%arg18 : memref<80x64xf32, #tpu.memory_space<vmem>>)
      %dma_start3A_331 = arith.constant 0 : i32
      %dma_start3A_332 = arith.constant 0 : i32
      %dma_start3A_333 = tpu.memref_slice %arg3[%dma_start3A_331, %dma_start3A_332] : memref<20000x64xf32, #tpu.memory_space<hbm>> -> memref<20000x64xf32, #tpu.memory_space<hbm>>
      tpu.enqueue_indirect_dma source(%dma_start3A_333 : memref<20000x64xf32, #tpu.memory_space<hbm>>) target(%arg18 : memref<80x64xf32, #tpu.memory_space<vmem>>) offsets(%arg15 : memref<80xi32, #tpu.memory_space<vmem>>) semaphore(%arg20 : memref<!tpu.dma_semaphore, #tpu.memory_space<semaphore_mem>>) {add = true}
      %dma_wait3A_334 = arith.constant 0 : i32
      %dma_wait3A_335 = arith.constant 0 : i32
      %dma_wait3A_336 = tpu.memref_slice %arg27[%dma_wait3A_334, %dma_wait3A_335] : memref<10240x64xf32, #tpu.memory_space<vmem_shared>> -> memref<10240x64xf32, #tpu.memory_space<vmem_shared>>
      tpu.wait_indirect_dma semaphore(%arg14 : memref<!tpu.dma_semaphore, #tpu.memory_space<semaphore_mem>>) src(%arg11 : memref<80x64xf32, #tpu.memory_space<vmem>>) dst(%dma_wait3A_336 : memref<10240x64xf32, #tpu.memory_space<vmem_shared>>)
      %dma_wait3A_337 = arith.constant 0 : i32
      %dma_wait3A_338 = arith.constant 0 : i32
      %dma_wait3A_339 = tpu.memref_slice %arg28[%dma_wait3A_337, %dma_wait3A_338] : memref<10240x16xf32, #tpu.memory_space<vmem_shared>> -> memref<10240x16xf32, #tpu.memory_space<vmem_shared>>
      tpu.wait_indirect_dma semaphore(%arg14 : memref<!tpu.dma_semaphore, #tpu.memory_space<semaphore_mem>>) src(%arg24 : memref<80x16xf32, #tpu.memory_space<vmem>>) dst(%dma_wait3A_339 : memref<10240x16xf32, #tpu.memory_space<vmem_shared>>)
      %get3A_340 = arith.constant 160 : index
      %get3A_341 = tpu.vector_load %arg23[%get3A_340] {strides = array<i32>} : memref<800xi32, #tpu.memory_space<vmem>>, vector<16xi32>,
      %get3A_342 = vector.shape_cast %get3A_341 : vector<16xi32> to vector<16xi32>
      %swap3A_343 = arith.constant 0 : index
      %swap3A_344 = tpu.vector_load %arg9[%swap3A_343] {strides = array<i32>} : memref<80xi32, #tpu.memory_space<vmem>>, vector<16xi32>,
      %swap3A_345 = vector.shape_cast %swap3A_344 : vector<16xi32> to vector<16xi32>
      %swap3A_346 = vector.shape_cast %get3A_342 : vector<16xi32> to vector<16xi32>
      tpu.vector_store %arg9[%swap3A_343], %swap3A_346 {strides = array<i32>} : memref<80xi32, #tpu.memory_space<vmem>>, vector<16xi32>,
      %add3A_347 = vector.broadcast %mul3A_0 : i32 to vector<16xi32>
      %add3A_348 = arith.addi %get3A_342, %add3A_347 : vector<16xi32>
      %swap3A_349 = arith.constant 0 : index
      %swap3A_350 = tpu.vector_load %arg10[%swap3A_349] {strides = array<i32>} : memref<80xi32, #tpu.memory_space<vmem>>, vector<16xi32>,
      %swap3A_351 = vector.shape_cast %swap3A_350 : vector<16xi32> to vector<16xi32>
      %swap3A_352 = vector.shape_cast %add3A_348 : vector<16xi32> to vector<16xi32>
      tpu.vector_store %arg10[%swap3A_349], %swap3A_352 {strides = array<i32>} : memref<80xi32, #tpu.memory_space<vmem>>, vector<16xi32>,
      %get3A_353 = arith.constant 160 : index
      %get3A_354 = tpu.vector_load %arg22[%get3A_353] {strides = array<i32>} : memref<800xi32, #tpu.memory_space<vmem>>, vector<16xi32>,
      %get3A_355 = vector.shape_cast %get3A_354 : vector<16xi32> to vector<16xi32>
      %add3A_356 = vector.broadcast %mul3A_0 : i32 to vector<16xi32>
      %add3A_357 = arith.addi %get3A_355, %add3A_356 : vector<16xi32>
      %swap3A_358 = arith.constant 0 : index
      %swap3A_359 = tpu.vector_load %arg8[%swap3A_358] {strides = array<i32>} : memref<80xi32, #tpu.memory_space<vmem>>, vector<16xi32>,
      %swap3A_360 = vector.shape_cast %swap3A_359 : vector<16xi32> to vector<16xi32>
      %swap3A_361 = vector.shape_cast %add3A_357 : vector<16xi32> to vector<16xi32>
      tpu.vector_store %arg8[%swap3A_358], %swap3A_361 {strides = array<i32>} : memref<80xi32, #tpu.memory_space<vmem>>, vector<16xi32>,
      %get3A_362 = arith.constant 176 : index
      %get3A_363 = tpu.vector_load %arg23[%get3A_362] {strides = array<i32>} : memref<800xi32, #tpu.memory_space<vmem>>, vector<16xi32>,
      %get3A_364 = vector.shape_cast %get3A_363 : vector<16xi32> to vector<16xi32>
      %swap3A_365 = arith.constant 16 : index
      %swap3A_366 = tpu.vector_load %arg9[%swap3A_365] {strides = array<i32>} : memref<80xi32, #tpu.memory_space<vmem>>, vector<16xi32>,
      %swap3A_367 = vector.shape_cast %swap3A_366 : vector<16xi32> to vector<16xi32>
      %swap3A_368 = vector.shape_cast %get3A_364 : vector<16xi32> to vector<16xi32>
      tpu.vector_store %arg9[%swap3A_365], %swap3A_368 {strides = array<i32>} : memref<80xi32, #tpu.memory_space<vmem>>, vector<16xi32>,
      %add3A_369 = vector.broadcast %mul3A_0 : i32 to vector<16xi32>
      %add3A_370 = arith.addi %get3A_364, %add3A_369 : vector<16xi32>
      %swap3A_371 = arith.constant 16 : index
      %swap3A_372 = tpu.vector_load %arg10[%swap3A_371] {strides = array<i32>} : memref<80xi32, #tpu.memory_space<vmem>>, vector<16xi32>,
      %swap3A_373 = vector.shape_cast %swap3A_372 : vector<16xi32> to vector<16xi32>
      %swap3A_374 = vector.shape_cast %add3A_370 : vector<16xi32> to vector<16xi32>
      tpu.vector_store %arg10[%swap3A_371], %swap3A_374 {strides = array<i32>} : memref<80xi32, #tpu.memory_space<vmem>>, vector<16xi32>,
      %get3A_375 = arith.constant 176 : index
      %get3A_376 = tpu.vector_load %arg22[%get3A_375] {strides = array<i32>} : memref<800xi32, #tpu.memory_space<vmem>>, vector<16xi32>,
      %get3A_377 = vector.shape_cast %get3A_376 : vector<16xi32> to vector<16xi32>
      %add3A_378 = vector.broadcast %mul3A_0 : i32 to vector<16xi32>
      %add3A_379 = arith.addi %get3A_377, %add3A_378 : vector<16xi32>
      %swap3A_380 = arith.constant 16 : index
      %swap3A_381 = tpu.vector_load %arg8[%swap3A_380] {strides = array<i32>} : memref<80xi32, #tpu.memory_space<vmem>>, vector<16xi32>,
      %swap3A_382 = vector.shape_cast %swap3A_381 : vector<16xi32> to vector<16xi32>
      %swap3A_383 = vector.shape_cast %add3A_379 : vector<16xi32> to vector<16xi32>
      tpu.vector_store %arg8[%swap3A_380], %swap3A_383 {strides = array<i32>} : memref<80xi32, #tpu.memory_space<vmem>>, vector<16xi32>,
      %get3A_384 = arith.constant 192 : index
      %get3A_385 = tpu.vector_load %arg23[%get3A_384] {strides = array<i32>} : memref<800xi32, #tpu.memory_space<vmem>>, vector<16xi32>,
      %get3A_386 = vector.shape_cast %get3A_385 : vector<16xi32> to vector<16xi32>
      %swap3A_387 = arith.constant 32 : index
      %swap3A_388 = tpu.vector_load %arg9[%swap3A_387] {strides = array<i32>} : memref<80xi32, #tpu.memory_space<vmem>>, vector<16xi32>,
      %swap3A_389 = vector.shape_cast %swap3A_388 : vector<16xi32> to vector<16xi32>
      %swap3A_390 = vector.shape_cast %get3A_386 : vector<16xi32> to vector<16xi32>
      tpu.vector_store %arg9[%swap3A_387], %swap3A_390 {strides = array<i32>} : memref<80xi32, #tpu.memory_space<vmem>>, vector<16xi32>,
      %add3A_391 = vector.broadcast %mul3A_0 : i32 to vector<16xi32>
      %add3A_392 = arith.addi %get3A_386, %add3A_391 : vector<16xi32>
      %swap3A_393 = arith.constant 32 : index
      %swap3A_394 = tpu.vector_load %arg10[%swap3A_393] {strides = array<i32>} : memref<80xi32, #tpu.memory_space<vmem>>, vector<16xi32>,
      %swap3A_395 = vector.shape_cast %swap3A_394 : vector<16xi32> to vector<16xi32>
      %swap3A_396 = vector.shape_cast %add3A_392 : vector<16xi32> to vector<16xi32>
      tpu.vector_store %arg10[%swap3A_393], %swap3A_396 {strides = array<i32>} : memref<80xi32, #tpu.memory_space<vmem>>, vector<16xi32>,
      %get3A_397 = arith.constant 192 : index
      %get3A_398 = tpu.vector_load %arg22[%get3A_397] {strides = array<i32>} : memref<800xi32, #tpu.memory_space<vmem>>, vector<16xi32>,
      %get3A_399 = vector.shape_cast %get3A_398 : vector<16xi32> to vector<16xi32>
      %add3A_400 = vector.broadcast %mul3A_0 : i32 to vector<16xi32>
      %add3A_401 = arith.addi %get3A_399, %add3A_400 : vector<16xi32>
      %swap3A_402 = arith.constant 32 : index
      %swap3A_403 = tpu.vector_load %arg8[%swap3A_402] {strides = array<i32>} : memref<80xi32, #tpu.memory_space<vmem>>, vector<16xi32>,
      %swap3A_404 = vector.shape_cast %swap3A_403 : vector<16xi32> to vector<16xi32>
      %swap3A_405 = vector.shape_cast %add3A_401 : vector<16xi32> to vector<16xi32>
      tpu.vector_store %arg8[%swap3A_402], %swap3A_405 {strides = array<i32>} : memref<80xi32, #tpu.memory_space<vmem>>, vector<16xi32>,
      %get3A_406 = arith.constant 208 : index
      %get3A_407 = tpu.vector_load %arg23[%get3A_406] {strides = array<i32>} : memref<800xi32, #tpu.memory_space<vmem>>, vector<16xi32>,
      %get3A_408 = vector.shape_cast %get3A_407 : vector<16xi32> to vector<16xi32>
      %swap3A_409 = arith.constant 48 : index
      %swap3A_410 = tpu.vector_load %arg9[%swap3A_409] {strides = array<i32>} : memref<80xi32, #tpu.memory_space<vmem>>, vector<16xi32>,
      %swap3A_411 = vector.shape_cast %swap3A_410 : vector<16xi32> to vector<16xi32>
      %swap3A_412 = vector.shape_cast %get3A_408 : vector<16xi32> to vector<16xi32>
      tpu.vector_store %arg9[%swap3A_409], %swap3A_412 {strides = array<i32>} : memref<80xi32, #tpu.memory_space<vmem>>, vector<16xi32>,
      %add3A_413 = vector.broadcast %mul3A_0 : i32 to vector<16xi32>
      %add3A_414 = arith.addi %get3A_408, %add3A_413 : vector<16xi32>
      %swap3A_415 = arith.constant 48 : index
      %swap3A_416 = tpu.vector_load %arg10[%swap3A_415] {strides = array<i32>} : memref<80xi32, #tpu.memory_space<vmem>>, vector<16xi32>,
      %swap3A_417 = vector.shape_cast %swap3A_416 : vector<16xi32> to vector<16xi32>
      %swap3A_418 = vector.shape_cast %add3A_414 : vector<16xi32> to vector<16xi32>
      tpu.vector_store %arg10[%swap3A_415], %swap3A_418 {strides = array<i32>} : memref<80xi32, #tpu.memory_space<vmem>>, vector<16xi32>,
      %get3A_419 = arith.constant 208 : index
      %get3A_420 = tpu.vector_load %arg22[%get3A_419] {strides = array<i32>} : memref<800xi32, #tpu.memory_space<vmem>>, vector<16xi32>,
      %get3A_421 = vector.shape_cast %get3A_420 : vector<16xi32> to vector<16xi32>
      %add3A_422 = vector.broadcast %mul3A_0 : i32 to vector<16xi32>
      %add3A_423 = arith.addi %get3A_421, %add3A_422 : vector<16xi32>
      %swap3A_424 = arith.constant 48 : index
      %swap3A_425 = tpu.vector_load %arg8[%swap3A_424] {strides = array<i32>} : memref<80xi32, #tpu.memory_space<vmem>>, vector<16xi32>,
      %swap3A_426 = vector.shape_cast %swap3A_425 : vector<16xi32> to vector<16xi32>
      %swap3A_427 = vector.shape_cast %add3A_423 : vector<16xi32> to vector<16xi32>
      tpu.vector_store %arg8[%swap3A_424], %swap3A_427 {strides = array<i32>} : memref<80xi32, #tpu.memory_space<vmem>>, vector<16xi32>,
      %get3A_428 = arith.constant 224 : index
      %get3A_429 = tpu.vector_load %arg23[%get3A_428] {strides = array<i32>} : memref<800xi32, #tpu.memory_space<vmem>>, vector<16xi32>,
      %get3A_430 = vector.shape_cast %get3A_429 : vector<16xi32> to vector<16xi32>
      %swap3A_431 = arith.constant 64 : index
      %swap3A_432 = tpu.vector_load %arg9[%swap3A_431] {strides = array<i32>} : memref<80xi32, #tpu.memory_space<vmem>>, vector<16xi32>,
      %swap3A_433 = vector.shape_cast %swap3A_432 : vector<16xi32> to vector<16xi32>
      %swap3A_434 = vector.shape_cast %get3A_430 : vector<16xi32> to vector<16xi32>
      tpu.vector_store %arg9[%swap3A_431], %swap3A_434 {strides = array<i32>} : memref<80xi32, #tpu.memory_space<vmem>>, vector<16xi32>,
      %add3A_435 = vector.broadcast %mul3A_0 : i32 to vector<16xi32>
      %add3A_436 = arith.addi %get3A_430, %add3A_435 : vector<16xi32>
      %swap3A_437 = arith.constant 64 : index
      %swap3A_438 = tpu.vector_load %arg10[%swap3A_437] {strides = array<i32>} : memref<80xi32, #tpu.memory_space<vmem>>, vector<16xi32>,
      %swap3A_439 = vector.shape_cast %swap3A_438 : vector<16xi32> to vector<16xi32>
      %swap3A_440 = vector.shape_cast %add3A_436 : vector<16xi32> to vector<16xi32>
      tpu.vector_store %arg10[%swap3A_437], %swap3A_440 {strides = array<i32>} : memref<80xi32, #tpu.memory_space<vmem>>, vector<16xi32>,
      %get3A_441 = arith.constant 224 : index
      %get3A_442 = tpu.vector_load %arg22[%get3A_441] {strides = array<i32>} : memref<800xi32, #tpu.memory_space<vmem>>, vector<16xi32>,
      %get3A_443 = vector.shape_cast %get3A_442 : vector<16xi32> to vector<16xi32>
      %add3A_444 = vector.broadcast %mul3A_0 : i32 to vector<16xi32>
      %add3A_445 = arith.addi %get3A_443, %add3A_444 : vector<16xi32>
      %swap3A_446 = arith.constant 64 : index
      %swap3A_447 = tpu.vector_load %arg8[%swap3A_446] {strides = array<i32>} : memref<80xi32, #tpu.memory_space<vmem>>, vector<16xi32>,
      %swap3A_448 = vector.shape_cast %swap3A_447 : vector<16xi32> to vector<16xi32>
      %swap3A_449 = vector.shape_cast %add3A_445 : vector<16xi32> to vector<16xi32>
      tpu.vector_store %arg8[%swap3A_446], %swap3A_449 {strides = array<i32>} : memref<80xi32, #tpu.memory_space<vmem>>, vector<16xi32>,
      %dma_start3A_450 = arith.constant 0 : i32
      %dma_start3A_451 = arith.constant 0 : i32
      %dma_start3A_452 = tpu.memref_slice %arg2[%dma_start3A_450, %dma_start3A_451] : memref<20000x64xf32, #tpu.memory_space<hbm>> -> memref<20000x64xf32, #tpu.memory_space<hbm>>
      tpu.enqueue_indirect_dma source(%dma_start3A_452 : memref<20000x64xf32, #tpu.memory_space<hbm>>) target(%arg11 : memref<80x64xf32, #tpu.memory_space<vmem>>) offsets(%arg10 : memref<80xi32, #tpu.memory_space<vmem>>) semaphore(%arg12 : memref<!tpu.dma_semaphore, #tpu.memory_space<semaphore_mem>>)
      %dma_wait3A_453 = arith.constant 0 : i32
      %dma_wait3A_454 = arith.constant 0 : i32
      %dma_wait3A_455 = tpu.memref_slice %arg3[%dma_wait3A_453, %dma_wait3A_454] : memref<20000x64xf32, #tpu.memory_space<hbm>> -> memref<20000x64xf32, #tpu.memory_space<hbm>>
      tpu.wait_indirect_dma semaphore(%arg20 : memref<!tpu.dma_semaphore, #tpu.memory_space<semaphore_mem>>) src(%dma_wait3A_455 : memref<20000x64xf32, #tpu.memory_space<hbm>>) dst(%arg18 : memref<80x64xf32, #tpu.memory_space<vmem>>)
      %scan3A_456 = arith.constant 0 : i32
      %scan3A_457 = arith.constant 0 : i32
      %scan3A_458 = arith.constant 80 : i32
      %scan3A_459 = arith.addi %scan3A_457, %scan3A_458 : i32
      %scan3A_460 = arith.constant 4 : i32
      scf.for %scan3A_1469 = %scan3A_457 to %scan3A_459 step %scan3A_460  : i32 {
        %get3A_1470 = arith.index_cast %scan3A_1469 : i32 to index
        %get3A_1471 = arith.constant 0 : index
        %get3A_1472 = tpu.vector_load %arg18[%get3A_1470, %get3A_1471] {strides = array<i32>} : memref<80x64xf32, #tpu.memory_space<vmem>>, vector<1x16xf32>,
        %get3A_1473 = vector.shape_cast %get3A_1472 : vector<1x16xf32> to vector<16xf32>
        %max3A = arith.constant 0.000000e+00 : f32
        %max3A_1474 = vector.broadcast %max3A : f32 to vector<16xf32>
        %max3A_1475 = arith.maximumf %get3A_1473, %max3A_1474 : vector<16xf32>
        %swap3A_1476 = arith.index_cast %scan3A_1469 : i32 to index
        %swap3A_1477 = arith.constant 0 : index
        %swap3A_1478 = tpu.vector_load %arg18[%swap3A_1476, %swap3A_1477] {strides = array<i32>} : memref<80x64xf32, #tpu.memory_space<vmem>>, vector<1x16xf32>,
        %swap3A_1479 = vector.shape_cast %swap3A_1478 : vector<1x16xf32> to vector<16xf32>
        %swap3A_1480 = vector.shape_cast %max3A_1475 : vector<16xf32> to vector<1x16xf32>
        tpu.vector_store %arg18[%swap3A_1476, %swap3A_1477], %swap3A_1480 {strides = array<i32>} : memref<80x64xf32, #tpu.memory_space<vmem>>, vector<1x16xf32>,
        %get3A_1481 = arith.index_cast %scan3A_1469 : i32 to index
        %get3A_1482 = arith.constant 16 : index
        %get3A_1483 = tpu.vector_load %arg18[%get3A_1481, %get3A_1482] {strides = array<i32>} : memref<80x64xf32, #tpu.memory_space<vmem>>, vector<1x16xf32>,
        %get3A_1484 = vector.shape_cast %get3A_1483 : vector<1x16xf32> to vector<16xf32>
        %max3A_1485 = arith.constant 0.000000e+00 : f32
        %max3A_1486 = vector.broadcast %max3A_1485 : f32 to vector<16xf32>
        %max3A_1487 = arith.maximumf %get3A_1484, %max3A_1486 : vector<16xf32>
        %swap3A_1488 = arith.index_cast %scan3A_1469 : i32 to index
        %swap3A_1489 = arith.constant 16 : index
        %swap3A_1490 = tpu.vector_load %arg18[%swap3A_1488, %swap3A_1489] {strides = array<i32>} : memref<80x64xf32, #tpu.memory_space<vmem>>, vector<1x16xf32>,
        %swap3A_1491 = vector.shape_cast %swap3A_1490 : vector<1x16xf32> to vector<16xf32>
        %swap3A_1492 = vector.shape_cast %max3A_1487 : vector<16xf32> to vector<1x16xf32>
        tpu.vector_store %arg18[%swap3A_1488, %swap3A_1489], %swap3A_1492 {strides = array<i32>} : memref<80x64xf32, #tpu.memory_space<vmem>>, vector<1x16xf32>,
        %get3A_1493 = arith.index_cast %scan3A_1469 : i32 to index
        %get3A_1494 = arith.constant 32 : index
        %get3A_1495 = tpu.vector_load %arg18[%get3A_1493, %get3A_1494] {strides = array<i32>} : memref<80x64xf32, #tpu.memory_space<vmem>>, vector<1x16xf32>,
        %get3A_1496 = vector.shape_cast %get3A_1495 : vector<1x16xf32> to vector<16xf32>
        %max3A_1497 = arith.constant 0.000000e+00 : f32
        %max3A_1498 = vector.broadcast %max3A_1497 : f32 to vector<16xf32>
        %max3A_1499 = arith.maximumf %get3A_1496, %max3A_1498 : vector<16xf32>
        %swap3A_1500 = arith.index_cast %scan3A_1469 : i32 to index
        %swap3A_1501 = arith.constant 32 : index
        %swap3A_1502 = tpu.vector_load %arg18[%swap3A_1500, %swap3A_1501] {strides = array<i32>} : memref<80x64xf32, #tpu.memory_space<vmem>>, vector<1x16xf32>,
        %swap3A_1503 = vector.shape_cast %swap3A_1502 : vector<1x16xf32> to vector<16xf32>
        %swap3A_1504 = vector.shape_cast %max3A_1499 : vector<16xf32> to vector<1x16xf32>
        tpu.vector_store %arg18[%swap3A_1500, %swap3A_1501], %swap3A_1504 {strides = array<i32>} : memref<80x64xf32, #tpu.memory_space<vmem>>, vector<1x16xf32>,
        %get3A_1505 = arith.index_cast %scan3A_1469 : i32 to index
        %get3A_1506 = arith.constant 48 : index
        %get3A_1507 = tpu.vector_load %arg18[%get3A_1505, %get3A_1506] {strides = array<i32>} : memref<80x64xf32, #tpu.memory_space<vmem>>, vector<1x16xf32>,
        %get3A_1508 = vector.shape_cast %get3A_1507 : vector<1x16xf32> to vector<16xf32>
        %max3A_1509 = arith.constant 0.000000e+00 : f32
        %max3A_1510 = vector.broadcast %max3A_1509 : f32 to vector<16xf32>
        %max3A_1511 = arith.maximumf %get3A_1508, %max3A_1510 : vector<16xf32>
        %swap3A_1512 = arith.index_cast %scan3A_1469 : i32 to index
        %swap3A_1513 = arith.constant 48 : index
        %swap3A_1514 = tpu.vector_load %arg18[%swap3A_1512, %swap3A_1513] {strides = array<i32>} : memref<80x64xf32, #tpu.memory_space<vmem>>, vector<1x16xf32>,
        %swap3A_1515 = vector.shape_cast %swap3A_1514 : vector<1x16xf32> to vector<16xf32>
        %swap3A_1516 = vector.shape_cast %max3A_1511 : vector<16xf32> to vector<1x16xf32>
        tpu.vector_store %arg18[%swap3A_1512, %swap3A_1513], %swap3A_1516 {strides = array<i32>} : memref<80x64xf32, #tpu.memory_space<vmem>>, vector<1x16xf32>,
        %scan3A_1517 = arith.constant 1 : i32
        %scan3A_1518 = arith.addi %scan3A_1469, %scan3A_1517 : i32
        %get3A_1519 = arith.index_cast %scan3A_1518 : i32 to index
        %get3A_1520 = arith.constant 0 : index
        %get3A_1521 = tpu.vector_load %arg18[%get3A_1519, %get3A_1520] {strides = array<i32>} : memref<80x64xf32, #tpu.memory_space<vmem>>, vector<1x16xf32>,
        %get3A_1522 = vector.shape_cast %get3A_1521 : vector<1x16xf32> to vector<16xf32>
        %max3A_1523 = arith.constant 0.000000e+00 : f32
        %max3A_1524 = vector.broadcast %max3A_1523 : f32 to vector<16xf32>
        %max3A_1525 = arith.maximumf %get3A_1522, %max3A_1524 : vector<16xf32>
        %swap3A_1526 = arith.index_cast %scan3A_1518 : i32 to index
        %swap3A_1527 = arith.constant 0 : index
        %swap3A_1528 = tpu.vector_load %arg18[%swap3A_1526, %swap3A_1527] {strides = array<i32>} : memref<80x64xf32, #tpu.memory_space<vmem>>, vector<1x16xf32>,
        %swap3A_1529 = vector.shape_cast %swap3A_1528 : vector<1x16xf32> to vector<16xf32>
        %swap3A_1530 = vector.shape_cast %max3A_1525 : vector<16xf32> to vector<1x16xf32>
        tpu.vector_store %arg18[%swap3A_1526, %swap3A_1527], %swap3A_1530 {strides = array<i32>} : memref<80x64xf32, #tpu.memory_space<vmem>>, vector<1x16xf32>,
        %get3A_1531 = arith.index_cast %scan3A_1518 : i32 to index
        %get3A_1532 = arith.constant 16 : index
        %get3A_1533 = tpu.vector_load %arg18[%get3A_1531, %get3A_1532] {strides = array<i32>} : memref<80x64xf32, #tpu.memory_space<vmem>>, vector<1x16xf32>,
        %get3A_1534 = vector.shape_cast %get3A_1533 : vector<1x16xf32> to vector<16xf32>
        %max3A_1535 = arith.constant 0.000000e+00 : f32
        %max3A_1536 = vector.broadcast %max3A_1535 : f32 to vector<16xf32>
        %max3A_1537 = arith.maximumf %get3A_1534, %max3A_1536 : vector<16xf32>
        %swap3A_1538 = arith.index_cast %scan3A_1518 : i32 to index
        %swap3A_1539 = arith.constant 16 : index
        %swap3A_1540 = tpu.vector_load %arg18[%swap3A_1538, %swap3A_1539] {strides = array<i32>} : memref<80x64xf32, #tpu.memory_space<vmem>>, vector<1x16xf32>,
        %swap3A_1541 = vector.shape_cast %swap3A_1540 : vector<1x16xf32> to vector<16xf32>
        %swap3A_1542 = vector.shape_cast %max3A_1537 : vector<16xf32> to vector<1x16xf32>
        tpu.vector_store %arg18[%swap3A_1538, %swap3A_1539], %swap3A_1542 {strides = array<i32>} : memref<80x64xf32, #tpu.memory_space<vmem>>, vector<1x16xf32>,
        %get3A_1543 = arith.index_cast %scan3A_1518 : i32 to index
        %get3A_1544 = arith.constant 32 : index
        %get3A_1545 = tpu.vector_load %arg18[%get3A_1543, %get3A_1544] {strides = array<i32>} : memref<80x64xf32, #tpu.memory_space<vmem>>, vector<1x16xf32>,
        %get3A_1546 = vector.shape_cast %get3A_1545 : vector<1x16xf32> to vector<16xf32>
        %max3A_1547 = arith.constant 0.000000e+00 : f32
        %max3A_1548 = vector.broadcast %max3A_1547 : f32 to vector<16xf32>
        %max3A_1549 = arith.maximumf %get3A_1546, %max3A_1548 : vector<16xf32>
        %swap3A_1550 = arith.index_cast %scan3A_1518 : i32 to index
        %swap3A_1551 = arith.constant 32 : index
        %swap3A_1552 = tpu.vector_load %arg18[%swap3A_1550, %swap3A_1551] {strides = array<i32>} : memref<80x64xf32, #tpu.memory_space<vmem>>, vector<1x16xf32>,
        %swap3A_1553 = vector.shape_cast %swap3A_1552 : vector<1x16xf32> to vector<16xf32>
        %swap3A_1554 = vector.shape_cast %max3A_1549 : vector<16xf32> to vector<1x16xf32>
        tpu.vector_store %arg18[%swap3A_1550, %swap3A_1551], %swap3A_1554 {strides = array<i32>} : memref<80x64xf32, #tpu.memory_space<vmem>>, vector<1x16xf32>,
        %get3A_1555 = arith.index_cast %scan3A_1518 : i32 to index
        %get3A_1556 = arith.constant 48 : index
        %get3A_1557 = tpu.vector_load %arg18[%get3A_1555, %get3A_1556] {strides = array<i32>} : memref<80x64xf32, #tpu.memory_space<vmem>>, vector<1x16xf32>,
        %get3A_1558 = vector.shape_cast %get3A_1557 : vector<1x16xf32> to vector<16xf32>
        %max3A_1559 = arith.constant 0.000000e+00 : f32
        %max3A_1560 = vector.broadcast %max3A_1559 : f32 to vector<16xf32>
        %max3A_1561 = arith.maximumf %get3A_1558, %max3A_1560 : vector<16xf32>
        %swap3A_1562 = arith.index_cast %scan3A_1518 : i32 to index
        %swap3A_1563 = arith.constant 48 : index
        %swap3A_1564 = tpu.vector_load %arg18[%swap3A_1562, %swap3A_1563] {strides = array<i32>} : memref<80x64xf32, #tpu.memory_space<vmem>>, vector<1x16xf32>,
        %swap3A_1565 = vector.shape_cast %swap3A_1564 : vector<1x16xf32> to vector<16xf32>
        %swap3A_1566 = vector.shape_cast %max3A_1561 : vector<16xf32> to vector<1x16xf32>
        tpu.vector_store %arg18[%swap3A_1562, %swap3A_1563], %swap3A_1566 {strides = array<i32>} : memref<80x64xf32, #tpu.memory_space<vmem>>, vector<1x16xf32>,
        %scan3A_1567 = arith.constant 2 : i32
        %scan3A_1568 = arith.addi %scan3A_1469, %scan3A_1567 : i32
        %get3A_1569 = arith.index_cast %scan3A_1568 : i32 to index
        %get3A_1570 = arith.constant 0 : index
        %get3A_1571 = tpu.vector_load %arg18[%get3A_1569, %get3A_1570] {strides = array<i32>} : memref<80x64xf32, #tpu.memory_space<vmem>>, vector<1x16xf32>,
        %get3A_1572 = vector.shape_cast %get3A_1571 : vector<1x16xf32> to vector<16xf32>
        %max3A_1573 = arith.constant 0.000000e+00 : f32
        %max3A_1574 = vector.broadcast %max3A_1573 : f32 to vector<16xf32>
        %max3A_1575 = arith.maximumf %get3A_1572, %max3A_1574 : vector<16xf32>
        %swap3A_1576 = arith.index_cast %scan3A_1568 : i32 to index
        %swap3A_1577 = arith.constant 0 : index
        %swap3A_1578 = tpu.vector_load %arg18[%swap3A_1576, %swap3A_1577] {strides = array<i32>} : memref<80x64xf32, #tpu.memory_space<vmem>>, vector<1x16xf32>,
        %swap3A_1579 = vector.shape_cast %swap3A_1578 : vector<1x16xf32> to vector<16xf32>
        %swap3A_1580 = vector.shape_cast %max3A_1575 : vector<16xf32> to vector<1x16xf32>
        tpu.vector_store %arg18[%swap3A_1576, %swap3A_1577], %swap3A_1580 {strides = array<i32>} : memref<80x64xf32, #tpu.memory_space<vmem>>, vector<1x16xf32>,
        %get3A_1581 = arith.index_cast %scan3A_1568 : i32 to index
        %get3A_1582 = arith.constant 16 : index
        %get3A_1583 = tpu.vector_load %arg18[%get3A_1581, %get3A_1582] {strides = array<i32>} : memref<80x64xf32, #tpu.memory_space<vmem>>, vector<1x16xf32>,
        %get3A_1584 = vector.shape_cast %get3A_1583 : vector<1x16xf32> to vector<16xf32>
        %max3A_1585 = arith.constant 0.000000e+00 : f32
        %max3A_1586 = vector.broadcast %max3A_1585 : f32 to vector<16xf32>
        %max3A_1587 = arith.maximumf %get3A_1584, %max3A_1586 : vector<16xf32>
        %swap3A_1588 = arith.index_cast %scan3A_1568 : i32 to index
        %swap3A_1589 = arith.constant 16 : index
        %swap3A_1590 = tpu.vector_load %arg18[%swap3A_1588, %swap3A_1589] {strides = array<i32>} : memref<80x64xf32, #tpu.memory_space<vmem>>, vector<1x16xf32>,
        %swap3A_1591 = vector.shape_cast %swap3A_1590 : vector<1x16xf32> to vector<16xf32>
        %swap3A_1592 = vector.shape_cast %max3A_1587 : vector<16xf32> to vector<1x16xf32>
        tpu.vector_store %arg18[%swap3A_1588, %swap3A_1589], %swap3A_1592 {strides = array<i32>} : memref<80x64xf32, #tpu.memory_space<vmem>>, vector<1x16xf32>,
        %get3A_1593 = arith.index_cast %scan3A_1568 : i32 to index
        %get3A_1594 = arith.constant 32 : index
        %get3A_1595 = tpu.vector_load %arg18[%get3A_1593, %get3A_1594] {strides = array<i32>} : memref<80x64xf32, #tpu.memory_space<vmem>>, vector<1x16xf32>,
        %get3A_1596 = vector.shape_cast %get3A_1595 : vector<1x16xf32> to vector<16xf32>
        %max3A_1597 = arith.constant 0.000000e+00 : f32
        %max3A_1598 = vector.broadcast %max3A_1597 : f32 to vector<16xf32>
        %max3A_1599 = arith.maximumf %get3A_1596, %max3A_1598 : vector<16xf32>
        %swap3A_1600 = arith.index_cast %scan3A_1568 : i32 to index
        %swap3A_1601 = arith.constant 32 : index
        %swap3A_1602 = tpu.vector_load %arg18[%swap3A_1600, %swap3A_1601] {strides = array<i32>} : memref<80x64xf32, #tpu.memory_space<vmem>>, vector<1x16xf32>,
        %swap3A_1603 = vector.shape_cast %swap3A_1602 : vector<1x16xf32> to vector<16xf32>
        %swap3A_1604 = vector.shape_cast %max3A_1599 : vector<16xf32> to vector<1x16xf32>
        tpu.vector_store %arg18[%swap3A_1600, %swap3A_1601], %swap3A_1604 {strides = array<i32>} : memref<80x64xf32, #tpu.memory_space<vmem>>, vector<1x16xf32>,
        %get3A_1605 = arith.index_cast %scan3A_1568 : i32 to index
        %get3A_1606 = arith.constant 48 : index
        %get3A_1607 = tpu.vector_load %arg18[%get3A_1605, %get3A_1606] {strides = array<i32>} : memref<80x64xf32, #tpu.memory_space<vmem>>, vector<1x16xf32>,
        %get3A_1608 = vector.shape_cast %get3A_1607 : vector<1x16xf32> to vector<16xf32>
        %max3A_1609 = arith.constant 0.000000e+00 : f32
        %max3A_1610 = vector.broadcast %max3A_1609 : f32 to vector<16xf32>
        %max3A_1611 = arith.maximumf %get3A_1608, %max3A_1610 : vector<16xf32>
        %swap3A_1612 = arith.index_cast %scan3A_1568 : i32 to index
        %swap3A_1613 = arith.constant 48 : index
        %swap3A_1614 = tpu.vector_load %arg18[%swap3A_1612, %swap3A_1613] {strides = array<i32>} : memref<80x64xf32, #tpu.memory_space<vmem>>, vector<1x16xf32>,
        %swap3A_1615 = vector.shape_cast %swap3A_1614 : vector<1x16xf32> to vector<16xf32>
        %swap3A_1616 = vector.shape_cast %max3A_1611 : vector<16xf32> to vector<1x16xf32>
        tpu.vector_store %arg18[%swap3A_1612, %swap3A_1613], %swap3A_1616 {strides = array<i32>} : memref<80x64xf32, #tpu.memory_space<vmem>>, vector<1x16xf32>,
        %scan3A_1617 = arith.constant 3 : i32
        %scan3A_1618 = arith.addi %scan3A_1469, %scan3A_1617 : i32
        %get3A_1619 = arith.index_cast %scan3A_1618 : i32 to index
        %get3A_1620 = arith.constant 0 : index
        %get3A_1621 = tpu.vector_load %arg18[%get3A_1619, %get3A_1620] {strides = array<i32>} : memref<80x64xf32, #tpu.memory_space<vmem>>, vector<1x16xf32>,
        %get3A_1622 = vector.shape_cast %get3A_1621 : vector<1x16xf32> to vector<16xf32>
        %max3A_1623 = arith.constant 0.000000e+00 : f32
        %max3A_1624 = vector.broadcast %max3A_1623 : f32 to vector<16xf32>
        %max3A_1625 = arith.maximumf %get3A_1622, %max3A_1624 : vector<16xf32>
        %swap3A_1626 = arith.index_cast %scan3A_1618 : i32 to index
        %swap3A_1627 = arith.constant 0 : index
        %swap3A_1628 = tpu.vector_load %arg18[%swap3A_1626, %swap3A_1627] {strides = array<i32>} : memref<80x64xf32, #tpu.memory_space<vmem>>, vector<1x16xf32>,
        %swap3A_1629 = vector.shape_cast %swap3A_1628 : vector<1x16xf32> to vector<16xf32>
        %swap3A_1630 = vector.shape_cast %max3A_1625 : vector<16xf32> to vector<1x16xf32>
        tpu.vector_store %arg18[%swap3A_1626, %swap3A_1627], %swap3A_1630 {strides = array<i32>} : memref<80x64xf32, #tpu.memory_space<vmem>>, vector<1x16xf32>,
        %get3A_1631 = arith.index_cast %scan3A_1618 : i32 to index
        %get3A_1632 = arith.constant 16 : index
        %get3A_1633 = tpu.vector_load %arg18[%get3A_1631, %get3A_1632] {strides = array<i32>} : memref<80x64xf32, #tpu.memory_space<vmem>>, vector<1x16xf32>,
        %get3A_1634 = vector.shape_cast %get3A_1633 : vector<1x16xf32> to vector<16xf32>
        %max3A_1635 = arith.constant 0.000000e+00 : f32
        %max3A_1636 = vector.broadcast %max3A_1635 : f32 to vector<16xf32>
        %max3A_1637 = arith.maximumf %get3A_1634, %max3A_1636 : vector<16xf32>
        %swap3A_1638 = arith.index_cast %scan3A_1618 : i32 to index
        %swap3A_1639 = arith.constant 16 : index
        %swap3A_1640 = tpu.vector_load %arg18[%swap3A_1638, %swap3A_1639] {strides = array<i32>} : memref<80x64xf32, #tpu.memory_space<vmem>>, vector<1x16xf32>,
        %swap3A_1641 = vector.shape_cast %swap3A_1640 : vector<1x16xf32> to vector<16xf32>
        %swap3A_1642 = vector.shape_cast %max3A_1637 : vector<16xf32> to vector<1x16xf32>
        tpu.vector_store %arg18[%swap3A_1638, %swap3A_1639], %swap3A_1642 {strides = array<i32>} : memref<80x64xf32, #tpu.memory_space<vmem>>, vector<1x16xf32>,
        %get3A_1643 = arith.index_cast %scan3A_1618 : i32 to index
        %get3A_1644 = arith.constant 32 : index
        %get3A_1645 = tpu.vector_load %arg18[%get3A_1643, %get3A_1644] {strides = array<i32>} : memref<80x64xf32, #tpu.memory_space<vmem>>, vector<1x16xf32>,
        %get3A_1646 = vector.shape_cast %get3A_1645 : vector<1x16xf32> to vector<16xf32>
        %max3A_1647 = arith.constant 0.000000e+00 : f32
        %max3A_1648 = vector.broadcast %max3A_1647 : f32 to vector<16xf32>
        %max3A_1649 = arith.maximumf %get3A_1646, %max3A_1648 : vector<16xf32>
        %swap3A_1650 = arith.index_cast %scan3A_1618 : i32 to index
        %swap3A_1651 = arith.constant 32 : index
        %swap3A_1652 = tpu.vector_load %arg18[%swap3A_1650, %swap3A_1651] {strides = array<i32>} : memref<80x64xf32, #tpu.memory_space<vmem>>, vector<1x16xf32>,
        %swap3A_1653 = vector.shape_cast %swap3A_1652 : vector<1x16xf32> to vector<16xf32>
        %swap3A_1654 = vector.shape_cast %max3A_1649 : vector<16xf32> to vector<1x16xf32>
        tpu.vector_store %arg18[%swap3A_1650, %swap3A_1651], %swap3A_1654 {strides = array<i32>} : memref<80x64xf32, #tpu.memory_space<vmem>>, vector<1x16xf32>,
        %get3A_1655 = arith.index_cast %scan3A_1618 : i32 to index
        %get3A_1656 = arith.constant 48 : index
        %get3A_1657 = tpu.vector_load %arg18[%get3A_1655, %get3A_1656] {strides = array<i32>} : memref<80x64xf32, #tpu.memory_space<vmem>>, vector<1x16xf32>,
        %get3A_1658 = vector.shape_cast %get3A_1657 : vector<1x16xf32> to vector<16xf32>
        %max3A_1659 = arith.constant 0.000000e+00 : f32
        %max3A_1660 = vector.broadcast %max3A_1659 : f32 to vector<16xf32>
        %max3A_1661 = arith.maximumf %get3A_1658, %max3A_1660 : vector<16xf32>
        %swap3A_1662 = arith.index_cast %scan3A_1618 : i32 to index
        %swap3A_1663 = arith.constant 48 : index
        %swap3A_1664 = tpu.vector_load %arg18[%swap3A_1662, %swap3A_1663] {strides = array<i32>} : memref<80x64xf32, #tpu.memory_space<vmem>>, vector<1x16xf32>,
        %swap3A_1665 = vector.shape_cast %swap3A_1664 : vector<1x16xf32> to vector<16xf32>
        %swap3A_1666 = vector.shape_cast %max3A_1661 : vector<16xf32> to vector<1x16xf32>
        tpu.vector_store %arg18[%swap3A_1662, %swap3A_1663], %swap3A_1666 {strides = array<i32>} : memref<80x64xf32, #tpu.memory_space<vmem>>, vector<1x16xf32>,
      }
      %scan3A_461 = arith.constant 80 : i32
      %dma_start3A_462 = arith.constant 0 : i32
      %dma_start3A_463 = arith.constant 0 : i32
      %dma_start3A_464 = tpu.memref_slice %arg27[%dma_start3A_462, %dma_start3A_463] : memref<10240x64xf32, #tpu.memory_space<vmem_shared>> -> memref<10240x64xf32, #tpu.memory_space<vmem_shared>>
      tpu.enqueue_indirect_dma source(%arg18 : memref<80x64xf32, #tpu.memory_space<vmem>>) target(%dma_start3A_464 : memref<10240x64xf32, #tpu.memory_space<vmem_shared>>) offsets(%arg16 : memref<80xi32, #tpu.memory_space<vmem>>) semaphore(%arg21 : memref<!tpu.dma_semaphore, #tpu.memory_space<semaphore_mem>>) {add = true}
      %dma_start3A_465 = arith.constant 0 : i32
      %dma_start3A_466 = arith.constant 0 : i32
      %dma_start3A_467 = tpu.memref_slice %arg28[%dma_start3A_465, %dma_start3A_466] : memref<10240x16xf32, #tpu.memory_space<vmem_shared>> -> memref<10240x16xf32, #tpu.memory_space<vmem_shared>>
      tpu.enqueue_indirect_dma source(%arg24 : memref<80x16xf32, #tpu.memory_space<vmem>>) target(%dma_start3A_467 : memref<10240x16xf32, #tpu.memory_space<vmem_shared>>) offsets(%arg16 : memref<80xi32, #tpu.memory_space<vmem>>) semaphore(%arg21 : memref<!tpu.dma_semaphore, #tpu.memory_space<semaphore_mem>>) {add = true}
      %dma_wait3A_468 = arith.constant 0 : i32
      %dma_wait3A_469 = arith.constant 0 : i32
      %dma_wait3A_470 = tpu.memref_slice %arg2[%dma_wait3A_468, %dma_wait3A_469] : memref<20000x64xf32, #tpu.memory_space<hbm>> -> memref<20000x64xf32, #tpu.memory_space<hbm>>
      tpu.wait_indirect_dma semaphore(%arg12 : memref<!tpu.dma_semaphore, #tpu.memory_space<semaphore_mem>>) src(%dma_wait3A_470 : memref<20000x64xf32, #tpu.memory_space<hbm>>) dst(%arg11 : memref<80x64xf32, #tpu.memory_space<vmem>>)
      %dma_start3A_471 = arith.constant 0 : i32
      %dma_start3A_472 = arith.constant 0 : i32
      %dma_start3A_473 = tpu.memref_slice %arg3[%dma_start3A_471, %dma_start3A_472] : memref<20000x64xf32, #tpu.memory_space<hbm>> -> memref<20000x64xf32, #tpu.memory_space<hbm>>
      tpu.enqueue_indirect_dma source(%dma_start3A_473 : memref<20000x64xf32, #tpu.memory_space<hbm>>) target(%arg11 : memref<80x64xf32, #tpu.memory_space<vmem>>) offsets(%arg8 : memref<80xi32, #tpu.memory_space<vmem>>) semaphore(%arg13 : memref<!tpu.dma_semaphore, #tpu.memory_space<semaphore_mem>>) {add = true}
      %dma_wait3A_474 = arith.constant 0 : i32
      %dma_wait3A_475 = arith.constant 0 : i32
      %dma_wait3A_476 = tpu.memref_slice %arg27[%dma_wait3A_474, %dma_wait3A_475] : memref<10240x64xf32, #tpu.memory_space<vmem_shared>> -> memref<10240x64xf32, #tpu.memory_space<vmem_shared>>
      tpu.wait_indirect_dma semaphore(%arg21 : memref<!tpu.dma_semaphore, #tpu.memory_space<semaphore_mem>>) src(%arg18 : memref<80x64xf32, #tpu.memory_space<vmem>>) dst(%dma_wait3A_476 : memref<10240x64xf32, #tpu.memory_space<vmem_shared>>)
      %dma_wait3A_477 = arith.constant 0 : i32
      %dma_wait3A_478 = arith.constant 0 : i32
      %dma_wait3A_479 = tpu.memref_slice %arg28[%dma_wait3A_477, %dma_wait3A_478] : memref<10240x16xf32, #tpu.memory_space<vmem_shared>> -> memref<10240x16xf32, #tpu.memory_space<vmem_shared>>
      tpu.wait_indirect_dma semaphore(%arg21 : memref<!tpu.dma_semaphore, #tpu.memory_space<semaphore_mem>>) src(%arg24 : memref<80x16xf32, #tpu.memory_space<vmem>>) dst(%dma_wait3A_479 : memref<10240x16xf32, #tpu.memory_space<vmem_shared>>)
      %get3A_480 = arith.constant 240 : index
      %get3A_481 = tpu.vector_load %arg23[%get3A_480] {strides = array<i32>} : memref<800xi32, #tpu.memory_space<vmem>>, vector<16xi32>,
      %get3A_482 = vector.shape_cast %get3A_481 : vector<16xi32> to vector<16xi32>
      %swap3A_483 = arith.constant 0 : index
      %swap3A_484 = tpu.vector_load %arg16[%swap3A_483] {strides = array<i32>} : memref<80xi32, #tpu.memory_space<vmem>>, vector<16xi32>,
      %swap3A_485 = vector.shape_cast %swap3A_484 : vector<16xi32> to vector<16xi32>
      %swap3A_486 = vector.shape_cast %get3A_482 : vector<16xi32> to vector<16xi32>
      tpu.vector_store %arg16[%swap3A_483], %swap3A_486 {strides = array<i32>} : memref<80xi32, #tpu.memory_space<vmem>>, vector<16xi32>,
      %add3A_487 = vector.broadcast %mul3A_0 : i32 to vector<16xi32>
      %add3A_488 = arith.addi %get3A_482, %add3A_487 : vector<16xi32>
      %swap3A_489 = arith.constant 0 : index
      %swap3A_490 = tpu.vector_load %arg17[%swap3A_489] {strides = array<i32>} : memref<80xi32, #tpu.memory_space<vmem>>, vector<16xi32>,
      %swap3A_491 = vector.shape_cast %swap3A_490 : vector<16xi32> to vector<16xi32>
      %swap3A_492 = vector.shape_cast %add3A_488 : vector<16xi32> to vector<16xi32>
      tpu.vector_store %arg17[%swap3A_489], %swap3A_492 {strides = array<i32>} : memref<80xi32, #tpu.memory_space<vmem>>, vector<16xi32>,
      %get3A_493 = arith.constant 240 : index
      %get3A_494 = tpu.vector_load %arg22[%get3A_493] {strides = array<i32>} : memref<800xi32, #tpu.memory_space<vmem>>, vector<16xi32>,
      %get3A_495 = vector.shape_cast %get3A_494 : vector<16xi32> to vector<16xi32>
      %add3A_496 = vector.broadcast %mul3A_0 : i32 to vector<16xi32>
      %add3A_497 = arith.addi %get3A_495, %add3A_496 : vector<16xi32>
      %swap3A_498 = arith.constant 0 : index
      %swap3A_499 = tpu.vector_load %arg15[%swap3A_498] {strides = array<i32>} : memref<80xi32, #tpu.memory_space<vmem>>, vector<16xi32>,
      %swap3A_500 = vector.shape_cast %swap3A_499 : vector<16xi32> to vector<16xi32>
      %swap3A_501 = vector.shape_cast %add3A_497 : vector<16xi32> to vector<16xi32>
      tpu.vector_store %arg15[%swap3A_498], %swap3A_501 {strides = array<i32>} : memref<80xi32, #tpu.memory_space<vmem>>, vector<16xi32>,
      %get3A_502 = arith.constant 256 : index
      %get3A_503 = tpu.vector_load %arg23[%get3A_502] {strides = array<i32>} : memref<800xi32, #tpu.memory_space<vmem>>, vector<16xi32>,
      %get3A_504 = vector.shape_cast %get3A_503 : vector<16xi32> to vector<16xi32>
      %swap3A_505 = arith.constant 16 : index
      %swap3A_506 = tpu.vector_load %arg16[%swap3A_505] {strides = array<i32>} : memref<80xi32, #tpu.memory_space<vmem>>, vector<16xi32>,
      %swap3A_507 = vector.shape_cast %swap3A_506 : vector<16xi32> to vector<16xi32>
      %swap3A_508 = vector.shape_cast %get3A_504 : vector<16xi32> to vector<16xi32>
      tpu.vector_store %arg16[%swap3A_505], %swap3A_508 {strides = array<i32>} : memref<80xi32, #tpu.memory_space<vmem>>, vector<16xi32>,
      %add3A_509 = vector.broadcast %mul3A_0 : i32 to vector<16xi32>
      %add3A_510 = arith.addi %get3A_504, %add3A_509 : vector<16xi32>
      %swap3A_511 = arith.constant 16 : index
      %swap3A_512 = tpu.vector_load %arg17[%swap3A_511] {strides = array<i32>} : memref<80xi32, #tpu.memory_space<vmem>>, vector<16xi32>,
      %swap3A_513 = vector.shape_cast %swap3A_512 : vector<16xi32> to vector<16xi32>
      %swap3A_514 = vector.shape_cast %add3A_510 : vector<16xi32> to vector<16xi32>
      tpu.vector_store %arg17[%swap3A_511], %swap3A_514 {strides = array<i32>} : memref<80xi32, #tpu.memory_space<vmem>>, vector<16xi32>,
      %get3A_515 = arith.constant 256 : index
      %get3A_516 = tpu.vector_load %arg22[%get3A_515] {strides = array<i32>} : memref<800xi32, #tpu.memory_space<vmem>>, vector<16xi32>,
      %get3A_517 = vector.shape_cast %get3A_516 : vector<16xi32> to vector<16xi32>
      %add3A_518 = vector.broadcast %mul3A_0 : i32 to vector<16xi32>
      %add3A_519 = arith.addi %get3A_517, %add3A_518 : vector<16xi32>
      %swap3A_520 = arith.constant 16 : index
      %swap3A_521 = tpu.vector_load %arg15[%swap3A_520] {strides = array<i32>} : memref<80xi32, #tpu.memory_space<vmem>>, vector<16xi32>,
      %swap3A_522 = vector.shape_cast %swap3A_521 : vector<16xi32> to vector<16xi32>
      %swap3A_523 = vector.shape_cast %add3A_519 : vector<16xi32> to vector<16xi32>
      tpu.vector_store %arg15[%swap3A_520], %swap3A_523 {strides = array<i32>} : memref<80xi32, #tpu.memory_space<vmem>>, vector<16xi32>,
      %get3A_524 = arith.constant 272 : index
      %get3A_525 = tpu.vector_load %arg23[%get3A_524] {strides = array<i32>} : memref<800xi32, #tpu.memory_space<vmem>>, vector<16xi32>,
      %get3A_526 = vector.shape_cast %get3A_525 : vector<16xi32> to vector<16xi32>
      %swap3A_527 = arith.constant 32 : index
      %swap3A_528 = tpu.vector_load %arg16[%swap3A_527] {strides = array<i32>} : memref<80xi32, #tpu.memory_space<vmem>>, vector<16xi32>,
      %swap3A_529 = vector.shape_cast %swap3A_528 : vector<16xi32> to vector<16xi32>
      %swap3A_530 = vector.shape_cast %get3A_526 : vector<16xi32> to vector<16xi32>
      tpu.vector_store %arg16[%swap3A_527], %swap3A_530 {strides = array<i32>} : memref<80xi32, #tpu.memory_space<vmem>>, vector<16xi32>,
      %add3A_531 = vector.broadcast %mul3A_0 : i32 to vector<16xi32>
      %add3A_532 = arith.addi %get3A_526, %add3A_531 : vector<16xi32>
      %swap3A_533 = arith.constant 32 : index
      %swap3A_534 = tpu.vector_load %arg17[%swap3A_533] {strides = array<i32>} : memref<80xi32, #tpu.memory_space<vmem>>, vector<16xi32>,
      %swap3A_535 = vector.shape_cast %swap3A_534 : vector<16xi32> to vector<16xi32>
      %swap3A_536 = vector.shape_cast %add3A_532 : vector<16xi32> to vector<16xi32>
      tpu.vector_store %arg17[%swap3A_533], %swap3A_536 {strides = array<i32>} : memref<80xi32, #tpu.memory_space<vmem>>, vector<16xi32>,
      %get3A_537 = arith.constant 272 : index
      %get3A_538 = tpu.vector_load %arg22[%get3A_537] {strides = array<i32>} : memref<800xi32, #tpu.memory_space<vmem>>, vector<16xi32>,
      %get3A_539 = vector.shape_cast %get3A_538 : vector<16xi32> to vector<16xi32>
      %add3A_540 = vector.broadcast %mul3A_0 : i32 to vector<16xi32>
      %add3A_541 = arith.addi %get3A_539, %add3A_540 : vector<16xi32>
      %swap3A_542 = arith.constant 32 : index
      %swap3A_543 = tpu.vector_load %arg15[%swap3A_542] {strides = array<i32>} : memref<80xi32, #tpu.memory_space<vmem>>, vector<16xi32>,
      %swap3A_544 = vector.shape_cast %swap3A_543 : vector<16xi32> to vector<16xi32>
      %swap3A_545 = vector.shape_cast %add3A_541 : vector<16xi32> to vector<16xi32>
      tpu.vector_store %arg15[%swap3A_542], %swap3A_545 {strides = array<i32>} : memref<80xi32, #tpu.memory_space<vmem>>, vector<16xi32>,
      %get3A_546 = arith.constant 288 : index
      %get3A_547 = tpu.vector_load %arg23[%get3A_546] {strides = array<i32>} : memref<800xi32, #tpu.memory_space<vmem>>, vector<16xi32>,
      %get3A_548 = vector.shape_cast %get3A_547 : vector<16xi32> to vector<16xi32>
      %swap3A_549 = arith.constant 48 : index
      %swap3A_550 = tpu.vector_load %arg16[%swap3A_549] {strides = array<i32>} : memref<80xi32, #tpu.memory_space<vmem>>, vector<16xi32>,
      %swap3A_551 = vector.shape_cast %swap3A_550 : vector<16xi32> to vector<16xi32>
      %swap3A_552 = vector.shape_cast %get3A_548 : vector<16xi32> to vector<16xi32>
      tpu.vector_store %arg16[%swap3A_549], %swap3A_552 {strides = array<i32>} : memref<80xi32, #tpu.memory_space<vmem>>, vector<16xi32>,
      %add3A_553 = vector.broadcast %mul3A_0 : i32 to vector<16xi32>
      %add3A_554 = arith.addi %get3A_548, %add3A_553 : vector<16xi32>
      %swap3A_555 = arith.constant 48 : index
      %swap3A_556 = tpu.vector_load %arg17[%swap3A_555] {strides = array<i32>} : memref<80xi32, #tpu.memory_space<vmem>>, vector<16xi32>,
      %swap3A_557 = vector.shape_cast %swap3A_556 : vector<16xi32> to vector<16xi32>
      %swap3A_558 = vector.shape_cast %add3A_554 : vector<16xi32> to vector<16xi32>
      tpu.vector_store %arg17[%swap3A_555], %swap3A_558 {strides = array<i32>} : memref<80xi32, #tpu.memory_space<vmem>>, vector<16xi32>,
      %get3A_559 = arith.constant 288 : index
      %get3A_560 = tpu.vector_load %arg22[%get3A_559] {strides = array<i32>} : memref<800xi32, #tpu.memory_space<vmem>>, vector<16xi32>,
      %get3A_561 = vector.shape_cast %get3A_560 : vector<16xi32> to vector<16xi32>
      %add3A_562 = vector.broadcast %mul3A_0 : i32 to vector<16xi32>
      %add3A_563 = arith.addi %get3A_561, %add3A_562 : vector<16xi32>
      %swap3A_564 = arith.constant 48 : index
      %swap3A_565 = tpu.vector_load %arg15[%swap3A_564] {strides = array<i32>} : memref<80xi32, #tpu.memory_space<vmem>>, vector<16xi32>,
      %swap3A_566 = vector.shape_cast %swap3A_565 : vector<16xi32> to vector<16xi32>
      %swap3A_567 = vector.shape_cast %add3A_563 : vector<16xi32> to vector<16xi32>
      tpu.vector_store %arg15[%swap3A_564], %swap3A_567 {strides = array<i32>} : memref<80xi32, #tpu.memory_space<vmem>>, vector<16xi32>,
      %get3A_568 = arith.constant 304 : index
      %get3A_569 = tpu.vector_load %arg23[%get3A_568] {strides = array<i32>} : memref<800xi32, #tpu.memory_space<vmem>>, vector<16xi32>,
      %get3A_570 = vector.shape_cast %get3A_569 : vector<16xi32> to vector<16xi32>
      %swap3A_571 = arith.constant 64 : index
      %swap3A_572 = tpu.vector_load %arg16[%swap3A_571] {strides = array<i32>} : memref<80xi32, #tpu.memory_space<vmem>>, vector<16xi32>,
      %swap3A_573 = vector.shape_cast %swap3A_572 : vector<16xi32> to vector<16xi32>
      %swap3A_574 = vector.shape_cast %get3A_570 : vector<16xi32> to vector<16xi32>
      tpu.vector_store %arg16[%swap3A_571], %swap3A_574 {strides = array<i32>} : memref<80xi32, #tpu.memory_space<vmem>>, vector<16xi32>,
      %add3A_575 = vector.broadcast %mul3A_0 : i32 to vector<16xi32>
      %add3A_576 = arith.addi %get3A_570, %add3A_575 : vector<16xi32>
      %swap3A_577 = arith.constant 64 : index
      %swap3A_578 = tpu.vector_load %arg17[%swap3A_577] {strides = array<i32>} : memref<80xi32, #tpu.memory_space<vmem>>, vector<16xi32>,
      %swap3A_579 = vector.shape_cast %swap3A_578 : vector<16xi32> to vector<16xi32>
      %swap3A_580 = vector.shape_cast %add3A_576 : vector<16xi32> to vector<16xi32>
      tpu.vector_store %arg17[%swap3A_577], %swap3A_580 {strides = array<i32>} : memref<80xi32, #tpu.memory_space<vmem>>, vector<16xi32>,
      %get3A_581 = arith.constant 304 : index
      %get3A_582 = tpu.vector_load %arg22[%get3A_581] {strides = array<i32>} : memref<800xi32, #tpu.memory_space<vmem>>, vector<16xi32>,
      %get3A_583 = vector.shape_cast %get3A_582 : vector<16xi32> to vector<16xi32>
      %add3A_584 = vector.broadcast %mul3A_0 : i32 to vector<16xi32>
      %add3A_585 = arith.addi %get3A_583, %add3A_584 : vector<16xi32>
      %swap3A_586 = arith.constant 64 : index
      %swap3A_587 = tpu.vector_load %arg15[%swap3A_586] {strides = array<i32>} : memref<80xi32, #tpu.memory_space<vmem>>, vector<16xi32>,
      %swap3A_588 = vector.shape_cast %swap3A_587 : vector<16xi32> to vector<16xi32>
      %swap3A_589 = vector.shape_cast %add3A_585 : vector<16xi32> to vector<16xi32>
      tpu.vector_store %arg15[%swap3A_586], %swap3A_589 {strides = array<i32>} : memref<80xi32, #tpu.memory_space<vmem>>, vector<16xi32>,
      %dma_start3A_590 = arith.constant 0 : i32
      %dma_start3A_591 = arith.constant 0 : i32
      %dma_start3A_592 = tpu.memref_slice %arg2[%dma_start3A_590, %dma_start3A_591] : memref<20000x64xf32, #tpu.memory_space<hbm>> -> memref<20000x64xf32, #tpu.memory_space<hbm>>
      tpu.enqueue_indirect_dma source(%dma_start3A_592 : memref<20000x64xf32, #tpu.memory_space<hbm>>) target(%arg18 : memref<80x64xf32, #tpu.memory_space<vmem>>) offsets(%arg17 : memref<80xi32, #tpu.memory_space<vmem>>) semaphore(%arg19 : memref<!tpu.dma_semaphore, #tpu.memory_space<semaphore_mem>>)
      %dma_wait3A_593 = arith.constant 0 : i32
      %dma_wait3A_594 = arith.constant 0 : i32
      %dma_wait3A_595 = tpu.memref_slice %arg3[%dma_wait3A_593, %dma_wait3A_594] : memref<20000x64xf32, #tpu.memory_space<hbm>> -> memref<20000x64xf32, #tpu.memory_space<hbm>>
      tpu.wait_indirect_dma semaphore(%arg13 : memref<!tpu.dma_semaphore, #tpu.memory_space<semaphore_mem>>) src(%dma_wait3A_595 : memref<20000x64xf32, #tpu.memory_space<hbm>>) dst(%arg11 : memref<80x64xf32, #tpu.memory_space<vmem>>)
      %scan3A_596 = arith.constant 0 : i32
      %scan3A_597 = arith.constant 0 : i32
      %scan3A_598 = arith.constant 80 : i32
      %scan3A_599 = arith.addi %scan3A_597, %scan3A_598 : i32
      %scan3A_600 = arith.constant 4 : i32
      scf.for %scan3A_1469 = %scan3A_597 to %scan3A_599 step %scan3A_600  : i32 {
        %get3A_1470 = arith.index_cast %scan3A_1469 : i32 to index
        %get3A_1471 = arith.constant 0 : index
        %get3A_1472 = tpu.vector_load %arg11[%get3A_1470, %get3A_1471] {strides = array<i32>} : memref<80x64xf32, #tpu.memory_space<vmem>>, vector<1x16xf32>,
        %get3A_1473 = vector.shape_cast %get3A_1472 : vector<1x16xf32> to vector<16xf32>
        %max3A = arith.constant 0.000000e+00 : f32
        %max3A_1474 = vector.broadcast %max3A : f32 to vector<16xf32>
        %max3A_1475 = arith.maximumf %get3A_1473, %max3A_1474 : vector<16xf32>
        %swap3A_1476 = arith.index_cast %scan3A_1469 : i32 to index
        %swap3A_1477 = arith.constant 0 : index
        %swap3A_1478 = tpu.vector_load %arg11[%swap3A_1476, %swap3A_1477] {strides = array<i32>} : memref<80x64xf32, #tpu.memory_space<vmem>>, vector<1x16xf32>,
        %swap3A_1479 = vector.shape_cast %swap3A_1478 : vector<1x16xf32> to vector<16xf32>
        %swap3A_1480 = vector.shape_cast %max3A_1475 : vector<16xf32> to vector<1x16xf32>
        tpu.vector_store %arg11[%swap3A_1476, %swap3A_1477], %swap3A_1480 {strides = array<i32>} : memref<80x64xf32, #tpu.memory_space<vmem>>, vector<1x16xf32>,
        %get3A_1481 = arith.index_cast %scan3A_1469 : i32 to index
        %get3A_1482 = arith.constant 16 : index
        %get3A_1483 = tpu.vector_load %arg11[%get3A_1481, %get3A_1482] {strides = array<i32>} : memref<80x64xf32, #tpu.memory_space<vmem>>, vector<1x16xf32>,
        %get3A_1484 = vector.shape_cast %get3A_1483 : vector<1x16xf32> to vector<16xf32>
        %max3A_1485 = arith.constant 0.000000e+00 : f32
        %max3A_1486 = vector.broadcast %max3A_1485 : f32 to vector<16xf32>
        %max3A_1487 = arith.maximumf %get3A_1484, %max3A_1486 : vector<16xf32>
        %swap3A_1488 = arith.index_cast %scan3A_1469 : i32 to index
        %swap3A_1489 = arith.constant 16 : index
        %swap3A_1490 = tpu.vector_load %arg11[%swap3A_1488, %swap3A_1489] {strides = array<i32>} : memref<80x64xf32, #tpu.memory_space<vmem>>, vector<1x16xf32>,
        %swap3A_1491 = vector.shape_cast %swap3A_1490 : vector<1x16xf32> to vector<16xf32>
        %swap3A_1492 = vector.shape_cast %max3A_1487 : vector<16xf32> to vector<1x16xf32>
        tpu.vector_store %arg11[%swap3A_1488, %swap3A_1489], %swap3A_1492 {strides = array<i32>} : memref<80x64xf32, #tpu.memory_space<vmem>>, vector<1x16xf32>,
        %get3A_1493 = arith.index_cast %scan3A_1469 : i32 to index
        %get3A_1494 = arith.constant 32 : index
        %get3A_1495 = tpu.vector_load %arg11[%get3A_1493, %get3A_1494] {strides = array<i32>} : memref<80x64xf32, #tpu.memory_space<vmem>>, vector<1x16xf32>,
        %get3A_1496 = vector.shape_cast %get3A_1495 : vector<1x16xf32> to vector<16xf32>
        %max3A_1497 = arith.constant 0.000000e+00 : f32
        %max3A_1498 = vector.broadcast %max3A_1497 : f32 to vector<16xf32>
        %max3A_1499 = arith.maximumf %get3A_1496, %max3A_1498 : vector<16xf32>
        %swap3A_1500 = arith.index_cast %scan3A_1469 : i32 to index
        %swap3A_1501 = arith.constant 32 : index
        %swap3A_1502 = tpu.vector_load %arg11[%swap3A_1500, %swap3A_1501] {strides = array<i32>} : memref<80x64xf32, #tpu.memory_space<vmem>>, vector<1x16xf32>,
        %swap3A_1503 = vector.shape_cast %swap3A_1502 : vector<1x16xf32> to vector<16xf32>
        %swap3A_1504 = vector.shape_cast %max3A_1499 : vector<16xf32> to vector<1x16xf32>
        tpu.vector_store %arg11[%swap3A_1500, %swap3A_1501], %swap3A_1504 {strides = array<i32>} : memref<80x64xf32, #tpu.memory_space<vmem>>, vector<1x16xf32>,
        %get3A_1505 = arith.index_cast %scan3A_1469 : i32 to index
        %get3A_1506 = arith.constant 48 : index
        %get3A_1507 = tpu.vector_load %arg11[%get3A_1505, %get3A_1506] {strides = array<i32>} : memref<80x64xf32, #tpu.memory_space<vmem>>, vector<1x16xf32>,
        %get3A_1508 = vector.shape_cast %get3A_1507 : vector<1x16xf32> to vector<16xf32>
        %max3A_1509 = arith.constant 0.000000e+00 : f32
        %max3A_1510 = vector.broadcast %max3A_1509 : f32 to vector<16xf32>
        %max3A_1511 = arith.maximumf %get3A_1508, %max3A_1510 : vector<16xf32>
        %swap3A_1512 = arith.index_cast %scan3A_1469 : i32 to index
        %swap3A_1513 = arith.constant 48 : index
        %swap3A_1514 = tpu.vector_load %arg11[%swap3A_1512, %swap3A_1513] {strides = array<i32>} : memref<80x64xf32, #tpu.memory_space<vmem>>, vector<1x16xf32>,
        %swap3A_1515 = vector.shape_cast %swap3A_1514 : vector<1x16xf32> to vector<16xf32>
        %swap3A_1516 = vector.shape_cast %max3A_1511 : vector<16xf32> to vector<1x16xf32>
        tpu.vector_store %arg11[%swap3A_1512, %swap3A_1513], %swap3A_1516 {strides = array<i32>} : memref<80x64xf32, #tpu.memory_space<vmem>>, vector<1x16xf32>,
        %scan3A_1517 = arith.constant 1 : i32
        %scan3A_1518 = arith.addi %scan3A_1469, %scan3A_1517 : i32
        %get3A_1519 = arith.index_cast %scan3A_1518 : i32 to index
        %get3A_1520 = arith.constant 0 : index
        %get3A_1521 = tpu.vector_load %arg11[%get3A_1519, %get3A_1520] {strides = array<i32>} : memref<80x64xf32, #tpu.memory_space<vmem>>, vector<1x16xf32>,
        %get3A_1522 = vector.shape_cast %get3A_1521 : vector<1x16xf32> to vector<16xf32>
        %max3A_1523 = arith.constant 0.000000e+00 : f32
        %max3A_1524 = vector.broadcast %max3A_1523 : f32 to vector<16xf32>
        %max3A_1525 = arith.maximumf %get3A_1522, %max3A_1524 : vector<16xf32>
        %swap3A_1526 = arith.index_cast %scan3A_1518 : i32 to index
        %swap3A_1527 = arith.constant 0 : index
        %swap3A_1528 = tpu.vector_load %arg11[%swap3A_1526, %swap3A_1527] {strides = array<i32>} : memref<80x64xf32, #tpu.memory_space<vmem>>, vector<1x16xf32>,
        %swap3A_1529 = vector.shape_cast %swap3A_1528 : vector<1x16xf32> to vector<16xf32>
        %swap3A_1530 = vector.shape_cast %max3A_1525 : vector<16xf32> to vector<1x16xf32>
        tpu.vector_store %arg11[%swap3A_1526, %swap3A_1527], %swap3A_1530 {strides = array<i32>} : memref<80x64xf32, #tpu.memory_space<vmem>>, vector<1x16xf32>,
        %get3A_1531 = arith.index_cast %scan3A_1518 : i32 to index
        %get3A_1532 = arith.constant 16 : index
        %get3A_1533 = tpu.vector_load %arg11[%get3A_1531, %get3A_1532] {strides = array<i32>} : memref<80x64xf32, #tpu.memory_space<vmem>>, vector<1x16xf32>,
        %get3A_1534 = vector.shape_cast %get3A_1533 : vector<1x16xf32> to vector<16xf32>
        %max3A_1535 = arith.constant 0.000000e+00 : f32
        %max3A_1536 = vector.broadcast %max3A_1535 : f32 to vector<16xf32>
        %max3A_1537 = arith.maximumf %get3A_1534, %max3A_1536 : vector<16xf32>
        %swap3A_1538 = arith.index_cast %scan3A_1518 : i32 to index
        %swap3A_1539 = arith.constant 16 : index
        %swap3A_1540 = tpu.vector_load %arg11[%swap3A_1538, %swap3A_1539] {strides = array<i32>} : memref<80x64xf32, #tpu.memory_space<vmem>>, vector<1x16xf32>,
        %swap3A_1541 = vector.shape_cast %swap3A_1540 : vector<1x16xf32> to vector<16xf32>
        %swap3A_1542 = vector.shape_cast %max3A_1537 : vector<16xf32> to vector<1x16xf32>
        tpu.vector_store %arg11[%swap3A_1538, %swap3A_1539], %swap3A_1542 {strides = array<i32>} : memref<80x64xf32, #tpu.memory_space<vmem>>, vector<1x16xf32>,
        %get3A_1543 = arith.index_cast %scan3A_1518 : i32 to index
        %get3A_1544 = arith.constant 32 : index
        %get3A_1545 = tpu.vector_load %arg11[%get3A_1543, %get3A_1544] {strides = array<i32>} : memref<80x64xf32, #tpu.memory_space<vmem>>, vector<1x16xf32>,
        %get3A_1546 = vector.shape_cast %get3A_1545 : vector<1x16xf32> to vector<16xf32>
        %max3A_1547 = arith.constant 0.000000e+00 : f32
        %max3A_1548 = vector.broadcast %max3A_1547 : f32 to vector<16xf32>
        %max3A_1549 = arith.maximumf %get3A_1546, %max3A_1548 : vector<16xf32>
        %swap3A_1550 = arith.index_cast %scan3A_1518 : i32 to index
        %swap3A_1551 = arith.constant 32 : index
        %swap3A_1552 = tpu.vector_load %arg11[%swap3A_1550, %swap3A_1551] {strides = array<i32>} : memref<80x64xf32, #tpu.memory_space<vmem>>, vector<1x16xf32>,
        %swap3A_1553 = vector.shape_cast %swap3A_1552 : vector<1x16xf32> to vector<16xf32>
        %swap3A_1554 = vector.shape_cast %max3A_1549 : vector<16xf32> to vector<1x16xf32>
        tpu.vector_store %arg11[%swap3A_1550, %swap3A_1551], %swap3A_1554 {strides = array<i32>} : memref<80x64xf32, #tpu.memory_space<vmem>>, vector<1x16xf32>,
        %get3A_1555 = arith.index_cast %scan3A_1518 : i32 to index
        %get3A_1556 = arith.constant 48 : index
        %get3A_1557 = tpu.vector_load %arg11[%get3A_1555, %get3A_1556] {strides = array<i32>} : memref<80x64xf32, #tpu.memory_space<vmem>>, vector<1x16xf32>,
        %get3A_1558 = vector.shape_cast %get3A_1557 : vector<1x16xf32> to vector<16xf32>
        %max3A_1559 = arith.constant 0.000000e+00 : f32
        %max3A_1560 = vector.broadcast %max3A_1559 : f32 to vector<16xf32>
        %max3A_1561 = arith.maximumf %get3A_1558, %max3A_1560 : vector<16xf32>
        %swap3A_1562 = arith.index_cast %scan3A_1518 : i32 to index
        %swap3A_1563 = arith.constant 48 : index
        %swap3A_1564 = tpu.vector_load %arg11[%swap3A_1562, %swap3A_1563] {strides = array<i32>} : memref<80x64xf32, #tpu.memory_space<vmem>>, vector<1x16xf32>,
        %swap3A_1565 = vector.shape_cast %swap3A_1564 : vector<1x16xf32> to vector<16xf32>
        %swap3A_1566 = vector.shape_cast %max3A_1561 : vector<16xf32> to vector<1x16xf32>
        tpu.vector_store %arg11[%swap3A_1562, %swap3A_1563], %swap3A_1566 {strides = array<i32>} : memref<80x64xf32, #tpu.memory_space<vmem>>, vector<1x16xf32>,
        %scan3A_1567 = arith.constant 2 : i32
        %scan3A_1568 = arith.addi %scan3A_1469, %scan3A_1567 : i32
        %get3A_1569 = arith.index_cast %scan3A_1568 : i32 to index
        %get3A_1570 = arith.constant 0 : index
        %get3A_1571 = tpu.vector_load %arg11[%get3A_1569, %get3A_1570] {strides = array<i32>} : memref<80x64xf32, #tpu.memory_space<vmem>>, vector<1x16xf32>,
        %get3A_1572 = vector.shape_cast %get3A_1571 : vector<1x16xf32> to vector<16xf32>
        %max3A_1573 = arith.constant 0.000000e+00 : f32
        %max3A_1574 = vector.broadcast %max3A_1573 : f32 to vector<16xf32>
        %max3A_1575 = arith.maximumf %get3A_1572, %max3A_1574 : vector<16xf32>
        %swap3A_1576 = arith.index_cast %scan3A_1568 : i32 to index
        %swap3A_1577 = arith.constant 0 : index
        %swap3A_1578 = tpu.vector_load %arg11[%swap3A_1576, %swap3A_1577] {strides = array<i32>} : memref<80x64xf32, #tpu.memory_space<vmem>>, vector<1x16xf32>,
        %swap3A_1579 = vector.shape_cast %swap3A_1578 : vector<1x16xf32> to vector<16xf32>
        %swap3A_1580 = vector.shape_cast %max3A_1575 : vector<16xf32> to vector<1x16xf32>
        tpu.vector_store %arg11[%swap3A_1576, %swap3A_1577], %swap3A_1580 {strides = array<i32>} : memref<80x64xf32, #tpu.memory_space<vmem>>, vector<1x16xf32>,
        %get3A_1581 = arith.index_cast %scan3A_1568 : i32 to index
        %get3A_1582 = arith.constant 16 : index
        %get3A_1583 = tpu.vector_load %arg11[%get3A_1581, %get3A_1582] {strides = array<i32>} : memref<80x64xf32, #tpu.memory_space<vmem>>, vector<1x16xf32>,
        %get3A_1584 = vector.shape_cast %get3A_1583 : vector<1x16xf32> to vector<16xf32>
        %max3A_1585 = arith.constant 0.000000e+00 : f32
        %max3A_1586 = vector.broadcast %max3A_1585 : f32 to vector<16xf32>
        %max3A_1587 = arith.maximumf %get3A_1584, %max3A_1586 : vector<16xf32>
        %swap3A_1588 = arith.index_cast %scan3A_1568 : i32 to index
        %swap3A_1589 = arith.constant 16 : index
        %swap3A_1590 = tpu.vector_load %arg11[%swap3A_1588, %swap3A_1589] {strides = array<i32>} : memref<80x64xf32, #tpu.memory_space<vmem>>, vector<1x16xf32>,
        %swap3A_1591 = vector.shape_cast %swap3A_1590 : vector<1x16xf32> to vector<16xf32>
        %swap3A_1592 = vector.shape_cast %max3A_1587 : vector<16xf32> to vector<1x16xf32>
        tpu.vector_store %arg11[%swap3A_1588, %swap3A_1589], %swap3A_1592 {strides = array<i32>} : memref<80x64xf32, #tpu.memory_space<vmem>>, vector<1x16xf32>,
        %get3A_1593 = arith.index_cast %scan3A_1568 : i32 to index
        %get3A_1594 = arith.constant 32 : index
        %get3A_1595 = tpu.vector_load %arg11[%get3A_1593, %get3A_1594] {strides = array<i32>} : memref<80x64xf32, #tpu.memory_space<vmem>>, vector<1x16xf32>,
        %get3A_1596 = vector.shape_cast %get3A_1595 : vector<1x16xf32> to vector<16xf32>
        %max3A_1597 = arith.constant 0.000000e+00 : f32
        %max3A_1598 = vector.broadcast %max3A_1597 : f32 to vector<16xf32>
        %max3A_1599 = arith.maximumf %get3A_1596, %max3A_1598 : vector<16xf32>
        %swap3A_1600 = arith.index_cast %scan3A_1568 : i32 to index
        %swap3A_1601 = arith.constant 32 : index
        %swap3A_1602 = tpu.vector_load %arg11[%swap3A_1600, %swap3A_1601] {strides = array<i32>} : memref<80x64xf32, #tpu.memory_space<vmem>>, vector<1x16xf32>,
        %swap3A_1603 = vector.shape_cast %swap3A_1602 : vector<1x16xf32> to vector<16xf32>
        %swap3A_1604 = vector.shape_cast %max3A_1599 : vector<16xf32> to vector<1x16xf32>
        tpu.vector_store %arg11[%swap3A_1600, %swap3A_1601], %swap3A_1604 {strides = array<i32>} : memref<80x64xf32, #tpu.memory_space<vmem>>, vector<1x16xf32>,
        %get3A_1605 = arith.index_cast %scan3A_1568 : i32 to index
        %get3A_1606 = arith.constant 48 : index
        %get3A_1607 = tpu.vector_load %arg11[%get3A_1605, %get3A_1606] {strides = array<i32>} : memref<80x64xf32, #tpu.memory_space<vmem>>, vector<1x16xf32>,
        %get3A_1608 = vector.shape_cast %get3A_1607 : vector<1x16xf32> to vector<16xf32>
        %max3A_1609 = arith.constant 0.000000e+00 : f32
        %max3A_1610 = vector.broadcast %max3A_1609 : f32 to vector<16xf32>
        %max3A_1611 = arith.maximumf %get3A_1608, %max3A_1610 : vector<16xf32>
        %swap3A_1612 = arith.index_cast %scan3A_1568 : i32 to index
        %swap3A_1613 = arith.constant 48 : index
        %swap3A_1614 = tpu.vector_load %arg11[%swap3A_1612, %swap3A_1613] {strides = array<i32>} : memref<80x64xf32, #tpu.memory_space<vmem>>, vector<1x16xf32>,
        %swap3A_1615 = vector.shape_cast %swap3A_1614 : vector<1x16xf32> to vector<16xf32>
        %swap3A_1616 = vector.shape_cast %max3A_1611 : vector<16xf32> to vector<1x16xf32>
        tpu.vector_store %arg11[%swap3A_1612, %swap3A_1613], %swap3A_1616 {strides = array<i32>} : memref<80x64xf32, #tpu.memory_space<vmem>>, vector<1x16xf32>,
        %scan3A_1617 = arith.constant 3 : i32
        %scan3A_1618 = arith.addi %scan3A_1469, %scan3A_1617 : i32
        %get3A_1619 = arith.index_cast %scan3A_1618 : i32 to index
        %get3A_1620 = arith.constant 0 : index
        %get3A_1621 = tpu.vector_load %arg11[%get3A_1619, %get3A_1620] {strides = array<i32>} : memref<80x64xf32, #tpu.memory_space<vmem>>, vector<1x16xf32>,
        %get3A_1622 = vector.shape_cast %get3A_1621 : vector<1x16xf32> to vector<16xf32>
        %max3A_1623 = arith.constant 0.000000e+00 : f32
        %max3A_1624 = vector.broadcast %max3A_1623 : f32 to vector<16xf32>
        %max3A_1625 = arith.maximumf %get3A_1622, %max3A_1624 : vector<16xf32>
        %swap3A_1626 = arith.index_cast %scan3A_1618 : i32 to index
        %swap3A_1627 = arith.constant 0 : index
        %swap3A_1628 = tpu.vector_load %arg11[%swap3A_1626, %swap3A_1627] {strides = array<i32>} : memref<80x64xf32, #tpu.memory_space<vmem>>, vector<1x16xf32>,
        %swap3A_1629 = vector.shape_cast %swap3A_1628 : vector<1x16xf32> to vector<16xf32>
        %swap3A_1630 = vector.shape_cast %max3A_1625 : vector<16xf32> to vector<1x16xf32>
        tpu.vector_store %arg11[%swap3A_1626, %swap3A_1627], %swap3A_1630 {strides = array<i32>} : memref<80x64xf32, #tpu.memory_space<vmem>>, vector<1x16xf32>,
        %get3A_1631 = arith.index_cast %scan3A_1618 : i32 to index
        %get3A_1632 = arith.constant 16 : index
        %get3A_1633 = tpu.vector_load %arg11[%get3A_1631, %get3A_1632] {strides = array<i32>} : memref<80x64xf32, #tpu.memory_space<vmem>>, vector<1x16xf32>,
        %get3A_1634 = vector.shape_cast %get3A_1633 : vector<1x16xf32> to vector<16xf32>
        %max3A_1635 = arith.constant 0.000000e+00 : f32
        %max3A_1636 = vector.broadcast %max3A_1635 : f32 to vector<16xf32>
        %max3A_1637 = arith.maximumf %get3A_1634, %max3A_1636 : vector<16xf32>
        %swap3A_1638 = arith.index_cast %scan3A_1618 : i32 to index
        %swap3A_1639 = arith.constant 16 : index
        %swap3A_1640 = tpu.vector_load %arg11[%swap3A_1638, %swap3A_1639] {strides = array<i32>} : memref<80x64xf32, #tpu.memory_space<vmem>>, vector<1x16xf32>,
        %swap3A_1641 = vector.shape_cast %swap3A_1640 : vector<1x16xf32> to vector<16xf32>
        %swap3A_1642 = vector.shape_cast %max3A_1637 : vector<16xf32> to vector<1x16xf32>
        tpu.vector_store %arg11[%swap3A_1638, %swap3A_1639], %swap3A_1642 {strides = array<i32>} : memref<80x64xf32, #tpu.memory_space<vmem>>, vector<1x16xf32>,
        %get3A_1643 = arith.index_cast %scan3A_1618 : i32 to index
        %get3A_1644 = arith.constant 32 : index
        %get3A_1645 = tpu.vector_load %arg11[%get3A_1643, %get3A_1644] {strides = array<i32>} : memref<80x64xf32, #tpu.memory_space<vmem>>, vector<1x16xf32>,
        %get3A_1646 = vector.shape_cast %get3A_1645 : vector<1x16xf32> to vector<16xf32>
        %max3A_1647 = arith.constant 0.000000e+00 : f32
        %max3A_1648 = vector.broadcast %max3A_1647 : f32 to vector<16xf32>
        %max3A_1649 = arith.maximumf %get3A_1646, %max3A_1648 : vector<16xf32>
        %swap3A_1650 = arith.index_cast %scan3A_1618 : i32 to index
        %swap3A_1651 = arith.constant 32 : index
        %swap3A_1652 = tpu.vector_load %arg11[%swap3A_1650, %swap3A_1651] {strides = array<i32>} : memref<80x64xf32, #tpu.memory_space<vmem>>, vector<1x16xf32>,
        %swap3A_1653 = vector.shape_cast %swap3A_1652 : vector<1x16xf32> to vector<16xf32>
        %swap3A_1654 = vector.shape_cast %max3A_1649 : vector<16xf32> to vector<1x16xf32>
        tpu.vector_store %arg11[%swap3A_1650, %swap3A_1651], %swap3A_1654 {strides = array<i32>} : memref<80x64xf32, #tpu.memory_space<vmem>>, vector<1x16xf32>,
        %get3A_1655 = arith.index_cast %scan3A_1618 : i32 to index
        %get3A_1656 = arith.constant 48 : index
        %get3A_1657 = tpu.vector_load %arg11[%get3A_1655, %get3A_1656] {strides = array<i32>} : memref<80x64xf32, #tpu.memory_space<vmem>>, vector<1x16xf32>,
        %get3A_1658 = vector.shape_cast %get3A_1657 : vector<1x16xf32> to vector<16xf32>
        %max3A_1659 = arith.constant 0.000000e+00 : f32
        %max3A_1660 = vector.broadcast %max3A_1659 : f32 to vector<16xf32>
        %max3A_1661 = arith.maximumf %get3A_1658, %max3A_1660 : vector<16xf32>
        %swap3A_1662 = arith.index_cast %scan3A_1618 : i32 to index
        %swap3A_1663 = arith.constant 48 : index
        %swap3A_1664 = tpu.vector_load %arg11[%swap3A_1662, %swap3A_1663] {strides = array<i32>} : memref<80x64xf32, #tpu.memory_space<vmem>>, vector<1x16xf32>,
        %swap3A_1665 = vector.shape_cast %swap3A_1664 : vector<1x16xf32> to vector<16xf32>
        %swap3A_1666 = vector.shape_cast %max3A_1661 : vector<16xf32> to vector<1x16xf32>
        tpu.vector_store %arg11[%swap3A_1662, %swap3A_1663], %swap3A_1666 {strides = array<i32>} : memref<80x64xf32, #tpu.memory_space<vmem>>, vector<1x16xf32>,
      }
      %scan3A_601 = arith.constant 80 : i32
      %dma_start3A_602 = arith.constant 0 : i32
      %dma_start3A_603 = arith.constant 0 : i32
      %dma_start3A_604 = tpu.memref_slice %arg27[%dma_start3A_602, %dma_start3A_603] : memref<10240x64xf32, #tpu.memory_space<vmem_shared>> -> memref<10240x64xf32, #tpu.memory_space<vmem_shared>>
      tpu.enqueue_indirect_dma source(%arg11 : memref<80x64xf32, #tpu.memory_space<vmem>>) target(%dma_start3A_604 : memref<10240x64xf32, #tpu.memory_space<vmem_shared>>) offsets(%arg9 : memref<80xi32, #tpu.memory_space<vmem>>) semaphore(%arg14 : memref<!tpu.dma_semaphore, #tpu.memory_space<semaphore_mem>>) {add = true}
      %dma_start3A_605 = arith.constant 0 : i32
      %dma_start3A_606 = arith.constant 0 : i32
      %dma_start3A_607 = tpu.memref_slice %arg28[%dma_start3A_605, %dma_start3A_606] : memref<10240x16xf32, #tpu.memory_space<vmem_shared>> -> memref<10240x16xf32, #tpu.memory_space<vmem_shared>>
      tpu.enqueue_indirect_dma source(%arg24 : memref<80x16xf32, #tpu.memory_space<vmem>>) target(%dma_start3A_607 : memref<10240x16xf32, #tpu.memory_space<vmem_shared>>) offsets(%arg9 : memref<80xi32, #tpu.memory_space<vmem>>) semaphore(%arg14 : memref<!tpu.dma_semaphore, #tpu.memory_space<semaphore_mem>>) {add = true}
      %dma_wait3A_608 = arith.constant 0 : i32
      %dma_wait3A_609 = arith.constant 0 : i32
      %dma_wait3A_610 = tpu.memref_slice %arg2[%dma_wait3A_608, %dma_wait3A_609] : memref<20000x64xf32, #tpu.memory_space<hbm>> -> memref<20000x64xf32, #tpu.memory_space<hbm>>
      tpu.wait_indirect_dma semaphore(%arg19 : memref<!tpu.dma_semaphore, #tpu.memory_space<semaphore_mem>>) src(%dma_wait3A_610 : memref<20000x64xf32, #tpu.memory_space<hbm>>) dst(%arg18 : memref<80x64xf32, #tpu.memory_space<vmem>>)
      %dma_start3A_611 = arith.constant 0 : i32
      %dma_start3A_612 = arith.constant 0 : i32
      %dma_start3A_613 = tpu.memref_slice %arg3[%dma_start3A_611, %dma_start3A_612] : memref<20000x64xf32, #tpu.memory_space<hbm>> -> memref<20000x64xf32, #tpu.memory_space<hbm>>
      tpu.enqueue_indirect_dma source(%dma_start3A_613 : memref<20000x64xf32, #tpu.memory_space<hbm>>) target(%arg18 : memref<80x64xf32, #tpu.memory_space<vmem>>) offsets(%arg15 : memref<80xi32, #tpu.memory_space<vmem>>) semaphore(%arg20 : memref<!tpu.dma_semaphore, #tpu.memory_space<semaphore_mem>>) {add = true}
      %dma_wait3A_614 = arith.constant 0 : i32
      %dma_wait3A_615 = arith.constant 0 : i32
      %dma_wait3A_616 = tpu.memref_slice %arg27[%dma_wait3A_614, %dma_wait3A_615] : memref<10240x64xf32, #tpu.memory_space<vmem_shared>> -> memref<10240x64xf32, #tpu.memory_space<vmem_shared>>
      tpu.wait_indirect_dma semaphore(%arg14 : memref<!tpu.dma_semaphore, #tpu.memory_space<semaphore_mem>>) src(%arg11 : memref<80x64xf32, #tpu.memory_space<vmem>>) dst(%dma_wait3A_616 : memref<10240x64xf32, #tpu.memory_space<vmem_shared>>)
      %dma_wait3A_617 = arith.constant 0 : i32
      %dma_wait3A_618 = arith.constant 0 : i32
      %dma_wait3A_619 = tpu.memref_slice %arg28[%dma_wait3A_617, %dma_wait3A_618] : memref<10240x16xf32, #tpu.memory_space<vmem_shared>> -> memref<10240x16xf32, #tpu.memory_space<vmem_shared>>
      tpu.wait_indirect_dma semaphore(%arg14 : memref<!tpu.dma_semaphore, #tpu.memory_space<semaphore_mem>>) src(%arg24 : memref<80x16xf32, #tpu.memory_space<vmem>>) dst(%dma_wait3A_619 : memref<10240x16xf32, #tpu.memory_space<vmem_shared>>)
      %get3A_620 = arith.constant 320 : index
      %get3A_621 = tpu.vector_load %arg23[%get3A_620] {strides = array<i32>} : memref<800xi32, #tpu.memory_space<vmem>>, vector<16xi32>,
      %get3A_622 = vector.shape_cast %get3A_621 : vector<16xi32> to vector<16xi32>
      %swap3A_623 = arith.constant 0 : index
      %swap3A_624 = tpu.vector_load %arg9[%swap3A_623] {strides = array<i32>} : memref<80xi32, #tpu.memory_space<vmem>>, vector<16xi32>,
      %swap3A_625 = vector.shape_cast %swap3A_624 : vector<16xi32> to vector<16xi32>
      %swap3A_626 = vector.shape_cast %get3A_622 : vector<16xi32> to vector<16xi32>
      tpu.vector_store %arg9[%swap3A_623], %swap3A_626 {strides = array<i32>} : memref<80xi32, #tpu.memory_space<vmem>>, vector<16xi32>,
      %add3A_627 = vector.broadcast %mul3A_0 : i32 to vector<16xi32>
      %add3A_628 = arith.addi %get3A_622, %add3A_627 : vector<16xi32>
      %swap3A_629 = arith.constant 0 : index
      %swap3A_630 = tpu.vector_load %arg10[%swap3A_629] {strides = array<i32>} : memref<80xi32, #tpu.memory_space<vmem>>, vector<16xi32>,
      %swap3A_631 = vector.shape_cast %swap3A_630 : vector<16xi32> to vector<16xi32>
      %swap3A_632 = vector.shape_cast %add3A_628 : vector<16xi32> to vector<16xi32>
      tpu.vector_store %arg10[%swap3A_629], %swap3A_632 {strides = array<i32>} : memref<80xi32, #tpu.memory_space<vmem>>, vector<16xi32>,
      %get3A_633 = arith.constant 320 : index
      %get3A_634 = tpu.vector_load %arg22[%get3A_633] {strides = array<i32>} : memref<800xi32, #tpu.memory_space<vmem>>, vector<16xi32>,
      %get3A_635 = vector.shape_cast %get3A_634 : vector<16xi32> to vector<16xi32>
      %add3A_636 = vector.broadcast %mul3A_0 : i32 to vector<16xi32>
      %add3A_637 = arith.addi %get3A_635, %add3A_636 : vector<16xi32>
      %swap3A_638 = arith.constant 0 : index
      %swap3A_639 = tpu.vector_load %arg8[%swap3A_638] {strides = array<i32>} : memref<80xi32, #tpu.memory_space<vmem>>, vector<16xi32>,
      %swap3A_640 = vector.shape_cast %swap3A_639 : vector<16xi32> to vector<16xi32>
      %swap3A_641 = vector.shape_cast %add3A_637 : vector<16xi32> to vector<16xi32>
      tpu.vector_store %arg8[%swap3A_638], %swap3A_641 {strides = array<i32>} : memref<80xi32, #tpu.memory_space<vmem>>, vector<16xi32>,
      %get3A_642 = arith.constant 336 : index
      %get3A_643 = tpu.vector_load %arg23[%get3A_642] {strides = array<i32>} : memref<800xi32, #tpu.memory_space<vmem>>, vector<16xi32>,
      %get3A_644 = vector.shape_cast %get3A_643 : vector<16xi32> to vector<16xi32>
      %swap3A_645 = arith.constant 16 : index
      %swap3A_646 = tpu.vector_load %arg9[%swap3A_645] {strides = array<i32>} : memref<80xi32, #tpu.memory_space<vmem>>, vector<16xi32>,
      %swap3A_647 = vector.shape_cast %swap3A_646 : vector<16xi32> to vector<16xi32>
      %swap3A_648 = vector.shape_cast %get3A_644 : vector<16xi32> to vector<16xi32>
      tpu.vector_store %arg9[%swap3A_645], %swap3A_648 {strides = array<i32>} : memref<80xi32, #tpu.memory_space<vmem>>, vector<16xi32>,
      %add3A_649 = vector.broadcast %mul3A_0 : i32 to vector<16xi32>
      %add3A_650 = arith.addi %get3A_644, %add3A_649 : vector<16xi32>
      %swap3A_651 = arith.constant 16 : index
      %swap3A_652 = tpu.vector_load %arg10[%swap3A_651] {strides = array<i32>} : memref<80xi32, #tpu.memory_space<vmem>>, vector<16xi32>,
      %swap3A_653 = vector.shape_cast %swap3A_652 : vector<16xi32> to vector<16xi32>
      %swap3A_654 = vector.shape_cast %add3A_650 : vector<16xi32> to vector<16xi32>
      tpu.vector_store %arg10[%swap3A_651], %swap3A_654 {strides = array<i32>} : memref<80xi32, #tpu.memory_space<vmem>>, vector<16xi32>,
      %get3A_655 = arith.constant 336 : index
      %get3A_656 = tpu.vector_load %arg22[%get3A_655] {strides = array<i32>} : memref<800xi32, #tpu.memory_space<vmem>>, vector<16xi32>,
      %get3A_657 = vector.shape_cast %get3A_656 : vector<16xi32> to vector<16xi32>
      %add3A_658 = vector.broadcast %mul3A_0 : i32 to vector<16xi32>
      %add3A_659 = arith.addi %get3A_657, %add3A_658 : vector<16xi32>
      %swap3A_660 = arith.constant 16 : index
      %swap3A_661 = tpu.vector_load %arg8[%swap3A_660] {strides = array<i32>} : memref<80xi32, #tpu.memory_space<vmem>>, vector<16xi32>,
      %swap3A_662 = vector.shape_cast %swap3A_661 : vector<16xi32> to vector<16xi32>
      %swap3A_663 = vector.shape_cast %add3A_659 : vector<16xi32> to vector<16xi32>
      tpu.vector_store %arg8[%swap3A_660], %swap3A_663 {strides = array<i32>} : memref<80xi32, #tpu.memory_space<vmem>>, vector<16xi32>,
      %get3A_664 = arith.constant 352 : index
      %get3A_665 = tpu.vector_load %arg23[%get3A_664] {strides = array<i32>} : memref<800xi32, #tpu.memory_space<vmem>>, vector<16xi32>,
      %get3A_666 = vector.shape_cast %get3A_665 : vector<16xi32> to vector<16xi32>
      %swap3A_667 = arith.constant 32 : index
      %swap3A_668 = tpu.vector_load %arg9[%swap3A_667] {strides = array<i32>} : memref<80xi32, #tpu.memory_space<vmem>>, vector<16xi32>,
      %swap3A_669 = vector.shape_cast %swap3A_668 : vector<16xi32> to vector<16xi32>
      %swap3A_670 = vector.shape_cast %get3A_666 : vector<16xi32> to vector<16xi32>
      tpu.vector_store %arg9[%swap3A_667], %swap3A_670 {strides = array<i32>} : memref<80xi32, #tpu.memory_space<vmem>>, vector<16xi32>,
      %add3A_671 = vector.broadcast %mul3A_0 : i32 to vector<16xi32>
      %add3A_672 = arith.addi %get3A_666, %add3A_671 : vector<16xi32>
      %swap3A_673 = arith.constant 32 : index
      %swap3A_674 = tpu.vector_load %arg10[%swap3A_673] {strides = array<i32>} : memref<80xi32, #tpu.memory_space<vmem>>, vector<16xi32>,
      %swap3A_675 = vector.shape_cast %swap3A_674 : vector<16xi32> to vector<16xi32>
      %swap3A_676 = vector.shape_cast %add3A_672 : vector<16xi32> to vector<16xi32>
      tpu.vector_store %arg10[%swap3A_673], %swap3A_676 {strides = array<i32>} : memref<80xi32, #tpu.memory_space<vmem>>, vector<16xi32>,
      %get3A_677 = arith.constant 352 : index
      %get3A_678 = tpu.vector_load %arg22[%get3A_677] {strides = array<i32>} : memref<800xi32, #tpu.memory_space<vmem>>, vector<16xi32>,
      %get3A_679 = vector.shape_cast %get3A_678 : vector<16xi32> to vector<16xi32>
      %add3A_680 = vector.broadcast %mul3A_0 : i32 to vector<16xi32>
      %add3A_681 = arith.addi %get3A_679, %add3A_680 : vector<16xi32>
      %swap3A_682 = arith.constant 32 : index
      %swap3A_683 = tpu.vector_load %arg8[%swap3A_682] {strides = array<i32>} : memref<80xi32, #tpu.memory_space<vmem>>, vector<16xi32>,
      %swap3A_684 = vector.shape_cast %swap3A_683 : vector<16xi32> to vector<16xi32>
      %swap3A_685 = vector.shape_cast %add3A_681 : vector<16xi32> to vector<16xi32>
      tpu.vector_store %arg8[%swap3A_682], %swap3A_685 {strides = array<i32>} : memref<80xi32, #tpu.memory_space<vmem>>, vector<16xi32>,
      %get3A_686 = arith.constant 368 : index
      %get3A_687 = tpu.vector_load %arg23[%get3A_686] {strides = array<i32>} : memref<800xi32, #tpu.memory_space<vmem>>, vector<16xi32>,
      %get3A_688 = vector.shape_cast %get3A_687 : vector<16xi32> to vector<16xi32>
      %swap3A_689 = arith.constant 48 : index
      %swap3A_690 = tpu.vector_load %arg9[%swap3A_689] {strides = array<i32>} : memref<80xi32, #tpu.memory_space<vmem>>, vector<16xi32>,
      %swap3A_691 = vector.shape_cast %swap3A_690 : vector<16xi32> to vector<16xi32>
      %swap3A_692 = vector.shape_cast %get3A_688 : vector<16xi32> to vector<16xi32>
      tpu.vector_store %arg9[%swap3A_689], %swap3A_692 {strides = array<i32>} : memref<80xi32, #tpu.memory_space<vmem>>, vector<16xi32>,
      %add3A_693 = vector.broadcast %mul3A_0 : i32 to vector<16xi32>
      %add3A_694 = arith.addi %get3A_688, %add3A_693 : vector<16xi32>
      %swap3A_695 = arith.constant 48 : index
      %swap3A_696 = tpu.vector_load %arg10[%swap3A_695] {strides = array<i32>} : memref<80xi32, #tpu.memory_space<vmem>>, vector<16xi32>,
      %swap3A_697 = vector.shape_cast %swap3A_696 : vector<16xi32> to vector<16xi32>
      %swap3A_698 = vector.shape_cast %add3A_694 : vector<16xi32> to vector<16xi32>
      tpu.vector_store %arg10[%swap3A_695], %swap3A_698 {strides = array<i32>} : memref<80xi32, #tpu.memory_space<vmem>>, vector<16xi32>,
      %get3A_699 = arith.constant 368 : index
      %get3A_700 = tpu.vector_load %arg22[%get3A_699] {strides = array<i32>} : memref<800xi32, #tpu.memory_space<vmem>>, vector<16xi32>,
      %get3A_701 = vector.shape_cast %get3A_700 : vector<16xi32> to vector<16xi32>
      %add3A_702 = vector.broadcast %mul3A_0 : i32 to vector<16xi32>
      %add3A_703 = arith.addi %get3A_701, %add3A_702 : vector<16xi32>
      %swap3A_704 = arith.constant 48 : index
      %swap3A_705 = tpu.vector_load %arg8[%swap3A_704] {strides = array<i32>} : memref<80xi32, #tpu.memory_space<vmem>>, vector<16xi32>,
      %swap3A_706 = vector.shape_cast %swap3A_705 : vector<16xi32> to vector<16xi32>
      %swap3A_707 = vector.shape_cast %add3A_703 : vector<16xi32> to vector<16xi32>
      tpu.vector_store %arg8[%swap3A_704], %swap3A_707 {strides = array<i32>} : memref<80xi32, #tpu.memory_space<vmem>>, vector<16xi32>,
      %get3A_708 = arith.constant 384 : index
      %get3A_709 = tpu.vector_load %arg23[%get3A_708] {strides = array<i32>} : memref<800xi32, #tpu.memory_space<vmem>>, vector<16xi32>,
      %get3A_710 = vector.shape_cast %get3A_709 : vector<16xi32> to vector<16xi32>
      %swap3A_711 = arith.constant 64 : index
      %swap3A_712 = tpu.vector_load %arg9[%swap3A_711] {strides = array<i32>} : memref<80xi32, #tpu.memory_space<vmem>>, vector<16xi32>,
      %swap3A_713 = vector.shape_cast %swap3A_712 : vector<16xi32> to vector<16xi32>
      %swap3A_714 = vector.shape_cast %get3A_710 : vector<16xi32> to vector<16xi32>
      tpu.vector_store %arg9[%swap3A_711], %swap3A_714 {strides = array<i32>} : memref<80xi32, #tpu.memory_space<vmem>>, vector<16xi32>,
      %add3A_715 = vector.broadcast %mul3A_0 : i32 to vector<16xi32>
      %add3A_716 = arith.addi %get3A_710, %add3A_715 : vector<16xi32>
      %swap3A_717 = arith.constant 64 : index
      %swap3A_718 = tpu.vector_load %arg10[%swap3A_717] {strides = array<i32>} : memref<80xi32, #tpu.memory_space<vmem>>, vector<16xi32>,
      %swap3A_719 = vector.shape_cast %swap3A_718 : vector<16xi32> to vector<16xi32>
      %swap3A_720 = vector.shape_cast %add3A_716 : vector<16xi32> to vector<16xi32>
      tpu.vector_store %arg10[%swap3A_717], %swap3A_720 {strides = array<i32>} : memref<80xi32, #tpu.memory_space<vmem>>, vector<16xi32>,
      %get3A_721 = arith.constant 384 : index
      %get3A_722 = tpu.vector_load %arg22[%get3A_721] {strides = array<i32>} : memref<800xi32, #tpu.memory_space<vmem>>, vector<16xi32>,
      %get3A_723 = vector.shape_cast %get3A_722 : vector<16xi32> to vector<16xi32>
      %add3A_724 = vector.broadcast %mul3A_0 : i32 to vector<16xi32>
      %add3A_725 = arith.addi %get3A_723, %add3A_724 : vector<16xi32>
      %swap3A_726 = arith.constant 64 : index
      %swap3A_727 = tpu.vector_load %arg8[%swap3A_726] {strides = array<i32>} : memref<80xi32, #tpu.memory_space<vmem>>, vector<16xi32>,
      %swap3A_728 = vector.shape_cast %swap3A_727 : vector<16xi32> to vector<16xi32>
      %swap3A_729 = vector.shape_cast %add3A_725 : vector<16xi32> to vector<16xi32>
      tpu.vector_store %arg8[%swap3A_726], %swap3A_729 {strides = array<i32>} : memref<80xi32, #tpu.memory_space<vmem>>, vector<16xi32>,
      %dma_start3A_730 = arith.constant 0 : i32
      %dma_start3A_731 = arith.constant 0 : i32
      %dma_start3A_732 = tpu.memref_slice %arg2[%dma_start3A_730, %dma_start3A_731] : memref<20000x64xf32, #tpu.memory_space<hbm>> -> memref<20000x64xf32, #tpu.memory_space<hbm>>
      tpu.enqueue_indirect_dma source(%dma_start3A_732 : memref<20000x64xf32, #tpu.memory_space<hbm>>) target(%arg11 : memref<80x64xf32, #tpu.memory_space<vmem>>) offsets(%arg10 : memref<80xi32, #tpu.memory_space<vmem>>) semaphore(%arg12 : memref<!tpu.dma_semaphore, #tpu.memory_space<semaphore_mem>>)
      %dma_wait3A_733 = arith.constant 0 : i32
      %dma_wait3A_734 = arith.constant 0 : i32
      %dma_wait3A_735 = tpu.memref_slice %arg3[%dma_wait3A_733, %dma_wait3A_734] : memref<20000x64xf32, #tpu.memory_space<hbm>> -> memref<20000x64xf32, #tpu.memory_space<hbm>>
      tpu.wait_indirect_dma semaphore(%arg20 : memref<!tpu.dma_semaphore, #tpu.memory_space<semaphore_mem>>) src(%dma_wait3A_735 : memref<20000x64xf32, #tpu.memory_space<hbm>>) dst(%arg18 : memref<80x64xf32, #tpu.memory_space<vmem>>)
      %scan3A_736 = arith.constant 0 : i32
      %scan3A_737 = arith.constant 0 : i32
      %scan3A_738 = arith.constant 80 : i32
      %scan3A_739 = arith.addi %scan3A_737, %scan3A_738 : i32
      %scan3A_740 = arith.constant 4 : i32
      scf.for %scan3A_1469 = %scan3A_737 to %scan3A_739 step %scan3A_740  : i32 {
        %get3A_1470 = arith.index_cast %scan3A_1469 : i32 to index
        %get3A_1471 = arith.constant 0 : index
        %get3A_1472 = tpu.vector_load %arg18[%get3A_1470, %get3A_1471] {strides = array<i32>} : memref<80x64xf32, #tpu.memory_space<vmem>>, vector<1x16xf32>,
        %get3A_1473 = vector.shape_cast %get3A_1472 : vector<1x16xf32> to vector<16xf32>
        %max3A = arith.constant 0.000000e+00 : f32
        %max3A_1474 = vector.broadcast %max3A : f32 to vector<16xf32>
        %max3A_1475 = arith.maximumf %get3A_1473, %max3A_1474 : vector<16xf32>
        %swap3A_1476 = arith.index_cast %scan3A_1469 : i32 to index
        %swap3A_1477 = arith.constant 0 : index
        %swap3A_1478 = tpu.vector_load %arg18[%swap3A_1476, %swap3A_1477] {strides = array<i32>} : memref<80x64xf32, #tpu.memory_space<vmem>>, vector<1x16xf32>,
        %swap3A_1479 = vector.shape_cast %swap3A_1478 : vector<1x16xf32> to vector<16xf32>
        %swap3A_1480 = vector.shape_cast %max3A_1475 : vector<16xf32> to vector<1x16xf32>
        tpu.vector_store %arg18[%swap3A_1476, %swap3A_1477], %swap3A_1480 {strides = array<i32>} : memref<80x64xf32, #tpu.memory_space<vmem>>, vector<1x16xf32>,
        %get3A_1481 = arith.index_cast %scan3A_1469 : i32 to index
        %get3A_1482 = arith.constant 16 : index
        %get3A_1483 = tpu.vector_load %arg18[%get3A_1481, %get3A_1482] {strides = array<i32>} : memref<80x64xf32, #tpu.memory_space<vmem>>, vector<1x16xf32>,
        %get3A_1484 = vector.shape_cast %get3A_1483 : vector<1x16xf32> to vector<16xf32>
        %max3A_1485 = arith.constant 0.000000e+00 : f32
        %max3A_1486 = vector.broadcast %max3A_1485 : f32 to vector<16xf32>
        %max3A_1487 = arith.maximumf %get3A_1484, %max3A_1486 : vector<16xf32>
        %swap3A_1488 = arith.index_cast %scan3A_1469 : i32 to index
        %swap3A_1489 = arith.constant 16 : index
        %swap3A_1490 = tpu.vector_load %arg18[%swap3A_1488, %swap3A_1489] {strides = array<i32>} : memref<80x64xf32, #tpu.memory_space<vmem>>, vector<1x16xf32>,
        %swap3A_1491 = vector.shape_cast %swap3A_1490 : vector<1x16xf32> to vector<16xf32>
        %swap3A_1492 = vector.shape_cast %max3A_1487 : vector<16xf32> to vector<1x16xf32>
        tpu.vector_store %arg18[%swap3A_1488, %swap3A_1489], %swap3A_1492 {strides = array<i32>} : memref<80x64xf32, #tpu.memory_space<vmem>>, vector<1x16xf32>,
        %get3A_1493 = arith.index_cast %scan3A_1469 : i32 to index
        %get3A_1494 = arith.constant 32 : index
        %get3A_1495 = tpu.vector_load %arg18[%get3A_1493, %get3A_1494] {strides = array<i32>} : memref<80x64xf32, #tpu.memory_space<vmem>>, vector<1x16xf32>,
        %get3A_1496 = vector.shape_cast %get3A_1495 : vector<1x16xf32> to vector<16xf32>
        %max3A_1497 = arith.constant 0.000000e+00 : f32
        %max3A_1498 = vector.broadcast %max3A_1497 : f32 to vector<16xf32>
        %max3A_1499 = arith.maximumf %get3A_1496, %max3A_1498 : vector<16xf32>
        %swap3A_1500 = arith.index_cast %scan3A_1469 : i32 to index
        %swap3A_1501 = arith.constant 32 : index
        %swap3A_1502 = tpu.vector_load %arg18[%swap3A_1500, %swap3A_1501] {strides = array<i32>} : memref<80x64xf32, #tpu.memory_space<vmem>>, vector<1x16xf32>,
        %swap3A_1503 = vector.shape_cast %swap3A_1502 : vector<1x16xf32> to vector<16xf32>
        %swap3A_1504 = vector.shape_cast %max3A_1499 : vector<16xf32> to vector<1x16xf32>
        tpu.vector_store %arg18[%swap3A_1500, %swap3A_1501], %swap3A_1504 {strides = array<i32>} : memref<80x64xf32, #tpu.memory_space<vmem>>, vector<1x16xf32>,
        %get3A_1505 = arith.index_cast %scan3A_1469 : i32 to index
        %get3A_1506 = arith.constant 48 : index
        %get3A_1507 = tpu.vector_load %arg18[%get3A_1505, %get3A_1506] {strides = array<i32>} : memref<80x64xf32, #tpu.memory_space<vmem>>, vector<1x16xf32>,
        %get3A_1508 = vector.shape_cast %get3A_1507 : vector<1x16xf32> to vector<16xf32>
        %max3A_1509 = arith.constant 0.000000e+00 : f32
        %max3A_1510 = vector.broadcast %max3A_1509 : f32 to vector<16xf32>
        %max3A_1511 = arith.maximumf %get3A_1508, %max3A_1510 : vector<16xf32>
        %swap3A_1512 = arith.index_cast %scan3A_1469 : i32 to index
        %swap3A_1513 = arith.constant 48 : index
        %swap3A_1514 = tpu.vector_load %arg18[%swap3A_1512, %swap3A_1513] {strides = array<i32>} : memref<80x64xf32, #tpu.memory_space<vmem>>, vector<1x16xf32>,
        %swap3A_1515 = vector.shape_cast %swap3A_1514 : vector<1x16xf32> to vector<16xf32>
        %swap3A_1516 = vector.shape_cast %max3A_1511 : vector<16xf32> to vector<1x16xf32>
        tpu.vector_store %arg18[%swap3A_1512, %swap3A_1513], %swap3A_1516 {strides = array<i32>} : memref<80x64xf32, #tpu.memory_space<vmem>>, vector<1x16xf32>,
        %scan3A_1517 = arith.constant 1 : i32
        %scan3A_1518 = arith.addi %scan3A_1469, %scan3A_1517 : i32
        %get3A_1519 = arith.index_cast %scan3A_1518 : i32 to index
        %get3A_1520 = arith.constant 0 : index
        %get3A_1521 = tpu.vector_load %arg18[%get3A_1519, %get3A_1520] {strides = array<i32>} : memref<80x64xf32, #tpu.memory_space<vmem>>, vector<1x16xf32>,
        %get3A_1522 = vector.shape_cast %get3A_1521 : vector<1x16xf32> to vector<16xf32>
        %max3A_1523 = arith.constant 0.000000e+00 : f32
        %max3A_1524 = vector.broadcast %max3A_1523 : f32 to vector<16xf32>
        %max3A_1525 = arith.maximumf %get3A_1522, %max3A_1524 : vector<16xf32>
        %swap3A_1526 = arith.index_cast %scan3A_1518 : i32 to index
        %swap3A_1527 = arith.constant 0 : index
        %swap3A_1528 = tpu.vector_load %arg18[%swap3A_1526, %swap3A_1527] {strides = array<i32>} : memref<80x64xf32, #tpu.memory_space<vmem>>, vector<1x16xf32>,
        %swap3A_1529 = vector.shape_cast %swap3A_1528 : vector<1x16xf32> to vector<16xf32>
        %swap3A_1530 = vector.shape_cast %max3A_1525 : vector<16xf32> to vector<1x16xf32>
        tpu.vector_store %arg18[%swap3A_1526, %swap3A_1527], %swap3A_1530 {strides = array<i32>} : memref<80x64xf32, #tpu.memory_space<vmem>>, vector<1x16xf32>,
        %get3A_1531 = arith.index_cast %scan3A_1518 : i32 to index
        %get3A_1532 = arith.constant 16 : index
        %get3A_1533 = tpu.vector_load %arg18[%get3A_1531, %get3A_1532] {strides = array<i32>} : memref<80x64xf32, #tpu.memory_space<vmem>>, vector<1x16xf32>,
        %get3A_1534 = vector.shape_cast %get3A_1533 : vector<1x16xf32> to vector<16xf32>
        %max3A_1535 = arith.constant 0.000000e+00 : f32
        %max3A_1536 = vector.broadcast %max3A_1535 : f32 to vector<16xf32>
        %max3A_1537 = arith.maximumf %get3A_1534, %max3A_1536 : vector<16xf32>
        %swap3A_1538 = arith.index_cast %scan3A_1518 : i32 to index
        %swap3A_1539 = arith.constant 16 : index
        %swap3A_1540 = tpu.vector_load %arg18[%swap3A_1538, %swap3A_1539] {strides = array<i32>} : memref<80x64xf32, #tpu.memory_space<vmem>>, vector<1x16xf32>,
        %swap3A_1541 = vector.shape_cast %swap3A_1540 : vector<1x16xf32> to vector<16xf32>
        %swap3A_1542 = vector.shape_cast %max3A_1537 : vector<16xf32> to vector<1x16xf32>
        tpu.vector_store %arg18[%swap3A_1538, %swap3A_1539], %swap3A_1542 {strides = array<i32>} : memref<80x64xf32, #tpu.memory_space<vmem>>, vector<1x16xf32>,
        %get3A_1543 = arith.index_cast %scan3A_1518 : i32 to index
        %get3A_1544 = arith.constant 32 : index
        %get3A_1545 = tpu.vector_load %arg18[%get3A_1543, %get3A_1544] {strides = array<i32>} : memref<80x64xf32, #tpu.memory_space<vmem>>, vector<1x16xf32>,
        %get3A_1546 = vector.shape_cast %get3A_1545 : vector<1x16xf32> to vector<16xf32>
        %max3A_1547 = arith.constant 0.000000e+00 : f32
        %max3A_1548 = vector.broadcast %max3A_1547 : f32 to vector<16xf32>
        %max3A_1549 = arith.maximumf %get3A_1546, %max3A_1548 : vector<16xf32>
        %swap3A_1550 = arith.index_cast %scan3A_1518 : i32 to index
        %swap3A_1551 = arith.constant 32 : index
        %swap3A_1552 = tpu.vector_load %arg18[%swap3A_1550, %swap3A_1551] {strides = array<i32>} : memref<80x64xf32, #tpu.memory_space<vmem>>, vector<1x16xf32>,
        %swap3A_1553 = vector.shape_cast %swap3A_1552 : vector<1x16xf32> to vector<16xf32>
        %swap3A_1554 = vector.shape_cast %max3A_1549 : vector<16xf32> to vector<1x16xf32>
        tpu.vector_store %arg18[%swap3A_1550, %swap3A_1551], %swap3A_1554 {strides = array<i32>} : memref<80x64xf32, #tpu.memory_space<vmem>>, vector<1x16xf32>,
        %get3A_1555 = arith.index_cast %scan3A_1518 : i32 to index
        %get3A_1556 = arith.constant 48 : index
        %get3A_1557 = tpu.vector_load %arg18[%get3A_1555, %get3A_1556] {strides = array<i32>} : memref<80x64xf32, #tpu.memory_space<vmem>>, vector<1x16xf32>,
        %get3A_1558 = vector.shape_cast %get3A_1557 : vector<1x16xf32> to vector<16xf32>
        %max3A_1559 = arith.constant 0.000000e+00 : f32
        %max3A_1560 = vector.broadcast %max3A_1559 : f32 to vector<16xf32>
        %max3A_1561 = arith.maximumf %get3A_1558, %max3A_1560 : vector<16xf32>
        %swap3A_1562 = arith.index_cast %scan3A_1518 : i32 to index
        %swap3A_1563 = arith.constant 48 : index
        %swap3A_1564 = tpu.vector_load %arg18[%swap3A_1562, %swap3A_1563] {strides = array<i32>} : memref<80x64xf32, #tpu.memory_space<vmem>>, vector<1x16xf32>,
        %swap3A_1565 = vector.shape_cast %swap3A_1564 : vector<1x16xf32> to vector<16xf32>
        %swap3A_1566 = vector.shape_cast %max3A_1561 : vector<16xf32> to vector<1x16xf32>
        tpu.vector_store %arg18[%swap3A_1562, %swap3A_1563], %swap3A_1566 {strides = array<i32>} : memref<80x64xf32, #tpu.memory_space<vmem>>, vector<1x16xf32>,
        %scan3A_1567 = arith.constant 2 : i32
        %scan3A_1568 = arith.addi %scan3A_1469, %scan3A_1567 : i32
        %get3A_1569 = arith.index_cast %scan3A_1568 : i32 to index
        %get3A_1570 = arith.constant 0 : index
        %get3A_1571 = tpu.vector_load %arg18[%get3A_1569, %get3A_1570] {strides = array<i32>} : memref<80x64xf32, #tpu.memory_space<vmem>>, vector<1x16xf32>,
        %get3A_1572 = vector.shape_cast %get3A_1571 : vector<1x16xf32> to vector<16xf32>
        %max3A_1573 = arith.constant 0.000000e+00 : f32
        %max3A_1574 = vector.broadcast %max3A_1573 : f32 to vector<16xf32>
        %max3A_1575 = arith.maximumf %get3A_1572, %max3A_1574 : vector<16xf32>
        %swap3A_1576 = arith.index_cast %scan3A_1568 : i32 to index
        %swap3A_1577 = arith.constant 0 : index
        %swap3A_1578 = tpu.vector_load %arg18[%swap3A_1576, %swap3A_1577] {strides = array<i32>} : memref<80x64xf32, #tpu.memory_space<vmem>>, vector<1x16xf32>,
        %swap3A_1579 = vector.shape_cast %swap3A_1578 : vector<1x16xf32> to vector<16xf32>
        %swap3A_1580 = vector.shape_cast %max3A_1575 : vector<16xf32> to vector<1x16xf32>
        tpu.vector_store %arg18[%swap3A_1576, %swap3A_1577], %swap3A_1580 {strides = array<i32>} : memref<80x64xf32, #tpu.memory_space<vmem>>, vector<1x16xf32>,
        %get3A_1581 = arith.index_cast %scan3A_1568 : i32 to index
        %get3A_1582 = arith.constant 16 : index
        %get3A_1583 = tpu.vector_load %arg18[%get3A_1581, %get3A_1582] {strides = array<i32>} : memref<80x64xf32, #tpu.memory_space<vmem>>, vector<1x16xf32>,
        %get3A_1584 = vector.shape_cast %get3A_1583 : vector<1x16xf32> to vector<16xf32>
        %max3A_1585 = arith.constant 0.000000e+00 : f32
        %max3A_1586 = vector.broadcast %max3A_1585 : f32 to vector<16xf32>
        %max3A_1587 = arith.maximumf %get3A_1584, %max3A_1586 : vector<16xf32>
        %swap3A_1588 = arith.index_cast %scan3A_1568 : i32 to index
        %swap3A_1589 = arith.constant 16 : index
        %swap3A_1590 = tpu.vector_load %arg18[%swap3A_1588, %swap3A_1589] {strides = array<i32>} : memref<80x64xf32, #tpu.memory_space<vmem>>, vector<1x16xf32>,
        %swap3A_1591 = vector.shape_cast %swap3A_1590 : vector<1x16xf32> to vector<16xf32>
        %swap3A_1592 = vector.shape_cast %max3A_1587 : vector<16xf32> to vector<1x16xf32>
        tpu.vector_store %arg18[%swap3A_1588, %swap3A_1589], %swap3A_1592 {strides = array<i32>} : memref<80x64xf32, #tpu.memory_space<vmem>>, vector<1x16xf32>,
        %get3A_1593 = arith.index_cast %scan3A_1568 : i32 to index
        %get3A_1594 = arith.constant 32 : index
        %get3A_1595 = tpu.vector_load %arg18[%get3A_1593, %get3A_1594] {strides = array<i32>} : memref<80x64xf32, #tpu.memory_space<vmem>>, vector<1x16xf32>,
        %get3A_1596 = vector.shape_cast %get3A_1595 : vector<1x16xf32> to vector<16xf32>
        %max3A_1597 = arith.constant 0.000000e+00 : f32
        %max3A_1598 = vector.broadcast %max3A_1597 : f32 to vector<16xf32>
        %max3A_1599 = arith.maximumf %get3A_1596, %max3A_1598 : vector<16xf32>
        %swap3A_1600 = arith.index_cast %scan3A_1568 : i32 to index
        %swap3A_1601 = arith.constant 32 : index
        %swap3A_1602 = tpu.vector_load %arg18[%swap3A_1600, %swap3A_1601] {strides = array<i32>} : memref<80x64xf32, #tpu.memory_space<vmem>>, vector<1x16xf32>,
        %swap3A_1603 = vector.shape_cast %swap3A_1602 : vector<1x16xf32> to vector<16xf32>
        %swap3A_1604 = vector.shape_cast %max3A_1599 : vector<16xf32> to vector<1x16xf32>
        tpu.vector_store %arg18[%swap3A_1600, %swap3A_1601], %swap3A_1604 {strides = array<i32>} : memref<80x64xf32, #tpu.memory_space<vmem>>, vector<1x16xf32>,
        %get3A_1605 = arith.index_cast %scan3A_1568 : i32 to index
        %get3A_1606 = arith.constant 48 : index
        %get3A_1607 = tpu.vector_load %arg18[%get3A_1605, %get3A_1606] {strides = array<i32>} : memref<80x64xf32, #tpu.memory_space<vmem>>, vector<1x16xf32>,
        %get3A_1608 = vector.shape_cast %get3A_1607 : vector<1x16xf32> to vector<16xf32>
        %max3A_1609 = arith.constant 0.000000e+00 : f32
        %max3A_1610 = vector.broadcast %max3A_1609 : f32 to vector<16xf32>
        %max3A_1611 = arith.maximumf %get3A_1608, %max3A_1610 : vector<16xf32>
        %swap3A_1612 = arith.index_cast %scan3A_1568 : i32 to index
        %swap3A_1613 = arith.constant 48 : index
        %swap3A_1614 = tpu.vector_load %arg18[%swap3A_1612, %swap3A_1613] {strides = array<i32>} : memref<80x64xf32, #tpu.memory_space<vmem>>, vector<1x16xf32>,
        %swap3A_1615 = vector.shape_cast %swap3A_1614 : vector<1x16xf32> to vector<16xf32>
        %swap3A_1616 = vector.shape_cast %max3A_1611 : vector<16xf32> to vector<1x16xf32>
        tpu.vector_store %arg18[%swap3A_1612, %swap3A_1613], %swap3A_1616 {strides = array<i32>} : memref<80x64xf32, #tpu.memory_space<vmem>>, vector<1x16xf32>,
        %scan3A_1617 = arith.constant 3 : i32
        %scan3A_1618 = arith.addi %scan3A_1469, %scan3A_1617 : i32
        %get3A_1619 = arith.index_cast %scan3A_1618 : i32 to index
        %get3A_1620 = arith.constant 0 : index
        %get3A_1621 = tpu.vector_load %arg18[%get3A_1619, %get3A_1620] {strides = array<i32>} : memref<80x64xf32, #tpu.memory_space<vmem>>, vector<1x16xf32>,
        %get3A_1622 = vector.shape_cast %get3A_1621 : vector<1x16xf32> to vector<16xf32>
        %max3A_1623 = arith.constant 0.000000e+00 : f32
        %max3A_1624 = vector.broadcast %max3A_1623 : f32 to vector<16xf32>
        %max3A_1625 = arith.maximumf %get3A_1622, %max3A_1624 : vector<16xf32>
        %swap3A_1626 = arith.index_cast %scan3A_1618 : i32 to index
        %swap3A_1627 = arith.constant 0 : index
        %swap3A_1628 = tpu.vector_load %arg18[%swap3A_1626, %swap3A_1627] {strides = array<i32>} : memref<80x64xf32, #tpu.memory_space<vmem>>, vector<1x16xf32>,
        %swap3A_1629 = vector.shape_cast %swap3A_1628 : vector<1x16xf32> to vector<16xf32>
        %swap3A_1630 = vector.shape_cast %max3A_1625 : vector<16xf32> to vector<1x16xf32>
        tpu.vector_store %arg18[%swap3A_1626, %swap3A_1627], %swap3A_1630 {strides = array<i32>} : memref<80x64xf32, #tpu.memory_space<vmem>>, vector<1x16xf32>,
        %get3A_1631 = arith.index_cast %scan3A_1618 : i32 to index
        %get3A_1632 = arith.constant 16 : index
        %get3A_1633 = tpu.vector_load %arg18[%get3A_1631, %get3A_1632] {strides = array<i32>} : memref<80x64xf32, #tpu.memory_space<vmem>>, vector<1x16xf32>,
        %get3A_1634 = vector.shape_cast %get3A_1633 : vector<1x16xf32> to vector<16xf32>
        %max3A_1635 = arith.constant 0.000000e+00 : f32
        %max3A_1636 = vector.broadcast %max3A_1635 : f32 to vector<16xf32>
        %max3A_1637 = arith.maximumf %get3A_1634, %max3A_1636 : vector<16xf32>
        %swap3A_1638 = arith.index_cast %scan3A_1618 : i32 to index
        %swap3A_1639 = arith.constant 16 : index
        %swap3A_1640 = tpu.vector_load %arg18[%swap3A_1638, %swap3A_1639] {strides = array<i32>} : memref<80x64xf32, #tpu.memory_space<vmem>>, vector<1x16xf32>,
        %swap3A_1641 = vector.shape_cast %swap3A_1640 : vector<1x16xf32> to vector<16xf32>
        %swap3A_1642 = vector.shape_cast %max3A_1637 : vector<16xf32> to vector<1x16xf32>
        tpu.vector_store %arg18[%swap3A_1638, %swap3A_1639], %swap3A_1642 {strides = array<i32>} : memref<80x64xf32, #tpu.memory_space<vmem>>, vector<1x16xf32>,
        %get3A_1643 = arith.index_cast %scan3A_1618 : i32 to index
        %get3A_1644 = arith.constant 32 : index
        %get3A_1645 = tpu.vector_load %arg18[%get3A_1643, %get3A_1644] {strides = array<i32>} : memref<80x64xf32, #tpu.memory_space<vmem>>, vector<1x16xf32>,
        %get3A_1646 = vector.shape_cast %get3A_1645 : vector<1x16xf32> to vector<16xf32>
        %max3A_1647 = arith.constant 0.000000e+00 : f32
        %max3A_1648 = vector.broadcast %max3A_1647 : f32 to vector<16xf32>
        %max3A_1649 = arith.maximumf %get3A_1646, %max3A_1648 : vector<16xf32>
        %swap3A_1650 = arith.index_cast %scan3A_1618 : i32 to index
        %swap3A_1651 = arith.constant 32 : index
        %swap3A_1652 = tpu.vector_load %arg18[%swap3A_1650, %swap3A_1651] {strides = array<i32>} : memref<80x64xf32, #tpu.memory_space<vmem>>, vector<1x16xf32>,
        %swap3A_1653 = vector.shape_cast %swap3A_1652 : vector<1x16xf32> to vector<16xf32>
        %swap3A_1654 = vector.shape_cast %max3A_1649 : vector<16xf32> to vector<1x16xf32>
        tpu.vector_store %arg18[%swap3A_1650, %swap3A_1651], %swap3A_1654 {strides = array<i32>} : memref<80x64xf32, #tpu.memory_space<vmem>>, vector<1x16xf32>,
        %get3A_1655 = arith.index_cast %scan3A_1618 : i32 to index
        %get3A_1656 = arith.constant 48 : index
        %get3A_1657 = tpu.vector_load %arg18[%get3A_1655, %get3A_1656] {strides = array<i32>} : memref<80x64xf32, #tpu.memory_space<vmem>>, vector<1x16xf32>,
        %get3A_1658 = vector.shape_cast %get3A_1657 : vector<1x16xf32> to vector<16xf32>
        %max3A_1659 = arith.constant 0.000000e+00 : f32
        %max3A_1660 = vector.broadcast %max3A_1659 : f32 to vector<16xf32>
        %max3A_1661 = arith.maximumf %get3A_1658, %max3A_1660 : vector<16xf32>
        %swap3A_1662 = arith.index_cast %scan3A_1618 : i32 to index
        %swap3A_1663 = arith.constant 48 : index
        %swap3A_1664 = tpu.vector_load %arg18[%swap3A_1662, %swap3A_1663] {strides = array<i32>} : memref<80x64xf32, #tpu.memory_space<vmem>>, vector<1x16xf32>,
        %swap3A_1665 = vector.shape_cast %swap3A_1664 : vector<1x16xf32> to vector<16xf32>
        %swap3A_1666 = vector.shape_cast %max3A_1661 : vector<16xf32> to vector<1x16xf32>
        tpu.vector_store %arg18[%swap3A_1662, %swap3A_1663], %swap3A_1666 {strides = array<i32>} : memref<80x64xf32, #tpu.memory_space<vmem>>, vector<1x16xf32>,
      }
      %scan3A_741 = arith.constant 80 : i32
      %dma_start3A_742 = arith.constant 0 : i32
      %dma_start3A_743 = arith.constant 0 : i32
      %dma_start3A_744 = tpu.memref_slice %arg27[%dma_start3A_742, %dma_start3A_743] : memref<10240x64xf32, #tpu.memory_space<vmem_shared>> -> memref<10240x64xf32, #tpu.memory_space<vmem_shared>>
      tpu.enqueue_indirect_dma source(%arg18 : memref<80x64xf32, #tpu.memory_space<vmem>>) target(%dma_start3A_744 : memref<10240x64xf32, #tpu.memory_space<vmem_shared>>) offsets(%arg16 : memref<80xi32, #tpu.memory_space<vmem>>) semaphore(%arg21 : memref<!tpu.dma_semaphore, #tpu.memory_space<semaphore_mem>>) {add = true}
      %dma_start3A_745 = arith.constant 0 : i32
      %dma_start3A_746 = arith.constant 0 : i32
      %dma_start3A_747 = tpu.memref_slice %arg28[%dma_start3A_745, %dma_start3A_746] : memref<10240x16xf32, #tpu.memory_space<vmem_shared>> -> memref<10240x16xf32, #tpu.memory_space<vmem_shared>>
      tpu.enqueue_indirect_dma source(%arg24 : memref<80x16xf32, #tpu.memory_space<vmem>>) target(%dma_start3A_747 : memref<10240x16xf32, #tpu.memory_space<vmem_shared>>) offsets(%arg16 : memref<80xi32, #tpu.memory_space<vmem>>) semaphore(%arg21 : memref<!tpu.dma_semaphore, #tpu.memory_space<semaphore_mem>>) {add = true}
      %dma_wait3A_748 = arith.constant 0 : i32
      %dma_wait3A_749 = arith.constant 0 : i32
      %dma_wait3A_750 = tpu.memref_slice %arg2[%dma_wait3A_748, %dma_wait3A_749] : memref<20000x64xf32, #tpu.memory_space<hbm>> -> memref<20000x64xf32, #tpu.memory_space<hbm>>
      tpu.wait_indirect_dma semaphore(%arg12 : memref<!tpu.dma_semaphore, #tpu.memory_space<semaphore_mem>>) src(%dma_wait3A_750 : memref<20000x64xf32, #tpu.memory_space<hbm>>) dst(%arg11 : memref<80x64xf32, #tpu.memory_space<vmem>>)
      %dma_start3A_751 = arith.constant 0 : i32
      %dma_start3A_752 = arith.constant 0 : i32
      %dma_start3A_753 = tpu.memref_slice %arg3[%dma_start3A_751, %dma_start3A_752] : memref<20000x64xf32, #tpu.memory_space<hbm>> -> memref<20000x64xf32, #tpu.memory_space<hbm>>
      tpu.enqueue_indirect_dma source(%dma_start3A_753 : memref<20000x64xf32, #tpu.memory_space<hbm>>) target(%arg11 : memref<80x64xf32, #tpu.memory_space<vmem>>) offsets(%arg8 : memref<80xi32, #tpu.memory_space<vmem>>) semaphore(%arg13 : memref<!tpu.dma_semaphore, #tpu.memory_space<semaphore_mem>>) {add = true}
      %dma_wait3A_754 = arith.constant 0 : i32
      %dma_wait3A_755 = arith.constant 0 : i32
      %dma_wait3A_756 = tpu.memref_slice %arg27[%dma_wait3A_754, %dma_wait3A_755] : memref<10240x64xf32, #tpu.memory_space<vmem_shared>> -> memref<10240x64xf32, #tpu.memory_space<vmem_shared>>
      tpu.wait_indirect_dma semaphore(%arg21 : memref<!tpu.dma_semaphore, #tpu.memory_space<semaphore_mem>>) src(%arg18 : memref<80x64xf32, #tpu.memory_space<vmem>>) dst(%dma_wait3A_756 : memref<10240x64xf32, #tpu.memory_space<vmem_shared>>)
      %dma_wait3A_757 = arith.constant 0 : i32
      %dma_wait3A_758 = arith.constant 0 : i32
      %dma_wait3A_759 = tpu.memref_slice %arg28[%dma_wait3A_757, %dma_wait3A_758] : memref<10240x16xf32, #tpu.memory_space<vmem_shared>> -> memref<10240x16xf32, #tpu.memory_space<vmem_shared>>
      tpu.wait_indirect_dma semaphore(%arg21 : memref<!tpu.dma_semaphore, #tpu.memory_space<semaphore_mem>>) src(%arg24 : memref<80x16xf32, #tpu.memory_space<vmem>>) dst(%dma_wait3A_759 : memref<10240x16xf32, #tpu.memory_space<vmem_shared>>)
      %get3A_760 = arith.constant 400 : index
      %get3A_761 = tpu.vector_load %arg23[%get3A_760] {strides = array<i32>} : memref<800xi32, #tpu.memory_space<vmem>>, vector<16xi32>,
      %get3A_762 = vector.shape_cast %get3A_761 : vector<16xi32> to vector<16xi32>
      %swap3A_763 = arith.constant 0 : index
      %swap3A_764 = tpu.vector_load %arg16[%swap3A_763] {strides = array<i32>} : memref<80xi32, #tpu.memory_space<vmem>>, vector<16xi32>,
      %swap3A_765 = vector.shape_cast %swap3A_764 : vector<16xi32> to vector<16xi32>
      %swap3A_766 = vector.shape_cast %get3A_762 : vector<16xi32> to vector<16xi32>
      tpu.vector_store %arg16[%swap3A_763], %swap3A_766 {strides = array<i32>} : memref<80xi32, #tpu.memory_space<vmem>>, vector<16xi32>,
      %add3A_767 = vector.broadcast %mul3A_0 : i32 to vector<16xi32>
      %add3A_768 = arith.addi %get3A_762, %add3A_767 : vector<16xi32>
      %swap3A_769 = arith.constant 0 : index
      %swap3A_770 = tpu.vector_load %arg17[%swap3A_769] {strides = array<i32>} : memref<80xi32, #tpu.memory_space<vmem>>, vector<16xi32>,
      %swap3A_771 = vector.shape_cast %swap3A_770 : vector<16xi32> to vector<16xi32>
      %swap3A_772 = vector.shape_cast %add3A_768 : vector<16xi32> to vector<16xi32>
      tpu.vector_store %arg17[%swap3A_769], %swap3A_772 {strides = array<i32>} : memref<80xi32, #tpu.memory_space<vmem>>, vector<16xi32>,
      %get3A_773 = arith.constant 400 : index
      %get3A_774 = tpu.vector_load %arg22[%get3A_773] {strides = array<i32>} : memref<800xi32, #tpu.memory_space<vmem>>, vector<16xi32>,
      %get3A_775 = vector.shape_cast %get3A_774 : vector<16xi32> to vector<16xi32>
      %add3A_776 = vector.broadcast %mul3A_0 : i32 to vector<16xi32>
      %add3A_777 = arith.addi %get3A_775, %add3A_776 : vector<16xi32>
      %swap3A_778 = arith.constant 0 : index
      %swap3A_779 = tpu.vector_load %arg15[%swap3A_778] {strides = array<i32>} : memref<80xi32, #tpu.memory_space<vmem>>, vector<16xi32>,
      %swap3A_780 = vector.shape_cast %swap3A_779 : vector<16xi32> to vector<16xi32>
      %swap3A_781 = vector.shape_cast %add3A_777 : vector<16xi32> to vector<16xi32>
      tpu.vector_store %arg15[%swap3A_778], %swap3A_781 {strides = array<i32>} : memref<80xi32, #tpu.memory_space<vmem>>, vector<16xi32>,
      %get3A_782 = arith.constant 416 : index
      %get3A_783 = tpu.vector_load %arg23[%get3A_782] {strides = array<i32>} : memref<800xi32, #tpu.memory_space<vmem>>, vector<16xi32>,
      %get3A_784 = vector.shape_cast %get3A_783 : vector<16xi32> to vector<16xi32>
      %swap3A_785 = arith.constant 16 : index
      %swap3A_786 = tpu.vector_load %arg16[%swap3A_785] {strides = array<i32>} : memref<80xi32, #tpu.memory_space<vmem>>, vector<16xi32>,
      %swap3A_787 = vector.shape_cast %swap3A_786 : vector<16xi32> to vector<16xi32>
      %swap3A_788 = vector.shape_cast %get3A_784 : vector<16xi32> to vector<16xi32>
      tpu.vector_store %arg16[%swap3A_785], %swap3A_788 {strides = array<i32>} : memref<80xi32, #tpu.memory_space<vmem>>, vector<16xi32>,
      %add3A_789 = vector.broadcast %mul3A_0 : i32 to vector<16xi32>
      %add3A_790 = arith.addi %get3A_784, %add3A_789 : vector<16xi32>
      %swap3A_791 = arith.constant 16 : index
      %swap3A_792 = tpu.vector_load %arg17[%swap3A_791] {strides = array<i32>} : memref<80xi32, #tpu.memory_space<vmem>>, vector<16xi32>,
      %swap3A_793 = vector.shape_cast %swap3A_792 : vector<16xi32> to vector<16xi32>
      %swap3A_794 = vector.shape_cast %add3A_790 : vector<16xi32> to vector<16xi32>
      tpu.vector_store %arg17[%swap3A_791], %swap3A_794 {strides = array<i32>} : memref<80xi32, #tpu.memory_space<vmem>>, vector<16xi32>,
      %get3A_795 = arith.constant 416 : index
      %get3A_796 = tpu.vector_load %arg22[%get3A_795] {strides = array<i32>} : memref<800xi32, #tpu.memory_space<vmem>>, vector<16xi32>,
      %get3A_797 = vector.shape_cast %get3A_796 : vector<16xi32> to vector<16xi32>
      %add3A_798 = vector.broadcast %mul3A_0 : i32 to vector<16xi32>
      %add3A_799 = arith.addi %get3A_797, %add3A_798 : vector<16xi32>
      %swap3A_800 = arith.constant 16 : index
      %swap3A_801 = tpu.vector_load %arg15[%swap3A_800] {strides = array<i32>} : memref<80xi32, #tpu.memory_space<vmem>>, vector<16xi32>,
      %swap3A_802 = vector.shape_cast %swap3A_801 : vector<16xi32> to vector<16xi32>
      %swap3A_803 = vector.shape_cast %add3A_799 : vector<16xi32> to vector<16xi32>
      tpu.vector_store %arg15[%swap3A_800], %swap3A_803 {strides = array<i32>} : memref<80xi32, #tpu.memory_space<vmem>>, vector<16xi32>,
      %get3A_804 = arith.constant 432 : index
      %get3A_805 = tpu.vector_load %arg23[%get3A_804] {strides = array<i32>} : memref<800xi32, #tpu.memory_space<vmem>>, vector<16xi32>,
      %get3A_806 = vector.shape_cast %get3A_805 : vector<16xi32> to vector<16xi32>
      %swap3A_807 = arith.constant 32 : index
      %swap3A_808 = tpu.vector_load %arg16[%swap3A_807] {strides = array<i32>} : memref<80xi32, #tpu.memory_space<vmem>>, vector<16xi32>,
      %swap3A_809 = vector.shape_cast %swap3A_808 : vector<16xi32> to vector<16xi32>
      %swap3A_810 = vector.shape_cast %get3A_806 : vector<16xi32> to vector<16xi32>
      tpu.vector_store %arg16[%swap3A_807], %swap3A_810 {strides = array<i32>} : memref<80xi32, #tpu.memory_space<vmem>>, vector<16xi32>,
      %add3A_811 = vector.broadcast %mul3A_0 : i32 to vector<16xi32>
      %add3A_812 = arith.addi %get3A_806, %add3A_811 : vector<16xi32>
      %swap3A_813 = arith.constant 32 : index
      %swap3A_814 = tpu.vector_load %arg17[%swap3A_813] {strides = array<i32>} : memref<80xi32, #tpu.memory_space<vmem>>, vector<16xi32>,
      %swap3A_815 = vector.shape_cast %swap3A_814 : vector<16xi32> to vector<16xi32>
      %swap3A_816 = vector.shape_cast %add3A_812 : vector<16xi32> to vector<16xi32>
      tpu.vector_store %arg17[%swap3A_813], %swap3A_816 {strides = array<i32>} : memref<80xi32, #tpu.memory_space<vmem>>, vector<16xi32>,
      %get3A_817 = arith.constant 432 : index
      %get3A_818 = tpu.vector_load %arg22[%get3A_817] {strides = array<i32>} : memref<800xi32, #tpu.memory_space<vmem>>, vector<16xi32>,
      %get3A_819 = vector.shape_cast %get3A_818 : vector<16xi32> to vector<16xi32>
      %add3A_820 = vector.broadcast %mul3A_0 : i32 to vector<16xi32>
      %add3A_821 = arith.addi %get3A_819, %add3A_820 : vector<16xi32>
      %swap3A_822 = arith.constant 32 : index
      %swap3A_823 = tpu.vector_load %arg15[%swap3A_822] {strides = array<i32>} : memref<80xi32, #tpu.memory_space<vmem>>, vector<16xi32>,
      %swap3A_824 = vector.shape_cast %swap3A_823 : vector<16xi32> to vector<16xi32>
      %swap3A_825 = vector.shape_cast %add3A_821 : vector<16xi32> to vector<16xi32>
      tpu.vector_store %arg15[%swap3A_822], %swap3A_825 {strides = array<i32>} : memref<80xi32, #tpu.memory_space<vmem>>, vector<16xi32>,
      %get3A_826 = arith.constant 448 : index
      %get3A_827 = tpu.vector_load %arg23[%get3A_826] {strides = array<i32>} : memref<800xi32, #tpu.memory_space<vmem>>, vector<16xi32>,
      %get3A_828 = vector.shape_cast %get3A_827 : vector<16xi32> to vector<16xi32>
      %swap3A_829 = arith.constant 48 : index
      %swap3A_830 = tpu.vector_load %arg16[%swap3A_829] {strides = array<i32>} : memref<80xi32, #tpu.memory_space<vmem>>, vector<16xi32>,
      %swap3A_831 = vector.shape_cast %swap3A_830 : vector<16xi32> to vector<16xi32>
      %swap3A_832 = vector.shape_cast %get3A_828 : vector<16xi32> to vector<16xi32>
      tpu.vector_store %arg16[%swap3A_829], %swap3A_832 {strides = array<i32>} : memref<80xi32, #tpu.memory_space<vmem>>, vector<16xi32>,
      %add3A_833 = vector.broadcast %mul3A_0 : i32 to vector<16xi32>
      %add3A_834 = arith.addi %get3A_828, %add3A_833 : vector<16xi32>
      %swap3A_835 = arith.constant 48 : index
      %swap3A_836 = tpu.vector_load %arg17[%swap3A_835] {strides = array<i32>} : memref<80xi32, #tpu.memory_space<vmem>>, vector<16xi32>,
      %swap3A_837 = vector.shape_cast %swap3A_836 : vector<16xi32> to vector<16xi32>
      %swap3A_838 = vector.shape_cast %add3A_834 : vector<16xi32> to vector<16xi32>
      tpu.vector_store %arg17[%swap3A_835], %swap3A_838 {strides = array<i32>} : memref<80xi32, #tpu.memory_space<vmem>>, vector<16xi32>,
      %get3A_839 = arith.constant 448 : index
      %get3A_840 = tpu.vector_load %arg22[%get3A_839] {strides = array<i32>} : memref<800xi32, #tpu.memory_space<vmem>>, vector<16xi32>,
      %get3A_841 = vector.shape_cast %get3A_840 : vector<16xi32> to vector<16xi32>
      %add3A_842 = vector.broadcast %mul3A_0 : i32 to vector<16xi32>
      %add3A_843 = arith.addi %get3A_841, %add3A_842 : vector<16xi32>
      %swap3A_844 = arith.constant 48 : index
      %swap3A_845 = tpu.vector_load %arg15[%swap3A_844] {strides = array<i32>} : memref<80xi32, #tpu.memory_space<vmem>>, vector<16xi32>,
      %swap3A_846 = vector.shape_cast %swap3A_845 : vector<16xi32> to vector<16xi32>
      %swap3A_847 = vector.shape_cast %add3A_843 : vector<16xi32> to vector<16xi32>
      tpu.vector_store %arg15[%swap3A_844], %swap3A_847 {strides = array<i32>} : memref<80xi32, #tpu.memory_space<vmem>>, vector<16xi32>,
      %get3A_848 = arith.constant 464 : index
      %get3A_849 = tpu.vector_load %arg23[%get3A_848] {strides = array<i32>} : memref<800xi32, #tpu.memory_space<vmem>>, vector<16xi32>,
      %get3A_850 = vector.shape_cast %get3A_849 : vector<16xi32> to vector<16xi32>
      %swap3A_851 = arith.constant 64 : index
      %swap3A_852 = tpu.vector_load %arg16[%swap3A_851] {strides = array<i32>} : memref<80xi32, #tpu.memory_space<vmem>>, vector<16xi32>,
      %swap3A_853 = vector.shape_cast %swap3A_852 : vector<16xi32> to vector<16xi32>
      %swap3A_854 = vector.shape_cast %get3A_850 : vector<16xi32> to vector<16xi32>
      tpu.vector_store %arg16[%swap3A_851], %swap3A_854 {strides = array<i32>} : memref<80xi32, #tpu.memory_space<vmem>>, vector<16xi32>,
      %add3A_855 = vector.broadcast %mul3A_0 : i32 to vector<16xi32>
      %add3A_856 = arith.addi %get3A_850, %add3A_855 : vector<16xi32>
      %swap3A_857 = arith.constant 64 : index
      %swap3A_858 = tpu.vector_load %arg17[%swap3A_857] {strides = array<i32>} : memref<80xi32, #tpu.memory_space<vmem>>, vector<16xi32>,
      %swap3A_859 = vector.shape_cast %swap3A_858 : vector<16xi32> to vector<16xi32>
      %swap3A_860 = vector.shape_cast %add3A_856 : vector<16xi32> to vector<16xi32>
      tpu.vector_store %arg17[%swap3A_857], %swap3A_860 {strides = array<i32>} : memref<80xi32, #tpu.memory_space<vmem>>, vector<16xi32>,
      %get3A_861 = arith.constant 464 : index
      %get3A_862 = tpu.vector_load %arg22[%get3A_861] {strides = array<i32>} : memref<800xi32, #tpu.memory_space<vmem>>, vector<16xi32>,
      %get3A_863 = vector.shape_cast %get3A_862 : vector<16xi32> to vector<16xi32>
      %add3A_864 = vector.broadcast %mul3A_0 : i32 to vector<16xi32>
      %add3A_865 = arith.addi %get3A_863, %add3A_864 : vector<16xi32>
      %swap3A_866 = arith.constant 64 : index
      %swap3A_867 = tpu.vector_load %arg15[%swap3A_866] {strides = array<i32>} : memref<80xi32, #tpu.memory_space<vmem>>, vector<16xi32>,
      %swap3A_868 = vector.shape_cast %swap3A_867 : vector<16xi32> to vector<16xi32>
      %swap3A_869 = vector.shape_cast %add3A_865 : vector<16xi32> to vector<16xi32>
      tpu.vector_store %arg15[%swap3A_866], %swap3A_869 {strides = array<i32>} : memref<80xi32, #tpu.memory_space<vmem>>, vector<16xi32>,
      %dma_start3A_870 = arith.constant 0 : i32
      %dma_start3A_871 = arith.constant 0 : i32
      %dma_start3A_872 = tpu.memref_slice %arg2[%dma_start3A_870, %dma_start3A_871] : memref<20000x64xf32, #tpu.memory_space<hbm>> -> memref<20000x64xf32, #tpu.memory_space<hbm>>
      tpu.enqueue_indirect_dma source(%dma_start3A_872 : memref<20000x64xf32, #tpu.memory_space<hbm>>) target(%arg18 : memref<80x64xf32, #tpu.memory_space<vmem>>) offsets(%arg17 : memref<80xi32, #tpu.memory_space<vmem>>) semaphore(%arg19 : memref<!tpu.dma_semaphore, #tpu.memory_space<semaphore_mem>>)
      %dma_wait3A_873 = arith.constant 0 : i32
      %dma_wait3A_874 = arith.constant 0 : i32
      %dma_wait3A_875 = tpu.memref_slice %arg3[%dma_wait3A_873, %dma_wait3A_874] : memref<20000x64xf32, #tpu.memory_space<hbm>> -> memref<20000x64xf32, #tpu.memory_space<hbm>>
      tpu.wait_indirect_dma semaphore(%arg13 : memref<!tpu.dma_semaphore, #tpu.memory_space<semaphore_mem>>) src(%dma_wait3A_875 : memref<20000x64xf32, #tpu.memory_space<hbm>>) dst(%arg11 : memref<80x64xf32, #tpu.memory_space<vmem>>)
      %scan3A_876 = arith.constant 0 : i32
      %scan3A_877 = arith.constant 0 : i32
      %scan3A_878 = arith.constant 80 : i32
      %scan3A_879 = arith.addi %scan3A_877, %scan3A_878 : i32
      %scan3A_880 = arith.constant 4 : i32
      scf.for %scan3A_1469 = %scan3A_877 to %scan3A_879 step %scan3A_880  : i32 {
        %get3A_1470 = arith.index_cast %scan3A_1469 : i32 to index
        %get3A_1471 = arith.constant 0 : index
        %get3A_1472 = tpu.vector_load %arg11[%get3A_1470, %get3A_1471] {strides = array<i32>} : memref<80x64xf32, #tpu.memory_space<vmem>>, vector<1x16xf32>,
        %get3A_1473 = vector.shape_cast %get3A_1472 : vector<1x16xf32> to vector<16xf32>
        %max3A = arith.constant 0.000000e+00 : f32
        %max3A_1474 = vector.broadcast %max3A : f32 to vector<16xf32>
        %max3A_1475 = arith.maximumf %get3A_1473, %max3A_1474 : vector<16xf32>
        %swap3A_1476 = arith.index_cast %scan3A_1469 : i32 to index
        %swap3A_1477 = arith.constant 0 : index
        %swap3A_1478 = tpu.vector_load %arg11[%swap3A_1476, %swap3A_1477] {strides = array<i32>} : memref<80x64xf32, #tpu.memory_space<vmem>>, vector<1x16xf32>,
        %swap3A_1479 = vector.shape_cast %swap3A_1478 : vector<1x16xf32> to vector<16xf32>
        %swap3A_1480 = vector.shape_cast %max3A_1475 : vector<16xf32> to vector<1x16xf32>
        tpu.vector_store %arg11[%swap3A_1476, %swap3A_1477], %swap3A_1480 {strides = array<i32>} : memref<80x64xf32, #tpu.memory_space<vmem>>, vector<1x16xf32>,
        %get3A_1481 = arith.index_cast %scan3A_1469 : i32 to index
        %get3A_1482 = arith.constant 16 : index
        %get3A_1483 = tpu.vector_load %arg11[%get3A_1481, %get3A_1482] {strides = array<i32>} : memref<80x64xf32, #tpu.memory_space<vmem>>, vector<1x16xf32>,
        %get3A_1484 = vector.shape_cast %get3A_1483 : vector<1x16xf32> to vector<16xf32>
        %max3A_1485 = arith.constant 0.000000e+00 : f32
        %max3A_1486 = vector.broadcast %max3A_1485 : f32 to vector<16xf32>
        %max3A_1487 = arith.maximumf %get3A_1484, %max3A_1486 : vector<16xf32>
        %swap3A_1488 = arith.index_cast %scan3A_1469 : i32 to index
        %swap3A_1489 = arith.constant 16 : index
        %swap3A_1490 = tpu.vector_load %arg11[%swap3A_1488, %swap3A_1489] {strides = array<i32>} : memref<80x64xf32, #tpu.memory_space<vmem>>, vector<1x16xf32>,
        %swap3A_1491 = vector.shape_cast %swap3A_1490 : vector<1x16xf32> to vector<16xf32>
        %swap3A_1492 = vector.shape_cast %max3A_1487 : vector<16xf32> to vector<1x16xf32>
        tpu.vector_store %arg11[%swap3A_1488, %swap3A_1489], %swap3A_1492 {strides = array<i32>} : memref<80x64xf32, #tpu.memory_space<vmem>>, vector<1x16xf32>,
        %get3A_1493 = arith.index_cast %scan3A_1469 : i32 to index
        %get3A_1494 = arith.constant 32 : index
        %get3A_1495 = tpu.vector_load %arg11[%get3A_1493, %get3A_1494] {strides = array<i32>} : memref<80x64xf32, #tpu.memory_space<vmem>>, vector<1x16xf32>,
        %get3A_1496 = vector.shape_cast %get3A_1495 : vector<1x16xf32> to vector<16xf32>
        %max3A_1497 = arith.constant 0.000000e+00 : f32
        %max3A_1498 = vector.broadcast %max3A_1497 : f32 to vector<16xf32>
        %max3A_1499 = arith.maximumf %get3A_1496, %max3A_1498 : vector<16xf32>
        %swap3A_1500 = arith.index_cast %scan3A_1469 : i32 to index
        %swap3A_1501 = arith.constant 32 : index
        %swap3A_1502 = tpu.vector_load %arg11[%swap3A_1500, %swap3A_1501] {strides = array<i32>} : memref<80x64xf32, #tpu.memory_space<vmem>>, vector<1x16xf32>,
        %swap3A_1503 = vector.shape_cast %swap3A_1502 : vector<1x16xf32> to vector<16xf32>
        %swap3A_1504 = vector.shape_cast %max3A_1499 : vector<16xf32> to vector<1x16xf32>
        tpu.vector_store %arg11[%swap3A_1500, %swap3A_1501], %swap3A_1504 {strides = array<i32>} : memref<80x64xf32, #tpu.memory_space<vmem>>, vector<1x16xf32>,
        %get3A_1505 = arith.index_cast %scan3A_1469 : i32 to index
        %get3A_1506 = arith.constant 48 : index
        %get3A_1507 = tpu.vector_load %arg11[%get3A_1505, %get3A_1506] {strides = array<i32>} : memref<80x64xf32, #tpu.memory_space<vmem>>, vector<1x16xf32>,
        %get3A_1508 = vector.shape_cast %get3A_1507 : vector<1x16xf32> to vector<16xf32>
        %max3A_1509 = arith.constant 0.000000e+00 : f32
        %max3A_1510 = vector.broadcast %max3A_1509 : f32 to vector<16xf32>
        %max3A_1511 = arith.maximumf %get3A_1508, %max3A_1510 : vector<16xf32>
        %swap3A_1512 = arith.index_cast %scan3A_1469 : i32 to index
        %swap3A_1513 = arith.constant 48 : index
        %swap3A_1514 = tpu.vector_load %arg11[%swap3A_1512, %swap3A_1513] {strides = array<i32>} : memref<80x64xf32, #tpu.memory_space<vmem>>, vector<1x16xf32>,
        %swap3A_1515 = vector.shape_cast %swap3A_1514 : vector<1x16xf32> to vector<16xf32>
        %swap3A_1516 = vector.shape_cast %max3A_1511 : vector<16xf32> to vector<1x16xf32>
        tpu.vector_store %arg11[%swap3A_1512, %swap3A_1513], %swap3A_1516 {strides = array<i32>} : memref<80x64xf32, #tpu.memory_space<vmem>>, vector<1x16xf32>,
        %scan3A_1517 = arith.constant 1 : i32
        %scan3A_1518 = arith.addi %scan3A_1469, %scan3A_1517 : i32
        %get3A_1519 = arith.index_cast %scan3A_1518 : i32 to index
        %get3A_1520 = arith.constant 0 : index
        %get3A_1521 = tpu.vector_load %arg11[%get3A_1519, %get3A_1520] {strides = array<i32>} : memref<80x64xf32, #tpu.memory_space<vmem>>, vector<1x16xf32>,
        %get3A_1522 = vector.shape_cast %get3A_1521 : vector<1x16xf32> to vector<16xf32>
        %max3A_1523 = arith.constant 0.000000e+00 : f32
        %max3A_1524 = vector.broadcast %max3A_1523 : f32 to vector<16xf32>
        %max3A_1525 = arith.maximumf %get3A_1522, %max3A_1524 : vector<16xf32>
        %swap3A_1526 = arith.index_cast %scan3A_1518 : i32 to index
        %swap3A_1527 = arith.constant 0 : index
        %swap3A_1528 = tpu.vector_load %arg11[%swap3A_1526, %swap3A_1527] {strides = array<i32>} : memref<80x64xf32, #tpu.memory_space<vmem>>, vector<1x16xf32>,
        %swap3A_1529 = vector.shape_cast %swap3A_1528 : vector<1x16xf32> to vector<16xf32>
        %swap3A_1530 = vector.shape_cast %max3A_1525 : vector<16xf32> to vector<1x16xf32>
        tpu.vector_store %arg11[%swap3A_1526, %swap3A_1527], %swap3A_1530 {strides = array<i32>} : memref<80x64xf32, #tpu.memory_space<vmem>>, vector<1x16xf32>,
        %get3A_1531 = arith.index_cast %scan3A_1518 : i32 to index
        %get3A_1532 = arith.constant 16 : index
        %get3A_1533 = tpu.vector_load %arg11[%get3A_1531, %get3A_1532] {strides = array<i32>} : memref<80x64xf32, #tpu.memory_space<vmem>>, vector<1x16xf32>,
        %get3A_1534 = vector.shape_cast %get3A_1533 : vector<1x16xf32> to vector<16xf32>
        %max3A_1535 = arith.constant 0.000000e+00 : f32
        %max3A_1536 = vector.broadcast %max3A_1535 : f32 to vector<16xf32>
        %max3A_1537 = arith.maximumf %get3A_1534, %max3A_1536 : vector<16xf32>
        %swap3A_1538 = arith.index_cast %scan3A_1518 : i32 to index
        %swap3A_1539 = arith.constant 16 : index
        %swap3A_1540 = tpu.vector_load %arg11[%swap3A_1538, %swap3A_1539] {strides = array<i32>} : memref<80x64xf32, #tpu.memory_space<vmem>>, vector<1x16xf32>,
        %swap3A_1541 = vector.shape_cast %swap3A_1540 : vector<1x16xf32> to vector<16xf32>
        %swap3A_1542 = vector.shape_cast %max3A_1537 : vector<16xf32> to vector<1x16xf32>
        tpu.vector_store %arg11[%swap3A_1538, %swap3A_1539], %swap3A_1542 {strides = array<i32>} : memref<80x64xf32, #tpu.memory_space<vmem>>, vector<1x16xf32>,
        %get3A_1543 = arith.index_cast %scan3A_1518 : i32 to index
        %get3A_1544 = arith.constant 32 : index
        %get3A_1545 = tpu.vector_load %arg11[%get3A_1543, %get3A_1544] {strides = array<i32>} : memref<80x64xf32, #tpu.memory_space<vmem>>, vector<1x16xf32>,
        %get3A_1546 = vector.shape_cast %get3A_1545 : vector<1x16xf32> to vector<16xf32>
        %max3A_1547 = arith.constant 0.000000e+00 : f32
        %max3A_1548 = vector.broadcast %max3A_1547 : f32 to vector<16xf32>
        %max3A_1549 = arith.maximumf %get3A_1546, %max3A_1548 : vector<16xf32>
        %swap3A_1550 = arith.index_cast %scan3A_1518 : i32 to index
        %swap3A_1551 = arith.constant 32 : index
        %swap3A_1552 = tpu.vector_load %arg11[%swap3A_1550, %swap3A_1551] {strides = array<i32>} : memref<80x64xf32, #tpu.memory_space<vmem>>, vector<1x16xf32>,
        %swap3A_1553 = vector.shape_cast %swap3A_1552 : vector<1x16xf32> to vector<16xf32>
        %swap3A_1554 = vector.shape_cast %max3A_1549 : vector<16xf32> to vector<1x16xf32>
        tpu.vector_store %arg11[%swap3A_1550, %swap3A_1551], %swap3A_1554 {strides = array<i32>} : memref<80x64xf32, #tpu.memory_space<vmem>>, vector<1x16xf32>,
        %get3A_1555 = arith.index_cast %scan3A_1518 : i32 to index
        %get3A_1556 = arith.constant 48 : index
        %get3A_1557 = tpu.vector_load %arg11[%get3A_1555, %get3A_1556] {strides = array<i32>} : memref<80x64xf32, #tpu.memory_space<vmem>>, vector<1x16xf32>,
        %get3A_1558 = vector.shape_cast %get3A_1557 : vector<1x16xf32> to vector<16xf32>
        %max3A_1559 = arith.constant 0.000000e+00 : f32
        %max3A_1560 = vector.broadcast %max3A_1559 : f32 to vector<16xf32>
        %max3A_1561 = arith.maximumf %get3A_1558, %max3A_1560 : vector<16xf32>
        %swap3A_1562 = arith.index_cast %scan3A_1518 : i32 to index
        %swap3A_1563 = arith.constant 48 : index
        %swap3A_1564 = tpu.vector_load %arg11[%swap3A_1562, %swap3A_1563] {strides = array<i32>} : memref<80x64xf32, #tpu.memory_space<vmem>>, vector<1x16xf32>,
        %swap3A_1565 = vector.shape_cast %swap3A_1564 : vector<1x16xf32> to vector<16xf32>
        %swap3A_1566 = vector.shape_cast %max3A_1561 : vector<16xf32> to vector<1x16xf32>
        tpu.vector_store %arg11[%swap3A_1562, %swap3A_1563], %swap3A_1566 {strides = array<i32>} : memref<80x64xf32, #tpu.memory_space<vmem>>, vector<1x16xf32>,
        %scan3A_1567 = arith.constant 2 : i32
        %scan3A_1568 = arith.addi %scan3A_1469, %scan3A_1567 : i32
        %get3A_1569 = arith.index_cast %scan3A_1568 : i32 to index
        %get3A_1570 = arith.constant 0 : index
        %get3A_1571 = tpu.vector_load %arg11[%get3A_1569, %get3A_1570] {strides = array<i32>} : memref<80x64xf32, #tpu.memory_space<vmem>>, vector<1x16xf32>,
        %get3A_1572 = vector.shape_cast %get3A_1571 : vector<1x16xf32> to vector<16xf32>
        %max3A_1573 = arith.constant 0.000000e+00 : f32
        %max3A_1574 = vector.broadcast %max3A_1573 : f32 to vector<16xf32>
        %max3A_1575 = arith.maximumf %get3A_1572, %max3A_1574 : vector<16xf32>
        %swap3A_1576 = arith.index_cast %scan3A_1568 : i32 to index
        %swap3A_1577 = arith.constant 0 : index
        %swap3A_1578 = tpu.vector_load %arg11[%swap3A_1576, %swap3A_1577] {strides = array<i32>} : memref<80x64xf32, #tpu.memory_space<vmem>>, vector<1x16xf32>,
        %swap3A_1579 = vector.shape_cast %swap3A_1578 : vector<1x16xf32> to vector<16xf32>
        %swap3A_1580 = vector.shape_cast %max3A_1575 : vector<16xf32> to vector<1x16xf32>
        tpu.vector_store %arg11[%swap3A_1576, %swap3A_1577], %swap3A_1580 {strides = array<i32>} : memref<80x64xf32, #tpu.memory_space<vmem>>, vector<1x16xf32>,
        %get3A_1581 = arith.index_cast %scan3A_1568 : i32 to index
        %get3A_1582 = arith.constant 16 : index
        %get3A_1583 = tpu.vector_load %arg11[%get3A_1581, %get3A_1582] {strides = array<i32>} : memref<80x64xf32, #tpu.memory_space<vmem>>, vector<1x16xf32>,
        %get3A_1584 = vector.shape_cast %get3A_1583 : vector<1x16xf32> to vector<16xf32>
        %max3A_1585 = arith.constant 0.000000e+00 : f32
        %max3A_1586 = vector.broadcast %max3A_1585 : f32 to vector<16xf32>
        %max3A_1587 = arith.maximumf %get3A_1584, %max3A_1586 : vector<16xf32>
        %swap3A_1588 = arith.index_cast %scan3A_1568 : i32 to index
        %swap3A_1589 = arith.constant 16 : index
        %swap3A_1590 = tpu.vector_load %arg11[%swap3A_1588, %swap3A_1589] {strides = array<i32>} : memref<80x64xf32, #tpu.memory_space<vmem>>, vector<1x16xf32>,
        %swap3A_1591 = vector.shape_cast %swap3A_1590 : vector<1x16xf32> to vector<16xf32>
        %swap3A_1592 = vector.shape_cast %max3A_1587 : vector<16xf32> to vector<1x16xf32>
        tpu.vector_store %arg11[%swap3A_1588, %swap3A_1589], %swap3A_1592 {strides = array<i32>} : memref<80x64xf32, #tpu.memory_space<vmem>>, vector<1x16xf32>,
        %get3A_1593 = arith.index_cast %scan3A_1568 : i32 to index
        %get3A_1594 = arith.constant 32 : index
        %get3A_1595 = tpu.vector_load %arg11[%get3A_1593, %get3A_1594] {strides = array<i32>} : memref<80x64xf32, #tpu.memory_space<vmem>>, vector<1x16xf32>,
        %get3A_1596 = vector.shape_cast %get3A_1595 : vector<1x16xf32> to vector<16xf32>
        %max3A_1597 = arith.constant 0.000000e+00 : f32
        %max3A_1598 = vector.broadcast %max3A_1597 : f32 to vector<16xf32>
        %max3A_1599 = arith.maximumf %get3A_1596, %max3A_1598 : vector<16xf32>
        %swap3A_1600 = arith.index_cast %scan3A_1568 : i32 to index
        %swap3A_1601 = arith.constant 32 : index
        %swap3A_1602 = tpu.vector_load %arg11[%swap3A_1600, %swap3A_1601] {strides = array<i32>} : memref<80x64xf32, #tpu.memory_space<vmem>>, vector<1x16xf32>,
        %swap3A_1603 = vector.shape_cast %swap3A_1602 : vector<1x16xf32> to vector<16xf32>
        %swap3A_1604 = vector.shape_cast %max3A_1599 : vector<16xf32> to vector<1x16xf32>
        tpu.vector_store %arg11[%swap3A_1600, %swap3A_1601], %swap3A_1604 {strides = array<i32>} : memref<80x64xf32, #tpu.memory_space<vmem>>, vector<1x16xf32>,
        %get3A_1605 = arith.index_cast %scan3A_1568 : i32 to index
        %get3A_1606 = arith.constant 48 : index
        %get3A_1607 = tpu.vector_load %arg11[%get3A_1605, %get3A_1606] {strides = array<i32>} : memref<80x64xf32, #tpu.memory_space<vmem>>, vector<1x16xf32>,
        %get3A_1608 = vector.shape_cast %get3A_1607 : vector<1x16xf32> to vector<16xf32>
        %max3A_1609 = arith.constant 0.000000e+00 : f32
        %max3A_1610 = vector.broadcast %max3A_1609 : f32 to vector<16xf32>
        %max3A_1611 = arith.maximumf %get3A_1608, %max3A_1610 : vector<16xf32>
        %swap3A_1612 = arith.index_cast %scan3A_1568 : i32 to index
        %swap3A_1613 = arith.constant 48 : index
        %swap3A_1614 = tpu.vector_load %arg11[%swap3A_1612, %swap3A_1613] {strides = array<i32>} : memref<80x64xf32, #tpu.memory_space<vmem>>, vector<1x16xf32>,
        %swap3A_1615 = vector.shape_cast %swap3A_1614 : vector<1x16xf32> to vector<16xf32>
        %swap3A_1616 = vector.shape_cast %max3A_1611 : vector<16xf32> to vector<1x16xf32>
        tpu.vector_store %arg11[%swap3A_1612, %swap3A_1613], %swap3A_1616 {strides = array<i32>} : memref<80x64xf32, #tpu.memory_space<vmem>>, vector<1x16xf32>,
        %scan3A_1617 = arith.constant 3 : i32
        %scan3A_1618 = arith.addi %scan3A_1469, %scan3A_1617 : i32
        %get3A_1619 = arith.index_cast %scan3A_1618 : i32 to index
        %get3A_1620 = arith.constant 0 : index
        %get3A_1621 = tpu.vector_load %arg11[%get3A_1619, %get3A_1620] {strides = array<i32>} : memref<80x64xf32, #tpu.memory_space<vmem>>, vector<1x16xf32>,
        %get3A_1622 = vector.shape_cast %get3A_1621 : vector<1x16xf32> to vector<16xf32>
        %max3A_1623 = arith.constant 0.000000e+00 : f32
        %max3A_1624 = vector.broadcast %max3A_1623 : f32 to vector<16xf32>
        %max3A_1625 = arith.maximumf %get3A_1622, %max3A_1624 : vector<16xf32>
        %swap3A_1626 = arith.index_cast %scan3A_1618 : i32 to index
        %swap3A_1627 = arith.constant 0 : index
        %swap3A_1628 = tpu.vector_load %arg11[%swap3A_1626, %swap3A_1627] {strides = array<i32>} : memref<80x64xf32, #tpu.memory_space<vmem>>, vector<1x16xf32>,
        %swap3A_1629 = vector.shape_cast %swap3A_1628 : vector<1x16xf32> to vector<16xf32>
        %swap3A_1630 = vector.shape_cast %max3A_1625 : vector<16xf32> to vector<1x16xf32>
        tpu.vector_store %arg11[%swap3A_1626, %swap3A_1627], %swap3A_1630 {strides = array<i32>} : memref<80x64xf32, #tpu.memory_space<vmem>>, vector<1x16xf32>,
        %get3A_1631 = arith.index_cast %scan3A_1618 : i32 to index
        %get3A_1632 = arith.constant 16 : index
        %get3A_1633 = tpu.vector_load %arg11[%get3A_1631, %get3A_1632] {strides = array<i32>} : memref<80x64xf32, #tpu.memory_space<vmem>>, vector<1x16xf32>,
        %get3A_1634 = vector.shape_cast %get3A_1633 : vector<1x16xf32> to vector<16xf32>
        %max3A_1635 = arith.constant 0.000000e+00 : f32
        %max3A_1636 = vector.broadcast %max3A_1635 : f32 to vector<16xf32>
        %max3A_1637 = arith.maximumf %get3A_1634, %max3A_1636 : vector<16xf32>
        %swap3A_1638 = arith.index_cast %scan3A_1618 : i32 to index
        %swap3A_1639 = arith.constant 16 : index
        %swap3A_1640 = tpu.vector_load %arg11[%swap3A_1638, %swap3A_1639] {strides = array<i32>} : memref<80x64xf32, #tpu.memory_space<vmem>>, vector<1x16xf32>,
        %swap3A_1641 = vector.shape_cast %swap3A_1640 : vector<1x16xf32> to vector<16xf32>
        %swap3A_1642 = vector.shape_cast %max3A_1637 : vector<16xf32> to vector<1x16xf32>
        tpu.vector_store %arg11[%swap3A_1638, %swap3A_1639], %swap3A_1642 {strides = array<i32>} : memref<80x64xf32, #tpu.memory_space<vmem>>, vector<1x16xf32>,
        %get3A_1643 = arith.index_cast %scan3A_1618 : i32 to index
        %get3A_1644 = arith.constant 32 : index
        %get3A_1645 = tpu.vector_load %arg11[%get3A_1643, %get3A_1644] {strides = array<i32>} : memref<80x64xf32, #tpu.memory_space<vmem>>, vector<1x16xf32>,
        %get3A_1646 = vector.shape_cast %get3A_1645 : vector<1x16xf32> to vector<16xf32>
        %max3A_1647 = arith.constant 0.000000e+00 : f32
        %max3A_1648 = vector.broadcast %max3A_1647 : f32 to vector<16xf32>
        %max3A_1649 = arith.maximumf %get3A_1646, %max3A_1648 : vector<16xf32>
        %swap3A_1650 = arith.index_cast %scan3A_1618 : i32 to index
        %swap3A_1651 = arith.constant 32 : index
        %swap3A_1652 = tpu.vector_load %arg11[%swap3A_1650, %swap3A_1651] {strides = array<i32>} : memref<80x64xf32, #tpu.memory_space<vmem>>, vector<1x16xf32>,
        %swap3A_1653 = vector.shape_cast %swap3A_1652 : vector<1x16xf32> to vector<16xf32>
        %swap3A_1654 = vector.shape_cast %max3A_1649 : vector<16xf32> to vector<1x16xf32>
        tpu.vector_store %arg11[%swap3A_1650, %swap3A_1651], %swap3A_1654 {strides = array<i32>} : memref<80x64xf32, #tpu.memory_space<vmem>>, vector<1x16xf32>,
        %get3A_1655 = arith.index_cast %scan3A_1618 : i32 to index
        %get3A_1656 = arith.constant 48 : index
        %get3A_1657 = tpu.vector_load %arg11[%get3A_1655, %get3A_1656] {strides = array<i32>} : memref<80x64xf32, #tpu.memory_space<vmem>>, vector<1x16xf32>,
        %get3A_1658 = vector.shape_cast %get3A_1657 : vector<1x16xf32> to vector<16xf32>
        %max3A_1659 = arith.constant 0.000000e+00 : f32
        %max3A_1660 = vector.broadcast %max3A_1659 : f32 to vector<16xf32>
        %max3A_1661 = arith.maximumf %get3A_1658, %max3A_1660 : vector<16xf32>
        %swap3A_1662 = arith.index_cast %scan3A_1618 : i32 to index
        %swap3A_1663 = arith.constant 48 : index
        %swap3A_1664 = tpu.vector_load %arg11[%swap3A_1662, %swap3A_1663] {strides = array<i32>} : memref<80x64xf32, #tpu.memory_space<vmem>>, vector<1x16xf32>,
        %swap3A_1665 = vector.shape_cast %swap3A_1664 : vector<1x16xf32> to vector<16xf32>
        %swap3A_1666 = vector.shape_cast %max3A_1661 : vector<16xf32> to vector<1x16xf32>
        tpu.vector_store %arg11[%swap3A_1662, %swap3A_1663], %swap3A_1666 {strides = array<i32>} : memref<80x64xf32, #tpu.memory_space<vmem>>, vector<1x16xf32>,
      }
      %scan3A_881 = arith.constant 80 : i32
      %dma_start3A_882 = arith.constant 0 : i32
      %dma_start3A_883 = arith.constant 0 : i32
      %dma_start3A_884 = tpu.memref_slice %arg27[%dma_start3A_882, %dma_start3A_883] : memref<10240x64xf32, #tpu.memory_space<vmem_shared>> -> memref<10240x64xf32, #tpu.memory_space<vmem_shared>>
      tpu.enqueue_indirect_dma source(%arg11 : memref<80x64xf32, #tpu.memory_space<vmem>>) target(%dma_start3A_884 : memref<10240x64xf32, #tpu.memory_space<vmem_shared>>) offsets(%arg9 : memref<80xi32, #tpu.memory_space<vmem>>) semaphore(%arg14 : memref<!tpu.dma_semaphore, #tpu.memory_space<semaphore_mem>>) {add = true}
      %dma_start3A_885 = arith.constant 0 : i32
      %dma_start3A_886 = arith.constant 0 : i32
      %dma_start3A_887 = tpu.memref_slice %arg28[%dma_start3A_885, %dma_start3A_886] : memref<10240x16xf32, #tpu.memory_space<vmem_shared>> -> memref<10240x16xf32, #tpu.memory_space<vmem_shared>>
      tpu.enqueue_indirect_dma source(%arg24 : memref<80x16xf32, #tpu.memory_space<vmem>>) target(%dma_start3A_887 : memref<10240x16xf32, #tpu.memory_space<vmem_shared>>) offsets(%arg9 : memref<80xi32, #tpu.memory_space<vmem>>) semaphore(%arg14 : memref<!tpu.dma_semaphore, #tpu.memory_space<semaphore_mem>>) {add = true}
      %dma_wait3A_888 = arith.constant 0 : i32
      %dma_wait3A_889 = arith.constant 0 : i32
      %dma_wait3A_890 = tpu.memref_slice %arg2[%dma_wait3A_888, %dma_wait3A_889] : memref<20000x64xf32, #tpu.memory_space<hbm>> -> memref<20000x64xf32, #tpu.memory_space<hbm>>
      tpu.wait_indirect_dma semaphore(%arg19 : memref<!tpu.dma_semaphore, #tpu.memory_space<semaphore_mem>>) src(%dma_wait3A_890 : memref<20000x64xf32, #tpu.memory_space<hbm>>) dst(%arg18 : memref<80x64xf32, #tpu.memory_space<vmem>>)
      %dma_start3A_891 = arith.constant 0 : i32
      %dma_start3A_892 = arith.constant 0 : i32
      %dma_start3A_893 = tpu.memref_slice %arg3[%dma_start3A_891, %dma_start3A_892] : memref<20000x64xf32, #tpu.memory_space<hbm>> -> memref<20000x64xf32, #tpu.memory_space<hbm>>
      tpu.enqueue_indirect_dma source(%dma_start3A_893 : memref<20000x64xf32, #tpu.memory_space<hbm>>) target(%arg18 : memref<80x64xf32, #tpu.memory_space<vmem>>) offsets(%arg15 : memref<80xi32, #tpu.memory_space<vmem>>) semaphore(%arg20 : memref<!tpu.dma_semaphore, #tpu.memory_space<semaphore_mem>>) {add = true}
      %dma_wait3A_894 = arith.constant 0 : i32
      %dma_wait3A_895 = arith.constant 0 : i32
      %dma_wait3A_896 = tpu.memref_slice %arg27[%dma_wait3A_894, %dma_wait3A_895] : memref<10240x64xf32, #tpu.memory_space<vmem_shared>> -> memref<10240x64xf32, #tpu.memory_space<vmem_shared>>
      tpu.wait_indirect_dma semaphore(%arg14 : memref<!tpu.dma_semaphore, #tpu.memory_space<semaphore_mem>>) src(%arg11 : memref<80x64xf32, #tpu.memory_space<vmem>>) dst(%dma_wait3A_896 : memref<10240x64xf32, #tpu.memory_space<vmem_shared>>)
      %dma_wait3A_897 = arith.constant 0 : i32
      %dma_wait3A_898 = arith.constant 0 : i32
      %dma_wait3A_899 = tpu.memref_slice %arg28[%dma_wait3A_897, %dma_wait3A_898] : memref<10240x16xf32, #tpu.memory_space<vmem_shared>> -> memref<10240x16xf32, #tpu.memory_space<vmem_shared>>
      tpu.wait_indirect_dma semaphore(%arg14 : memref<!tpu.dma_semaphore, #tpu.memory_space<semaphore_mem>>) src(%arg24 : memref<80x16xf32, #tpu.memory_space<vmem>>) dst(%dma_wait3A_899 : memref<10240x16xf32, #tpu.memory_space<vmem_shared>>)
      %get3A_900 = arith.constant 480 : index
      %get3A_901 = tpu.vector_load %arg23[%get3A_900] {strides = array<i32>} : memref<800xi32, #tpu.memory_space<vmem>>, vector<16xi32>,
      %get3A_902 = vector.shape_cast %get3A_901 : vector<16xi32> to vector<16xi32>
      %swap3A_903 = arith.constant 0 : index
      %swap3A_904 = tpu.vector_load %arg9[%swap3A_903] {strides = array<i32>} : memref<80xi32, #tpu.memory_space<vmem>>, vector<16xi32>,
      %swap3A_905 = vector.shape_cast %swap3A_904 : vector<16xi32> to vector<16xi32>
      %swap3A_906 = vector.shape_cast %get3A_902 : vector<16xi32> to vector<16xi32>
      tpu.vector_store %arg9[%swap3A_903], %swap3A_906 {strides = array<i32>} : memref<80xi32, #tpu.memory_space<vmem>>, vector<16xi32>,
      %add3A_907 = vector.broadcast %mul3A_0 : i32 to vector<16xi32>
      %add3A_908 = arith.addi %get3A_902, %add3A_907 : vector<16xi32>
      %swap3A_909 = arith.constant 0 : index
      %swap3A_910 = tpu.vector_load %arg10[%swap3A_909] {strides = array<i32>} : memref<80xi32, #tpu.memory_space<vmem>>, vector<16xi32>,
      %swap3A_911 = vector.shape_cast %swap3A_910 : vector<16xi32> to vector<16xi32>
      %swap3A_912 = vector.shape_cast %add3A_908 : vector<16xi32> to vector<16xi32>
      tpu.vector_store %arg10[%swap3A_909], %swap3A_912 {strides = array<i32>} : memref<80xi32, #tpu.memory_space<vmem>>, vector<16xi32>,
      %get3A_913 = arith.constant 480 : index
      %get3A_914 = tpu.vector_load %arg22[%get3A_913] {strides = array<i32>} : memref<800xi32, #tpu.memory_space<vmem>>, vector<16xi32>,
      %get3A_915 = vector.shape_cast %get3A_914 : vector<16xi32> to vector<16xi32>
      %add3A_916 = vector.broadcast %mul3A_0 : i32 to vector<16xi32>
      %add3A_917 = arith.addi %get3A_915, %add3A_916 : vector<16xi32>
      %swap3A_918 = arith.constant 0 : index
      %swap3A_919 = tpu.vector_load %arg8[%swap3A_918] {strides = array<i32>} : memref<80xi32, #tpu.memory_space<vmem>>, vector<16xi32>,
      %swap3A_920 = vector.shape_cast %swap3A_919 : vector<16xi32> to vector<16xi32>
      %swap3A_921 = vector.shape_cast %add3A_917 : vector<16xi32> to vector<16xi32>
      tpu.vector_store %arg8[%swap3A_918], %swap3A_921 {strides = array<i32>} : memref<80xi32, #tpu.memory_space<vmem>>, vector<16xi32>,
      %get3A_922 = arith.constant 496 : index
      %get3A_923 = tpu.vector_load %arg23[%get3A_922] {strides = array<i32>} : memref<800xi32, #tpu.memory_space<vmem>>, vector<16xi32>,
      %get3A_924 = vector.shape_cast %get3A_923 : vector<16xi32> to vector<16xi32>
      %swap3A_925 = arith.constant 16 : index
      %swap3A_926 = tpu.vector_load %arg9[%swap3A_925] {strides = array<i32>} : memref<80xi32, #tpu.memory_space<vmem>>, vector<16xi32>,
      %swap3A_927 = vector.shape_cast %swap3A_926 : vector<16xi32> to vector<16xi32>
      %swap3A_928 = vector.shape_cast %get3A_924 : vector<16xi32> to vector<16xi32>
      tpu.vector_store %arg9[%swap3A_925], %swap3A_928 {strides = array<i32>} : memref<80xi32, #tpu.memory_space<vmem>>, vector<16xi32>,
      %add3A_929 = vector.broadcast %mul3A_0 : i32 to vector<16xi32>
      %add3A_930 = arith.addi %get3A_924, %add3A_929 : vector<16xi32>
      %swap3A_931 = arith.constant 16 : index
      %swap3A_932 = tpu.vector_load %arg10[%swap3A_931] {strides = array<i32>} : memref<80xi32, #tpu.memory_space<vmem>>, vector<16xi32>,
      %swap3A_933 = vector.shape_cast %swap3A_932 : vector<16xi32> to vector<16xi32>
      %swap3A_934 = vector.shape_cast %add3A_930 : vector<16xi32> to vector<16xi32>
      tpu.vector_store %arg10[%swap3A_931], %swap3A_934 {strides = array<i32>} : memref<80xi32, #tpu.memory_space<vmem>>, vector<16xi32>,
      %get3A_935 = arith.constant 496 : index
      %get3A_936 = tpu.vector_load %arg22[%get3A_935] {strides = array<i32>} : memref<800xi32, #tpu.memory_space<vmem>>, vector<16xi32>,
      %get3A_937 = vector.shape_cast %get3A_936 : vector<16xi32> to vector<16xi32>
      %add3A_938 = vector.broadcast %mul3A_0 : i32 to vector<16xi32>
      %add3A_939 = arith.addi %get3A_937, %add3A_938 : vector<16xi32>
      %swap3A_940 = arith.constant 16 : index
      %swap3A_941 = tpu.vector_load %arg8[%swap3A_940] {strides = array<i32>} : memref<80xi32, #tpu.memory_space<vmem>>, vector<16xi32>,
      %swap3A_942 = vector.shape_cast %swap3A_941 : vector<16xi32> to vector<16xi32>
      %swap3A_943 = vector.shape_cast %add3A_939 : vector<16xi32> to vector<16xi32>
      tpu.vector_store %arg8[%swap3A_940], %swap3A_943 {strides = array<i32>} : memref<80xi32, #tpu.memory_space<vmem>>, vector<16xi32>,
      %get3A_944 = arith.constant 512 : index
      %get3A_945 = tpu.vector_load %arg23[%get3A_944] {strides = array<i32>} : memref<800xi32, #tpu.memory_space<vmem>>, vector<16xi32>,
      %get3A_946 = vector.shape_cast %get3A_945 : vector<16xi32> to vector<16xi32>
      %swap3A_947 = arith.constant 32 : index
      %swap3A_948 = tpu.vector_load %arg9[%swap3A_947] {strides = array<i32>} : memref<80xi32, #tpu.memory_space<vmem>>, vector<16xi32>,
      %swap3A_949 = vector.shape_cast %swap3A_948 : vector<16xi32> to vector<16xi32>
      %swap3A_950 = vector.shape_cast %get3A_946 : vector<16xi32> to vector<16xi32>
      tpu.vector_store %arg9[%swap3A_947], %swap3A_950 {strides = array<i32>} : memref<80xi32, #tpu.memory_space<vmem>>, vector<16xi32>,
      %add3A_951 = vector.broadcast %mul3A_0 : i32 to vector<16xi32>
      %add3A_952 = arith.addi %get3A_946, %add3A_951 : vector<16xi32>
      %swap3A_953 = arith.constant 32 : index
      %swap3A_954 = tpu.vector_load %arg10[%swap3A_953] {strides = array<i32>} : memref<80xi32, #tpu.memory_space<vmem>>, vector<16xi32>,
      %swap3A_955 = vector.shape_cast %swap3A_954 : vector<16xi32> to vector<16xi32>
      %swap3A_956 = vector.shape_cast %add3A_952 : vector<16xi32> to vector<16xi32>
      tpu.vector_store %arg10[%swap3A_953], %swap3A_956 {strides = array<i32>} : memref<80xi32, #tpu.memory_space<vmem>>, vector<16xi32>,
      %get3A_957 = arith.constant 512 : index
      %get3A_958 = tpu.vector_load %arg22[%get3A_957] {strides = array<i32>} : memref<800xi32, #tpu.memory_space<vmem>>, vector<16xi32>,
      %get3A_959 = vector.shape_cast %get3A_958 : vector<16xi32> to vector<16xi32>
      %add3A_960 = vector.broadcast %mul3A_0 : i32 to vector<16xi32>
      %add3A_961 = arith.addi %get3A_959, %add3A_960 : vector<16xi32>
      %swap3A_962 = arith.constant 32 : index
      %swap3A_963 = tpu.vector_load %arg8[%swap3A_962] {strides = array<i32>} : memref<80xi32, #tpu.memory_space<vmem>>, vector<16xi32>,
      %swap3A_964 = vector.shape_cast %swap3A_963 : vector<16xi32> to vector<16xi32>
      %swap3A_965 = vector.shape_cast %add3A_961 : vector<16xi32> to vector<16xi32>
      tpu.vector_store %arg8[%swap3A_962], %swap3A_965 {strides = array<i32>} : memref<80xi32, #tpu.memory_space<vmem>>, vector<16xi32>,
      %get3A_966 = arith.constant 528 : index
      %get3A_967 = tpu.vector_load %arg23[%get3A_966] {strides = array<i32>} : memref<800xi32, #tpu.memory_space<vmem>>, vector<16xi32>,
      %get3A_968 = vector.shape_cast %get3A_967 : vector<16xi32> to vector<16xi32>
      %swap3A_969 = arith.constant 48 : index
      %swap3A_970 = tpu.vector_load %arg9[%swap3A_969] {strides = array<i32>} : memref<80xi32, #tpu.memory_space<vmem>>, vector<16xi32>,
      %swap3A_971 = vector.shape_cast %swap3A_970 : vector<16xi32> to vector<16xi32>
      %swap3A_972 = vector.shape_cast %get3A_968 : vector<16xi32> to vector<16xi32>
      tpu.vector_store %arg9[%swap3A_969], %swap3A_972 {strides = array<i32>} : memref<80xi32, #tpu.memory_space<vmem>>, vector<16xi32>,
      %add3A_973 = vector.broadcast %mul3A_0 : i32 to vector<16xi32>
      %add3A_974 = arith.addi %get3A_968, %add3A_973 : vector<16xi32>
      %swap3A_975 = arith.constant 48 : index
      %swap3A_976 = tpu.vector_load %arg10[%swap3A_975] {strides = array<i32>} : memref<80xi32, #tpu.memory_space<vmem>>, vector<16xi32>,
      %swap3A_977 = vector.shape_cast %swap3A_976 : vector<16xi32> to vector<16xi32>
      %swap3A_978 = vector.shape_cast %add3A_974 : vector<16xi32> to vector<16xi32>
      tpu.vector_store %arg10[%swap3A_975], %swap3A_978 {strides = array<i32>} : memref<80xi32, #tpu.memory_space<vmem>>, vector<16xi32>,
      %get3A_979 = arith.constant 528 : index
      %get3A_980 = tpu.vector_load %arg22[%get3A_979] {strides = array<i32>} : memref<800xi32, #tpu.memory_space<vmem>>, vector<16xi32>,
      %get3A_981 = vector.shape_cast %get3A_980 : vector<16xi32> to vector<16xi32>
      %add3A_982 = vector.broadcast %mul3A_0 : i32 to vector<16xi32>
      %add3A_983 = arith.addi %get3A_981, %add3A_982 : vector<16xi32>
      %swap3A_984 = arith.constant 48 : index
      %swap3A_985 = tpu.vector_load %arg8[%swap3A_984] {strides = array<i32>} : memref<80xi32, #tpu.memory_space<vmem>>, vector<16xi32>,
      %swap3A_986 = vector.shape_cast %swap3A_985 : vector<16xi32> to vector<16xi32>
      %swap3A_987 = vector.shape_cast %add3A_983 : vector<16xi32> to vector<16xi32>
      tpu.vector_store %arg8[%swap3A_984], %swap3A_987 {strides = array<i32>} : memref<80xi32, #tpu.memory_space<vmem>>, vector<16xi32>,
      %get3A_988 = arith.constant 544 : index
      %get3A_989 = tpu.vector_load %arg23[%get3A_988] {strides = array<i32>} : memref<800xi32, #tpu.memory_space<vmem>>, vector<16xi32>,
      %get3A_990 = vector.shape_cast %get3A_989 : vector<16xi32> to vector<16xi32>
      %swap3A_991 = arith.constant 64 : index
      %swap3A_992 = tpu.vector_load %arg9[%swap3A_991] {strides = array<i32>} : memref<80xi32, #tpu.memory_space<vmem>>, vector<16xi32>,
      %swap3A_993 = vector.shape_cast %swap3A_992 : vector<16xi32> to vector<16xi32>
      %swap3A_994 = vector.shape_cast %get3A_990 : vector<16xi32> to vector<16xi32>
      tpu.vector_store %arg9[%swap3A_991], %swap3A_994 {strides = array<i32>} : memref<80xi32, #tpu.memory_space<vmem>>, vector<16xi32>,
      %add3A_995 = vector.broadcast %mul3A_0 : i32 to vector<16xi32>
      %add3A_996 = arith.addi %get3A_990, %add3A_995 : vector<16xi32>
      %swap3A_997 = arith.constant 64 : index
      %swap3A_998 = tpu.vector_load %arg10[%swap3A_997] {strides = array<i32>} : memref<80xi32, #tpu.memory_space<vmem>>, vector<16xi32>,
      %swap3A_999 = vector.shape_cast %swap3A_998 : vector<16xi32> to vector<16xi32>
      %swap3A_1000 = vector.shape_cast %add3A_996 : vector<16xi32> to vector<16xi32>
      tpu.vector_store %arg10[%swap3A_997], %swap3A_1000 {strides = array<i32>} : memref<80xi32, #tpu.memory_space<vmem>>, vector<16xi32>,
      %get3A_1001 = arith.constant 544 : index
      %get3A_1002 = tpu.vector_load %arg22[%get3A_1001] {strides = array<i32>} : memref<800xi32, #tpu.memory_space<vmem>>, vector<16xi32>,
      %get3A_1003 = vector.shape_cast %get3A_1002 : vector<16xi32> to vector<16xi32>
      %add3A_1004 = vector.broadcast %mul3A_0 : i32 to vector<16xi32>
      %add3A_1005 = arith.addi %get3A_1003, %add3A_1004 : vector<16xi32>
      %swap3A_1006 = arith.constant 64 : index
      %swap3A_1007 = tpu.vector_load %arg8[%swap3A_1006] {strides = array<i32>} : memref<80xi32, #tpu.memory_space<vmem>>, vector<16xi32>,
      %swap3A_1008 = vector.shape_cast %swap3A_1007 : vector<16xi32> to vector<16xi32>
      %swap3A_1009 = vector.shape_cast %add3A_1005 : vector<16xi32> to vector<16xi32>
      tpu.vector_store %arg8[%swap3A_1006], %swap3A_1009 {strides = array<i32>} : memref<80xi32, #tpu.memory_space<vmem>>, vector<16xi32>,
      %dma_start3A_1010 = arith.constant 0 : i32
      %dma_start3A_1011 = arith.constant 0 : i32
      %dma_start3A_1012 = tpu.memref_slice %arg2[%dma_start3A_1010, %dma_start3A_1011] : memref<20000x64xf32, #tpu.memory_space<hbm>> -> memref<20000x64xf32, #tpu.memory_space<hbm>>
      tpu.enqueue_indirect_dma source(%dma_start3A_1012 : memref<20000x64xf32, #tpu.memory_space<hbm>>) target(%arg11 : memref<80x64xf32, #tpu.memory_space<vmem>>) offsets(%arg10 : memref<80xi32, #tpu.memory_space<vmem>>) semaphore(%arg12 : memref<!tpu.dma_semaphore, #tpu.memory_space<semaphore_mem>>)
      %dma_wait3A_1013 = arith.constant 0 : i32
      %dma_wait3A_1014 = arith.constant 0 : i32
      %dma_wait3A_1015 = tpu.memref_slice %arg3[%dma_wait3A_1013, %dma_wait3A_1014] : memref<20000x64xf32, #tpu.memory_space<hbm>> -> memref<20000x64xf32, #tpu.memory_space<hbm>>
      tpu.wait_indirect_dma semaphore(%arg20 : memref<!tpu.dma_semaphore, #tpu.memory_space<semaphore_mem>>) src(%dma_wait3A_1015 : memref<20000x64xf32, #tpu.memory_space<hbm>>) dst(%arg18 : memref<80x64xf32, #tpu.memory_space<vmem>>)
      %scan3A_1016 = arith.constant 0 : i32
      %scan3A_1017 = arith.constant 0 : i32
      %scan3A_1018 = arith.constant 80 : i32
      %scan3A_1019 = arith.addi %scan3A_1017, %scan3A_1018 : i32
      %scan3A_1020 = arith.constant 4 : i32
      scf.for %scan3A_1469 = %scan3A_1017 to %scan3A_1019 step %scan3A_1020  : i32 {
        %get3A_1470 = arith.index_cast %scan3A_1469 : i32 to index
        %get3A_1471 = arith.constant 0 : index
        %get3A_1472 = tpu.vector_load %arg18[%get3A_1470, %get3A_1471] {strides = array<i32>} : memref<80x64xf32, #tpu.memory_space<vmem>>, vector<1x16xf32>,
        %get3A_1473 = vector.shape_cast %get3A_1472 : vector<1x16xf32> to vector<16xf32>
        %max3A = arith.constant 0.000000e+00 : f32
        %max3A_1474 = vector.broadcast %max3A : f32 to vector<16xf32>
        %max3A_1475 = arith.maximumf %get3A_1473, %max3A_1474 : vector<16xf32>
        %swap3A_1476 = arith.index_cast %scan3A_1469 : i32 to index
        %swap3A_1477 = arith.constant 0 : index
        %swap3A_1478 = tpu.vector_load %arg18[%swap3A_1476, %swap3A_1477] {strides = array<i32>} : memref<80x64xf32, #tpu.memory_space<vmem>>, vector<1x16xf32>,
        %swap3A_1479 = vector.shape_cast %swap3A_1478 : vector<1x16xf32> to vector<16xf32>
        %swap3A_1480 = vector.shape_cast %max3A_1475 : vector<16xf32> to vector<1x16xf32>
        tpu.vector_store %arg18[%swap3A_1476, %swap3A_1477], %swap3A_1480 {strides = array<i32>} : memref<80x64xf32, #tpu.memory_space<vmem>>, vector<1x16xf32>,
        %get3A_1481 = arith.index_cast %scan3A_1469 : i32 to index
        %get3A_1482 = arith.constant 16 : index
        %get3A_1483 = tpu.vector_load %arg18[%get3A_1481, %get3A_1482] {strides = array<i32>} : memref<80x64xf32, #tpu.memory_space<vmem>>, vector<1x16xf32>,
        %get3A_1484 = vector.shape_cast %get3A_1483 : vector<1x16xf32> to vector<16xf32>
        %max3A_1485 = arith.constant 0.000000e+00 : f32
        %max3A_1486 = vector.broadcast %max3A_1485 : f32 to vector<16xf32>
        %max3A_1487 = arith.maximumf %get3A_1484, %max3A_1486 : vector<16xf32>
        %swap3A_1488 = arith.index_cast %scan3A_1469 : i32 to index
        %swap3A_1489 = arith.constant 16 : index
        %swap3A_1490 = tpu.vector_load %arg18[%swap3A_1488, %swap3A_1489] {strides = array<i32>} : memref<80x64xf32, #tpu.memory_space<vmem>>, vector<1x16xf32>,
        %swap3A_1491 = vector.shape_cast %swap3A_1490 : vector<1x16xf32> to vector<16xf32>
        %swap3A_1492 = vector.shape_cast %max3A_1487 : vector<16xf32> to vector<1x16xf32>
        tpu.vector_store %arg18[%swap3A_1488, %swap3A_1489], %swap3A_1492 {strides = array<i32>} : memref<80x64xf32, #tpu.memory_space<vmem>>, vector<1x16xf32>,
        %get3A_1493 = arith.index_cast %scan3A_1469 : i32 to index
        %get3A_1494 = arith.constant 32 : index
        %get3A_1495 = tpu.vector_load %arg18[%get3A_1493, %get3A_1494] {strides = array<i32>} : memref<80x64xf32, #tpu.memory_space<vmem>>, vector<1x16xf32>,
        %get3A_1496 = vector.shape_cast %get3A_1495 : vector<1x16xf32> to vector<16xf32>
        %max3A_1497 = arith.constant 0.000000e+00 : f32
        %max3A_1498 = vector.broadcast %max3A_1497 : f32 to vector<16xf32>
        %max3A_1499 = arith.maximumf %get3A_1496, %max3A_1498 : vector<16xf32>
        %swap3A_1500 = arith.index_cast %scan3A_1469 : i32 to index
        %swap3A_1501 = arith.constant 32 : index
        %swap3A_1502 = tpu.vector_load %arg18[%swap3A_1500, %swap3A_1501] {strides = array<i32>} : memref<80x64xf32, #tpu.memory_space<vmem>>, vector<1x16xf32>,
        %swap3A_1503 = vector.shape_cast %swap3A_1502 : vector<1x16xf32> to vector<16xf32>
        %swap3A_1504 = vector.shape_cast %max3A_1499 : vector<16xf32> to vector<1x16xf32>
        tpu.vector_store %arg18[%swap3A_1500, %swap3A_1501], %swap3A_1504 {strides = array<i32>} : memref<80x64xf32, #tpu.memory_space<vmem>>, vector<1x16xf32>,
        %get3A_1505 = arith.index_cast %scan3A_1469 : i32 to index
        %get3A_1506 = arith.constant 48 : index
        %get3A_1507 = tpu.vector_load %arg18[%get3A_1505, %get3A_1506] {strides = array<i32>} : memref<80x64xf32, #tpu.memory_space<vmem>>, vector<1x16xf32>,
        %get3A_1508 = vector.shape_cast %get3A_1507 : vector<1x16xf32> to vector<16xf32>
        %max3A_1509 = arith.constant 0.000000e+00 : f32
        %max3A_1510 = vector.broadcast %max3A_1509 : f32 to vector<16xf32>
        %max3A_1511 = arith.maximumf %get3A_1508, %max3A_1510 : vector<16xf32>
        %swap3A_1512 = arith.index_cast %scan3A_1469 : i32 to index
        %swap3A_1513 = arith.constant 48 : index
        %swap3A_1514 = tpu.vector_load %arg18[%swap3A_1512, %swap3A_1513] {strides = array<i32>} : memref<80x64xf32, #tpu.memory_space<vmem>>, vector<1x16xf32>,
        %swap3A_1515 = vector.shape_cast %swap3A_1514 : vector<1x16xf32> to vector<16xf32>
        %swap3A_1516 = vector.shape_cast %max3A_1511 : vector<16xf32> to vector<1x16xf32>
        tpu.vector_store %arg18[%swap3A_1512, %swap3A_1513], %swap3A_1516 {strides = array<i32>} : memref<80x64xf32, #tpu.memory_space<vmem>>, vector<1x16xf32>,
        %scan3A_1517 = arith.constant 1 : i32
        %scan3A_1518 = arith.addi %scan3A_1469, %scan3A_1517 : i32
        %get3A_1519 = arith.index_cast %scan3A_1518 : i32 to index
        %get3A_1520 = arith.constant 0 : index
        %get3A_1521 = tpu.vector_load %arg18[%get3A_1519, %get3A_1520] {strides = array<i32>} : memref<80x64xf32, #tpu.memory_space<vmem>>, vector<1x16xf32>,
        %get3A_1522 = vector.shape_cast %get3A_1521 : vector<1x16xf32> to vector<16xf32>
        %max3A_1523 = arith.constant 0.000000e+00 : f32
        %max3A_1524 = vector.broadcast %max3A_1523 : f32 to vector<16xf32>
        %max3A_1525 = arith.maximumf %get3A_1522, %max3A_1524 : vector<16xf32>
        %swap3A_1526 = arith.index_cast %scan3A_1518 : i32 to index
        %swap3A_1527 = arith.constant 0 : index
        %swap3A_1528 = tpu.vector_load %arg18[%swap3A_1526, %swap3A_1527] {strides = array<i32>} : memref<80x64xf32, #tpu.memory_space<vmem>>, vector<1x16xf32>,
        %swap3A_1529 = vector.shape_cast %swap3A_1528 : vector<1x16xf32> to vector<16xf32>
        %swap3A_1530 = vector.shape_cast %max3A_1525 : vector<16xf32> to vector<1x16xf32>
        tpu.vector_store %arg18[%swap3A_1526, %swap3A_1527], %swap3A_1530 {strides = array<i32>} : memref<80x64xf32, #tpu.memory_space<vmem>>, vector<1x16xf32>,
        %get3A_1531 = arith.index_cast %scan3A_1518 : i32 to index
        %get3A_1532 = arith.constant 16 : index
        %get3A_1533 = tpu.vector_load %arg18[%get3A_1531, %get3A_1532] {strides = array<i32>} : memref<80x64xf32, #tpu.memory_space<vmem>>, vector<1x16xf32>,
        %get3A_1534 = vector.shape_cast %get3A_1533 : vector<1x16xf32> to vector<16xf32>
        %max3A_1535 = arith.constant 0.000000e+00 : f32
        %max3A_1536 = vector.broadcast %max3A_1535 : f32 to vector<16xf32>
        %max3A_1537 = arith.maximumf %get3A_1534, %max3A_1536 : vector<16xf32>
        %swap3A_1538 = arith.index_cast %scan3A_1518 : i32 to index
        %swap3A_1539 = arith.constant 16 : index
        %swap3A_1540 = tpu.vector_load %arg18[%swap3A_1538, %swap3A_1539] {strides = array<i32>} : memref<80x64xf32, #tpu.memory_space<vmem>>, vector<1x16xf32>,
        %swap3A_1541 = vector.shape_cast %swap3A_1540 : vector<1x16xf32> to vector<16xf32>
        %swap3A_1542 = vector.shape_cast %max3A_1537 : vector<16xf32> to vector<1x16xf32>
        tpu.vector_store %arg18[%swap3A_1538, %swap3A_1539], %swap3A_1542 {strides = array<i32>} : memref<80x64xf32, #tpu.memory_space<vmem>>, vector<1x16xf32>,
        %get3A_1543 = arith.index_cast %scan3A_1518 : i32 to index
        %get3A_1544 = arith.constant 32 : index
        %get3A_1545 = tpu.vector_load %arg18[%get3A_1543, %get3A_1544] {strides = array<i32>} : memref<80x64xf32, #tpu.memory_space<vmem>>, vector<1x16xf32>,
        %get3A_1546 = vector.shape_cast %get3A_1545 : vector<1x16xf32> to vector<16xf32>
        %max3A_1547 = arith.constant 0.000000e+00 : f32
        %max3A_1548 = vector.broadcast %max3A_1547 : f32 to vector<16xf32>
        %max3A_1549 = arith.maximumf %get3A_1546, %max3A_1548 : vector<16xf32>
        %swap3A_1550 = arith.index_cast %scan3A_1518 : i32 to index
        %swap3A_1551 = arith.constant 32 : index
        %swap3A_1552 = tpu.vector_load %arg18[%swap3A_1550, %swap3A_1551] {strides = array<i32>} : memref<80x64xf32, #tpu.memory_space<vmem>>, vector<1x16xf32>,
        %swap3A_1553 = vector.shape_cast %swap3A_1552 : vector<1x16xf32> to vector<16xf32>
        %swap3A_1554 = vector.shape_cast %max3A_1549 : vector<16xf32> to vector<1x16xf32>
        tpu.vector_store %arg18[%swap3A_1550, %swap3A_1551], %swap3A_1554 {strides = array<i32>} : memref<80x64xf32, #tpu.memory_space<vmem>>, vector<1x16xf32>,
        %get3A_1555 = arith.index_cast %scan3A_1518 : i32 to index
        %get3A_1556 = arith.constant 48 : index
        %get3A_1557 = tpu.vector_load %arg18[%get3A_1555, %get3A_1556] {strides = array<i32>} : memref<80x64xf32, #tpu.memory_space<vmem>>, vector<1x16xf32>,
        %get3A_1558 = vector.shape_cast %get3A_1557 : vector<1x16xf32> to vector<16xf32>
        %max3A_1559 = arith.constant 0.000000e+00 : f32
        %max3A_1560 = vector.broadcast %max3A_1559 : f32 to vector<16xf32>
        %max3A_1561 = arith.maximumf %get3A_1558, %max3A_1560 : vector<16xf32>
        %swap3A_1562 = arith.index_cast %scan3A_1518 : i32 to index
        %swap3A_1563 = arith.constant 48 : index
        %swap3A_1564 = tpu.vector_load %arg18[%swap3A_1562, %swap3A_1563] {strides = array<i32>} : memref<80x64xf32, #tpu.memory_space<vmem>>, vector<1x16xf32>,
        %swap3A_1565 = vector.shape_cast %swap3A_1564 : vector<1x16xf32> to vector<16xf32>
        %swap3A_1566 = vector.shape_cast %max3A_1561 : vector<16xf32> to vector<1x16xf32>
        tpu.vector_store %arg18[%swap3A_1562, %swap3A_1563], %swap3A_1566 {strides = array<i32>} : memref<80x64xf32, #tpu.memory_space<vmem>>, vector<1x16xf32>,
        %scan3A_1567 = arith.constant 2 : i32
        %scan3A_1568 = arith.addi %scan3A_1469, %scan3A_1567 : i32
        %get3A_1569 = arith.index_cast %scan3A_1568 : i32 to index
        %get3A_1570 = arith.constant 0 : index
        %get3A_1571 = tpu.vector_load %arg18[%get3A_1569, %get3A_1570] {strides = array<i32>} : memref<80x64xf32, #tpu.memory_space<vmem>>, vector<1x16xf32>,
        %get3A_1572 = vector.shape_cast %get3A_1571 : vector<1x16xf32> to vector<16xf32>
        %max3A_1573 = arith.constant 0.000000e+00 : f32
        %max3A_1574 = vector.broadcast %max3A_1573 : f32 to vector<16xf32>
        %max3A_1575 = arith.maximumf %get3A_1572, %max3A_1574 : vector<16xf32>
        %swap3A_1576 = arith.index_cast %scan3A_1568 : i32 to index
        %swap3A_1577 = arith.constant 0 : index
        %swap3A_1578 = tpu.vector_load %arg18[%swap3A_1576, %swap3A_1577] {strides = array<i32>} : memref<80x64xf32, #tpu.memory_space<vmem>>, vector<1x16xf32>,
        %swap3A_1579 = vector.shape_cast %swap3A_1578 : vector<1x16xf32> to vector<16xf32>
        %swap3A_1580 = vector.shape_cast %max3A_1575 : vector<16xf32> to vector<1x16xf32>
        tpu.vector_store %arg18[%swap3A_1576, %swap3A_1577], %swap3A_1580 {strides = array<i32>} : memref<80x64xf32, #tpu.memory_space<vmem>>, vector<1x16xf32>,
        %get3A_1581 = arith.index_cast %scan3A_1568 : i32 to index
        %get3A_1582 = arith.constant 16 : index
        %get3A_1583 = tpu.vector_load %arg18[%get3A_1581, %get3A_1582] {strides = array<i32>} : memref<80x64xf32, #tpu.memory_space<vmem>>, vector<1x16xf32>,
        %get3A_1584 = vector.shape_cast %get3A_1583 : vector<1x16xf32> to vector<16xf32>
        %max3A_1585 = arith.constant 0.000000e+00 : f32
        %max3A_1586 = vector.broadcast %max3A_1585 : f32 to vector<16xf32>
        %max3A_1587 = arith.maximumf %get3A_1584, %max3A_1586 : vector<16xf32>
        %swap3A_1588 = arith.index_cast %scan3A_1568 : i32 to index
        %swap3A_1589 = arith.constant 16 : index
        %swap3A_1590 = tpu.vector_load %arg18[%swap3A_1588, %swap3A_1589] {strides = array<i32>} : memref<80x64xf32, #tpu.memory_space<vmem>>, vector<1x16xf32>,
        %swap3A_1591 = vector.shape_cast %swap3A_1590 : vector<1x16xf32> to vector<16xf32>
        %swap3A_1592 = vector.shape_cast %max3A_1587 : vector<16xf32> to vector<1x16xf32>
        tpu.vector_store %arg18[%swap3A_1588, %swap3A_1589], %swap3A_1592 {strides = array<i32>} : memref<80x64xf32, #tpu.memory_space<vmem>>, vector<1x16xf32>,
        %get3A_1593 = arith.index_cast %scan3A_1568 : i32 to index
        %get3A_1594 = arith.constant 32 : index
        %get3A_1595 = tpu.vector_load %arg18[%get3A_1593, %get3A_1594] {strides = array<i32>} : memref<80x64xf32, #tpu.memory_space<vmem>>, vector<1x16xf32>,
        %get3A_1596 = vector.shape_cast %get3A_1595 : vector<1x16xf32> to vector<16xf32>
        %max3A_1597 = arith.constant 0.000000e+00 : f32
        %max3A_1598 = vector.broadcast %max3A_1597 : f32 to vector<16xf32>
        %max3A_1599 = arith.maximumf %get3A_1596, %max3A_1598 : vector<16xf32>
        %swap3A_1600 = arith.index_cast %scan3A_1568 : i32 to index
        %swap3A_1601 = arith.constant 32 : index
        %swap3A_1602 = tpu.vector_load %arg18[%swap3A_1600, %swap3A_1601] {strides = array<i32>} : memref<80x64xf32, #tpu.memory_space<vmem>>, vector<1x16xf32>,
        %swap3A_1603 = vector.shape_cast %swap3A_1602 : vector<1x16xf32> to vector<16xf32>
        %swap3A_1604 = vector.shape_cast %max3A_1599 : vector<16xf32> to vector<1x16xf32>
        tpu.vector_store %arg18[%swap3A_1600, %swap3A_1601], %swap3A_1604 {strides = array<i32>} : memref<80x64xf32, #tpu.memory_space<vmem>>, vector<1x16xf32>,
        %get3A_1605 = arith.index_cast %scan3A_1568 : i32 to index
        %get3A_1606 = arith.constant 48 : index
        %get3A_1607 = tpu.vector_load %arg18[%get3A_1605, %get3A_1606] {strides = array<i32>} : memref<80x64xf32, #tpu.memory_space<vmem>>, vector<1x16xf32>,
        %get3A_1608 = vector.shape_cast %get3A_1607 : vector<1x16xf32> to vector<16xf32>
        %max3A_1609 = arith.constant 0.000000e+00 : f32
        %max3A_1610 = vector.broadcast %max3A_1609 : f32 to vector<16xf32>
        %max3A_1611 = arith.maximumf %get3A_1608, %max3A_1610 : vector<16xf32>
        %swap3A_1612 = arith.index_cast %scan3A_1568 : i32 to index
        %swap3A_1613 = arith.constant 48 : index
        %swap3A_1614 = tpu.vector_load %arg18[%swap3A_1612, %swap3A_1613] {strides = array<i32>} : memref<80x64xf32, #tpu.memory_space<vmem>>, vector<1x16xf32>,
        %swap3A_1615 = vector.shape_cast %swap3A_1614 : vector<1x16xf32> to vector<16xf32>
        %swap3A_1616 = vector.shape_cast %max3A_1611 : vector<16xf32> to vector<1x16xf32>
        tpu.vector_store %arg18[%swap3A_1612, %swap3A_1613], %swap3A_1616 {strides = array<i32>} : memref<80x64xf32, #tpu.memory_space<vmem>>, vector<1x16xf32>,
        %scan3A_1617 = arith.constant 3 : i32
        %scan3A_1618 = arith.addi %scan3A_1469, %scan3A_1617 : i32
        %get3A_1619 = arith.index_cast %scan3A_1618 : i32 to index
        %get3A_1620 = arith.constant 0 : index
        %get3A_1621 = tpu.vector_load %arg18[%get3A_1619, %get3A_1620] {strides = array<i32>} : memref<80x64xf32, #tpu.memory_space<vmem>>, vector<1x16xf32>,
        %get3A_1622 = vector.shape_cast %get3A_1621 : vector<1x16xf32> to vector<16xf32>
        %max3A_1623 = arith.constant 0.000000e+00 : f32
        %max3A_1624 = vector.broadcast %max3A_1623 : f32 to vector<16xf32>
        %max3A_1625 = arith.maximumf %get3A_1622, %max3A_1624 : vector<16xf32>
        %swap3A_1626 = arith.index_cast %scan3A_1618 : i32 to index
        %swap3A_1627 = arith.constant 0 : index
        %swap3A_1628 = tpu.vector_load %arg18[%swap3A_1626, %swap3A_1627] {strides = array<i32>} : memref<80x64xf32, #tpu.memory_space<vmem>>, vector<1x16xf32>,
        %swap3A_1629 = vector.shape_cast %swap3A_1628 : vector<1x16xf32> to vector<16xf32>
        %swap3A_1630 = vector.shape_cast %max3A_1625 : vector<16xf32> to vector<1x16xf32>
        tpu.vector_store %arg18[%swap3A_1626, %swap3A_1627], %swap3A_1630 {strides = array<i32>} : memref<80x64xf32, #tpu.memory_space<vmem>>, vector<1x16xf32>,
        %get3A_1631 = arith.index_cast %scan3A_1618 : i32 to index
        %get3A_1632 = arith.constant 16 : index
        %get3A_1633 = tpu.vector_load %arg18[%get3A_1631, %get3A_1632] {strides = array<i32>} : memref<80x64xf32, #tpu.memory_space<vmem>>, vector<1x16xf32>,
        %get3A_1634 = vector.shape_cast %get3A_1633 : vector<1x16xf32> to vector<16xf32>
        %max3A_1635 = arith.constant 0.000000e+00 : f32
        %max3A_1636 = vector.broadcast %max3A_1635 : f32 to vector<16xf32>
        %max3A_1637 = arith.maximumf %get3A_1634, %max3A_1636 : vector<16xf32>
        %swap3A_1638 = arith.index_cast %scan3A_1618 : i32 to index
        %swap3A_1639 = arith.constant 16 : index
        %swap3A_1640 = tpu.vector_load %arg18[%swap3A_1638, %swap3A_1639] {strides = array<i32>} : memref<80x64xf32, #tpu.memory_space<vmem>>, vector<1x16xf32>,
        %swap3A_1641 = vector.shape_cast %swap3A_1640 : vector<1x16xf32> to vector<16xf32>
        %swap3A_1642 = vector.shape_cast %max3A_1637 : vector<16xf32> to vector<1x16xf32>
        tpu.vector_store %arg18[%swap3A_1638, %swap3A_1639], %swap3A_1642 {strides = array<i32>} : memref<80x64xf32, #tpu.memory_space<vmem>>, vector<1x16xf32>,
        %get3A_1643 = arith.index_cast %scan3A_1618 : i32 to index
        %get3A_1644 = arith.constant 32 : index
        %get3A_1645 = tpu.vector_load %arg18[%get3A_1643, %get3A_1644] {strides = array<i32>} : memref<80x64xf32, #tpu.memory_space<vmem>>, vector<1x16xf32>,
        %get3A_1646 = vector.shape_cast %get3A_1645 : vector<1x16xf32> to vector<16xf32>
        %max3A_1647 = arith.constant 0.000000e+00 : f32
        %max3A_1648 = vector.broadcast %max3A_1647 : f32 to vector<16xf32>
        %max3A_1649 = arith.maximumf %get3A_1646, %max3A_1648 : vector<16xf32>
        %swap3A_1650 = arith.index_cast %scan3A_1618 : i32 to index
        %swap3A_1651 = arith.constant 32 : index
        %swap3A_1652 = tpu.vector_load %arg18[%swap3A_1650, %swap3A_1651] {strides = array<i32>} : memref<80x64xf32, #tpu.memory_space<vmem>>, vector<1x16xf32>,
        %swap3A_1653 = vector.shape_cast %swap3A_1652 : vector<1x16xf32> to vector<16xf32>
        %swap3A_1654 = vector.shape_cast %max3A_1649 : vector<16xf32> to vector<1x16xf32>
        tpu.vector_store %arg18[%swap3A_1650, %swap3A_1651], %swap3A_1654 {strides = array<i32>} : memref<80x64xf32, #tpu.memory_space<vmem>>, vector<1x16xf32>,
        %get3A_1655 = arith.index_cast %scan3A_1618 : i32 to index
        %get3A_1656 = arith.constant 48 : index
        %get3A_1657 = tpu.vector_load %arg18[%get3A_1655, %get3A_1656] {strides = array<i32>} : memref<80x64xf32, #tpu.memory_space<vmem>>, vector<1x16xf32>,
        %get3A_1658 = vector.shape_cast %get3A_1657 : vector<1x16xf32> to vector<16xf32>
        %max3A_1659 = arith.constant 0.000000e+00 : f32
        %max3A_1660 = vector.broadcast %max3A_1659 : f32 to vector<16xf32>
        %max3A_1661 = arith.maximumf %get3A_1658, %max3A_1660 : vector<16xf32>
        %swap3A_1662 = arith.index_cast %scan3A_1618 : i32 to index
        %swap3A_1663 = arith.constant 48 : index
        %swap3A_1664 = tpu.vector_load %arg18[%swap3A_1662, %swap3A_1663] {strides = array<i32>} : memref<80x64xf32, #tpu.memory_space<vmem>>, vector<1x16xf32>,
        %swap3A_1665 = vector.shape_cast %swap3A_1664 : vector<1x16xf32> to vector<16xf32>
        %swap3A_1666 = vector.shape_cast %max3A_1661 : vector<16xf32> to vector<1x16xf32>
        tpu.vector_store %arg18[%swap3A_1662, %swap3A_1663], %swap3A_1666 {strides = array<i32>} : memref<80x64xf32, #tpu.memory_space<vmem>>, vector<1x16xf32>,
      }
      %scan3A_1021 = arith.constant 80 : i32
      %dma_start3A_1022 = arith.constant 0 : i32
      %dma_start3A_1023 = arith.constant 0 : i32
      %dma_start3A_1024 = tpu.memref_slice %arg27[%dma_start3A_1022, %dma_start3A_1023] : memref<10240x64xf32, #tpu.memory_space<vmem_shared>> -> memref<10240x64xf32, #tpu.memory_space<vmem_shared>>
      tpu.enqueue_indirect_dma source(%arg18 : memref<80x64xf32, #tpu.memory_space<vmem>>) target(%dma_start3A_1024 : memref<10240x64xf32, #tpu.memory_space<vmem_shared>>) offsets(%arg16 : memref<80xi32, #tpu.memory_space<vmem>>) semaphore(%arg21 : memref<!tpu.dma_semaphore, #tpu.memory_space<semaphore_mem>>) {add = true}
      %dma_start3A_1025 = arith.constant 0 : i32
      %dma_start3A_1026 = arith.constant 0 : i32
      %dma_start3A_1027 = tpu.memref_slice %arg28[%dma_start3A_1025, %dma_start3A_1026] : memref<10240x16xf32, #tpu.memory_space<vmem_shared>> -> memref<10240x16xf32, #tpu.memory_space<vmem_shared>>
      tpu.enqueue_indirect_dma source(%arg24 : memref<80x16xf32, #tpu.memory_space<vmem>>) target(%dma_start3A_1027 : memref<10240x16xf32, #tpu.memory_space<vmem_shared>>) offsets(%arg16 : memref<80xi32, #tpu.memory_space<vmem>>) semaphore(%arg21 : memref<!tpu.dma_semaphore, #tpu.memory_space<semaphore_mem>>) {add = true}
      %dma_wait3A_1028 = arith.constant 0 : i32
      %dma_wait3A_1029 = arith.constant 0 : i32
      %dma_wait3A_1030 = tpu.memref_slice %arg2[%dma_wait3A_1028, %dma_wait3A_1029] : memref<20000x64xf32, #tpu.memory_space<hbm>> -> memref<20000x64xf32, #tpu.memory_space<hbm>>
      tpu.wait_indirect_dma semaphore(%arg12 : memref<!tpu.dma_semaphore, #tpu.memory_space<semaphore_mem>>) src(%dma_wait3A_1030 : memref<20000x64xf32, #tpu.memory_space<hbm>>) dst(%arg11 : memref<80x64xf32, #tpu.memory_space<vmem>>)
      %dma_start3A_1031 = arith.constant 0 : i32
      %dma_start3A_1032 = arith.constant 0 : i32
      %dma_start3A_1033 = tpu.memref_slice %arg3[%dma_start3A_1031, %dma_start3A_1032] : memref<20000x64xf32, #tpu.memory_space<hbm>> -> memref<20000x64xf32, #tpu.memory_space<hbm>>
      tpu.enqueue_indirect_dma source(%dma_start3A_1033 : memref<20000x64xf32, #tpu.memory_space<hbm>>) target(%arg11 : memref<80x64xf32, #tpu.memory_space<vmem>>) offsets(%arg8 : memref<80xi32, #tpu.memory_space<vmem>>) semaphore(%arg13 : memref<!tpu.dma_semaphore, #tpu.memory_space<semaphore_mem>>) {add = true}
      %dma_wait3A_1034 = arith.constant 0 : i32
      %dma_wait3A_1035 = arith.constant 0 : i32
      %dma_wait3A_1036 = tpu.memref_slice %arg27[%dma_wait3A_1034, %dma_wait3A_1035] : memref<10240x64xf32, #tpu.memory_space<vmem_shared>> -> memref<10240x64xf32, #tpu.memory_space<vmem_shared>>
      tpu.wait_indirect_dma semaphore(%arg21 : memref<!tpu.dma_semaphore, #tpu.memory_space<semaphore_mem>>) src(%arg18 : memref<80x64xf32, #tpu.memory_space<vmem>>) dst(%dma_wait3A_1036 : memref<10240x64xf32, #tpu.memory_space<vmem_shared>>)
      %dma_wait3A_1037 = arith.constant 0 : i32
      %dma_wait3A_1038 = arith.constant 0 : i32
      %dma_wait3A_1039 = tpu.memref_slice %arg28[%dma_wait3A_1037, %dma_wait3A_1038] : memref<10240x16xf32, #tpu.memory_space<vmem_shared>> -> memref<10240x16xf32, #tpu.memory_space<vmem_shared>>
      tpu.wait_indirect_dma semaphore(%arg21 : memref<!tpu.dma_semaphore, #tpu.memory_space<semaphore_mem>>) src(%arg24 : memref<80x16xf32, #tpu.memory_space<vmem>>) dst(%dma_wait3A_1039 : memref<10240x16xf32, #tpu.memory_space<vmem_shared>>)
      %get3A_1040 = arith.constant 560 : index
      %get3A_1041 = tpu.vector_load %arg23[%get3A_1040] {strides = array<i32>} : memref<800xi32, #tpu.memory_space<vmem>>, vector<16xi32>,
      %get3A_1042 = vector.shape_cast %get3A_1041 : vector<16xi32> to vector<16xi32>
      %swap3A_1043 = arith.constant 0 : index
      %swap3A_1044 = tpu.vector_load %arg16[%swap3A_1043] {strides = array<i32>} : memref<80xi32, #tpu.memory_space<vmem>>, vector<16xi32>,
      %swap3A_1045 = vector.shape_cast %swap3A_1044 : vector<16xi32> to vector<16xi32>
      %swap3A_1046 = vector.shape_cast %get3A_1042 : vector<16xi32> to vector<16xi32>
      tpu.vector_store %arg16[%swap3A_1043], %swap3A_1046 {strides = array<i32>} : memref<80xi32, #tpu.memory_space<vmem>>, vector<16xi32>,
      %add3A_1047 = vector.broadcast %mul3A_0 : i32 to vector<16xi32>
      %add3A_1048 = arith.addi %get3A_1042, %add3A_1047 : vector<16xi32>
      %swap3A_1049 = arith.constant 0 : index
      %swap3A_1050 = tpu.vector_load %arg17[%swap3A_1049] {strides = array<i32>} : memref<80xi32, #tpu.memory_space<vmem>>, vector<16xi32>,
      %swap3A_1051 = vector.shape_cast %swap3A_1050 : vector<16xi32> to vector<16xi32>
      %swap3A_1052 = vector.shape_cast %add3A_1048 : vector<16xi32> to vector<16xi32>
      tpu.vector_store %arg17[%swap3A_1049], %swap3A_1052 {strides = array<i32>} : memref<80xi32, #tpu.memory_space<vmem>>, vector<16xi32>,
      %get3A_1053 = arith.constant 560 : index
      %get3A_1054 = tpu.vector_load %arg22[%get3A_1053] {strides = array<i32>} : memref<800xi32, #tpu.memory_space<vmem>>, vector<16xi32>,
      %get3A_1055 = vector.shape_cast %get3A_1054 : vector<16xi32> to vector<16xi32>
      %add3A_1056 = vector.broadcast %mul3A_0 : i32 to vector<16xi32>
      %add3A_1057 = arith.addi %get3A_1055, %add3A_1056 : vector<16xi32>
      %swap3A_1058 = arith.constant 0 : index
      %swap3A_1059 = tpu.vector_load %arg15[%swap3A_1058] {strides = array<i32>} : memref<80xi32, #tpu.memory_space<vmem>>, vector<16xi32>,
      %swap3A_1060 = vector.shape_cast %swap3A_1059 : vector<16xi32> to vector<16xi32>
      %swap3A_1061 = vector.shape_cast %add3A_1057 : vector<16xi32> to vector<16xi32>
      tpu.vector_store %arg15[%swap3A_1058], %swap3A_1061 {strides = array<i32>} : memref<80xi32, #tpu.memory_space<vmem>>, vector<16xi32>,
      %get3A_1062 = arith.constant 576 : index
      %get3A_1063 = tpu.vector_load %arg23[%get3A_1062] {strides = array<i32>} : memref<800xi32, #tpu.memory_space<vmem>>, vector<16xi32>,
      %get3A_1064 = vector.shape_cast %get3A_1063 : vector<16xi32> to vector<16xi32>
      %swap3A_1065 = arith.constant 16 : index
      %swap3A_1066 = tpu.vector_load %arg16[%swap3A_1065] {strides = array<i32>} : memref<80xi32, #tpu.memory_space<vmem>>, vector<16xi32>,
      %swap3A_1067 = vector.shape_cast %swap3A_1066 : vector<16xi32> to vector<16xi32>
      %swap3A_1068 = vector.shape_cast %get3A_1064 : vector<16xi32> to vector<16xi32>
      tpu.vector_store %arg16[%swap3A_1065], %swap3A_1068 {strides = array<i32>} : memref<80xi32, #tpu.memory_space<vmem>>, vector<16xi32>,
      %add3A_1069 = vector.broadcast %mul3A_0 : i32 to vector<16xi32>
      %add3A_1070 = arith.addi %get3A_1064, %add3A_1069 : vector<16xi32>
      %swap3A_1071 = arith.constant 16 : index
      %swap3A_1072 = tpu.vector_load %arg17[%swap3A_1071] {strides = array<i32>} : memref<80xi32, #tpu.memory_space<vmem>>, vector<16xi32>,
      %swap3A_1073 = vector.shape_cast %swap3A_1072 : vector<16xi32> to vector<16xi32>
      %swap3A_1074 = vector.shape_cast %add3A_1070 : vector<16xi32> to vector<16xi32>
      tpu.vector_store %arg17[%swap3A_1071], %swap3A_1074 {strides = array<i32>} : memref<80xi32, #tpu.memory_space<vmem>>, vector<16xi32>,
      %get3A_1075 = arith.constant 576 : index
      %get3A_1076 = tpu.vector_load %arg22[%get3A_1075] {strides = array<i32>} : memref<800xi32, #tpu.memory_space<vmem>>, vector<16xi32>,
      %get3A_1077 = vector.shape_cast %get3A_1076 : vector<16xi32> to vector<16xi32>
      %add3A_1078 = vector.broadcast %mul3A_0 : i32 to vector<16xi32>
      %add3A_1079 = arith.addi %get3A_1077, %add3A_1078 : vector<16xi32>
      %swap3A_1080 = arith.constant 16 : index
      %swap3A_1081 = tpu.vector_load %arg15[%swap3A_1080] {strides = array<i32>} : memref<80xi32, #tpu.memory_space<vmem>>, vector<16xi32>,
      %swap3A_1082 = vector.shape_cast %swap3A_1081 : vector<16xi32> to vector<16xi32>
      %swap3A_1083 = vector.shape_cast %add3A_1079 : vector<16xi32> to vector<16xi32>
      tpu.vector_store %arg15[%swap3A_1080], %swap3A_1083 {strides = array<i32>} : memref<80xi32, #tpu.memory_space<vmem>>, vector<16xi32>,
      %get3A_1084 = arith.constant 592 : index
      %get3A_1085 = tpu.vector_load %arg23[%get3A_1084] {strides = array<i32>} : memref<800xi32, #tpu.memory_space<vmem>>, vector<16xi32>,
      %get3A_1086 = vector.shape_cast %get3A_1085 : vector<16xi32> to vector<16xi32>
      %swap3A_1087 = arith.constant 32 : index
      %swap3A_1088 = tpu.vector_load %arg16[%swap3A_1087] {strides = array<i32>} : memref<80xi32, #tpu.memory_space<vmem>>, vector<16xi32>,
      %swap3A_1089 = vector.shape_cast %swap3A_1088 : vector<16xi32> to vector<16xi32>
      %swap3A_1090 = vector.shape_cast %get3A_1086 : vector<16xi32> to vector<16xi32>
      tpu.vector_store %arg16[%swap3A_1087], %swap3A_1090 {strides = array<i32>} : memref<80xi32, #tpu.memory_space<vmem>>, vector<16xi32>,
      %add3A_1091 = vector.broadcast %mul3A_0 : i32 to vector<16xi32>
      %add3A_1092 = arith.addi %get3A_1086, %add3A_1091 : vector<16xi32>
      %swap3A_1093 = arith.constant 32 : index
      %swap3A_1094 = tpu.vector_load %arg17[%swap3A_1093] {strides = array<i32>} : memref<80xi32, #tpu.memory_space<vmem>>, vector<16xi32>,
      %swap3A_1095 = vector.shape_cast %swap3A_1094 : vector<16xi32> to vector<16xi32>
      %swap3A_1096 = vector.shape_cast %add3A_1092 : vector<16xi32> to vector<16xi32>
      tpu.vector_store %arg17[%swap3A_1093], %swap3A_1096 {strides = array<i32>} : memref<80xi32, #tpu.memory_space<vmem>>, vector<16xi32>,
      %get3A_1097 = arith.constant 592 : index
      %get3A_1098 = tpu.vector_load %arg22[%get3A_1097] {strides = array<i32>} : memref<800xi32, #tpu.memory_space<vmem>>, vector<16xi32>,
      %get3A_1099 = vector.shape_cast %get3A_1098 : vector<16xi32> to vector<16xi32>
      %add3A_1100 = vector.broadcast %mul3A_0 : i32 to vector<16xi32>
      %add3A_1101 = arith.addi %get3A_1099, %add3A_1100 : vector<16xi32>
      %swap3A_1102 = arith.constant 32 : index
      %swap3A_1103 = tpu.vector_load %arg15[%swap3A_1102] {strides = array<i32>} : memref<80xi32, #tpu.memory_space<vmem>>, vector<16xi32>,
      %swap3A_1104 = vector.shape_cast %swap3A_1103 : vector<16xi32> to vector<16xi32>
      %swap3A_1105 = vector.shape_cast %add3A_1101 : vector<16xi32> to vector<16xi32>
      tpu.vector_store %arg15[%swap3A_1102], %swap3A_1105 {strides = array<i32>} : memref<80xi32, #tpu.memory_space<vmem>>, vector<16xi32>,
      %get3A_1106 = arith.constant 608 : index
      %get3A_1107 = tpu.vector_load %arg23[%get3A_1106] {strides = array<i32>} : memref<800xi32, #tpu.memory_space<vmem>>, vector<16xi32>,
      %get3A_1108 = vector.shape_cast %get3A_1107 : vector<16xi32> to vector<16xi32>
      %swap3A_1109 = arith.constant 48 : index
      %swap3A_1110 = tpu.vector_load %arg16[%swap3A_1109] {strides = array<i32>} : memref<80xi32, #tpu.memory_space<vmem>>, vector<16xi32>,
      %swap3A_1111 = vector.shape_cast %swap3A_1110 : vector<16xi32> to vector<16xi32>
      %swap3A_1112 = vector.shape_cast %get3A_1108 : vector<16xi32> to vector<16xi32>
      tpu.vector_store %arg16[%swap3A_1109], %swap3A_1112 {strides = array<i32>} : memref<80xi32, #tpu.memory_space<vmem>>, vector<16xi32>,
      %add3A_1113 = vector.broadcast %mul3A_0 : i32 to vector<16xi32>
      %add3A_1114 = arith.addi %get3A_1108, %add3A_1113 : vector<16xi32>
      %swap3A_1115 = arith.constant 48 : index
      %swap3A_1116 = tpu.vector_load %arg17[%swap3A_1115] {strides = array<i32>} : memref<80xi32, #tpu.memory_space<vmem>>, vector<16xi32>,
      %swap3A_1117 = vector.shape_cast %swap3A_1116 : vector<16xi32> to vector<16xi32>
      %swap3A_1118 = vector.shape_cast %add3A_1114 : vector<16xi32> to vector<16xi32>
      tpu.vector_store %arg17[%swap3A_1115], %swap3A_1118 {strides = array<i32>} : memref<80xi32, #tpu.memory_space<vmem>>, vector<16xi32>,
      %get3A_1119 = arith.constant 608 : index
      %get3A_1120 = tpu.vector_load %arg22[%get3A_1119] {strides = array<i32>} : memref<800xi32, #tpu.memory_space<vmem>>, vector<16xi32>,
      %get3A_1121 = vector.shape_cast %get3A_1120 : vector<16xi32> to vector<16xi32>
      %add3A_1122 = vector.broadcast %mul3A_0 : i32 to vector<16xi32>
      %add3A_1123 = arith.addi %get3A_1121, %add3A_1122 : vector<16xi32>
      %swap3A_1124 = arith.constant 48 : index
      %swap3A_1125 = tpu.vector_load %arg15[%swap3A_1124] {strides = array<i32>} : memref<80xi32, #tpu.memory_space<vmem>>, vector<16xi32>,
      %swap3A_1126 = vector.shape_cast %swap3A_1125 : vector<16xi32> to vector<16xi32>
      %swap3A_1127 = vector.shape_cast %add3A_1123 : vector<16xi32> to vector<16xi32>
      tpu.vector_store %arg15[%swap3A_1124], %swap3A_1127 {strides = array<i32>} : memref<80xi32, #tpu.memory_space<vmem>>, vector<16xi32>,
      %get3A_1128 = arith.constant 624 : index
      %get3A_1129 = tpu.vector_load %arg23[%get3A_1128] {strides = array<i32>} : memref<800xi32, #tpu.memory_space<vmem>>, vector<16xi32>,
      %get3A_1130 = vector.shape_cast %get3A_1129 : vector<16xi32> to vector<16xi32>
      %swap3A_1131 = arith.constant 64 : index
      %swap3A_1132 = tpu.vector_load %arg16[%swap3A_1131] {strides = array<i32>} : memref<80xi32, #tpu.memory_space<vmem>>, vector<16xi32>,
      %swap3A_1133 = vector.shape_cast %swap3A_1132 : vector<16xi32> to vector<16xi32>
      %swap3A_1134 = vector.shape_cast %get3A_1130 : vector<16xi32> to vector<16xi32>
      tpu.vector_store %arg16[%swap3A_1131], %swap3A_1134 {strides = array<i32>} : memref<80xi32, #tpu.memory_space<vmem>>, vector<16xi32>,
      %add3A_1135 = vector.broadcast %mul3A_0 : i32 to vector<16xi32>
      %add3A_1136 = arith.addi %get3A_1130, %add3A_1135 : vector<16xi32>
      %swap3A_1137 = arith.constant 64 : index
      %swap3A_1138 = tpu.vector_load %arg17[%swap3A_1137] {strides = array<i32>} : memref<80xi32, #tpu.memory_space<vmem>>, vector<16xi32>,
      %swap3A_1139 = vector.shape_cast %swap3A_1138 : vector<16xi32> to vector<16xi32>
      %swap3A_1140 = vector.shape_cast %add3A_1136 : vector<16xi32> to vector<16xi32>
      tpu.vector_store %arg17[%swap3A_1137], %swap3A_1140 {strides = array<i32>} : memref<80xi32, #tpu.memory_space<vmem>>, vector<16xi32>,
      %get3A_1141 = arith.constant 624 : index
      %get3A_1142 = tpu.vector_load %arg22[%get3A_1141] {strides = array<i32>} : memref<800xi32, #tpu.memory_space<vmem>>, vector<16xi32>,
      %get3A_1143 = vector.shape_cast %get3A_1142 : vector<16xi32> to vector<16xi32>
      %add3A_1144 = vector.broadcast %mul3A_0 : i32 to vector<16xi32>
      %add3A_1145 = arith.addi %get3A_1143, %add3A_1144 : vector<16xi32>
      %swap3A_1146 = arith.constant 64 : index
      %swap3A_1147 = tpu.vector_load %arg15[%swap3A_1146] {strides = array<i32>} : memref<80xi32, #tpu.memory_space<vmem>>, vector<16xi32>,
      %swap3A_1148 = vector.shape_cast %swap3A_1147 : vector<16xi32> to vector<16xi32>
      %swap3A_1149 = vector.shape_cast %add3A_1145 : vector<16xi32> to vector<16xi32>
      tpu.vector_store %arg15[%swap3A_1146], %swap3A_1149 {strides = array<i32>} : memref<80xi32, #tpu.memory_space<vmem>>, vector<16xi32>,
      %dma_start3A_1150 = arith.constant 0 : i32
      %dma_start3A_1151 = arith.constant 0 : i32
      %dma_start3A_1152 = tpu.memref_slice %arg2[%dma_start3A_1150, %dma_start3A_1151] : memref<20000x64xf32, #tpu.memory_space<hbm>> -> memref<20000x64xf32, #tpu.memory_space<hbm>>
      tpu.enqueue_indirect_dma source(%dma_start3A_1152 : memref<20000x64xf32, #tpu.memory_space<hbm>>) target(%arg18 : memref<80x64xf32, #tpu.memory_space<vmem>>) offsets(%arg17 : memref<80xi32, #tpu.memory_space<vmem>>) semaphore(%arg19 : memref<!tpu.dma_semaphore, #tpu.memory_space<semaphore_mem>>)
      %dma_wait3A_1153 = arith.constant 0 : i32
      %dma_wait3A_1154 = arith.constant 0 : i32
      %dma_wait3A_1155 = tpu.memref_slice %arg3[%dma_wait3A_1153, %dma_wait3A_1154] : memref<20000x64xf32, #tpu.memory_space<hbm>> -> memref<20000x64xf32, #tpu.memory_space<hbm>>
      tpu.wait_indirect_dma semaphore(%arg13 : memref<!tpu.dma_semaphore, #tpu.memory_space<semaphore_mem>>) src(%dma_wait3A_1155 : memref<20000x64xf32, #tpu.memory_space<hbm>>) dst(%arg11 : memref<80x64xf32, #tpu.memory_space<vmem>>)
      %scan3A_1156 = arith.constant 0 : i32
      %scan3A_1157 = arith.constant 0 : i32
      %scan3A_1158 = arith.constant 80 : i32
      %scan3A_1159 = arith.addi %scan3A_1157, %scan3A_1158 : i32
      %scan3A_1160 = arith.constant 4 : i32
      scf.for %scan3A_1469 = %scan3A_1157 to %scan3A_1159 step %scan3A_1160  : i32 {
        %get3A_1470 = arith.index_cast %scan3A_1469 : i32 to index
        %get3A_1471 = arith.constant 0 : index
        %get3A_1472 = tpu.vector_load %arg11[%get3A_1470, %get3A_1471] {strides = array<i32>} : memref<80x64xf32, #tpu.memory_space<vmem>>, vector<1x16xf32>,
        %get3A_1473 = vector.shape_cast %get3A_1472 : vector<1x16xf32> to vector<16xf32>
        %max3A = arith.constant 0.000000e+00 : f32
        %max3A_1474 = vector.broadcast %max3A : f32 to vector<16xf32>
        %max3A_1475 = arith.maximumf %get3A_1473, %max3A_1474 : vector<16xf32>
        %swap3A_1476 = arith.index_cast %scan3A_1469 : i32 to index
        %swap3A_1477 = arith.constant 0 : index
        %swap3A_1478 = tpu.vector_load %arg11[%swap3A_1476, %swap3A_1477] {strides = array<i32>} : memref<80x64xf32, #tpu.memory_space<vmem>>, vector<1x16xf32>,
        %swap3A_1479 = vector.shape_cast %swap3A_1478 : vector<1x16xf32> to vector<16xf32>
        %swap3A_1480 = vector.shape_cast %max3A_1475 : vector<16xf32> to vector<1x16xf32>
        tpu.vector_store %arg11[%swap3A_1476, %swap3A_1477], %swap3A_1480 {strides = array<i32>} : memref<80x64xf32, #tpu.memory_space<vmem>>, vector<1x16xf32>,
        %get3A_1481 = arith.index_cast %scan3A_1469 : i32 to index
        %get3A_1482 = arith.constant 16 : index
        %get3A_1483 = tpu.vector_load %arg11[%get3A_1481, %get3A_1482] {strides = array<i32>} : memref<80x64xf32, #tpu.memory_space<vmem>>, vector<1x16xf32>,
        %get3A_1484 = vector.shape_cast %get3A_1483 : vector<1x16xf32> to vector<16xf32>
        %max3A_1485 = arith.constant 0.000000e+00 : f32
        %max3A_1486 = vector.broadcast %max3A_1485 : f32 to vector<16xf32>
        %max3A_1487 = arith.maximumf %get3A_1484, %max3A_1486 : vector<16xf32>
        %swap3A_1488 = arith.index_cast %scan3A_1469 : i32 to index
        %swap3A_1489 = arith.constant 16 : index
        %swap3A_1490 = tpu.vector_load %arg11[%swap3A_1488, %swap3A_1489] {strides = array<i32>} : memref<80x64xf32, #tpu.memory_space<vmem>>, vector<1x16xf32>,
        %swap3A_1491 = vector.shape_cast %swap3A_1490 : vector<1x16xf32> to vector<16xf32>
        %swap3A_1492 = vector.shape_cast %max3A_1487 : vector<16xf32> to vector<1x16xf32>
        tpu.vector_store %arg11[%swap3A_1488, %swap3A_1489], %swap3A_1492 {strides = array<i32>} : memref<80x64xf32, #tpu.memory_space<vmem>>, vector<1x16xf32>,
        %get3A_1493 = arith.index_cast %scan3A_1469 : i32 to index
        %get3A_1494 = arith.constant 32 : index
        %get3A_1495 = tpu.vector_load %arg11[%get3A_1493, %get3A_1494] {strides = array<i32>} : memref<80x64xf32, #tpu.memory_space<vmem>>, vector<1x16xf32>,
        %get3A_1496 = vector.shape_cast %get3A_1495 : vector<1x16xf32> to vector<16xf32>
        %max3A_1497 = arith.constant 0.000000e+00 : f32
        %max3A_1498 = vector.broadcast %max3A_1497 : f32 to vector<16xf32>
        %max3A_1499 = arith.maximumf %get3A_1496, %max3A_1498 : vector<16xf32>
        %swap3A_1500 = arith.index_cast %scan3A_1469 : i32 to index
        %swap3A_1501 = arith.constant 32 : index
        %swap3A_1502 = tpu.vector_load %arg11[%swap3A_1500, %swap3A_1501] {strides = array<i32>} : memref<80x64xf32, #tpu.memory_space<vmem>>, vector<1x16xf32>,
        %swap3A_1503 = vector.shape_cast %swap3A_1502 : vector<1x16xf32> to vector<16xf32>
        %swap3A_1504 = vector.shape_cast %max3A_1499 : vector<16xf32> to vector<1x16xf32>
        tpu.vector_store %arg11[%swap3A_1500, %swap3A_1501], %swap3A_1504 {strides = array<i32>} : memref<80x64xf32, #tpu.memory_space<vmem>>, vector<1x16xf32>,
        %get3A_1505 = arith.index_cast %scan3A_1469 : i32 to index
        %get3A_1506 = arith.constant 48 : index
        %get3A_1507 = tpu.vector_load %arg11[%get3A_1505, %get3A_1506] {strides = array<i32>} : memref<80x64xf32, #tpu.memory_space<vmem>>, vector<1x16xf32>,
        %get3A_1508 = vector.shape_cast %get3A_1507 : vector<1x16xf32> to vector<16xf32>
        %max3A_1509 = arith.constant 0.000000e+00 : f32
        %max3A_1510 = vector.broadcast %max3A_1509 : f32 to vector<16xf32>
        %max3A_1511 = arith.maximumf %get3A_1508, %max3A_1510 : vector<16xf32>
        %swap3A_1512 = arith.index_cast %scan3A_1469 : i32 to index
        %swap3A_1513 = arith.constant 48 : index
        %swap3A_1514 = tpu.vector_load %arg11[%swap3A_1512, %swap3A_1513] {strides = array<i32>} : memref<80x64xf32, #tpu.memory_space<vmem>>, vector<1x16xf32>,
        %swap3A_1515 = vector.shape_cast %swap3A_1514 : vector<1x16xf32> to vector<16xf32>
        %swap3A_1516 = vector.shape_cast %max3A_1511 : vector<16xf32> to vector<1x16xf32>
        tpu.vector_store %arg11[%swap3A_1512, %swap3A_1513], %swap3A_1516 {strides = array<i32>} : memref<80x64xf32, #tpu.memory_space<vmem>>, vector<1x16xf32>,
        %scan3A_1517 = arith.constant 1 : i32
        %scan3A_1518 = arith.addi %scan3A_1469, %scan3A_1517 : i32
        %get3A_1519 = arith.index_cast %scan3A_1518 : i32 to index
        %get3A_1520 = arith.constant 0 : index
        %get3A_1521 = tpu.vector_load %arg11[%get3A_1519, %get3A_1520] {strides = array<i32>} : memref<80x64xf32, #tpu.memory_space<vmem>>, vector<1x16xf32>,
        %get3A_1522 = vector.shape_cast %get3A_1521 : vector<1x16xf32> to vector<16xf32>
        %max3A_1523 = arith.constant 0.000000e+00 : f32
        %max3A_1524 = vector.broadcast %max3A_1523 : f32 to vector<16xf32>
        %max3A_1525 = arith.maximumf %get3A_1522, %max3A_1524 : vector<16xf32>
        %swap3A_1526 = arith.index_cast %scan3A_1518 : i32 to index
        %swap3A_1527 = arith.constant 0 : index
        %swap3A_1528 = tpu.vector_load %arg11[%swap3A_1526, %swap3A_1527] {strides = array<i32>} : memref<80x64xf32, #tpu.memory_space<vmem>>, vector<1x16xf32>,
        %swap3A_1529 = vector.shape_cast %swap3A_1528 : vector<1x16xf32> to vector<16xf32>
        %swap3A_1530 = vector.shape_cast %max3A_1525 : vector<16xf32> to vector<1x16xf32>
        tpu.vector_store %arg11[%swap3A_1526, %swap3A_1527], %swap3A_1530 {strides = array<i32>} : memref<80x64xf32, #tpu.memory_space<vmem>>, vector<1x16xf32>,
        %get3A_1531 = arith.index_cast %scan3A_1518 : i32 to index
        %get3A_1532 = arith.constant 16 : index
        %get3A_1533 = tpu.vector_load %arg11[%get3A_1531, %get3A_1532] {strides = array<i32>} : memref<80x64xf32, #tpu.memory_space<vmem>>, vector<1x16xf32>,
        %get3A_1534 = vector.shape_cast %get3A_1533 : vector<1x16xf32> to vector<16xf32>
        %max3A_1535 = arith.constant 0.000000e+00 : f32
        %max3A_1536 = vector.broadcast %max3A_1535 : f32 to vector<16xf32>
        %max3A_1537 = arith.maximumf %get3A_1534, %max3A_1536 : vector<16xf32>
        %swap3A_1538 = arith.index_cast %scan3A_1518 : i32 to index
        %swap3A_1539 = arith.constant 16 : index
        %swap3A_1540 = tpu.vector_load %arg11[%swap3A_1538, %swap3A_1539] {strides = array<i32>} : memref<80x64xf32, #tpu.memory_space<vmem>>, vector<1x16xf32>,
        %swap3A_1541 = vector.shape_cast %swap3A_1540 : vector<1x16xf32> to vector<16xf32>
        %swap3A_1542 = vector.shape_cast %max3A_1537 : vector<16xf32> to vector<1x16xf32>
        tpu.vector_store %arg11[%swap3A_1538, %swap3A_1539], %swap3A_1542 {strides = array<i32>} : memref<80x64xf32, #tpu.memory_space<vmem>>, vector<1x16xf32>,
        %get3A_1543 = arith.index_cast %scan3A_1518 : i32 to index
        %get3A_1544 = arith.constant 32 : index
        %get3A_1545 = tpu.vector_load %arg11[%get3A_1543, %get3A_1544] {strides = array<i32>} : memref<80x64xf32, #tpu.memory_space<vmem>>, vector<1x16xf32>,
        %get3A_1546 = vector.shape_cast %get3A_1545 : vector<1x16xf32> to vector<16xf32>
        %max3A_1547 = arith.constant 0.000000e+00 : f32
        %max3A_1548 = vector.broadcast %max3A_1547 : f32 to vector<16xf32>
        %max3A_1549 = arith.maximumf %get3A_1546, %max3A_1548 : vector<16xf32>
        %swap3A_1550 = arith.index_cast %scan3A_1518 : i32 to index
        %swap3A_1551 = arith.constant 32 : index
        %swap3A_1552 = tpu.vector_load %arg11[%swap3A_1550, %swap3A_1551] {strides = array<i32>} : memref<80x64xf32, #tpu.memory_space<vmem>>, vector<1x16xf32>,
        %swap3A_1553 = vector.shape_cast %swap3A_1552 : vector<1x16xf32> to vector<16xf32>
        %swap3A_1554 = vector.shape_cast %max3A_1549 : vector<16xf32> to vector<1x16xf32>
        tpu.vector_store %arg11[%swap3A_1550, %swap3A_1551], %swap3A_1554 {strides = array<i32>} : memref<80x64xf32, #tpu.memory_space<vmem>>, vector<1x16xf32>,
        %get3A_1555 = arith.index_cast %scan3A_1518 : i32 to index
        %get3A_1556 = arith.constant 48 : index
        %get3A_1557 = tpu.vector_load %arg11[%get3A_1555, %get3A_1556] {strides = array<i32>} : memref<80x64xf32, #tpu.memory_space<vmem>>, vector<1x16xf32>,
        %get3A_1558 = vector.shape_cast %get3A_1557 : vector<1x16xf32> to vector<16xf32>
        %max3A_1559 = arith.constant 0.000000e+00 : f32
        %max3A_1560 = vector.broadcast %max3A_1559 : f32 to vector<16xf32>
        %max3A_1561 = arith.maximumf %get3A_1558, %max3A_1560 : vector<16xf32>
        %swap3A_1562 = arith.index_cast %scan3A_1518 : i32 to index
        %swap3A_1563 = arith.constant 48 : index
        %swap3A_1564 = tpu.vector_load %arg11[%swap3A_1562, %swap3A_1563] {strides = array<i32>} : memref<80x64xf32, #tpu.memory_space<vmem>>, vector<1x16xf32>,
        %swap3A_1565 = vector.shape_cast %swap3A_1564 : vector<1x16xf32> to vector<16xf32>
        %swap3A_1566 = vector.shape_cast %max3A_1561 : vector<16xf32> to vector<1x16xf32>
        tpu.vector_store %arg11[%swap3A_1562, %swap3A_1563], %swap3A_1566 {strides = array<i32>} : memref<80x64xf32, #tpu.memory_space<vmem>>, vector<1x16xf32>,
        %scan3A_1567 = arith.constant 2 : i32
        %scan3A_1568 = arith.addi %scan3A_1469, %scan3A_1567 : i32
        %get3A_1569 = arith.index_cast %scan3A_1568 : i32 to index
        %get3A_1570 = arith.constant 0 : index
        %get3A_1571 = tpu.vector_load %arg11[%get3A_1569, %get3A_1570] {strides = array<i32>} : memref<80x64xf32, #tpu.memory_space<vmem>>, vector<1x16xf32>,
        %get3A_1572 = vector.shape_cast %get3A_1571 : vector<1x16xf32> to vector<16xf32>
        %max3A_1573 = arith.constant 0.000000e+00 : f32
        %max3A_1574 = vector.broadcast %max3A_1573 : f32 to vector<16xf32>
        %max3A_1575 = arith.maximumf %get3A_1572, %max3A_1574 : vector<16xf32>
        %swap3A_1576 = arith.index_cast %scan3A_1568 : i32 to index
        %swap3A_1577 = arith.constant 0 : index
        %swap3A_1578 = tpu.vector_load %arg11[%swap3A_1576, %swap3A_1577] {strides = array<i32>} : memref<80x64xf32, #tpu.memory_space<vmem>>, vector<1x16xf32>,
        %swap3A_1579 = vector.shape_cast %swap3A_1578 : vector<1x16xf32> to vector<16xf32>
        %swap3A_1580 = vector.shape_cast %max3A_1575 : vector<16xf32> to vector<1x16xf32>
        tpu.vector_store %arg11[%swap3A_1576, %swap3A_1577], %swap3A_1580 {strides = array<i32>} : memref<80x64xf32, #tpu.memory_space<vmem>>, vector<1x16xf32>,
        %get3A_1581 = arith.index_cast %scan3A_1568 : i32 to index
        %get3A_1582 = arith.constant 16 : index
        %get3A_1583 = tpu.vector_load %arg11[%get3A_1581, %get3A_1582] {strides = array<i32>} : memref<80x64xf32, #tpu.memory_space<vmem>>, vector<1x16xf32>,
        %get3A_1584 = vector.shape_cast %get3A_1583 : vector<1x16xf32> to vector<16xf32>
        %max3A_1585 = arith.constant 0.000000e+00 : f32
        %max3A_1586 = vector.broadcast %max3A_1585 : f32 to vector<16xf32>
        %max3A_1587 = arith.maximumf %get3A_1584, %max3A_1586 : vector<16xf32>
        %swap3A_1588 = arith.index_cast %scan3A_1568 : i32 to index
        %swap3A_1589 = arith.constant 16 : index
        %swap3A_1590 = tpu.vector_load %arg11[%swap3A_1588, %swap3A_1589] {strides = array<i32>} : memref<80x64xf32, #tpu.memory_space<vmem>>, vector<1x16xf32>,
        %swap3A_1591 = vector.shape_cast %swap3A_1590 : vector<1x16xf32> to vector<16xf32>
        %swap3A_1592 = vector.shape_cast %max3A_1587 : vector<16xf32> to vector<1x16xf32>
        tpu.vector_store %arg11[%swap3A_1588, %swap3A_1589], %swap3A_1592 {strides = array<i32>} : memref<80x64xf32, #tpu.memory_space<vmem>>, vector<1x16xf32>,
        %get3A_1593 = arith.index_cast %scan3A_1568 : i32 to index
        %get3A_1594 = arith.constant 32 : index
        %get3A_1595 = tpu.vector_load %arg11[%get3A_1593, %get3A_1594] {strides = array<i32>} : memref<80x64xf32, #tpu.memory_space<vmem>>, vector<1x16xf32>,
        %get3A_1596 = vector.shape_cast %get3A_1595 : vector<1x16xf32> to vector<16xf32>
        %max3A_1597 = arith.constant 0.000000e+00 : f32
        %max3A_1598 = vector.broadcast %max3A_1597 : f32 to vector<16xf32>
        %max3A_1599 = arith.maximumf %get3A_1596, %max3A_1598 : vector<16xf32>
        %swap3A_1600 = arith.index_cast %scan3A_1568 : i32 to index
        %swap3A_1601 = arith.constant 32 : index
        %swap3A_1602 = tpu.vector_load %arg11[%swap3A_1600, %swap3A_1601] {strides = array<i32>} : memref<80x64xf32, #tpu.memory_space<vmem>>, vector<1x16xf32>,
        %swap3A_1603 = vector.shape_cast %swap3A_1602 : vector<1x16xf32> to vector<16xf32>
        %swap3A_1604 = vector.shape_cast %max3A_1599 : vector<16xf32> to vector<1x16xf32>
        tpu.vector_store %arg11[%swap3A_1600, %swap3A_1601], %swap3A_1604 {strides = array<i32>} : memref<80x64xf32, #tpu.memory_space<vmem>>, vector<1x16xf32>,
        %get3A_1605 = arith.index_cast %scan3A_1568 : i32 to index
        %get3A_1606 = arith.constant 48 : index
        %get3A_1607 = tpu.vector_load %arg11[%get3A_1605, %get3A_1606] {strides = array<i32>} : memref<80x64xf32, #tpu.memory_space<vmem>>, vector<1x16xf32>,
        %get3A_1608 = vector.shape_cast %get3A_1607 : vector<1x16xf32> to vector<16xf32>
        %max3A_1609 = arith.constant 0.000000e+00 : f32
        %max3A_1610 = vector.broadcast %max3A_1609 : f32 to vector<16xf32>
        %max3A_1611 = arith.maximumf %get3A_1608, %max3A_1610 : vector<16xf32>
        %swap3A_1612 = arith.index_cast %scan3A_1568 : i32 to index
        %swap3A_1613 = arith.constant 48 : index
        %swap3A_1614 = tpu.vector_load %arg11[%swap3A_1612, %swap3A_1613] {strides = array<i32>} : memref<80x64xf32, #tpu.memory_space<vmem>>, vector<1x16xf32>,
        %swap3A_1615 = vector.shape_cast %swap3A_1614 : vector<1x16xf32> to vector<16xf32>
        %swap3A_1616 = vector.shape_cast %max3A_1611 : vector<16xf32> to vector<1x16xf32>
        tpu.vector_store %arg11[%swap3A_1612, %swap3A_1613], %swap3A_1616 {strides = array<i32>} : memref<80x64xf32, #tpu.memory_space<vmem>>, vector<1x16xf32>,
        %scan3A_1617 = arith.constant 3 : i32
        %scan3A_1618 = arith.addi %scan3A_1469, %scan3A_1617 : i32
        %get3A_1619 = arith.index_cast %scan3A_1618 : i32 to index
        %get3A_1620 = arith.constant 0 : index
        %get3A_1621 = tpu.vector_load %arg11[%get3A_1619, %get3A_1620] {strides = array<i32>} : memref<80x64xf32, #tpu.memory_space<vmem>>, vector<1x16xf32>,
        %get3A_1622 = vector.shape_cast %get3A_1621 : vector<1x16xf32> to vector<16xf32>
        %max3A_1623 = arith.constant 0.000000e+00 : f32
        %max3A_1624 = vector.broadcast %max3A_1623 : f32 to vector<16xf32>
        %max3A_1625 = arith.maximumf %get3A_1622, %max3A_1624 : vector<16xf32>
        %swap3A_1626 = arith.index_cast %scan3A_1618 : i32 to index
        %swap3A_1627 = arith.constant 0 : index
        %swap3A_1628 = tpu.vector_load %arg11[%swap3A_1626, %swap3A_1627] {strides = array<i32>} : memref<80x64xf32, #tpu.memory_space<vmem>>, vector<1x16xf32>,
        %swap3A_1629 = vector.shape_cast %swap3A_1628 : vector<1x16xf32> to vector<16xf32>
        %swap3A_1630 = vector.shape_cast %max3A_1625 : vector<16xf32> to vector<1x16xf32>
        tpu.vector_store %arg11[%swap3A_1626, %swap3A_1627], %swap3A_1630 {strides = array<i32>} : memref<80x64xf32, #tpu.memory_space<vmem>>, vector<1x16xf32>,
        %get3A_1631 = arith.index_cast %scan3A_1618 : i32 to index
        %get3A_1632 = arith.constant 16 : index
        %get3A_1633 = tpu.vector_load %arg11[%get3A_1631, %get3A_1632] {strides = array<i32>} : memref<80x64xf32, #tpu.memory_space<vmem>>, vector<1x16xf32>,
        %get3A_1634 = vector.shape_cast %get3A_1633 : vector<1x16xf32> to vector<16xf32>
        %max3A_1635 = arith.constant 0.000000e+00 : f32
        %max3A_1636 = vector.broadcast %max3A_1635 : f32 to vector<16xf32>
        %max3A_1637 = arith.maximumf %get3A_1634, %max3A_1636 : vector<16xf32>
        %swap3A_1638 = arith.index_cast %scan3A_1618 : i32 to index
        %swap3A_1639 = arith.constant 16 : index
        %swap3A_1640 = tpu.vector_load %arg11[%swap3A_1638, %swap3A_1639] {strides = array<i32>} : memref<80x64xf32, #tpu.memory_space<vmem>>, vector<1x16xf32>,
        %swap3A_1641 = vector.shape_cast %swap3A_1640 : vector<1x16xf32> to vector<16xf32>
        %swap3A_1642 = vector.shape_cast %max3A_1637 : vector<16xf32> to vector<1x16xf32>
        tpu.vector_store %arg11[%swap3A_1638, %swap3A_1639], %swap3A_1642 {strides = array<i32>} : memref<80x64xf32, #tpu.memory_space<vmem>>, vector<1x16xf32>,
        %get3A_1643 = arith.index_cast %scan3A_1618 : i32 to index
        %get3A_1644 = arith.constant 32 : index
        %get3A_1645 = tpu.vector_load %arg11[%get3A_1643, %get3A_1644] {strides = array<i32>} : memref<80x64xf32, #tpu.memory_space<vmem>>, vector<1x16xf32>,
        %get3A_1646 = vector.shape_cast %get3A_1645 : vector<1x16xf32> to vector<16xf32>
        %max3A_1647 = arith.constant 0.000000e+00 : f32
        %max3A_1648 = vector.broadcast %max3A_1647 : f32 to vector<16xf32>
        %max3A_1649 = arith.maximumf %get3A_1646, %max3A_1648 : vector<16xf32>
        %swap3A_1650 = arith.index_cast %scan3A_1618 : i32 to index
        %swap3A_1651 = arith.constant 32 : index
        %swap3A_1652 = tpu.vector_load %arg11[%swap3A_1650, %swap3A_1651] {strides = array<i32>} : memref<80x64xf32, #tpu.memory_space<vmem>>, vector<1x16xf32>,
        %swap3A_1653 = vector.shape_cast %swap3A_1652 : vector<1x16xf32> to vector<16xf32>
        %swap3A_1654 = vector.shape_cast %max3A_1649 : vector<16xf32> to vector<1x16xf32>
        tpu.vector_store %arg11[%swap3A_1650, %swap3A_1651], %swap3A_1654 {strides = array<i32>} : memref<80x64xf32, #tpu.memory_space<vmem>>, vector<1x16xf32>,
        %get3A_1655 = arith.index_cast %scan3A_1618 : i32 to index
        %get3A_1656 = arith.constant 48 : index
        %get3A_1657 = tpu.vector_load %arg11[%get3A_1655, %get3A_1656] {strides = array<i32>} : memref<80x64xf32, #tpu.memory_space<vmem>>, vector<1x16xf32>,
        %get3A_1658 = vector.shape_cast %get3A_1657 : vector<1x16xf32> to vector<16xf32>
        %max3A_1659 = arith.constant 0.000000e+00 : f32
        %max3A_1660 = vector.broadcast %max3A_1659 : f32 to vector<16xf32>
        %max3A_1661 = arith.maximumf %get3A_1658, %max3A_1660 : vector<16xf32>
        %swap3A_1662 = arith.index_cast %scan3A_1618 : i32 to index
        %swap3A_1663 = arith.constant 48 : index
        %swap3A_1664 = tpu.vector_load %arg11[%swap3A_1662, %swap3A_1663] {strides = array<i32>} : memref<80x64xf32, #tpu.memory_space<vmem>>, vector<1x16xf32>,
        %swap3A_1665 = vector.shape_cast %swap3A_1664 : vector<1x16xf32> to vector<16xf32>
        %swap3A_1666 = vector.shape_cast %max3A_1661 : vector<16xf32> to vector<1x16xf32>
        tpu.vector_store %arg11[%swap3A_1662, %swap3A_1663], %swap3A_1666 {strides = array<i32>} : memref<80x64xf32, #tpu.memory_space<vmem>>, vector<1x16xf32>,
      }
      %scan3A_1161 = arith.constant 80 : i32
      %dma_start3A_1162 = arith.constant 0 : i32
      %dma_start3A_1163 = arith.constant 0 : i32
      %dma_start3A_1164 = tpu.memref_slice %arg27[%dma_start3A_1162, %dma_start3A_1163] : memref<10240x64xf32, #tpu.memory_space<vmem_shared>> -> memref<10240x64xf32, #tpu.memory_space<vmem_shared>>
      tpu.enqueue_indirect_dma source(%arg11 : memref<80x64xf32, #tpu.memory_space<vmem>>) target(%dma_start3A_1164 : memref<10240x64xf32, #tpu.memory_space<vmem_shared>>) offsets(%arg9 : memref<80xi32, #tpu.memory_space<vmem>>) semaphore(%arg14 : memref<!tpu.dma_semaphore, #tpu.memory_space<semaphore_mem>>) {add = true}
      %dma_start3A_1165 = arith.constant 0 : i32
      %dma_start3A_1166 = arith.constant 0 : i32
      %dma_start3A_1167 = tpu.memref_slice %arg28[%dma_start3A_1165, %dma_start3A_1166] : memref<10240x16xf32, #tpu.memory_space<vmem_shared>> -> memref<10240x16xf32, #tpu.memory_space<vmem_shared>>
      tpu.enqueue_indirect_dma source(%arg24 : memref<80x16xf32, #tpu.memory_space<vmem>>) target(%dma_start3A_1167 : memref<10240x16xf32, #tpu.memory_space<vmem_shared>>) offsets(%arg9 : memref<80xi32, #tpu.memory_space<vmem>>) semaphore(%arg14 : memref<!tpu.dma_semaphore, #tpu.memory_space<semaphore_mem>>) {add = true}
      %dma_wait3A_1168 = arith.constant 0 : i32
      %dma_wait3A_1169 = arith.constant 0 : i32
      %dma_wait3A_1170 = tpu.memref_slice %arg2[%dma_wait3A_1168, %dma_wait3A_1169] : memref<20000x64xf32, #tpu.memory_space<hbm>> -> memref<20000x64xf32, #tpu.memory_space<hbm>>
      tpu.wait_indirect_dma semaphore(%arg19 : memref<!tpu.dma_semaphore, #tpu.memory_space<semaphore_mem>>) src(%dma_wait3A_1170 : memref<20000x64xf32, #tpu.memory_space<hbm>>) dst(%arg18 : memref<80x64xf32, #tpu.memory_space<vmem>>)
      %dma_start3A_1171 = arith.constant 0 : i32
      %dma_start3A_1172 = arith.constant 0 : i32
      %dma_start3A_1173 = tpu.memref_slice %arg3[%dma_start3A_1171, %dma_start3A_1172] : memref<20000x64xf32, #tpu.memory_space<hbm>> -> memref<20000x64xf32, #tpu.memory_space<hbm>>
      tpu.enqueue_indirect_dma source(%dma_start3A_1173 : memref<20000x64xf32, #tpu.memory_space<hbm>>) target(%arg18 : memref<80x64xf32, #tpu.memory_space<vmem>>) offsets(%arg15 : memref<80xi32, #tpu.memory_space<vmem>>) semaphore(%arg20 : memref<!tpu.dma_semaphore, #tpu.memory_space<semaphore_mem>>) {add = true}
      %dma_wait3A_1174 = arith.constant 0 : i32
      %dma_wait3A_1175 = arith.constant 0 : i32
      %dma_wait3A_1176 = tpu.memref_slice %arg27[%dma_wait3A_1174, %dma_wait3A_1175] : memref<10240x64xf32, #tpu.memory_space<vmem_shared>> -> memref<10240x64xf32, #tpu.memory_space<vmem_shared>>
      tpu.wait_indirect_dma semaphore(%arg14 : memref<!tpu.dma_semaphore, #tpu.memory_space<semaphore_mem>>) src(%arg11 : memref<80x64xf32, #tpu.memory_space<vmem>>) dst(%dma_wait3A_1176 : memref<10240x64xf32, #tpu.memory_space<vmem_shared>>)
      %dma_wait3A_1177 = arith.constant 0 : i32
      %dma_wait3A_1178 = arith.constant 0 : i32
      %dma_wait3A_1179 = tpu.memref_slice %arg28[%dma_wait3A_1177, %dma_wait3A_1178] : memref<10240x16xf32, #tpu.memory_space<vmem_shared>> -> memref<10240x16xf32, #tpu.memory_space<vmem_shared>>
      tpu.wait_indirect_dma semaphore(%arg14 : memref<!tpu.dma_semaphore, #tpu.memory_space<semaphore_mem>>) src(%arg24 : memref<80x16xf32, #tpu.memory_space<vmem>>) dst(%dma_wait3A_1179 : memref<10240x16xf32, #tpu.memory_space<vmem_shared>>)
      %get3A_1180 = arith.constant 640 : index
      %get3A_1181 = tpu.vector_load %arg23[%get3A_1180] {strides = array<i32>} : memref<800xi32, #tpu.memory_space<vmem>>, vector<16xi32>,
      %get3A_1182 = vector.shape_cast %get3A_1181 : vector<16xi32> to vector<16xi32>
      %swap3A_1183 = arith.constant 0 : index
      %swap3A_1184 = tpu.vector_load %arg9[%swap3A_1183] {strides = array<i32>} : memref<80xi32, #tpu.memory_space<vmem>>, vector<16xi32>,
      %swap3A_1185 = vector.shape_cast %swap3A_1184 : vector<16xi32> to vector<16xi32>
      %swap3A_1186 = vector.shape_cast %get3A_1182 : vector<16xi32> to vector<16xi32>
      tpu.vector_store %arg9[%swap3A_1183], %swap3A_1186 {strides = array<i32>} : memref<80xi32, #tpu.memory_space<vmem>>, vector<16xi32>,
      %add3A_1187 = vector.broadcast %mul3A_0 : i32 to vector<16xi32>
      %add3A_1188 = arith.addi %get3A_1182, %add3A_1187 : vector<16xi32>
      %swap3A_1189 = arith.constant 0 : index
      %swap3A_1190 = tpu.vector_load %arg10[%swap3A_1189] {strides = array<i32>} : memref<80xi32, #tpu.memory_space<vmem>>, vector<16xi32>,
      %swap3A_1191 = vector.shape_cast %swap3A_1190 : vector<16xi32> to vector<16xi32>
      %swap3A_1192 = vector.shape_cast %add3A_1188 : vector<16xi32> to vector<16xi32>
      tpu.vector_store %arg10[%swap3A_1189], %swap3A_1192 {strides = array<i32>} : memref<80xi32, #tpu.memory_space<vmem>>, vector<16xi32>,
      %get3A_1193 = arith.constant 640 : index
      %get3A_1194 = tpu.vector_load %arg22[%get3A_1193] {strides = array<i32>} : memref<800xi32, #tpu.memory_space<vmem>>, vector<16xi32>,
      %get3A_1195 = vector.shape_cast %get3A_1194 : vector<16xi32> to vector<16xi32>
      %add3A_1196 = vector.broadcast %mul3A_0 : i32 to vector<16xi32>
      %add3A_1197 = arith.addi %get3A_1195, %add3A_1196 : vector<16xi32>
      %swap3A_1198 = arith.constant 0 : index
      %swap3A_1199 = tpu.vector_load %arg8[%swap3A_1198] {strides = array<i32>} : memref<80xi32, #tpu.memory_space<vmem>>, vector<16xi32>,
      %swap3A_1200 = vector.shape_cast %swap3A_1199 : vector<16xi32> to vector<16xi32>
      %swap3A_1201 = vector.shape_cast %add3A_1197 : vector<16xi32> to vector<16xi32>
      tpu.vector_store %arg8[%swap3A_1198], %swap3A_1201 {strides = array<i32>} : memref<80xi32, #tpu.memory_space<vmem>>, vector<16xi32>,
      %get3A_1202 = arith.constant 656 : index
      %get3A_1203 = tpu.vector_load %arg23[%get3A_1202] {strides = array<i32>} : memref<800xi32, #tpu.memory_space<vmem>>, vector<16xi32>,
      %get3A_1204 = vector.shape_cast %get3A_1203 : vector<16xi32> to vector<16xi32>
      %swap3A_1205 = arith.constant 16 : index
      %swap3A_1206 = tpu.vector_load %arg9[%swap3A_1205] {strides = array<i32>} : memref<80xi32, #tpu.memory_space<vmem>>, vector<16xi32>,
      %swap3A_1207 = vector.shape_cast %swap3A_1206 : vector<16xi32> to vector<16xi32>
      %swap3A_1208 = vector.shape_cast %get3A_1204 : vector<16xi32> to vector<16xi32>
      tpu.vector_store %arg9[%swap3A_1205], %swap3A_1208 {strides = array<i32>} : memref<80xi32, #tpu.memory_space<vmem>>, vector<16xi32>,
      %add3A_1209 = vector.broadcast %mul3A_0 : i32 to vector<16xi32>
      %add3A_1210 = arith.addi %get3A_1204, %add3A_1209 : vector<16xi32>
      %swap3A_1211 = arith.constant 16 : index
      %swap3A_1212 = tpu.vector_load %arg10[%swap3A_1211] {strides = array<i32>} : memref<80xi32, #tpu.memory_space<vmem>>, vector<16xi32>,
      %swap3A_1213 = vector.shape_cast %swap3A_1212 : vector<16xi32> to vector<16xi32>
      %swap3A_1214 = vector.shape_cast %add3A_1210 : vector<16xi32> to vector<16xi32>
      tpu.vector_store %arg10[%swap3A_1211], %swap3A_1214 {strides = array<i32>} : memref<80xi32, #tpu.memory_space<vmem>>, vector<16xi32>,
      %get3A_1215 = arith.constant 656 : index
      %get3A_1216 = tpu.vector_load %arg22[%get3A_1215] {strides = array<i32>} : memref<800xi32, #tpu.memory_space<vmem>>, vector<16xi32>,
      %get3A_1217 = vector.shape_cast %get3A_1216 : vector<16xi32> to vector<16xi32>
      %add3A_1218 = vector.broadcast %mul3A_0 : i32 to vector<16xi32>
      %add3A_1219 = arith.addi %get3A_1217, %add3A_1218 : vector<16xi32>
      %swap3A_1220 = arith.constant 16 : index
      %swap3A_1221 = tpu.vector_load %arg8[%swap3A_1220] {strides = array<i32>} : memref<80xi32, #tpu.memory_space<vmem>>, vector<16xi32>,
      %swap3A_1222 = vector.shape_cast %swap3A_1221 : vector<16xi32> to vector<16xi32>
      %swap3A_1223 = vector.shape_cast %add3A_1219 : vector<16xi32> to vector<16xi32>
      tpu.vector_store %arg8[%swap3A_1220], %swap3A_1223 {strides = array<i32>} : memref<80xi32, #tpu.memory_space<vmem>>, vector<16xi32>,
      %get3A_1224 = arith.constant 672 : index
      %get3A_1225 = tpu.vector_load %arg23[%get3A_1224] {strides = array<i32>} : memref<800xi32, #tpu.memory_space<vmem>>, vector<16xi32>,
      %get3A_1226 = vector.shape_cast %get3A_1225 : vector<16xi32> to vector<16xi32>
      %swap3A_1227 = arith.constant 32 : index
      %swap3A_1228 = tpu.vector_load %arg9[%swap3A_1227] {strides = array<i32>} : memref<80xi32, #tpu.memory_space<vmem>>, vector<16xi32>,
      %swap3A_1229 = vector.shape_cast %swap3A_1228 : vector<16xi32> to vector<16xi32>
      %swap3A_1230 = vector.shape_cast %get3A_1226 : vector<16xi32> to vector<16xi32>
      tpu.vector_store %arg9[%swap3A_1227], %swap3A_1230 {strides = array<i32>} : memref<80xi32, #tpu.memory_space<vmem>>, vector<16xi32>,
      %add3A_1231 = vector.broadcast %mul3A_0 : i32 to vector<16xi32>
      %add3A_1232 = arith.addi %get3A_1226, %add3A_1231 : vector<16xi32>
      %swap3A_1233 = arith.constant 32 : index
      %swap3A_1234 = tpu.vector_load %arg10[%swap3A_1233] {strides = array<i32>} : memref<80xi32, #tpu.memory_space<vmem>>, vector<16xi32>,
      %swap3A_1235 = vector.shape_cast %swap3A_1234 : vector<16xi32> to vector<16xi32>
      %swap3A_1236 = vector.shape_cast %add3A_1232 : vector<16xi32> to vector<16xi32>
      tpu.vector_store %arg10[%swap3A_1233], %swap3A_1236 {strides = array<i32>} : memref<80xi32, #tpu.memory_space<vmem>>, vector<16xi32>,
      %get3A_1237 = arith.constant 672 : index
      %get3A_1238 = tpu.vector_load %arg22[%get3A_1237] {strides = array<i32>} : memref<800xi32, #tpu.memory_space<vmem>>, vector<16xi32>,
      %get3A_1239 = vector.shape_cast %get3A_1238 : vector<16xi32> to vector<16xi32>
      %add3A_1240 = vector.broadcast %mul3A_0 : i32 to vector<16xi32>
      %add3A_1241 = arith.addi %get3A_1239, %add3A_1240 : vector<16xi32>
      %swap3A_1242 = arith.constant 32 : index
      %swap3A_1243 = tpu.vector_load %arg8[%swap3A_1242] {strides = array<i32>} : memref<80xi32, #tpu.memory_space<vmem>>, vector<16xi32>,
      %swap3A_1244 = vector.shape_cast %swap3A_1243 : vector<16xi32> to vector<16xi32>
      %swap3A_1245 = vector.shape_cast %add3A_1241 : vector<16xi32> to vector<16xi32>
      tpu.vector_store %arg8[%swap3A_1242], %swap3A_1245 {strides = array<i32>} : memref<80xi32, #tpu.memory_space<vmem>>, vector<16xi32>,
      %get3A_1246 = arith.constant 688 : index
      %get3A_1247 = tpu.vector_load %arg23[%get3A_1246] {strides = array<i32>} : memref<800xi32, #tpu.memory_space<vmem>>, vector<16xi32>,
      %get3A_1248 = vector.shape_cast %get3A_1247 : vector<16xi32> to vector<16xi32>
      %swap3A_1249 = arith.constant 48 : index
      %swap3A_1250 = tpu.vector_load %arg9[%swap3A_1249] {strides = array<i32>} : memref<80xi32, #tpu.memory_space<vmem>>, vector<16xi32>,
      %swap3A_1251 = vector.shape_cast %swap3A_1250 : vector<16xi32> to vector<16xi32>
      %swap3A_1252 = vector.shape_cast %get3A_1248 : vector<16xi32> to vector<16xi32>
      tpu.vector_store %arg9[%swap3A_1249], %swap3A_1252 {strides = array<i32>} : memref<80xi32, #tpu.memory_space<vmem>>, vector<16xi32>,
      %add3A_1253 = vector.broadcast %mul3A_0 : i32 to vector<16xi32>
      %add3A_1254 = arith.addi %get3A_1248, %add3A_1253 : vector<16xi32>
      %swap3A_1255 = arith.constant 48 : index
      %swap3A_1256 = tpu.vector_load %arg10[%swap3A_1255] {strides = array<i32>} : memref<80xi32, #tpu.memory_space<vmem>>, vector<16xi32>,
      %swap3A_1257 = vector.shape_cast %swap3A_1256 : vector<16xi32> to vector<16xi32>
      %swap3A_1258 = vector.shape_cast %add3A_1254 : vector<16xi32> to vector<16xi32>
      tpu.vector_store %arg10[%swap3A_1255], %swap3A_1258 {strides = array<i32>} : memref<80xi32, #tpu.memory_space<vmem>>, vector<16xi32>,
      %get3A_1259 = arith.constant 688 : index
      %get3A_1260 = tpu.vector_load %arg22[%get3A_1259] {strides = array<i32>} : memref<800xi32, #tpu.memory_space<vmem>>, vector<16xi32>,
      %get3A_1261 = vector.shape_cast %get3A_1260 : vector<16xi32> to vector<16xi32>
      %add3A_1262 = vector.broadcast %mul3A_0 : i32 to vector<16xi32>
      %add3A_1263 = arith.addi %get3A_1261, %add3A_1262 : vector<16xi32>
      %swap3A_1264 = arith.constant 48 : index
      %swap3A_1265 = tpu.vector_load %arg8[%swap3A_1264] {strides = array<i32>} : memref<80xi32, #tpu.memory_space<vmem>>, vector<16xi32>,
      %swap3A_1266 = vector.shape_cast %swap3A_1265 : vector<16xi32> to vector<16xi32>
      %swap3A_1267 = vector.shape_cast %add3A_1263 : vector<16xi32> to vector<16xi32>
      tpu.vector_store %arg8[%swap3A_1264], %swap3A_1267 {strides = array<i32>} : memref<80xi32, #tpu.memory_space<vmem>>, vector<16xi32>,
      %get3A_1268 = arith.constant 704 : index
      %get3A_1269 = tpu.vector_load %arg23[%get3A_1268] {strides = array<i32>} : memref<800xi32, #tpu.memory_space<vmem>>, vector<16xi32>,
      %get3A_1270 = vector.shape_cast %get3A_1269 : vector<16xi32> to vector<16xi32>
      %swap3A_1271 = arith.constant 64 : index
      %swap3A_1272 = tpu.vector_load %arg9[%swap3A_1271] {strides = array<i32>} : memref<80xi32, #tpu.memory_space<vmem>>, vector<16xi32>,
      %swap3A_1273 = vector.shape_cast %swap3A_1272 : vector<16xi32> to vector<16xi32>
      %swap3A_1274 = vector.shape_cast %get3A_1270 : vector<16xi32> to vector<16xi32>
      tpu.vector_store %arg9[%swap3A_1271], %swap3A_1274 {strides = array<i32>} : memref<80xi32, #tpu.memory_space<vmem>>, vector<16xi32>,
      %add3A_1275 = vector.broadcast %mul3A_0 : i32 to vector<16xi32>
      %add3A_1276 = arith.addi %get3A_1270, %add3A_1275 : vector<16xi32>
      %swap3A_1277 = arith.constant 64 : index
      %swap3A_1278 = tpu.vector_load %arg10[%swap3A_1277] {strides = array<i32>} : memref<80xi32, #tpu.memory_space<vmem>>, vector<16xi32>,
      %swap3A_1279 = vector.shape_cast %swap3A_1278 : vector<16xi32> to vector<16xi32>
      %swap3A_1280 = vector.shape_cast %add3A_1276 : vector<16xi32> to vector<16xi32>
      tpu.vector_store %arg10[%swap3A_1277], %swap3A_1280 {strides = array<i32>} : memref<80xi32, #tpu.memory_space<vmem>>, vector<16xi32>,
      %get3A_1281 = arith.constant 704 : index
      %get3A_1282 = tpu.vector_load %arg22[%get3A_1281] {strides = array<i32>} : memref<800xi32, #tpu.memory_space<vmem>>, vector<16xi32>,
      %get3A_1283 = vector.shape_cast %get3A_1282 : vector<16xi32> to vector<16xi32>
      %add3A_1284 = vector.broadcast %mul3A_0 : i32 to vector<16xi32>
      %add3A_1285 = arith.addi %get3A_1283, %add3A_1284 : vector<16xi32>
      %swap3A_1286 = arith.constant 64 : index
      %swap3A_1287 = tpu.vector_load %arg8[%swap3A_1286] {strides = array<i32>} : memref<80xi32, #tpu.memory_space<vmem>>, vector<16xi32>,
      %swap3A_1288 = vector.shape_cast %swap3A_1287 : vector<16xi32> to vector<16xi32>
      %swap3A_1289 = vector.shape_cast %add3A_1285 : vector<16xi32> to vector<16xi32>
      tpu.vector_store %arg8[%swap3A_1286], %swap3A_1289 {strides = array<i32>} : memref<80xi32, #tpu.memory_space<vmem>>, vector<16xi32>,
      %dma_start3A_1290 = arith.constant 0 : i32
      %dma_start3A_1291 = arith.constant 0 : i32
      %dma_start3A_1292 = tpu.memref_slice %arg2[%dma_start3A_1290, %dma_start3A_1291] : memref<20000x64xf32, #tpu.memory_space<hbm>> -> memref<20000x64xf32, #tpu.memory_space<hbm>>
      tpu.enqueue_indirect_dma source(%dma_start3A_1292 : memref<20000x64xf32, #tpu.memory_space<hbm>>) target(%arg11 : memref<80x64xf32, #tpu.memory_space<vmem>>) offsets(%arg10 : memref<80xi32, #tpu.memory_space<vmem>>) semaphore(%arg12 : memref<!tpu.dma_semaphore, #tpu.memory_space<semaphore_mem>>)
      %dma_wait3A_1293 = arith.constant 0 : i32
      %dma_wait3A_1294 = arith.constant 0 : i32
      %dma_wait3A_1295 = tpu.memref_slice %arg3[%dma_wait3A_1293, %dma_wait3A_1294] : memref<20000x64xf32, #tpu.memory_space<hbm>> -> memref<20000x64xf32, #tpu.memory_space<hbm>>
      tpu.wait_indirect_dma semaphore(%arg20 : memref<!tpu.dma_semaphore, #tpu.memory_space<semaphore_mem>>) src(%dma_wait3A_1295 : memref<20000x64xf32, #tpu.memory_space<hbm>>) dst(%arg18 : memref<80x64xf32, #tpu.memory_space<vmem>>)
      %scan3A_1296 = arith.constant 0 : i32
      %scan3A_1297 = arith.constant 0 : i32
      %scan3A_1298 = arith.constant 80 : i32
      %scan3A_1299 = arith.addi %scan3A_1297, %scan3A_1298 : i32
      %scan3A_1300 = arith.constant 4 : i32
      scf.for %scan3A_1469 = %scan3A_1297 to %scan3A_1299 step %scan3A_1300  : i32 {
        %get3A_1470 = arith.index_cast %scan3A_1469 : i32 to index
        %get3A_1471 = arith.constant 0 : index
        %get3A_1472 = tpu.vector_load %arg18[%get3A_1470, %get3A_1471] {strides = array<i32>} : memref<80x64xf32, #tpu.memory_space<vmem>>, vector<1x16xf32>,
        %get3A_1473 = vector.shape_cast %get3A_1472 : vector<1x16xf32> to vector<16xf32>
        %max3A = arith.constant 0.000000e+00 : f32
        %max3A_1474 = vector.broadcast %max3A : f32 to vector<16xf32>
        %max3A_1475 = arith.maximumf %get3A_1473, %max3A_1474 : vector<16xf32>
        %swap3A_1476 = arith.index_cast %scan3A_1469 : i32 to index
        %swap3A_1477 = arith.constant 0 : index
        %swap3A_1478 = tpu.vector_load %arg18[%swap3A_1476, %swap3A_1477] {strides = array<i32>} : memref<80x64xf32, #tpu.memory_space<vmem>>, vector<1x16xf32>,
        %swap3A_1479 = vector.shape_cast %swap3A_1478 : vector<1x16xf32> to vector<16xf32>
        %swap3A_1480 = vector.shape_cast %max3A_1475 : vector<16xf32> to vector<1x16xf32>
        tpu.vector_store %arg18[%swap3A_1476, %swap3A_1477], %swap3A_1480 {strides = array<i32>} : memref<80x64xf32, #tpu.memory_space<vmem>>, vector<1x16xf32>,
        %get3A_1481 = arith.index_cast %scan3A_1469 : i32 to index
        %get3A_1482 = arith.constant 16 : index
        %get3A_1483 = tpu.vector_load %arg18[%get3A_1481, %get3A_1482] {strides = array<i32>} : memref<80x64xf32, #tpu.memory_space<vmem>>, vector<1x16xf32>,
        %get3A_1484 = vector.shape_cast %get3A_1483 : vector<1x16xf32> to vector<16xf32>
        %max3A_1485 = arith.constant 0.000000e+00 : f32
        %max3A_1486 = vector.broadcast %max3A_1485 : f32 to vector<16xf32>
        %max3A_1487 = arith.maximumf %get3A_1484, %max3A_1486 : vector<16xf32>
        %swap3A_1488 = arith.index_cast %scan3A_1469 : i32 to index
        %swap3A_1489 = arith.constant 16 : index
        %swap3A_1490 = tpu.vector_load %arg18[%swap3A_1488, %swap3A_1489] {strides = array<i32>} : memref<80x64xf32, #tpu.memory_space<vmem>>, vector<1x16xf32>,
        %swap3A_1491 = vector.shape_cast %swap3A_1490 : vector<1x16xf32> to vector<16xf32>
        %swap3A_1492 = vector.shape_cast %max3A_1487 : vector<16xf32> to vector<1x16xf32>
        tpu.vector_store %arg18[%swap3A_1488, %swap3A_1489], %swap3A_1492 {strides = array<i32>} : memref<80x64xf32, #tpu.memory_space<vmem>>, vector<1x16xf32>,
        %get3A_1493 = arith.index_cast %scan3A_1469 : i32 to index
        %get3A_1494 = arith.constant 32 : index
        %get3A_1495 = tpu.vector_load %arg18[%get3A_1493, %get3A_1494] {strides = array<i32>} : memref<80x64xf32, #tpu.memory_space<vmem>>, vector<1x16xf32>,
        %get3A_1496 = vector.shape_cast %get3A_1495 : vector<1x16xf32> to vector<16xf32>
        %max3A_1497 = arith.constant 0.000000e+00 : f32
        %max3A_1498 = vector.broadcast %max3A_1497 : f32 to vector<16xf32>
        %max3A_1499 = arith.maximumf %get3A_1496, %max3A_1498 : vector<16xf32>
        %swap3A_1500 = arith.index_cast %scan3A_1469 : i32 to index
        %swap3A_1501 = arith.constant 32 : index
        %swap3A_1502 = tpu.vector_load %arg18[%swap3A_1500, %swap3A_1501] {strides = array<i32>} : memref<80x64xf32, #tpu.memory_space<vmem>>, vector<1x16xf32>,
        %swap3A_1503 = vector.shape_cast %swap3A_1502 : vector<1x16xf32> to vector<16xf32>
        %swap3A_1504 = vector.shape_cast %max3A_1499 : vector<16xf32> to vector<1x16xf32>
        tpu.vector_store %arg18[%swap3A_1500, %swap3A_1501], %swap3A_1504 {strides = array<i32>} : memref<80x64xf32, #tpu.memory_space<vmem>>, vector<1x16xf32>,
        %get3A_1505 = arith.index_cast %scan3A_1469 : i32 to index
        %get3A_1506 = arith.constant 48 : index
        %get3A_1507 = tpu.vector_load %arg18[%get3A_1505, %get3A_1506] {strides = array<i32>} : memref<80x64xf32, #tpu.memory_space<vmem>>, vector<1x16xf32>,
        %get3A_1508 = vector.shape_cast %get3A_1507 : vector<1x16xf32> to vector<16xf32>
        %max3A_1509 = arith.constant 0.000000e+00 : f32
        %max3A_1510 = vector.broadcast %max3A_1509 : f32 to vector<16xf32>
        %max3A_1511 = arith.maximumf %get3A_1508, %max3A_1510 : vector<16xf32>
        %swap3A_1512 = arith.index_cast %scan3A_1469 : i32 to index
        %swap3A_1513 = arith.constant 48 : index
        %swap3A_1514 = tpu.vector_load %arg18[%swap3A_1512, %swap3A_1513] {strides = array<i32>} : memref<80x64xf32, #tpu.memory_space<vmem>>, vector<1x16xf32>,
        %swap3A_1515 = vector.shape_cast %swap3A_1514 : vector<1x16xf32> to vector<16xf32>
        %swap3A_1516 = vector.shape_cast %max3A_1511 : vector<16xf32> to vector<1x16xf32>
        tpu.vector_store %arg18[%swap3A_1512, %swap3A_1513], %swap3A_1516 {strides = array<i32>} : memref<80x64xf32, #tpu.memory_space<vmem>>, vector<1x16xf32>,
        %scan3A_1517 = arith.constant 1 : i32
        %scan3A_1518 = arith.addi %scan3A_1469, %scan3A_1517 : i32
        %get3A_1519 = arith.index_cast %scan3A_1518 : i32 to index
        %get3A_1520 = arith.constant 0 : index
        %get3A_1521 = tpu.vector_load %arg18[%get3A_1519, %get3A_1520] {strides = array<i32>} : memref<80x64xf32, #tpu.memory_space<vmem>>, vector<1x16xf32>,
        %get3A_1522 = vector.shape_cast %get3A_1521 : vector<1x16xf32> to vector<16xf32>
        %max3A_1523 = arith.constant 0.000000e+00 : f32
        %max3A_1524 = vector.broadcast %max3A_1523 : f32 to vector<16xf32>
        %max3A_1525 = arith.maximumf %get3A_1522, %max3A_1524 : vector<16xf32>
        %swap3A_1526 = arith.index_cast %scan3A_1518 : i32 to index
        %swap3A_1527 = arith.constant 0 : index
        %swap3A_1528 = tpu.vector_load %arg18[%swap3A_1526, %swap3A_1527] {strides = array<i32>} : memref<80x64xf32, #tpu.memory_space<vmem>>, vector<1x16xf32>,
        %swap3A_1529 = vector.shape_cast %swap3A_1528 : vector<1x16xf32> to vector<16xf32>
        %swap3A_1530 = vector.shape_cast %max3A_1525 : vector<16xf32> to vector<1x16xf32>
        tpu.vector_store %arg18[%swap3A_1526, %swap3A_1527], %swap3A_1530 {strides = array<i32>} : memref<80x64xf32, #tpu.memory_space<vmem>>, vector<1x16xf32>,
        %get3A_1531 = arith.index_cast %scan3A_1518 : i32 to index
        %get3A_1532 = arith.constant 16 : index
        %get3A_1533 = tpu.vector_load %arg18[%get3A_1531, %get3A_1532] {strides = array<i32>} : memref<80x64xf32, #tpu.memory_space<vmem>>, vector<1x16xf32>,
        %get3A_1534 = vector.shape_cast %get3A_1533 : vector<1x16xf32> to vector<16xf32>
        %max3A_1535 = arith.constant 0.000000e+00 : f32
        %max3A_1536 = vector.broadcast %max3A_1535 : f32 to vector<16xf32>
        %max3A_1537 = arith.maximumf %get3A_1534, %max3A_1536 : vector<16xf32>
        %swap3A_1538 = arith.index_cast %scan3A_1518 : i32 to index
        %swap3A_1539 = arith.constant 16 : index
        %swap3A_1540 = tpu.vector_load %arg18[%swap3A_1538, %swap3A_1539] {strides = array<i32>} : memref<80x64xf32, #tpu.memory_space<vmem>>, vector<1x16xf32>,
        %swap3A_1541 = vector.shape_cast %swap3A_1540 : vector<1x16xf32> to vector<16xf32>
        %swap3A_1542 = vector.shape_cast %max3A_1537 : vector<16xf32> to vector<1x16xf32>
        tpu.vector_store %arg18[%swap3A_1538, %swap3A_1539], %swap3A_1542 {strides = array<i32>} : memref<80x64xf32, #tpu.memory_space<vmem>>, vector<1x16xf32>,
        %get3A_1543 = arith.index_cast %scan3A_1518 : i32 to index
        %get3A_1544 = arith.constant 32 : index
        %get3A_1545 = tpu.vector_load %arg18[%get3A_1543, %get3A_1544] {strides = array<i32>} : memref<80x64xf32, #tpu.memory_space<vmem>>, vector<1x16xf32>,
        %get3A_1546 = vector.shape_cast %get3A_1545 : vector<1x16xf32> to vector<16xf32>
        %max3A_1547 = arith.constant 0.000000e+00 : f32
        %max3A_1548 = vector.broadcast %max3A_1547 : f32 to vector<16xf32>
        %max3A_1549 = arith.maximumf %get3A_1546, %max3A_1548 : vector<16xf32>
        %swap3A_1550 = arith.index_cast %scan3A_1518 : i32 to index
        %swap3A_1551 = arith.constant 32 : index
        %swap3A_1552 = tpu.vector_load %arg18[%swap3A_1550, %swap3A_1551] {strides = array<i32>} : memref<80x64xf32, #tpu.memory_space<vmem>>, vector<1x16xf32>,
        %swap3A_1553 = vector.shape_cast %swap3A_1552 : vector<1x16xf32> to vector<16xf32>
        %swap3A_1554 = vector.shape_cast %max3A_1549 : vector<16xf32> to vector<1x16xf32>
        tpu.vector_store %arg18[%swap3A_1550, %swap3A_1551], %swap3A_1554 {strides = array<i32>} : memref<80x64xf32, #tpu.memory_space<vmem>>, vector<1x16xf32>,
        %get3A_1555 = arith.index_cast %scan3A_1518 : i32 to index
        %get3A_1556 = arith.constant 48 : index
        %get3A_1557 = tpu.vector_load %arg18[%get3A_1555, %get3A_1556] {strides = array<i32>} : memref<80x64xf32, #tpu.memory_space<vmem>>, vector<1x16xf32>,
        %get3A_1558 = vector.shape_cast %get3A_1557 : vector<1x16xf32> to vector<16xf32>
        %max3A_1559 = arith.constant 0.000000e+00 : f32
        %max3A_1560 = vector.broadcast %max3A_1559 : f32 to vector<16xf32>
        %max3A_1561 = arith.maximumf %get3A_1558, %max3A_1560 : vector<16xf32>
        %swap3A_1562 = arith.index_cast %scan3A_1518 : i32 to index
        %swap3A_1563 = arith.constant 48 : index
        %swap3A_1564 = tpu.vector_load %arg18[%swap3A_1562, %swap3A_1563] {strides = array<i32>} : memref<80x64xf32, #tpu.memory_space<vmem>>, vector<1x16xf32>,
        %swap3A_1565 = vector.shape_cast %swap3A_1564 : vector<1x16xf32> to vector<16xf32>
        %swap3A_1566 = vector.shape_cast %max3A_1561 : vector<16xf32> to vector<1x16xf32>
        tpu.vector_store %arg18[%swap3A_1562, %swap3A_1563], %swap3A_1566 {strides = array<i32>} : memref<80x64xf32, #tpu.memory_space<vmem>>, vector<1x16xf32>,
        %scan3A_1567 = arith.constant 2 : i32
        %scan3A_1568 = arith.addi %scan3A_1469, %scan3A_1567 : i32
        %get3A_1569 = arith.index_cast %scan3A_1568 : i32 to index
        %get3A_1570 = arith.constant 0 : index
        %get3A_1571 = tpu.vector_load %arg18[%get3A_1569, %get3A_1570] {strides = array<i32>} : memref<80x64xf32, #tpu.memory_space<vmem>>, vector<1x16xf32>,
        %get3A_1572 = vector.shape_cast %get3A_1571 : vector<1x16xf32> to vector<16xf32>
        %max3A_1573 = arith.constant 0.000000e+00 : f32
        %max3A_1574 = vector.broadcast %max3A_1573 : f32 to vector<16xf32>
        %max3A_1575 = arith.maximumf %get3A_1572, %max3A_1574 : vector<16xf32>
        %swap3A_1576 = arith.index_cast %scan3A_1568 : i32 to index
        %swap3A_1577 = arith.constant 0 : index
        %swap3A_1578 = tpu.vector_load %arg18[%swap3A_1576, %swap3A_1577] {strides = array<i32>} : memref<80x64xf32, #tpu.memory_space<vmem>>, vector<1x16xf32>,
        %swap3A_1579 = vector.shape_cast %swap3A_1578 : vector<1x16xf32> to vector<16xf32>
        %swap3A_1580 = vector.shape_cast %max3A_1575 : vector<16xf32> to vector<1x16xf32>
        tpu.vector_store %arg18[%swap3A_1576, %swap3A_1577], %swap3A_1580 {strides = array<i32>} : memref<80x64xf32, #tpu.memory_space<vmem>>, vector<1x16xf32>,
        %get3A_1581 = arith.index_cast %scan3A_1568 : i32 to index
        %get3A_1582 = arith.constant 16 : index
        %get3A_1583 = tpu.vector_load %arg18[%get3A_1581, %get3A_1582] {strides = array<i32>} : memref<80x64xf32, #tpu.memory_space<vmem>>, vector<1x16xf32>,
        %get3A_1584 = vector.shape_cast %get3A_1583 : vector<1x16xf32> to vector<16xf32>
        %max3A_1585 = arith.constant 0.000000e+00 : f32
        %max3A_1586 = vector.broadcast %max3A_1585 : f32 to vector<16xf32>
        %max3A_1587 = arith.maximumf %get3A_1584, %max3A_1586 : vector<16xf32>
        %swap3A_1588 = arith.index_cast %scan3A_1568 : i32 to index
        %swap3A_1589 = arith.constant 16 : index
        %swap3A_1590 = tpu.vector_load %arg18[%swap3A_1588, %swap3A_1589] {strides = array<i32>} : memref<80x64xf32, #tpu.memory_space<vmem>>, vector<1x16xf32>,
        %swap3A_1591 = vector.shape_cast %swap3A_1590 : vector<1x16xf32> to vector<16xf32>
        %swap3A_1592 = vector.shape_cast %max3A_1587 : vector<16xf32> to vector<1x16xf32>
        tpu.vector_store %arg18[%swap3A_1588, %swap3A_1589], %swap3A_1592 {strides = array<i32>} : memref<80x64xf32, #tpu.memory_space<vmem>>, vector<1x16xf32>,
        %get3A_1593 = arith.index_cast %scan3A_1568 : i32 to index
        %get3A_1594 = arith.constant 32 : index
        %get3A_1595 = tpu.vector_load %arg18[%get3A_1593, %get3A_1594] {strides = array<i32>} : memref<80x64xf32, #tpu.memory_space<vmem>>, vector<1x16xf32>,
        %get3A_1596 = vector.shape_cast %get3A_1595 : vector<1x16xf32> to vector<16xf32>
        %max3A_1597 = arith.constant 0.000000e+00 : f32
        %max3A_1598 = vector.broadcast %max3A_1597 : f32 to vector<16xf32>
        %max3A_1599 = arith.maximumf %get3A_1596, %max3A_1598 : vector<16xf32>
        %swap3A_1600 = arith.index_cast %scan3A_1568 : i32 to index
        %swap3A_1601 = arith.constant 32 : index
        %swap3A_1602 = tpu.vector_load %arg18[%swap3A_1600, %swap3A_1601] {strides = array<i32>} : memref<80x64xf32, #tpu.memory_space<vmem>>, vector<1x16xf32>,
        %swap3A_1603 = vector.shape_cast %swap3A_1602 : vector<1x16xf32> to vector<16xf32>
        %swap3A_1604 = vector.shape_cast %max3A_1599 : vector<16xf32> to vector<1x16xf32>
        tpu.vector_store %arg18[%swap3A_1600, %swap3A_1601], %swap3A_1604 {strides = array<i32>} : memref<80x64xf32, #tpu.memory_space<vmem>>, vector<1x16xf32>,
        %get3A_1605 = arith.index_cast %scan3A_1568 : i32 to index
        %get3A_1606 = arith.constant 48 : index
        %get3A_1607 = tpu.vector_load %arg18[%get3A_1605, %get3A_1606] {strides = array<i32>} : memref<80x64xf32, #tpu.memory_space<vmem>>, vector<1x16xf32>,
        %get3A_1608 = vector.shape_cast %get3A_1607 : vector<1x16xf32> to vector<16xf32>
        %max3A_1609 = arith.constant 0.000000e+00 : f32
        %max3A_1610 = vector.broadcast %max3A_1609 : f32 to vector<16xf32>
        %max3A_1611 = arith.maximumf %get3A_1608, %max3A_1610 : vector<16xf32>
        %swap3A_1612 = arith.index_cast %scan3A_1568 : i32 to index
        %swap3A_1613 = arith.constant 48 : index
        %swap3A_1614 = tpu.vector_load %arg18[%swap3A_1612, %swap3A_1613] {strides = array<i32>} : memref<80x64xf32, #tpu.memory_space<vmem>>, vector<1x16xf32>,
        %swap3A_1615 = vector.shape_cast %swap3A_1614 : vector<1x16xf32> to vector<16xf32>
        %swap3A_1616 = vector.shape_cast %max3A_1611 : vector<16xf32> to vector<1x16xf32>
        tpu.vector_store %arg18[%swap3A_1612, %swap3A_1613], %swap3A_1616 {strides = array<i32>} : memref<80x64xf32, #tpu.memory_space<vmem>>, vector<1x16xf32>,
        %scan3A_1617 = arith.constant 3 : i32
        %scan3A_1618 = arith.addi %scan3A_1469, %scan3A_1617 : i32
        %get3A_1619 = arith.index_cast %scan3A_1618 : i32 to index
        %get3A_1620 = arith.constant 0 : index
        %get3A_1621 = tpu.vector_load %arg18[%get3A_1619, %get3A_1620] {strides = array<i32>} : memref<80x64xf32, #tpu.memory_space<vmem>>, vector<1x16xf32>,
        %get3A_1622 = vector.shape_cast %get3A_1621 : vector<1x16xf32> to vector<16xf32>
        %max3A_1623 = arith.constant 0.000000e+00 : f32
        %max3A_1624 = vector.broadcast %max3A_1623 : f32 to vector<16xf32>
        %max3A_1625 = arith.maximumf %get3A_1622, %max3A_1624 : vector<16xf32>
        %swap3A_1626 = arith.index_cast %scan3A_1618 : i32 to index
        %swap3A_1627 = arith.constant 0 : index
        %swap3A_1628 = tpu.vector_load %arg18[%swap3A_1626, %swap3A_1627] {strides = array<i32>} : memref<80x64xf32, #tpu.memory_space<vmem>>, vector<1x16xf32>,
        %swap3A_1629 = vector.shape_cast %swap3A_1628 : vector<1x16xf32> to vector<16xf32>
        %swap3A_1630 = vector.shape_cast %max3A_1625 : vector<16xf32> to vector<1x16xf32>
        tpu.vector_store %arg18[%swap3A_1626, %swap3A_1627], %swap3A_1630 {strides = array<i32>} : memref<80x64xf32, #tpu.memory_space<vmem>>, vector<1x16xf32>,
        %get3A_1631 = arith.index_cast %scan3A_1618 : i32 to index
        %get3A_1632 = arith.constant 16 : index
        %get3A_1633 = tpu.vector_load %arg18[%get3A_1631, %get3A_1632] {strides = array<i32>} : memref<80x64xf32, #tpu.memory_space<vmem>>, vector<1x16xf32>,
        %get3A_1634 = vector.shape_cast %get3A_1633 : vector<1x16xf32> to vector<16xf32>
        %max3A_1635 = arith.constant 0.000000e+00 : f32
        %max3A_1636 = vector.broadcast %max3A_1635 : f32 to vector<16xf32>
        %max3A_1637 = arith.maximumf %get3A_1634, %max3A_1636 : vector<16xf32>
        %swap3A_1638 = arith.index_cast %scan3A_1618 : i32 to index
        %swap3A_1639 = arith.constant 16 : index
        %swap3A_1640 = tpu.vector_load %arg18[%swap3A_1638, %swap3A_1639] {strides = array<i32>} : memref<80x64xf32, #tpu.memory_space<vmem>>, vector<1x16xf32>,
        %swap3A_1641 = vector.shape_cast %swap3A_1640 : vector<1x16xf32> to vector<16xf32>
        %swap3A_1642 = vector.shape_cast %max3A_1637 : vector<16xf32> to vector<1x16xf32>
        tpu.vector_store %arg18[%swap3A_1638, %swap3A_1639], %swap3A_1642 {strides = array<i32>} : memref<80x64xf32, #tpu.memory_space<vmem>>, vector<1x16xf32>,
        %get3A_1643 = arith.index_cast %scan3A_1618 : i32 to index
        %get3A_1644 = arith.constant 32 : index
        %get3A_1645 = tpu.vector_load %arg18[%get3A_1643, %get3A_1644] {strides = array<i32>} : memref<80x64xf32, #tpu.memory_space<vmem>>, vector<1x16xf32>,
        %get3A_1646 = vector.shape_cast %get3A_1645 : vector<1x16xf32> to vector<16xf32>
        %max3A_1647 = arith.constant 0.000000e+00 : f32
        %max3A_1648 = vector.broadcast %max3A_1647 : f32 to vector<16xf32>
        %max3A_1649 = arith.maximumf %get3A_1646, %max3A_1648 : vector<16xf32>
        %swap3A_1650 = arith.index_cast %scan3A_1618 : i32 to index
        %swap3A_1651 = arith.constant 32 : index
        %swap3A_1652 = tpu.vector_load %arg18[%swap3A_1650, %swap3A_1651] {strides = array<i32>} : memref<80x64xf32, #tpu.memory_space<vmem>>, vector<1x16xf32>,
        %swap3A_1653 = vector.shape_cast %swap3A_1652 : vector<1x16xf32> to vector<16xf32>
        %swap3A_1654 = vector.shape_cast %max3A_1649 : vector<16xf32> to vector<1x16xf32>
        tpu.vector_store %arg18[%swap3A_1650, %swap3A_1651], %swap3A_1654 {strides = array<i32>} : memref<80x64xf32, #tpu.memory_space<vmem>>, vector<1x16xf32>,
        %get3A_1655 = arith.index_cast %scan3A_1618 : i32 to index
        %get3A_1656 = arith.constant 48 : index
        %get3A_1657 = tpu.vector_load %arg18[%get3A_1655, %get3A_1656] {strides = array<i32>} : memref<80x64xf32, #tpu.memory_space<vmem>>, vector<1x16xf32>,
        %get3A_1658 = vector.shape_cast %get3A_1657 : vector<1x16xf32> to vector<16xf32>
        %max3A_1659 = arith.constant 0.000000e+00 : f32
        %max3A_1660 = vector.broadcast %max3A_1659 : f32 to vector<16xf32>
        %max3A_1661 = arith.maximumf %get3A_1658, %max3A_1660 : vector<16xf32>
        %swap3A_1662 = arith.index_cast %scan3A_1618 : i32 to index
        %swap3A_1663 = arith.constant 48 : index
        %swap3A_1664 = tpu.vector_load %arg18[%swap3A_1662, %swap3A_1663] {strides = array<i32>} : memref<80x64xf32, #tpu.memory_space<vmem>>, vector<1x16xf32>,
        %swap3A_1665 = vector.shape_cast %swap3A_1664 : vector<1x16xf32> to vector<16xf32>
        %swap3A_1666 = vector.shape_cast %max3A_1661 : vector<16xf32> to vector<1x16xf32>
        tpu.vector_store %arg18[%swap3A_1662, %swap3A_1663], %swap3A_1666 {strides = array<i32>} : memref<80x64xf32, #tpu.memory_space<vmem>>, vector<1x16xf32>,
      }
      %scan3A_1301 = arith.constant 80 : i32
      %dma_start3A_1302 = arith.constant 0 : i32
      %dma_start3A_1303 = arith.constant 0 : i32
      %dma_start3A_1304 = tpu.memref_slice %arg27[%dma_start3A_1302, %dma_start3A_1303] : memref<10240x64xf32, #tpu.memory_space<vmem_shared>> -> memref<10240x64xf32, #tpu.memory_space<vmem_shared>>
      tpu.enqueue_indirect_dma source(%arg18 : memref<80x64xf32, #tpu.memory_space<vmem>>) target(%dma_start3A_1304 : memref<10240x64xf32, #tpu.memory_space<vmem_shared>>) offsets(%arg16 : memref<80xi32, #tpu.memory_space<vmem>>) semaphore(%arg21 : memref<!tpu.dma_semaphore, #tpu.memory_space<semaphore_mem>>) {add = true}
      %dma_start3A_1305 = arith.constant 0 : i32
      %dma_start3A_1306 = arith.constant 0 : i32
      %dma_start3A_1307 = tpu.memref_slice %arg28[%dma_start3A_1305, %dma_start3A_1306] : memref<10240x16xf32, #tpu.memory_space<vmem_shared>> -> memref<10240x16xf32, #tpu.memory_space<vmem_shared>>
      tpu.enqueue_indirect_dma source(%arg24 : memref<80x16xf32, #tpu.memory_space<vmem>>) target(%dma_start3A_1307 : memref<10240x16xf32, #tpu.memory_space<vmem_shared>>) offsets(%arg16 : memref<80xi32, #tpu.memory_space<vmem>>) semaphore(%arg21 : memref<!tpu.dma_semaphore, #tpu.memory_space<semaphore_mem>>) {add = true}
      %dma_wait3A_1308 = arith.constant 0 : i32
      %dma_wait3A_1309 = arith.constant 0 : i32
      %dma_wait3A_1310 = tpu.memref_slice %arg2[%dma_wait3A_1308, %dma_wait3A_1309] : memref<20000x64xf32, #tpu.memory_space<hbm>> -> memref<20000x64xf32, #tpu.memory_space<hbm>>
      tpu.wait_indirect_dma semaphore(%arg12 : memref<!tpu.dma_semaphore, #tpu.memory_space<semaphore_mem>>) src(%dma_wait3A_1310 : memref<20000x64xf32, #tpu.memory_space<hbm>>) dst(%arg11 : memref<80x64xf32, #tpu.memory_space<vmem>>)
      %dma_start3A_1311 = arith.constant 0 : i32
      %dma_start3A_1312 = arith.constant 0 : i32
      %dma_start3A_1313 = tpu.memref_slice %arg3[%dma_start3A_1311, %dma_start3A_1312] : memref<20000x64xf32, #tpu.memory_space<hbm>> -> memref<20000x64xf32, #tpu.memory_space<hbm>>
      tpu.enqueue_indirect_dma source(%dma_start3A_1313 : memref<20000x64xf32, #tpu.memory_space<hbm>>) target(%arg11 : memref<80x64xf32, #tpu.memory_space<vmem>>) offsets(%arg8 : memref<80xi32, #tpu.memory_space<vmem>>) semaphore(%arg13 : memref<!tpu.dma_semaphore, #tpu.memory_space<semaphore_mem>>) {add = true}
      %dma_wait3A_1314 = arith.constant 0 : i32
      %dma_wait3A_1315 = arith.constant 0 : i32
      %dma_wait3A_1316 = tpu.memref_slice %arg27[%dma_wait3A_1314, %dma_wait3A_1315] : memref<10240x64xf32, #tpu.memory_space<vmem_shared>> -> memref<10240x64xf32, #tpu.memory_space<vmem_shared>>
      tpu.wait_indirect_dma semaphore(%arg21 : memref<!tpu.dma_semaphore, #tpu.memory_space<semaphore_mem>>) src(%arg18 : memref<80x64xf32, #tpu.memory_space<vmem>>) dst(%dma_wait3A_1316 : memref<10240x64xf32, #tpu.memory_space<vmem_shared>>)
      %dma_wait3A_1317 = arith.constant 0 : i32
      %dma_wait3A_1318 = arith.constant 0 : i32
      %dma_wait3A_1319 = tpu.memref_slice %arg28[%dma_wait3A_1317, %dma_wait3A_1318] : memref<10240x16xf32, #tpu.memory_space<vmem_shared>> -> memref<10240x16xf32, #tpu.memory_space<vmem_shared>>
      tpu.wait_indirect_dma semaphore(%arg21 : memref<!tpu.dma_semaphore, #tpu.memory_space<semaphore_mem>>) src(%arg24 : memref<80x16xf32, #tpu.memory_space<vmem>>) dst(%dma_wait3A_1319 : memref<10240x16xf32, #tpu.memory_space<vmem_shared>>)
      %get3A_1320 = arith.constant 720 : index
      %get3A_1321 = tpu.vector_load %arg23[%get3A_1320] {strides = array<i32>} : memref<800xi32, #tpu.memory_space<vmem>>, vector<16xi32>,
      %get3A_1322 = vector.shape_cast %get3A_1321 : vector<16xi32> to vector<16xi32>
      %swap3A_1323 = arith.constant 0 : index
      %swap3A_1324 = tpu.vector_load %arg16[%swap3A_1323] {strides = array<i32>} : memref<80xi32, #tpu.memory_space<vmem>>, vector<16xi32>,
      %swap3A_1325 = vector.shape_cast %swap3A_1324 : vector<16xi32> to vector<16xi32>
      %swap3A_1326 = vector.shape_cast %get3A_1322 : vector<16xi32> to vector<16xi32>
      tpu.vector_store %arg16[%swap3A_1323], %swap3A_1326 {strides = array<i32>} : memref<80xi32, #tpu.memory_space<vmem>>, vector<16xi32>,
      %add3A_1327 = vector.broadcast %mul3A_0 : i32 to vector<16xi32>
      %add3A_1328 = arith.addi %get3A_1322, %add3A_1327 : vector<16xi32>
      %swap3A_1329 = arith.constant 0 : index
      %swap3A_1330 = tpu.vector_load %arg17[%swap3A_1329] {strides = array<i32>} : memref<80xi32, #tpu.memory_space<vmem>>, vector<16xi32>,
      %swap3A_1331 = vector.shape_cast %swap3A_1330 : vector<16xi32> to vector<16xi32>
      %swap3A_1332 = vector.shape_cast %add3A_1328 : vector<16xi32> to vector<16xi32>
      tpu.vector_store %arg17[%swap3A_1329], %swap3A_1332 {strides = array<i32>} : memref<80xi32, #tpu.memory_space<vmem>>, vector<16xi32>,
      %get3A_1333 = arith.constant 720 : index
      %get3A_1334 = tpu.vector_load %arg22[%get3A_1333] {strides = array<i32>} : memref<800xi32, #tpu.memory_space<vmem>>, vector<16xi32>,
      %get3A_1335 = vector.shape_cast %get3A_1334 : vector<16xi32> to vector<16xi32>
      %add3A_1336 = vector.broadcast %mul3A_0 : i32 to vector<16xi32>
      %add3A_1337 = arith.addi %get3A_1335, %add3A_1336 : vector<16xi32>
      %swap3A_1338 = arith.constant 0 : index
      %swap3A_1339 = tpu.vector_load %arg15[%swap3A_1338] {strides = array<i32>} : memref<80xi32, #tpu.memory_space<vmem>>, vector<16xi32>,
      %swap3A_1340 = vector.shape_cast %swap3A_1339 : vector<16xi32> to vector<16xi32>
      %swap3A_1341 = vector.shape_cast %add3A_1337 : vector<16xi32> to vector<16xi32>
      tpu.vector_store %arg15[%swap3A_1338], %swap3A_1341 {strides = array<i32>} : memref<80xi32, #tpu.memory_space<vmem>>, vector<16xi32>,
      %get3A_1342 = arith.constant 736 : index
      %get3A_1343 = tpu.vector_load %arg23[%get3A_1342] {strides = array<i32>} : memref<800xi32, #tpu.memory_space<vmem>>, vector<16xi32>,
      %get3A_1344 = vector.shape_cast %get3A_1343 : vector<16xi32> to vector<16xi32>
      %swap3A_1345 = arith.constant 16 : index
      %swap3A_1346 = tpu.vector_load %arg16[%swap3A_1345] {strides = array<i32>} : memref<80xi32, #tpu.memory_space<vmem>>, vector<16xi32>,
      %swap3A_1347 = vector.shape_cast %swap3A_1346 : vector<16xi32> to vector<16xi32>
      %swap3A_1348 = vector.shape_cast %get3A_1344 : vector<16xi32> to vector<16xi32>
      tpu.vector_store %arg16[%swap3A_1345], %swap3A_1348 {strides = array<i32>} : memref<80xi32, #tpu.memory_space<vmem>>, vector<16xi32>,
      %add3A_1349 = vector.broadcast %mul3A_0 : i32 to vector<16xi32>
      %add3A_1350 = arith.addi %get3A_1344, %add3A_1349 : vector<16xi32>
      %swap3A_1351 = arith.constant 16 : index
      %swap3A_1352 = tpu.vector_load %arg17[%swap3A_1351] {strides = array<i32>} : memref<80xi32, #tpu.memory_space<vmem>>, vector<16xi32>,
      %swap3A_1353 = vector.shape_cast %swap3A_1352 : vector<16xi32> to vector<16xi32>
      %swap3A_1354 = vector.shape_cast %add3A_1350 : vector<16xi32> to vector<16xi32>
      tpu.vector_store %arg17[%swap3A_1351], %swap3A_1354 {strides = array<i32>} : memref<80xi32, #tpu.memory_space<vmem>>, vector<16xi32>,
      %get3A_1355 = arith.constant 736 : index
      %get3A_1356 = tpu.vector_load %arg22[%get3A_1355] {strides = array<i32>} : memref<800xi32, #tpu.memory_space<vmem>>, vector<16xi32>,
      %get3A_1357 = vector.shape_cast %get3A_1356 : vector<16xi32> to vector<16xi32>
      %add3A_1358 = vector.broadcast %mul3A_0 : i32 to vector<16xi32>
      %add3A_1359 = arith.addi %get3A_1357, %add3A_1358 : vector<16xi32>
      %swap3A_1360 = arith.constant 16 : index
      %swap3A_1361 = tpu.vector_load %arg15[%swap3A_1360] {strides = array<i32>} : memref<80xi32, #tpu.memory_space<vmem>>, vector<16xi32>,
      %swap3A_1362 = vector.shape_cast %swap3A_1361 : vector<16xi32> to vector<16xi32>
      %swap3A_1363 = vector.shape_cast %add3A_1359 : vector<16xi32> to vector<16xi32>
      tpu.vector_store %arg15[%swap3A_1360], %swap3A_1363 {strides = array<i32>} : memref<80xi32, #tpu.memory_space<vmem>>, vector<16xi32>,
      %get3A_1364 = arith.constant 752 : index
      %get3A_1365 = tpu.vector_load %arg23[%get3A_1364] {strides = array<i32>} : memref<800xi32, #tpu.memory_space<vmem>>, vector<16xi32>,
      %get3A_1366 = vector.shape_cast %get3A_1365 : vector<16xi32> to vector<16xi32>
      %swap3A_1367 = arith.constant 32 : index
      %swap3A_1368 = tpu.vector_load %arg16[%swap3A_1367] {strides = array<i32>} : memref<80xi32, #tpu.memory_space<vmem>>, vector<16xi32>,
      %swap3A_1369 = vector.shape_cast %swap3A_1368 : vector<16xi32> to vector<16xi32>
      %swap3A_1370 = vector.shape_cast %get3A_1366 : vector<16xi32> to vector<16xi32>
      tpu.vector_store %arg16[%swap3A_1367], %swap3A_1370 {strides = array<i32>} : memref<80xi32, #tpu.memory_space<vmem>>, vector<16xi32>,
      %add3A_1371 = vector.broadcast %mul3A_0 : i32 to vector<16xi32>
      %add3A_1372 = arith.addi %get3A_1366, %add3A_1371 : vector<16xi32>
      %swap3A_1373 = arith.constant 32 : index
      %swap3A_1374 = tpu.vector_load %arg17[%swap3A_1373] {strides = array<i32>} : memref<80xi32, #tpu.memory_space<vmem>>, vector<16xi32>,
      %swap3A_1375 = vector.shape_cast %swap3A_1374 : vector<16xi32> to vector<16xi32>
      %swap3A_1376 = vector.shape_cast %add3A_1372 : vector<16xi32> to vector<16xi32>
      tpu.vector_store %arg17[%swap3A_1373], %swap3A_1376 {strides = array<i32>} : memref<80xi32, #tpu.memory_space<vmem>>, vector<16xi32>,
      %get3A_1377 = arith.constant 752 : index
      %get3A_1378 = tpu.vector_load %arg22[%get3A_1377] {strides = array<i32>} : memref<800xi32, #tpu.memory_space<vmem>>, vector<16xi32>,
      %get3A_1379 = vector.shape_cast %get3A_1378 : vector<16xi32> to vector<16xi32>
      %add3A_1380 = vector.broadcast %mul3A_0 : i32 to vector<16xi32>
      %add3A_1381 = arith.addi %get3A_1379, %add3A_1380 : vector<16xi32>
      %swap3A_1382 = arith.constant 32 : index
      %swap3A_1383 = tpu.vector_load %arg15[%swap3A_1382] {strides = array<i32>} : memref<80xi32, #tpu.memory_space<vmem>>, vector<16xi32>,
      %swap3A_1384 = vector.shape_cast %swap3A_1383 : vector<16xi32> to vector<16xi32>
      %swap3A_1385 = vector.shape_cast %add3A_1381 : vector<16xi32> to vector<16xi32>
      tpu.vector_store %arg15[%swap3A_1382], %swap3A_1385 {strides = array<i32>} : memref<80xi32, #tpu.memory_space<vmem>>, vector<16xi32>,
      %get3A_1386 = arith.constant 768 : index
      %get3A_1387 = tpu.vector_load %arg23[%get3A_1386] {strides = array<i32>} : memref<800xi32, #tpu.memory_space<vmem>>, vector<16xi32>,
      %get3A_1388 = vector.shape_cast %get3A_1387 : vector<16xi32> to vector<16xi32>
      %swap3A_1389 = arith.constant 48 : index
      %swap3A_1390 = tpu.vector_load %arg16[%swap3A_1389] {strides = array<i32>} : memref<80xi32, #tpu.memory_space<vmem>>, vector<16xi32>,
      %swap3A_1391 = vector.shape_cast %swap3A_1390 : vector<16xi32> to vector<16xi32>
      %swap3A_1392 = vector.shape_cast %get3A_1388 : vector<16xi32> to vector<16xi32>
      tpu.vector_store %arg16[%swap3A_1389], %swap3A_1392 {strides = array<i32>} : memref<80xi32, #tpu.memory_space<vmem>>, vector<16xi32>,
      %add3A_1393 = vector.broadcast %mul3A_0 : i32 to vector<16xi32>
      %add3A_1394 = arith.addi %get3A_1388, %add3A_1393 : vector<16xi32>
      %swap3A_1395 = arith.constant 48 : index
      %swap3A_1396 = tpu.vector_load %arg17[%swap3A_1395] {strides = array<i32>} : memref<80xi32, #tpu.memory_space<vmem>>, vector<16xi32>,
      %swap3A_1397 = vector.shape_cast %swap3A_1396 : vector<16xi32> to vector<16xi32>
      %swap3A_1398 = vector.shape_cast %add3A_1394 : vector<16xi32> to vector<16xi32>
      tpu.vector_store %arg17[%swap3A_1395], %swap3A_1398 {strides = array<i32>} : memref<80xi32, #tpu.memory_space<vmem>>, vector<16xi32>,
      %get3A_1399 = arith.constant 768 : index
      %get3A_1400 = tpu.vector_load %arg22[%get3A_1399] {strides = array<i32>} : memref<800xi32, #tpu.memory_space<vmem>>, vector<16xi32>,
      %get3A_1401 = vector.shape_cast %get3A_1400 : vector<16xi32> to vector<16xi32>
      %add3A_1402 = vector.broadcast %mul3A_0 : i32 to vector<16xi32>
      %add3A_1403 = arith.addi %get3A_1401, %add3A_1402 : vector<16xi32>
      %swap3A_1404 = arith.constant 48 : index
      %swap3A_1405 = tpu.vector_load %arg15[%swap3A_1404] {strides = array<i32>} : memref<80xi32, #tpu.memory_space<vmem>>, vector<16xi32>,
      %swap3A_1406 = vector.shape_cast %swap3A_1405 : vector<16xi32> to vector<16xi32>
      %swap3A_1407 = vector.shape_cast %add3A_1403 : vector<16xi32> to vector<16xi32>
      tpu.vector_store %arg15[%swap3A_1404], %swap3A_1407 {strides = array<i32>} : memref<80xi32, #tpu.memory_space<vmem>>, vector<16xi32>,
      %get3A_1408 = arith.constant 784 : index
      %get3A_1409 = tpu.vector_load %arg23[%get3A_1408] {strides = array<i32>} : memref<800xi32, #tpu.memory_space<vmem>>, vector<16xi32>,
      %get3A_1410 = vector.shape_cast %get3A_1409 : vector<16xi32> to vector<16xi32>
      %swap3A_1411 = arith.constant 64 : index
      %swap3A_1412 = tpu.vector_load %arg16[%swap3A_1411] {strides = array<i32>} : memref<80xi32, #tpu.memory_space<vmem>>, vector<16xi32>,
      %swap3A_1413 = vector.shape_cast %swap3A_1412 : vector<16xi32> to vector<16xi32>
      %swap3A_1414 = vector.shape_cast %get3A_1410 : vector<16xi32> to vector<16xi32>
      tpu.vector_store %arg16[%swap3A_1411], %swap3A_1414 {strides = array<i32>} : memref<80xi32, #tpu.memory_space<vmem>>, vector<16xi32>,
      %add3A_1415 = vector.broadcast %mul3A_0 : i32 to vector<16xi32>
      %add3A_1416 = arith.addi %get3A_1410, %add3A_1415 : vector<16xi32>
      %swap3A_1417 = arith.constant 64 : index
      %swap3A_1418 = tpu.vector_load %arg17[%swap3A_1417] {strides = array<i32>} : memref<80xi32, #tpu.memory_space<vmem>>, vector<16xi32>,
      %swap3A_1419 = vector.shape_cast %swap3A_1418 : vector<16xi32> to vector<16xi32>
      %swap3A_1420 = vector.shape_cast %add3A_1416 : vector<16xi32> to vector<16xi32>
      tpu.vector_store %arg17[%swap3A_1417], %swap3A_1420 {strides = array<i32>} : memref<80xi32, #tpu.memory_space<vmem>>, vector<16xi32>,
      %get3A_1421 = arith.constant 784 : index
      %get3A_1422 = tpu.vector_load %arg22[%get3A_1421] {strides = array<i32>} : memref<800xi32, #tpu.memory_space<vmem>>, vector<16xi32>,
      %get3A_1423 = vector.shape_cast %get3A_1422 : vector<16xi32> to vector<16xi32>
      %add3A_1424 = vector.broadcast %mul3A_0 : i32 to vector<16xi32>
      %add3A_1425 = arith.addi %get3A_1423, %add3A_1424 : vector<16xi32>
      %swap3A_1426 = arith.constant 64 : index
      %swap3A_1427 = tpu.vector_load %arg15[%swap3A_1426] {strides = array<i32>} : memref<80xi32, #tpu.memory_space<vmem>>, vector<16xi32>,
      %swap3A_1428 = vector.shape_cast %swap3A_1427 : vector<16xi32> to vector<16xi32>
      %swap3A_1429 = vector.shape_cast %add3A_1425 : vector<16xi32> to vector<16xi32>
      tpu.vector_store %arg15[%swap3A_1426], %swap3A_1429 {strides = array<i32>} : memref<80xi32, #tpu.memory_space<vmem>>, vector<16xi32>,
      %dma_start3A_1430 = arith.constant 0 : i32
      %dma_start3A_1431 = arith.constant 0 : i32
      %dma_start3A_1432 = tpu.memref_slice %arg2[%dma_start3A_1430, %dma_start3A_1431] : memref<20000x64xf32, #tpu.memory_space<hbm>> -> memref<20000x64xf32, #tpu.memory_space<hbm>>
      tpu.enqueue_indirect_dma source(%dma_start3A_1432 : memref<20000x64xf32, #tpu.memory_space<hbm>>) target(%arg18 : memref<80x64xf32, #tpu.memory_space<vmem>>) offsets(%arg17 : memref<80xi32, #tpu.memory_space<vmem>>) semaphore(%arg19 : memref<!tpu.dma_semaphore, #tpu.memory_space<semaphore_mem>>)
      %dma_wait3A_1433 = arith.constant 0 : i32
      %dma_wait3A_1434 = arith.constant 0 : i32
      %dma_wait3A_1435 = tpu.memref_slice %arg3[%dma_wait3A_1433, %dma_wait3A_1434] : memref<20000x64xf32, #tpu.memory_space<hbm>> -> memref<20000x64xf32, #tpu.memory_space<hbm>>
      tpu.wait_indirect_dma semaphore(%arg13 : memref<!tpu.dma_semaphore, #tpu.memory_space<semaphore_mem>>) src(%dma_wait3A_1435 : memref<20000x64xf32, #tpu.memory_space<hbm>>) dst(%arg11 : memref<80x64xf32, #tpu.memory_space<vmem>>)
      %scan3A_1436 = arith.constant 0 : i32
      %scan3A_1437 = arith.constant 0 : i32
      %scan3A_1438 = arith.constant 80 : i32
      %scan3A_1439 = arith.addi %scan3A_1437, %scan3A_1438 : i32
      %scan3A_1440 = arith.constant 4 : i32
      scf.for %scan3A_1469 = %scan3A_1437 to %scan3A_1439 step %scan3A_1440  : i32 {
        %get3A_1470 = arith.index_cast %scan3A_1469 : i32 to index
        %get3A_1471 = arith.constant 0 : index
        %get3A_1472 = tpu.vector_load %arg11[%get3A_1470, %get3A_1471] {strides = array<i32>} : memref<80x64xf32, #tpu.memory_space<vmem>>, vector<1x16xf32>,
        %get3A_1473 = vector.shape_cast %get3A_1472 : vector<1x16xf32> to vector<16xf32>
        %max3A = arith.constant 0.000000e+00 : f32
        %max3A_1474 = vector.broadcast %max3A : f32 to vector<16xf32>
        %max3A_1475 = arith.maximumf %get3A_1473, %max3A_1474 : vector<16xf32>
        %swap3A_1476 = arith.index_cast %scan3A_1469 : i32 to index
        %swap3A_1477 = arith.constant 0 : index
        %swap3A_1478 = tpu.vector_load %arg11[%swap3A_1476, %swap3A_1477] {strides = array<i32>} : memref<80x64xf32, #tpu.memory_space<vmem>>, vector<1x16xf32>,
        %swap3A_1479 = vector.shape_cast %swap3A_1478 : vector<1x16xf32> to vector<16xf32>
        %swap3A_1480 = vector.shape_cast %max3A_1475 : vector<16xf32> to vector<1x16xf32>
        tpu.vector_store %arg11[%swap3A_1476, %swap3A_1477], %swap3A_1480 {strides = array<i32>} : memref<80x64xf32, #tpu.memory_space<vmem>>, vector<1x16xf32>,
        %get3A_1481 = arith.index_cast %scan3A_1469 : i32 to index
        %get3A_1482 = arith.constant 16 : index
        %get3A_1483 = tpu.vector_load %arg11[%get3A_1481, %get3A_1482] {strides = array<i32>} : memref<80x64xf32, #tpu.memory_space<vmem>>, vector<1x16xf32>,
        %get3A_1484 = vector.shape_cast %get3A_1483 : vector<1x16xf32> to vector<16xf32>
        %max3A_1485 = arith.constant 0.000000e+00 : f32
        %max3A_1486 = vector.broadcast %max3A_1485 : f32 to vector<16xf32>
        %max3A_1487 = arith.maximumf %get3A_1484, %max3A_1486 : vector<16xf32>
        %swap3A_1488 = arith.index_cast %scan3A_1469 : i32 to index
        %swap3A_1489 = arith.constant 16 : index
        %swap3A_1490 = tpu.vector_load %arg11[%swap3A_1488, %swap3A_1489] {strides = array<i32>} : memref<80x64xf32, #tpu.memory_space<vmem>>, vector<1x16xf32>,
        %swap3A_1491 = vector.shape_cast %swap3A_1490 : vector<1x16xf32> to vector<16xf32>
        %swap3A_1492 = vector.shape_cast %max3A_1487 : vector<16xf32> to vector<1x16xf32>
        tpu.vector_store %arg11[%swap3A_1488, %swap3A_1489], %swap3A_1492 {strides = array<i32>} : memref<80x64xf32, #tpu.memory_space<vmem>>, vector<1x16xf32>,
        %get3A_1493 = arith.index_cast %scan3A_1469 : i32 to index
        %get3A_1494 = arith.constant 32 : index
        %get3A_1495 = tpu.vector_load %arg11[%get3A_1493, %get3A_1494] {strides = array<i32>} : memref<80x64xf32, #tpu.memory_space<vmem>>, vector<1x16xf32>,
        %get3A_1496 = vector.shape_cast %get3A_1495 : vector<1x16xf32> to vector<16xf32>
        %max3A_1497 = arith.constant 0.000000e+00 : f32
        %max3A_1498 = vector.broadcast %max3A_1497 : f32 to vector<16xf32>
        %max3A_1499 = arith.maximumf %get3A_1496, %max3A_1498 : vector<16xf32>
        %swap3A_1500 = arith.index_cast %scan3A_1469 : i32 to index
        %swap3A_1501 = arith.constant 32 : index
        %swap3A_1502 = tpu.vector_load %arg11[%swap3A_1500, %swap3A_1501] {strides = array<i32>} : memref<80x64xf32, #tpu.memory_space<vmem>>, vector<1x16xf32>,
        %swap3A_1503 = vector.shape_cast %swap3A_1502 : vector<1x16xf32> to vector<16xf32>
        %swap3A_1504 = vector.shape_cast %max3A_1499 : vector<16xf32> to vector<1x16xf32>
        tpu.vector_store %arg11[%swap3A_1500, %swap3A_1501], %swap3A_1504 {strides = array<i32>} : memref<80x64xf32, #tpu.memory_space<vmem>>, vector<1x16xf32>,
        %get3A_1505 = arith.index_cast %scan3A_1469 : i32 to index
        %get3A_1506 = arith.constant 48 : index
        %get3A_1507 = tpu.vector_load %arg11[%get3A_1505, %get3A_1506] {strides = array<i32>} : memref<80x64xf32, #tpu.memory_space<vmem>>, vector<1x16xf32>,
        %get3A_1508 = vector.shape_cast %get3A_1507 : vector<1x16xf32> to vector<16xf32>
        %max3A_1509 = arith.constant 0.000000e+00 : f32
        %max3A_1510 = vector.broadcast %max3A_1509 : f32 to vector<16xf32>
        %max3A_1511 = arith.maximumf %get3A_1508, %max3A_1510 : vector<16xf32>
        %swap3A_1512 = arith.index_cast %scan3A_1469 : i32 to index
        %swap3A_1513 = arith.constant 48 : index
        %swap3A_1514 = tpu.vector_load %arg11[%swap3A_1512, %swap3A_1513] {strides = array<i32>} : memref<80x64xf32, #tpu.memory_space<vmem>>, vector<1x16xf32>,
        %swap3A_1515 = vector.shape_cast %swap3A_1514 : vector<1x16xf32> to vector<16xf32>
        %swap3A_1516 = vector.shape_cast %max3A_1511 : vector<16xf32> to vector<1x16xf32>
        tpu.vector_store %arg11[%swap3A_1512, %swap3A_1513], %swap3A_1516 {strides = array<i32>} : memref<80x64xf32, #tpu.memory_space<vmem>>, vector<1x16xf32>,
        %scan3A_1517 = arith.constant 1 : i32
        %scan3A_1518 = arith.addi %scan3A_1469, %scan3A_1517 : i32
        %get3A_1519 = arith.index_cast %scan3A_1518 : i32 to index
        %get3A_1520 = arith.constant 0 : index
        %get3A_1521 = tpu.vector_load %arg11[%get3A_1519, %get3A_1520] {strides = array<i32>} : memref<80x64xf32, #tpu.memory_space<vmem>>, vector<1x16xf32>,
        %get3A_1522 = vector.shape_cast %get3A_1521 : vector<1x16xf32> to vector<16xf32>
        %max3A_1523 = arith.constant 0.000000e+00 : f32
        %max3A_1524 = vector.broadcast %max3A_1523 : f32 to vector<16xf32>
        %max3A_1525 = arith.maximumf %get3A_1522, %max3A_1524 : vector<16xf32>
        %swap3A_1526 = arith.index_cast %scan3A_1518 : i32 to index
        %swap3A_1527 = arith.constant 0 : index
        %swap3A_1528 = tpu.vector_load %arg11[%swap3A_1526, %swap3A_1527] {strides = array<i32>} : memref<80x64xf32, #tpu.memory_space<vmem>>, vector<1x16xf32>,
        %swap3A_1529 = vector.shape_cast %swap3A_1528 : vector<1x16xf32> to vector<16xf32>
        %swap3A_1530 = vector.shape_cast %max3A_1525 : vector<16xf32> to vector<1x16xf32>
        tpu.vector_store %arg11[%swap3A_1526, %swap3A_1527], %swap3A_1530 {strides = array<i32>} : memref<80x64xf32, #tpu.memory_space<vmem>>, vector<1x16xf32>,
        %get3A_1531 = arith.index_cast %scan3A_1518 : i32 to index
        %get3A_1532 = arith.constant 16 : index
        %get3A_1533 = tpu.vector_load %arg11[%get3A_1531, %get3A_1532] {strides = array<i32>} : memref<80x64xf32, #tpu.memory_space<vmem>>, vector<1x16xf32>,
        %get3A_1534 = vector.shape_cast %get3A_1533 : vector<1x16xf32> to vector<16xf32>
        %max3A_1535 = arith.constant 0.000000e+00 : f32
        %max3A_1536 = vector.broadcast %max3A_1535 : f32 to vector<16xf32>
        %max3A_1537 = arith.maximumf %get3A_1534, %max3A_1536 : vector<16xf32>
        %swap3A_1538 = arith.index_cast %scan3A_1518 : i32 to index
        %swap3A_1539 = arith.constant 16 : index
        %swap3A_1540 = tpu.vector_load %arg11[%swap3A_1538, %swap3A_1539] {strides = array<i32>} : memref<80x64xf32, #tpu.memory_space<vmem>>, vector<1x16xf32>,
        %swap3A_1541 = vector.shape_cast %swap3A_1540 : vector<1x16xf32> to vector<16xf32>
        %swap3A_1542 = vector.shape_cast %max3A_1537 : vector<16xf32> to vector<1x16xf32>
        tpu.vector_store %arg11[%swap3A_1538, %swap3A_1539], %swap3A_1542 {strides = array<i32>} : memref<80x64xf32, #tpu.memory_space<vmem>>, vector<1x16xf32>,
        %get3A_1543 = arith.index_cast %scan3A_1518 : i32 to index
        %get3A_1544 = arith.constant 32 : index
        %get3A_1545 = tpu.vector_load %arg11[%get3A_1543, %get3A_1544] {strides = array<i32>} : memref<80x64xf32, #tpu.memory_space<vmem>>, vector<1x16xf32>,
        %get3A_1546 = vector.shape_cast %get3A_1545 : vector<1x16xf32> to vector<16xf32>
        %max3A_1547 = arith.constant 0.000000e+00 : f32
        %max3A_1548 = vector.broadcast %max3A_1547 : f32 to vector<16xf32>
        %max3A_1549 = arith.maximumf %get3A_1546, %max3A_1548 : vector<16xf32>
        %swap3A_1550 = arith.index_cast %scan3A_1518 : i32 to index
        %swap3A_1551 = arith.constant 32 : index
        %swap3A_1552 = tpu.vector_load %arg11[%swap3A_1550, %swap3A_1551] {strides = array<i32>} : memref<80x64xf32, #tpu.memory_space<vmem>>, vector<1x16xf32>,
        %swap3A_1553 = vector.shape_cast %swap3A_1552 : vector<1x16xf32> to vector<16xf32>
        %swap3A_1554 = vector.shape_cast %max3A_1549 : vector<16xf32> to vector<1x16xf32>
        tpu.vector_store %arg11[%swap3A_1550, %swap3A_1551], %swap3A_1554 {strides = array<i32>} : memref<80x64xf32, #tpu.memory_space<vmem>>, vector<1x16xf32>,
        %get3A_1555 = arith.index_cast %scan3A_1518 : i32 to index
        %get3A_1556 = arith.constant 48 : index
        %get3A_1557 = tpu.vector_load %arg11[%get3A_1555, %get3A_1556] {strides = array<i32>} : memref<80x64xf32, #tpu.memory_space<vmem>>, vector<1x16xf32>,
        %get3A_1558 = vector.shape_cast %get3A_1557 : vector<1x16xf32> to vector<16xf32>
        %max3A_1559 = arith.constant 0.000000e+00 : f32
        %max3A_1560 = vector.broadcast %max3A_1559 : f32 to vector<16xf32>
        %max3A_1561 = arith.maximumf %get3A_1558, %max3A_1560 : vector<16xf32>
        %swap3A_1562 = arith.index_cast %scan3A_1518 : i32 to index
        %swap3A_1563 = arith.constant 48 : index
        %swap3A_1564 = tpu.vector_load %arg11[%swap3A_1562, %swap3A_1563] {strides = array<i32>} : memref<80x64xf32, #tpu.memory_space<vmem>>, vector<1x16xf32>,
        %swap3A_1565 = vector.shape_cast %swap3A_1564 : vector<1x16xf32> to vector<16xf32>
        %swap3A_1566 = vector.shape_cast %max3A_1561 : vector<16xf32> to vector<1x16xf32>
        tpu.vector_store %arg11[%swap3A_1562, %swap3A_1563], %swap3A_1566 {strides = array<i32>} : memref<80x64xf32, #tpu.memory_space<vmem>>, vector<1x16xf32>,
        %scan3A_1567 = arith.constant 2 : i32
        %scan3A_1568 = arith.addi %scan3A_1469, %scan3A_1567 : i32
        %get3A_1569 = arith.index_cast %scan3A_1568 : i32 to index
        %get3A_1570 = arith.constant 0 : index
        %get3A_1571 = tpu.vector_load %arg11[%get3A_1569, %get3A_1570] {strides = array<i32>} : memref<80x64xf32, #tpu.memory_space<vmem>>, vector<1x16xf32>,
        %get3A_1572 = vector.shape_cast %get3A_1571 : vector<1x16xf32> to vector<16xf32>
        %max3A_1573 = arith.constant 0.000000e+00 : f32
        %max3A_1574 = vector.broadcast %max3A_1573 : f32 to vector<16xf32>
        %max3A_1575 = arith.maximumf %get3A_1572, %max3A_1574 : vector<16xf32>
        %swap3A_1576 = arith.index_cast %scan3A_1568 : i32 to index
        %swap3A_1577 = arith.constant 0 : index
        %swap3A_1578 = tpu.vector_load %arg11[%swap3A_1576, %swap3A_1577] {strides = array<i32>} : memref<80x64xf32, #tpu.memory_space<vmem>>, vector<1x16xf32>,
        %swap3A_1579 = vector.shape_cast %swap3A_1578 : vector<1x16xf32> to vector<16xf32>
        %swap3A_1580 = vector.shape_cast %max3A_1575 : vector<16xf32> to vector<1x16xf32>
        tpu.vector_store %arg11[%swap3A_1576, %swap3A_1577], %swap3A_1580 {strides = array<i32>} : memref<80x64xf32, #tpu.memory_space<vmem>>, vector<1x16xf32>,
        %get3A_1581 = arith.index_cast %scan3A_1568 : i32 to index
        %get3A_1582 = arith.constant 16 : index
        %get3A_1583 = tpu.vector_load %arg11[%get3A_1581, %get3A_1582] {strides = array<i32>} : memref<80x64xf32, #tpu.memory_space<vmem>>, vector<1x16xf32>,
        %get3A_1584 = vector.shape_cast %get3A_1583 : vector<1x16xf32> to vector<16xf32>
        %max3A_1585 = arith.constant 0.000000e+00 : f32
        %max3A_1586 = vector.broadcast %max3A_1585 : f32 to vector<16xf32>
        %max3A_1587 = arith.maximumf %get3A_1584, %max3A_1586 : vector<16xf32>
        %swap3A_1588 = arith.index_cast %scan3A_1568 : i32 to index
        %swap3A_1589 = arith.constant 16 : index
        %swap3A_1590 = tpu.vector_load %arg11[%swap3A_1588, %swap3A_1589] {strides = array<i32>} : memref<80x64xf32, #tpu.memory_space<vmem>>, vector<1x16xf32>,
        %swap3A_1591 = vector.shape_cast %swap3A_1590 : vector<1x16xf32> to vector<16xf32>
        %swap3A_1592 = vector.shape_cast %max3A_1587 : vector<16xf32> to vector<1x16xf32>
        tpu.vector_store %arg11[%swap3A_1588, %swap3A_1589], %swap3A_1592 {strides = array<i32>} : memref<80x64xf32, #tpu.memory_space<vmem>>, vector<1x16xf32>,
        %get3A_1593 = arith.index_cast %scan3A_1568 : i32 to index
        %get3A_1594 = arith.constant 32 : index
        %get3A_1595 = tpu.vector_load %arg11[%get3A_1593, %get3A_1594] {strides = array<i32>} : memref<80x64xf32, #tpu.memory_space<vmem>>, vector<1x16xf32>,
        %get3A_1596 = vector.shape_cast %get3A_1595 : vector<1x16xf32> to vector<16xf32>
        %max3A_1597 = arith.constant 0.000000e+00 : f32
        %max3A_1598 = vector.broadcast %max3A_1597 : f32 to vector<16xf32>
        %max3A_1599 = arith.maximumf %get3A_1596, %max3A_1598 : vector<16xf32>
        %swap3A_1600 = arith.index_cast %scan3A_1568 : i32 to index
        %swap3A_1601 = arith.constant 32 : index
        %swap3A_1602 = tpu.vector_load %arg11[%swap3A_1600, %swap3A_1601] {strides = array<i32>} : memref<80x64xf32, #tpu.memory_space<vmem>>, vector<1x16xf32>,
        %swap3A_1603 = vector.shape_cast %swap3A_1602 : vector<1x16xf32> to vector<16xf32>
        %swap3A_1604 = vector.shape_cast %max3A_1599 : vector<16xf32> to vector<1x16xf32>
        tpu.vector_store %arg11[%swap3A_1600, %swap3A_1601], %swap3A_1604 {strides = array<i32>} : memref<80x64xf32, #tpu.memory_space<vmem>>, vector<1x16xf32>,
        %get3A_1605 = arith.index_cast %scan3A_1568 : i32 to index
        %get3A_1606 = arith.constant 48 : index
        %get3A_1607 = tpu.vector_load %arg11[%get3A_1605, %get3A_1606] {strides = array<i32>} : memref<80x64xf32, #tpu.memory_space<vmem>>, vector<1x16xf32>,
        %get3A_1608 = vector.shape_cast %get3A_1607 : vector<1x16xf32> to vector<16xf32>
        %max3A_1609 = arith.constant 0.000000e+00 : f32
        %max3A_1610 = vector.broadcast %max3A_1609 : f32 to vector<16xf32>
        %max3A_1611 = arith.maximumf %get3A_1608, %max3A_1610 : vector<16xf32>
        %swap3A_1612 = arith.index_cast %scan3A_1568 : i32 to index
        %swap3A_1613 = arith.constant 48 : index
        %swap3A_1614 = tpu.vector_load %arg11[%swap3A_1612, %swap3A_1613] {strides = array<i32>} : memref<80x64xf32, #tpu.memory_space<vmem>>, vector<1x16xf32>,
        %swap3A_1615 = vector.shape_cast %swap3A_1614 : vector<1x16xf32> to vector<16xf32>
        %swap3A_1616 = vector.shape_cast %max3A_1611 : vector<16xf32> to vector<1x16xf32>
        tpu.vector_store %arg11[%swap3A_1612, %swap3A_1613], %swap3A_1616 {strides = array<i32>} : memref<80x64xf32, #tpu.memory_space<vmem>>, vector<1x16xf32>,
        %scan3A_1617 = arith.constant 3 : i32
        %scan3A_1618 = arith.addi %scan3A_1469, %scan3A_1617 : i32
        %get3A_1619 = arith.index_cast %scan3A_1618 : i32 to index
        %get3A_1620 = arith.constant 0 : index
        %get3A_1621 = tpu.vector_load %arg11[%get3A_1619, %get3A_1620] {strides = array<i32>} : memref<80x64xf32, #tpu.memory_space<vmem>>, vector<1x16xf32>,
        %get3A_1622 = vector.shape_cast %get3A_1621 : vector<1x16xf32> to vector<16xf32>
        %max3A_1623 = arith.constant 0.000000e+00 : f32
        %max3A_1624 = vector.broadcast %max3A_1623 : f32 to vector<16xf32>
        %max3A_1625 = arith.maximumf %get3A_1622, %max3A_1624 : vector<16xf32>
        %swap3A_1626 = arith.index_cast %scan3A_1618 : i32 to index
        %swap3A_1627 = arith.constant 0 : index
        %swap3A_1628 = tpu.vector_load %arg11[%swap3A_1626, %swap3A_1627] {strides = array<i32>} : memref<80x64xf32, #tpu.memory_space<vmem>>, vector<1x16xf32>,
        %swap3A_1629 = vector.shape_cast %swap3A_1628 : vector<1x16xf32> to vector<16xf32>
        %swap3A_1630 = vector.shape_cast %max3A_1625 : vector<16xf32> to vector<1x16xf32>
        tpu.vector_store %arg11[%swap3A_1626, %swap3A_1627], %swap3A_1630 {strides = array<i32>} : memref<80x64xf32, #tpu.memory_space<vmem>>, vector<1x16xf32>,
        %get3A_1631 = arith.index_cast %scan3A_1618 : i32 to index
        %get3A_1632 = arith.constant 16 : index
        %get3A_1633 = tpu.vector_load %arg11[%get3A_1631, %get3A_1632] {strides = array<i32>} : memref<80x64xf32, #tpu.memory_space<vmem>>, vector<1x16xf32>,
        %get3A_1634 = vector.shape_cast %get3A_1633 : vector<1x16xf32> to vector<16xf32>
        %max3A_1635 = arith.constant 0.000000e+00 : f32
        %max3A_1636 = vector.broadcast %max3A_1635 : f32 to vector<16xf32>
        %max3A_1637 = arith.maximumf %get3A_1634, %max3A_1636 : vector<16xf32>
        %swap3A_1638 = arith.index_cast %scan3A_1618 : i32 to index
        %swap3A_1639 = arith.constant 16 : index
        %swap3A_1640 = tpu.vector_load %arg11[%swap3A_1638, %swap3A_1639] {strides = array<i32>} : memref<80x64xf32, #tpu.memory_space<vmem>>, vector<1x16xf32>,
        %swap3A_1641 = vector.shape_cast %swap3A_1640 : vector<1x16xf32> to vector<16xf32>
        %swap3A_1642 = vector.shape_cast %max3A_1637 : vector<16xf32> to vector<1x16xf32>
        tpu.vector_store %arg11[%swap3A_1638, %swap3A_1639], %swap3A_1642 {strides = array<i32>} : memref<80x64xf32, #tpu.memory_space<vmem>>, vector<1x16xf32>,
        %get3A_1643 = arith.index_cast %scan3A_1618 : i32 to index
        %get3A_1644 = arith.constant 32 : index
        %get3A_1645 = tpu.vector_load %arg11[%get3A_1643, %get3A_1644] {strides = array<i32>} : memref<80x64xf32, #tpu.memory_space<vmem>>, vector<1x16xf32>,
        %get3A_1646 = vector.shape_cast %get3A_1645 : vector<1x16xf32> to vector<16xf32>
        %max3A_1647 = arith.constant 0.000000e+00 : f32
        %max3A_1648 = vector.broadcast %max3A_1647 : f32 to vector<16xf32>
        %max3A_1649 = arith.maximumf %get3A_1646, %max3A_1648 : vector<16xf32>
        %swap3A_1650 = arith.index_cast %scan3A_1618 : i32 to index
        %swap3A_1651 = arith.constant 32 : index
        %swap3A_1652 = tpu.vector_load %arg11[%swap3A_1650, %swap3A_1651] {strides = array<i32>} : memref<80x64xf32, #tpu.memory_space<vmem>>, vector<1x16xf32>,
        %swap3A_1653 = vector.shape_cast %swap3A_1652 : vector<1x16xf32> to vector<16xf32>
        %swap3A_1654 = vector.shape_cast %max3A_1649 : vector<16xf32> to vector<1x16xf32>
        tpu.vector_store %arg11[%swap3A_1650, %swap3A_1651], %swap3A_1654 {strides = array<i32>} : memref<80x64xf32, #tpu.memory_space<vmem>>, vector<1x16xf32>,
        %get3A_1655 = arith.index_cast %scan3A_1618 : i32 to index
        %get3A_1656 = arith.constant 48 : index
        %get3A_1657 = tpu.vector_load %arg11[%get3A_1655, %get3A_1656] {strides = array<i32>} : memref<80x64xf32, #tpu.memory_space<vmem>>, vector<1x16xf32>,
        %get3A_1658 = vector.shape_cast %get3A_1657 : vector<1x16xf32> to vector<16xf32>
        %max3A_1659 = arith.constant 0.000000e+00 : f32
        %max3A_1660 = vector.broadcast %max3A_1659 : f32 to vector<16xf32>
        %max3A_1661 = arith.maximumf %get3A_1658, %max3A_1660 : vector<16xf32>
        %swap3A_1662 = arith.index_cast %scan3A_1618 : i32 to index
        %swap3A_1663 = arith.constant 48 : index
        %swap3A_1664 = tpu.vector_load %arg11[%swap3A_1662, %swap3A_1663] {strides = array<i32>} : memref<80x64xf32, #tpu.memory_space<vmem>>, vector<1x16xf32>,
        %swap3A_1665 = vector.shape_cast %swap3A_1664 : vector<1x16xf32> to vector<16xf32>
        %swap3A_1666 = vector.shape_cast %max3A_1661 : vector<16xf32> to vector<1x16xf32>
        tpu.vector_store %arg11[%swap3A_1662, %swap3A_1663], %swap3A_1666 {strides = array<i32>} : memref<80x64xf32, #tpu.memory_space<vmem>>, vector<1x16xf32>,
      }
      %scan3A_1441 = arith.constant 80 : i32
      %dma_start3A_1442 = arith.constant 0 : i32
      %dma_start3A_1443 = arith.constant 0 : i32
      %dma_start3A_1444 = tpu.memref_slice %arg27[%dma_start3A_1442, %dma_start3A_1443] : memref<10240x64xf32, #tpu.memory_space<vmem_shared>> -> memref<10240x64xf32, #tpu.memory_space<vmem_shared>>
      tpu.enqueue_indirect_dma source(%arg11 : memref<80x64xf32, #tpu.memory_space<vmem>>) target(%dma_start3A_1444 : memref<10240x64xf32, #tpu.memory_space<vmem_shared>>) offsets(%arg9 : memref<80xi32, #tpu.memory_space<vmem>>) semaphore(%arg14 : memref<!tpu.dma_semaphore, #tpu.memory_space<semaphore_mem>>) {add = true}
      %dma_start3A_1445 = arith.constant 0 : i32
      %dma_start3A_1446 = arith.constant 0 : i32
      %dma_start3A_1447 = tpu.memref_slice %arg28[%dma_start3A_1445, %dma_start3A_1446] : memref<10240x16xf32, #tpu.memory_space<vmem_shared>> -> memref<10240x16xf32, #tpu.memory_space<vmem_shared>>
      tpu.enqueue_indirect_dma source(%arg24 : memref<80x16xf32, #tpu.memory_space<vmem>>) target(%dma_start3A_1447 : memref<10240x16xf32, #tpu.memory_space<vmem_shared>>) offsets(%arg9 : memref<80xi32, #tpu.memory_space<vmem>>) semaphore(%arg14 : memref<!tpu.dma_semaphore, #tpu.memory_space<semaphore_mem>>) {add = true}
      %dma_wait3A_1448 = arith.constant 0 : i32
      %dma_wait3A_1449 = arith.constant 0 : i32
      %dma_wait3A_1450 = tpu.memref_slice %arg2[%dma_wait3A_1448, %dma_wait3A_1449] : memref<20000x64xf32, #tpu.memory_space<hbm>> -> memref<20000x64xf32, #tpu.memory_space<hbm>>
      tpu.wait_indirect_dma semaphore(%arg19 : memref<!tpu.dma_semaphore, #tpu.memory_space<semaphore_mem>>) src(%dma_wait3A_1450 : memref<20000x64xf32, #tpu.memory_space<hbm>>) dst(%arg18 : memref<80x64xf32, #tpu.memory_space<vmem>>)
      %dma_start3A_1451 = arith.constant 0 : i32
      %dma_start3A_1452 = arith.constant 0 : i32
      %dma_start3A_1453 = tpu.memref_slice %arg3[%dma_start3A_1451, %dma_start3A_1452] : memref<20000x64xf32, #tpu.memory_space<hbm>> -> memref<20000x64xf32, #tpu.memory_space<hbm>>
      tpu.enqueue_indirect_dma source(%dma_start3A_1453 : memref<20000x64xf32, #tpu.memory_space<hbm>>) target(%arg18 : memref<80x64xf32, #tpu.memory_space<vmem>>) offsets(%arg15 : memref<80xi32, #tpu.memory_space<vmem>>) semaphore(%arg20 : memref<!tpu.dma_semaphore, #tpu.memory_space<semaphore_mem>>) {add = true}
      %dma_wait3A_1454 = arith.constant 0 : i32
      %dma_wait3A_1455 = arith.constant 0 : i32
      %dma_wait3A_1456 = tpu.memref_slice %arg3[%dma_wait3A_1454, %dma_wait3A_1455] : memref<20000x64xf32, #tpu.memory_space<hbm>> -> memref<20000x64xf32, #tpu.memory_space<hbm>>
      tpu.wait_indirect_dma semaphore(%arg20 : memref<!tpu.dma_semaphore, #tpu.memory_space<semaphore_mem>>) src(%dma_wait3A_1456 : memref<20000x64xf32, #tpu.memory_space<hbm>>) dst(%arg18 : memref<80x64xf32, #tpu.memory_space<vmem>>)
      %scan3A_1457 = arith.constant 0 : i32
      %scan3A_1458 = arith.constant 0 : i32
      %scan3A_1459 = arith.constant 80 : i32
      %scan3A_1460 = arith.addi %scan3A_1458, %scan3A_1459 : i32
      %scan3A_1461 = arith.constant 4 : i32
      scf.for %scan3A_1469 = %scan3A_1458 to %scan3A_1460 step %scan3A_1461  : i32 {
        %get3A_1470 = arith.index_cast %scan3A_1469 : i32 to index
        %get3A_1471 = arith.constant 0 : index
        %get3A_1472 = tpu.vector_load %arg18[%get3A_1470, %get3A_1471] {strides = array<i32>} : memref<80x64xf32, #tpu.memory_space<vmem>>, vector<1x16xf32>,
        %get3A_1473 = vector.shape_cast %get3A_1472 : vector<1x16xf32> to vector<16xf32>
        %max3A = arith.constant 0.000000e+00 : f32
        %max3A_1474 = vector.broadcast %max3A : f32 to vector<16xf32>
        %max3A_1475 = arith.maximumf %get3A_1473, %max3A_1474 : vector<16xf32>
        %swap3A_1476 = arith.index_cast %scan3A_1469 : i32 to index
        %swap3A_1477 = arith.constant 0 : index
        %swap3A_1478 = tpu.vector_load %arg18[%swap3A_1476, %swap3A_1477] {strides = array<i32>} : memref<80x64xf32, #tpu.memory_space<vmem>>, vector<1x16xf32>,
        %swap3A_1479 = vector.shape_cast %swap3A_1478 : vector<1x16xf32> to vector<16xf32>
        %swap3A_1480 = vector.shape_cast %max3A_1475 : vector<16xf32> to vector<1x16xf32>
        tpu.vector_store %arg18[%swap3A_1476, %swap3A_1477], %swap3A_1480 {strides = array<i32>} : memref<80x64xf32, #tpu.memory_space<vmem>>, vector<1x16xf32>,
        %get3A_1481 = arith.index_cast %scan3A_1469 : i32 to index
        %get3A_1482 = arith.constant 16 : index
        %get3A_1483 = tpu.vector_load %arg18[%get3A_1481, %get3A_1482] {strides = array<i32>} : memref<80x64xf32, #tpu.memory_space<vmem>>, vector<1x16xf32>,
        %get3A_1484 = vector.shape_cast %get3A_1483 : vector<1x16xf32> to vector<16xf32>
        %max3A_1485 = arith.constant 0.000000e+00 : f32
        %max3A_1486 = vector.broadcast %max3A_1485 : f32 to vector<16xf32>
        %max3A_1487 = arith.maximumf %get3A_1484, %max3A_1486 : vector<16xf32>
        %swap3A_1488 = arith.index_cast %scan3A_1469 : i32 to index
        %swap3A_1489 = arith.constant 16 : index
        %swap3A_1490 = tpu.vector_load %arg18[%swap3A_1488, %swap3A_1489] {strides = array<i32>} : memref<80x64xf32, #tpu.memory_space<vmem>>, vector<1x16xf32>,
        %swap3A_1491 = vector.shape_cast %swap3A_1490 : vector<1x16xf32> to vector<16xf32>
        %swap3A_1492 = vector.shape_cast %max3A_1487 : vector<16xf32> to vector<1x16xf32>
        tpu.vector_store %arg18[%swap3A_1488, %swap3A_1489], %swap3A_1492 {strides = array<i32>} : memref<80x64xf32, #tpu.memory_space<vmem>>, vector<1x16xf32>,
        %get3A_1493 = arith.index_cast %scan3A_1469 : i32 to index
        %get3A_1494 = arith.constant 32 : index
        %get3A_1495 = tpu.vector_load %arg18[%get3A_1493, %get3A_1494] {strides = array<i32>} : memref<80x64xf32, #tpu.memory_space<vmem>>, vector<1x16xf32>,
        %get3A_1496 = vector.shape_cast %get3A_1495 : vector<1x16xf32> to vector<16xf32>
        %max3A_1497 = arith.constant 0.000000e+00 : f32
        %max3A_1498 = vector.broadcast %max3A_1497 : f32 to vector<16xf32>
        %max3A_1499 = arith.maximumf %get3A_1496, %max3A_1498 : vector<16xf32>
        %swap3A_1500 = arith.index_cast %scan3A_1469 : i32 to index
        %swap3A_1501 = arith.constant 32 : index
        %swap3A_1502 = tpu.vector_load %arg18[%swap3A_1500, %swap3A_1501] {strides = array<i32>} : memref<80x64xf32, #tpu.memory_space<vmem>>, vector<1x16xf32>,
        %swap3A_1503 = vector.shape_cast %swap3A_1502 : vector<1x16xf32> to vector<16xf32>
        %swap3A_1504 = vector.shape_cast %max3A_1499 : vector<16xf32> to vector<1x16xf32>
        tpu.vector_store %arg18[%swap3A_1500, %swap3A_1501], %swap3A_1504 {strides = array<i32>} : memref<80x64xf32, #tpu.memory_space<vmem>>, vector<1x16xf32>,
        %get3A_1505 = arith.index_cast %scan3A_1469 : i32 to index
        %get3A_1506 = arith.constant 48 : index
        %get3A_1507 = tpu.vector_load %arg18[%get3A_1505, %get3A_1506] {strides = array<i32>} : memref<80x64xf32, #tpu.memory_space<vmem>>, vector<1x16xf32>,
        %get3A_1508 = vector.shape_cast %get3A_1507 : vector<1x16xf32> to vector<16xf32>
        %max3A_1509 = arith.constant 0.000000e+00 : f32
        %max3A_1510 = vector.broadcast %max3A_1509 : f32 to vector<16xf32>
        %max3A_1511 = arith.maximumf %get3A_1508, %max3A_1510 : vector<16xf32>
        %swap3A_1512 = arith.index_cast %scan3A_1469 : i32 to index
        %swap3A_1513 = arith.constant 48 : index
        %swap3A_1514 = tpu.vector_load %arg18[%swap3A_1512, %swap3A_1513] {strides = array<i32>} : memref<80x64xf32, #tpu.memory_space<vmem>>, vector<1x16xf32>,
        %swap3A_1515 = vector.shape_cast %swap3A_1514 : vector<1x16xf32> to vector<16xf32>
        %swap3A_1516 = vector.shape_cast %max3A_1511 : vector<16xf32> to vector<1x16xf32>
        tpu.vector_store %arg18[%swap3A_1512, %swap3A_1513], %swap3A_1516 {strides = array<i32>} : memref<80x64xf32, #tpu.memory_space<vmem>>, vector<1x16xf32>,
        %scan3A_1517 = arith.constant 1 : i32
        %scan3A_1518 = arith.addi %scan3A_1469, %scan3A_1517 : i32
        %get3A_1519 = arith.index_cast %scan3A_1518 : i32 to index
        %get3A_1520 = arith.constant 0 : index
        %get3A_1521 = tpu.vector_load %arg18[%get3A_1519, %get3A_1520] {strides = array<i32>} : memref<80x64xf32, #tpu.memory_space<vmem>>, vector<1x16xf32>,
        %get3A_1522 = vector.shape_cast %get3A_1521 : vector<1x16xf32> to vector<16xf32>
        %max3A_1523 = arith.constant 0.000000e+00 : f32
        %max3A_1524 = vector.broadcast %max3A_1523 : f32 to vector<16xf32>
        %max3A_1525 = arith.maximumf %get3A_1522, %max3A_1524 : vector<16xf32>
        %swap3A_1526 = arith.index_cast %scan3A_1518 : i32 to index
        %swap3A_1527 = arith.constant 0 : index
        %swap3A_1528 = tpu.vector_load %arg18[%swap3A_1526, %swap3A_1527] {strides = array<i32>} : memref<80x64xf32, #tpu.memory_space<vmem>>, vector<1x16xf32>,
        %swap3A_1529 = vector.shape_cast %swap3A_1528 : vector<1x16xf32> to vector<16xf32>
        %swap3A_1530 = vector.shape_cast %max3A_1525 : vector<16xf32> to vector<1x16xf32>
        tpu.vector_store %arg18[%swap3A_1526, %swap3A_1527], %swap3A_1530 {strides = array<i32>} : memref<80x64xf32, #tpu.memory_space<vmem>>, vector<1x16xf32>,
        %get3A_1531 = arith.index_cast %scan3A_1518 : i32 to index
        %get3A_1532 = arith.constant 16 : index
        %get3A_1533 = tpu.vector_load %arg18[%get3A_1531, %get3A_1532] {strides = array<i32>} : memref<80x64xf32, #tpu.memory_space<vmem>>, vector<1x16xf32>,
        %get3A_1534 = vector.shape_cast %get3A_1533 : vector<1x16xf32> to vector<16xf32>
        %max3A_1535 = arith.constant 0.000000e+00 : f32
        %max3A_1536 = vector.broadcast %max3A_1535 : f32 to vector<16xf32>
        %max3A_1537 = arith.maximumf %get3A_1534, %max3A_1536 : vector<16xf32>
        %swap3A_1538 = arith.index_cast %scan3A_1518 : i32 to index
        %swap3A_1539 = arith.constant 16 : index
        %swap3A_1540 = tpu.vector_load %arg18[%swap3A_1538, %swap3A_1539] {strides = array<i32>} : memref<80x64xf32, #tpu.memory_space<vmem>>, vector<1x16xf32>,
        %swap3A_1541 = vector.shape_cast %swap3A_1540 : vector<1x16xf32> to vector<16xf32>
        %swap3A_1542 = vector.shape_cast %max3A_1537 : vector<16xf32> to vector<1x16xf32>
        tpu.vector_store %arg18[%swap3A_1538, %swap3A_1539], %swap3A_1542 {strides = array<i32>} : memref<80x64xf32, #tpu.memory_space<vmem>>, vector<1x16xf32>,
        %get3A_1543 = arith.index_cast %scan3A_1518 : i32 to index
        %get3A_1544 = arith.constant 32 : index
        %get3A_1545 = tpu.vector_load %arg18[%get3A_1543, %get3A_1544] {strides = array<i32>} : memref<80x64xf32, #tpu.memory_space<vmem>>, vector<1x16xf32>,
        %get3A_1546 = vector.shape_cast %get3A_1545 : vector<1x16xf32> to vector<16xf32>
        %max3A_1547 = arith.constant 0.000000e+00 : f32
        %max3A_1548 = vector.broadcast %max3A_1547 : f32 to vector<16xf32>
        %max3A_1549 = arith.maximumf %get3A_1546, %max3A_1548 : vector<16xf32>
        %swap3A_1550 = arith.index_cast %scan3A_1518 : i32 to index
        %swap3A_1551 = arith.constant 32 : index
        %swap3A_1552 = tpu.vector_load %arg18[%swap3A_1550, %swap3A_1551] {strides = array<i32>} : memref<80x64xf32, #tpu.memory_space<vmem>>, vector<1x16xf32>,
        %swap3A_1553 = vector.shape_cast %swap3A_1552 : vector<1x16xf32> to vector<16xf32>
        %swap3A_1554 = vector.shape_cast %max3A_1549 : vector<16xf32> to vector<1x16xf32>
        tpu.vector_store %arg18[%swap3A_1550, %swap3A_1551], %swap3A_1554 {strides = array<i32>} : memref<80x64xf32, #tpu.memory_space<vmem>>, vector<1x16xf32>,
        %get3A_1555 = arith.index_cast %scan3A_1518 : i32 to index
        %get3A_1556 = arith.constant 48 : index
        %get3A_1557 = tpu.vector_load %arg18[%get3A_1555, %get3A_1556] {strides = array<i32>} : memref<80x64xf32, #tpu.memory_space<vmem>>, vector<1x16xf32>,
        %get3A_1558 = vector.shape_cast %get3A_1557 : vector<1x16xf32> to vector<16xf32>
        %max3A_1559 = arith.constant 0.000000e+00 : f32
        %max3A_1560 = vector.broadcast %max3A_1559 : f32 to vector<16xf32>
        %max3A_1561 = arith.maximumf %get3A_1558, %max3A_1560 : vector<16xf32>
        %swap3A_1562 = arith.index_cast %scan3A_1518 : i32 to index
        %swap3A_1563 = arith.constant 48 : index
        %swap3A_1564 = tpu.vector_load %arg18[%swap3A_1562, %swap3A_1563] {strides = array<i32>} : memref<80x64xf32, #tpu.memory_space<vmem>>, vector<1x16xf32>,
        %swap3A_1565 = vector.shape_cast %swap3A_1564 : vector<1x16xf32> to vector<16xf32>
        %swap3A_1566 = vector.shape_cast %max3A_1561 : vector<16xf32> to vector<1x16xf32>
        tpu.vector_store %arg18[%swap3A_1562, %swap3A_1563], %swap3A_1566 {strides = array<i32>} : memref<80x64xf32, #tpu.memory_space<vmem>>, vector<1x16xf32>,
        %scan3A_1567 = arith.constant 2 : i32
        %scan3A_1568 = arith.addi %scan3A_1469, %scan3A_1567 : i32
        %get3A_1569 = arith.index_cast %scan3A_1568 : i32 to index
        %get3A_1570 = arith.constant 0 : index
        %get3A_1571 = tpu.vector_load %arg18[%get3A_1569, %get3A_1570] {strides = array<i32>} : memref<80x64xf32, #tpu.memory_space<vmem>>, vector<1x16xf32>,
        %get3A_1572 = vector.shape_cast %get3A_1571 : vector<1x16xf32> to vector<16xf32>
        %max3A_1573 = arith.constant 0.000000e+00 : f32
        %max3A_1574 = vector.broadcast %max3A_1573 : f32 to vector<16xf32>
        %max3A_1575 = arith.maximumf %get3A_1572, %max3A_1574 : vector<16xf32>
        %swap3A_1576 = arith.index_cast %scan3A_1568 : i32 to index
        %swap3A_1577 = arith.constant 0 : index
        %swap3A_1578 = tpu.vector_load %arg18[%swap3A_1576, %swap3A_1577] {strides = array<i32>} : memref<80x64xf32, #tpu.memory_space<vmem>>, vector<1x16xf32>,
        %swap3A_1579 = vector.shape_cast %swap3A_1578 : vector<1x16xf32> to vector<16xf32>
        %swap3A_1580 = vector.shape_cast %max3A_1575 : vector<16xf32> to vector<1x16xf32>
        tpu.vector_store %arg18[%swap3A_1576, %swap3A_1577], %swap3A_1580 {strides = array<i32>} : memref<80x64xf32, #tpu.memory_space<vmem>>, vector<1x16xf32>,
        %get3A_1581 = arith.index_cast %scan3A_1568 : i32 to index
        %get3A_1582 = arith.constant 16 : index
        %get3A_1583 = tpu.vector_load %arg18[%get3A_1581, %get3A_1582] {strides = array<i32>} : memref<80x64xf32, #tpu.memory_space<vmem>>, vector<1x16xf32>,
        %get3A_1584 = vector.shape_cast %get3A_1583 : vector<1x16xf32> to vector<16xf32>
        %max3A_1585 = arith.constant 0.000000e+00 : f32
        %max3A_1586 = vector.broadcast %max3A_1585 : f32 to vector<16xf32>
        %max3A_1587 = arith.maximumf %get3A_1584, %max3A_1586 : vector<16xf32>
        %swap3A_1588 = arith.index_cast %scan3A_1568 : i32 to index
        %swap3A_1589 = arith.constant 16 : index
        %swap3A_1590 = tpu.vector_load %arg18[%swap3A_1588, %swap3A_1589] {strides = array<i32>} : memref<80x64xf32, #tpu.memory_space<vmem>>, vector<1x16xf32>,
        %swap3A_1591 = vector.shape_cast %swap3A_1590 : vector<1x16xf32> to vector<16xf32>
        %swap3A_1592 = vector.shape_cast %max3A_1587 : vector<16xf32> to vector<1x16xf32>
        tpu.vector_store %arg18[%swap3A_1588, %swap3A_1589], %swap3A_1592 {strides = array<i32>} : memref<80x64xf32, #tpu.memory_space<vmem>>, vector<1x16xf32>,
        %get3A_1593 = arith.index_cast %scan3A_1568 : i32 to index
        %get3A_1594 = arith.constant 32 : index
        %get3A_1595 = tpu.vector_load %arg18[%get3A_1593, %get3A_1594] {strides = array<i32>} : memref<80x64xf32, #tpu.memory_space<vmem>>, vector<1x16xf32>,
        %get3A_1596 = vector.shape_cast %get3A_1595 : vector<1x16xf32> to vector<16xf32>
        %max3A_1597 = arith.constant 0.000000e+00 : f32
        %max3A_1598 = vector.broadcast %max3A_1597 : f32 to vector<16xf32>
        %max3A_1599 = arith.maximumf %get3A_1596, %max3A_1598 : vector<16xf32>
        %swap3A_1600 = arith.index_cast %scan3A_1568 : i32 to index
        %swap3A_1601 = arith.constant 32 : index
        %swap3A_1602 = tpu.vector_load %arg18[%swap3A_1600, %swap3A_1601] {strides = array<i32>} : memref<80x64xf32, #tpu.memory_space<vmem>>, vector<1x16xf32>,
        %swap3A_1603 = vector.shape_cast %swap3A_1602 : vector<1x16xf32> to vector<16xf32>
        %swap3A_1604 = vector.shape_cast %max3A_1599 : vector<16xf32> to vector<1x16xf32>
        tpu.vector_store %arg18[%swap3A_1600, %swap3A_1601], %swap3A_1604 {strides = array<i32>} : memref<80x64xf32, #tpu.memory_space<vmem>>, vector<1x16xf32>,
        %get3A_1605 = arith.index_cast %scan3A_1568 : i32 to index
        %get3A_1606 = arith.constant 48 : index
        %get3A_1607 = tpu.vector_load %arg18[%get3A_1605, %get3A_1606] {strides = array<i32>} : memref<80x64xf32, #tpu.memory_space<vmem>>, vector<1x16xf32>,
        %get3A_1608 = vector.shape_cast %get3A_1607 : vector<1x16xf32> to vector<16xf32>
        %max3A_1609 = arith.constant 0.000000e+00 : f32
        %max3A_1610 = vector.broadcast %max3A_1609 : f32 to vector<16xf32>
        %max3A_1611 = arith.maximumf %get3A_1608, %max3A_1610 : vector<16xf32>
        %swap3A_1612 = arith.index_cast %scan3A_1568 : i32 to index
        %swap3A_1613 = arith.constant 48 : index
        %swap3A_1614 = tpu.vector_load %arg18[%swap3A_1612, %swap3A_1613] {strides = array<i32>} : memref<80x64xf32, #tpu.memory_space<vmem>>, vector<1x16xf32>,
        %swap3A_1615 = vector.shape_cast %swap3A_1614 : vector<1x16xf32> to vector<16xf32>
        %swap3A_1616 = vector.shape_cast %max3A_1611 : vector<16xf32> to vector<1x16xf32>
        tpu.vector_store %arg18[%swap3A_1612, %swap3A_1613], %swap3A_1616 {strides = array<i32>} : memref<80x64xf32, #tpu.memory_space<vmem>>, vector<1x16xf32>,
        %scan3A_1617 = arith.constant 3 : i32
        %scan3A_1618 = arith.addi %scan3A_1469, %scan3A_1617 : i32
        %get3A_1619 = arith.index_cast %scan3A_1618 : i32 to index
        %get3A_1620 = arith.constant 0 : index
        %get3A_1621 = tpu.vector_load %arg18[%get3A_1619, %get3A_1620] {strides = array<i32>} : memref<80x64xf32, #tpu.memory_space<vmem>>, vector<1x16xf32>,
        %get3A_1622 = vector.shape_cast %get3A_1621 : vector<1x16xf32> to vector<16xf32>
        %max3A_1623 = arith.constant 0.000000e+00 : f32
        %max3A_1624 = vector.broadcast %max3A_1623 : f32 to vector<16xf32>
        %max3A_1625 = arith.maximumf %get3A_1622, %max3A_1624 : vector<16xf32>
        %swap3A_1626 = arith.index_cast %scan3A_1618 : i32 to index
        %swap3A_1627 = arith.constant 0 : index
        %swap3A_1628 = tpu.vector_load %arg18[%swap3A_1626, %swap3A_1627] {strides = array<i32>} : memref<80x64xf32, #tpu.memory_space<vmem>>, vector<1x16xf32>,
        %swap3A_1629 = vector.shape_cast %swap3A_1628 : vector<1x16xf32> to vector<16xf32>
        %swap3A_1630 = vector.shape_cast %max3A_1625 : vector<16xf32> to vector<1x16xf32>
        tpu.vector_store %arg18[%swap3A_1626, %swap3A_1627], %swap3A_1630 {strides = array<i32>} : memref<80x64xf32, #tpu.memory_space<vmem>>, vector<1x16xf32>,
        %get3A_1631 = arith.index_cast %scan3A_1618 : i32 to index
        %get3A_1632 = arith.constant 16 : index
        %get3A_1633 = tpu.vector_load %arg18[%get3A_1631, %get3A_1632] {strides = array<i32>} : memref<80x64xf32, #tpu.memory_space<vmem>>, vector<1x16xf32>,
        %get3A_1634 = vector.shape_cast %get3A_1633 : vector<1x16xf32> to vector<16xf32>
        %max3A_1635 = arith.constant 0.000000e+00 : f32
        %max3A_1636 = vector.broadcast %max3A_1635 : f32 to vector<16xf32>
        %max3A_1637 = arith.maximumf %get3A_1634, %max3A_1636 : vector<16xf32>
        %swap3A_1638 = arith.index_cast %scan3A_1618 : i32 to index
        %swap3A_1639 = arith.constant 16 : index
        %swap3A_1640 = tpu.vector_load %arg18[%swap3A_1638, %swap3A_1639] {strides = array<i32>} : memref<80x64xf32, #tpu.memory_space<vmem>>, vector<1x16xf32>,
        %swap3A_1641 = vector.shape_cast %swap3A_1640 : vector<1x16xf32> to vector<16xf32>
        %swap3A_1642 = vector.shape_cast %max3A_1637 : vector<16xf32> to vector<1x16xf32>
        tpu.vector_store %arg18[%swap3A_1638, %swap3A_1639], %swap3A_1642 {strides = array<i32>} : memref<80x64xf32, #tpu.memory_space<vmem>>, vector<1x16xf32>,
        %get3A_1643 = arith.index_cast %scan3A_1618 : i32 to index
        %get3A_1644 = arith.constant 32 : index
        %get3A_1645 = tpu.vector_load %arg18[%get3A_1643, %get3A_1644] {strides = array<i32>} : memref<80x64xf32, #tpu.memory_space<vmem>>, vector<1x16xf32>,
        %get3A_1646 = vector.shape_cast %get3A_1645 : vector<1x16xf32> to vector<16xf32>
        %max3A_1647 = arith.constant 0.000000e+00 : f32
        %max3A_1648 = vector.broadcast %max3A_1647 : f32 to vector<16xf32>
        %max3A_1649 = arith.maximumf %get3A_1646, %max3A_1648 : vector<16xf32>
        %swap3A_1650 = arith.index_cast %scan3A_1618 : i32 to index
        %swap3A_1651 = arith.constant 32 : index
        %swap3A_1652 = tpu.vector_load %arg18[%swap3A_1650, %swap3A_1651] {strides = array<i32>} : memref<80x64xf32, #tpu.memory_space<vmem>>, vector<1x16xf32>,
        %swap3A_1653 = vector.shape_cast %swap3A_1652 : vector<1x16xf32> to vector<16xf32>
        %swap3A_1654 = vector.shape_cast %max3A_1649 : vector<16xf32> to vector<1x16xf32>
        tpu.vector_store %arg18[%swap3A_1650, %swap3A_1651], %swap3A_1654 {strides = array<i32>} : memref<80x64xf32, #tpu.memory_space<vmem>>, vector<1x16xf32>,
        %get3A_1655 = arith.index_cast %scan3A_1618 : i32 to index
        %get3A_1656 = arith.constant 48 : index
        %get3A_1657 = tpu.vector_load %arg18[%get3A_1655, %get3A_1656] {strides = array<i32>} : memref<80x64xf32, #tpu.memory_space<vmem>>, vector<1x16xf32>,
        %get3A_1658 = vector.shape_cast %get3A_1657 : vector<1x16xf32> to vector<16xf32>
        %max3A_1659 = arith.constant 0.000000e+00 : f32
        %max3A_1660 = vector.broadcast %max3A_1659 : f32 to vector<16xf32>
        %max3A_1661 = arith.maximumf %get3A_1658, %max3A_1660 : vector<16xf32>
        %swap3A_1662 = arith.index_cast %scan3A_1618 : i32 to index
        %swap3A_1663 = arith.constant 48 : index
        %swap3A_1664 = tpu.vector_load %arg18[%swap3A_1662, %swap3A_1663] {strides = array<i32>} : memref<80x64xf32, #tpu.memory_space<vmem>>, vector<1x16xf32>,
        %swap3A_1665 = vector.shape_cast %swap3A_1664 : vector<1x16xf32> to vector<16xf32>
        %swap3A_1666 = vector.shape_cast %max3A_1661 : vector<16xf32> to vector<1x16xf32>
        tpu.vector_store %arg18[%swap3A_1662, %swap3A_1663], %swap3A_1666 {strides = array<i32>} : memref<80x64xf32, #tpu.memory_space<vmem>>, vector<1x16xf32>,
      }
      %scan3A_1462 = arith.constant 80 : i32
      %dma_start3A_1463 = arith.constant 0 : i32
      %dma_start3A_1464 = arith.constant 0 : i32
      %dma_start3A_1465 = tpu.memref_slice %arg27[%dma_start3A_1463, %dma_start3A_1464] : memref<10240x64xf32, #tpu.memory_space<vmem_shared>> -> memref<10240x64xf32, #tpu.memory_space<vmem_shared>>
      tpu.enqueue_indirect_dma source(%arg18 : memref<80x64xf32, #tpu.memory_space<vmem>>) target(%dma_start3A_1465 : memref<10240x64xf32, #tpu.memory_space<vmem_shared>>) offsets(%arg16 : memref<80xi32, #tpu.memory_space<vmem>>) semaphore(%arg21 : memref<!tpu.dma_semaphore, #tpu.memory_space<semaphore_mem>>) {add = true}
      %dma_start3A_1466 = arith.constant 0 : i32
      %dma_start3A_1467 = arith.constant 0 : i32
      %dma_start3A_1468 = tpu.memref_slice %arg28[%dma_start3A_1466, %dma_start3A_1467] : memref<10240x16xf32, #tpu.memory_space<vmem_shared>> -> memref<10240x16xf32, #tpu.memory_space<vmem_shared>>
      tpu.enqueue_indirect_dma source(%arg24 : memref<80x16xf32, #tpu.memory_space<vmem>>) target(%dma_start3A_1468 : memref<10240x16xf32, #tpu.memory_space<vmem_shared>>) offsets(%arg16 : memref<80xi32, #tpu.memory_space<vmem>>) semaphore(%arg21 : memref<!tpu.dma_semaphore, #tpu.memory_space<semaphore_mem>>) {add = true}
    }
    %scan3A_33 = arith.constant 25 : i32
    %dma_wait3A = arith.constant 0 : i32
    %dma_wait3A_34 = arith.constant 0 : i32
    %dma_wait3A_35 = tpu.memref_slice %arg27[%dma_wait3A, %dma_wait3A_34] : memref<10240x64xf32, #tpu.memory_space<vmem_shared>> -> memref<10240x64xf32, #tpu.memory_space<vmem_shared>>
    tpu.wait_indirect_dma semaphore(%arg14 : memref<!tpu.dma_semaphore, #tpu.memory_space<semaphore_mem>>) src(%arg11 : memref<80x64xf32, #tpu.memory_space<vmem>>) dst(%dma_wait3A_35 : memref<10240x64xf32, #tpu.memory_space<vmem_shared>>)
    %dma_wait3A_36 = arith.constant 0 : i32
    %dma_wait3A_37 = arith.constant 0 : i32
    %dma_wait3A_38 = tpu.memref_slice %arg28[%dma_wait3A_36, %dma_wait3A_37] : memref<10240x16xf32, #tpu.memory_space<vmem_shared>> -> memref<10240x16xf32, #tpu.memory_space<vmem_shared>>
    tpu.wait_indirect_dma semaphore(%arg14 : memref<!tpu.dma_semaphore, #tpu.memory_space<semaphore_mem>>) src(%arg24 : memref<80x16xf32, #tpu.memory_space<vmem>>) dst(%dma_wait3A_38 : memref<10240x16xf32, #tpu.memory_space<vmem_shared>>)
    %dma_wait3A_39 = arith.constant 0 : i32
    %dma_wait3A_40 = arith.constant 0 : i32
    %dma_wait3A_41 = tpu.memref_slice %arg27[%dma_wait3A_39, %dma_wait3A_40] : memref<10240x64xf32, #tpu.memory_space<vmem_shared>> -> memref<10240x64xf32, #tpu.memory_space<vmem_shared>>
    tpu.wait_indirect_dma semaphore(%arg21 : memref<!tpu.dma_semaphore, #tpu.memory_space<semaphore_mem>>) src(%arg18 : memref<80x64xf32, #tpu.memory_space<vmem>>) dst(%dma_wait3A_41 : memref<10240x64xf32, #tpu.memory_space<vmem_shared>>)
    %dma_wait3A_42 = arith.constant 0 : i32
    %dma_wait3A_43 = arith.constant 0 : i32
    %dma_wait3A_44 = tpu.memref_slice %arg28[%dma_wait3A_42, %dma_wait3A_43] : memref<10240x16xf32, #tpu.memory_space<vmem_shared>> -> memref<10240x16xf32, #tpu.memory_space<vmem_shared>>
    tpu.wait_indirect_dma semaphore(%arg21 : memref<!tpu.dma_semaphore, #tpu.memory_space<semaphore_mem>>) src(%arg24 : memref<80x16xf32, #tpu.memory_space<vmem>>) dst(%dma_wait3A_44 : memref<10240x16xf32, #tpu.memory_space<vmem_shared>>)
    %barrier3A_45 = arith.constant 0 : index
    tpu.barrier barrier_id(%barrier3A_45)
    %add3A_46 = arith.constant 0 : i32
    %add3A_47 = arith.addi %mul3A_18, %add3A_46 : i32
    %mul3A_48 = arith.constant 10240 : i32
    %mul3A_49 = arith.muli %arg0, %mul3A_48 : i32
    %add3A_50 = arith.addi %mul3A_49, %add3A_47 : i32
    "tpu.region"() ({
      %run_scoped3A = tpu.sem_alloc : memref<!tpu.dma_semaphore, #tpu.memory_space<semaphore_mem>>
      %dma_start3A = arith.constant 0 : i32
      %dma_start3A_71 = tpu.memref_slice %arg6[%add3A_50, %dma_start3A] : memref<20480x64xf32, #tpu.memory_space<hbm>> -> memref<128x64xf32, #tpu.memory_space<hbm>>
      %dma_start3A_72 = arith.constant 0 : i32
      %dma_start3A_73 = tpu.memref_slice %arg27[%add3A_47, %dma_start3A_72] : memref<10240x64xf32, #tpu.memory_space<vmem_shared>> -> memref<128x64xf32, #tpu.memory_space<vmem_shared>>
      tpu.enqueue_dma source(%dma_start3A_73 : memref<128x64xf32, #tpu.memory_space<vmem_shared>>) target(%dma_start3A_71 : memref<128x64xf32, #tpu.memory_space<hbm>>) target_semaphore(%run_scoped3A : memref<!tpu.dma_semaphore, #tpu.memory_space<semaphore_mem>>)
      %dma_wait3A_74 = arith.constant 0 : i32
      %dma_wait3A_75 = tpu.memref_slice %arg6[%add3A_50, %dma_wait3A_74] : memref<20480x64xf32, #tpu.memory_space<hbm>> -> memref<128x64xf32, #tpu.memory_space<hbm>>
      %dma_wait3A_76 = arith.constant 0 : i32
      %dma_wait3A_77 = tpu.memref_slice %arg27[%add3A_47, %dma_wait3A_76] : memref<10240x64xf32, #tpu.memory_space<vmem_shared>> -> memref<128x64xf32, #tpu.memory_space<vmem_shared>>
      tpu.wait_dma2 semaphore(%run_scoped3A : memref<!tpu.dma_semaphore, #tpu.memory_space<semaphore_mem>>) src(%dma_wait3A_77 : memref<128x64xf32, #tpu.memory_space<vmem_shared>>) dst(%dma_wait3A_75 : memref<128x64xf32, #tpu.memory_space<hbm>>)
      tpu.yield
    }) : () -> ()
    "tpu.region"() ({
      %run_scoped3A = tpu.sem_alloc : memref<!tpu.dma_semaphore, #tpu.memory_space<semaphore_mem>>
      %dma_start3A = arith.constant 0 : i32
      %dma_start3A_71 = tpu.memref_slice %arg7[%add3A_50, %dma_start3A] : memref<20480x16xf32, #tpu.memory_space<hbm>> -> memref<128x16xf32, #tpu.memory_space<hbm>>
      %dma_start3A_72 = arith.constant 0 : i32
      %dma_start3A_73 = tpu.memref_slice %arg28[%add3A_47, %dma_start3A_72] : memref<10240x16xf32, #tpu.memory_space<vmem_shared>> -> memref<128x16xf32, #tpu.memory_space<vmem_shared>>
      tpu.enqueue_dma source(%dma_start3A_73 : memref<128x16xf32, #tpu.memory_space<vmem_shared>>) target(%dma_start3A_71 : memref<128x16xf32, #tpu.memory_space<hbm>>) target_semaphore(%run_scoped3A : memref<!tpu.dma_semaphore, #tpu.memory_space<semaphore_mem>>)
      %dma_wait3A_74 = arith.constant 0 : i32
      %dma_wait3A_75 = tpu.memref_slice %arg7[%add3A_50, %dma_wait3A_74] : memref<20480x16xf32, #tpu.memory_space<hbm>> -> memref<128x16xf32, #tpu.memory_space<hbm>>
      %dma_wait3A_76 = arith.constant 0 : i32
      %dma_wait3A_77 = tpu.memref_slice %arg28[%add3A_47, %dma_wait3A_76] : memref<10240x16xf32, #tpu.memory_space<vmem_shared>> -> memref<128x16xf32, #tpu.memory_space<vmem_shared>>
      tpu.wait_dma2 semaphore(%run_scoped3A : memref<!tpu.dma_semaphore, #tpu.memory_space<semaphore_mem>>) src(%dma_wait3A_77 : memref<128x16xf32, #tpu.memory_space<vmem_shared>>) dst(%dma_wait3A_75 : memref<128x16xf32, #tpu.memory_space<hbm>>)
      tpu.yield
    }) : () -> ()
    %add3A_51 = arith.constant 128 : i32
    %add3A_52 = arith.addi %mul3A_18, %add3A_51 : i32
    %mul3A_53 = arith.constant 10240 : i32
    %mul3A_54 = arith.muli %arg0, %mul3A_53 : i32
    %add3A_55 = arith.addi %mul3A_54, %add3A_52 : i32
    "tpu.region"() ({
      %run_scoped3A = tpu.sem_alloc : memref<!tpu.dma_semaphore, #tpu.memory_space<semaphore_mem>>
      %dma_start3A = arith.constant 0 : i32
      %dma_start3A_71 = tpu.memref_slice %arg6[%add3A_55, %dma_start3A] : memref<20480x64xf32, #tpu.memory_space<hbm>> -> memref<128x64xf32, #tpu.memory_space<hbm>>
      %dma_start3A_72 = arith.constant 0 : i32
      %dma_start3A_73 = tpu.memref_slice %arg27[%add3A_52, %dma_start3A_72] : memref<10240x64xf32, #tpu.memory_space<vmem_shared>> -> memref<128x64xf32, #tpu.memory_space<vmem_shared>>
      tpu.enqueue_dma source(%dma_start3A_73 : memref<128x64xf32, #tpu.memory_space<vmem_shared>>) target(%dma_start3A_71 : memref<128x64xf32, #tpu.memory_space<hbm>>) target_semaphore(%run_scoped3A : memref<!tpu.dma_semaphore, #tpu.memory_space<semaphore_mem>>)
      %dma_wait3A_74 = arith.constant 0 : i32
      %dma_wait3A_75 = tpu.memref_slice %arg6[%add3A_55, %dma_wait3A_74] : memref<20480x64xf32, #tpu.memory_space<hbm>> -> memref<128x64xf32, #tpu.memory_space<hbm>>
      %dma_wait3A_76 = arith.constant 0 : i32
      %dma_wait3A_77 = tpu.memref_slice %arg27[%add3A_52, %dma_wait3A_76] : memref<10240x64xf32, #tpu.memory_space<vmem_shared>> -> memref<128x64xf32, #tpu.memory_space<vmem_shared>>
      tpu.wait_dma2 semaphore(%run_scoped3A : memref<!tpu.dma_semaphore, #tpu.memory_space<semaphore_mem>>) src(%dma_wait3A_77 : memref<128x64xf32, #tpu.memory_space<vmem_shared>>) dst(%dma_wait3A_75 : memref<128x64xf32, #tpu.memory_space<hbm>>)
      tpu.yield
    }) : () -> ()
    "tpu.region"() ({
      %run_scoped3A = tpu.sem_alloc : memref<!tpu.dma_semaphore, #tpu.memory_space<semaphore_mem>>
      %dma_start3A = arith.constant 0 : i32
      %dma_start3A_71 = tpu.memref_slice %arg7[%add3A_55, %dma_start3A] : memref<20480x16xf32, #tpu.memory_space<hbm>> -> memref<128x16xf32, #tpu.memory_space<hbm>>
      %dma_start3A_72 = arith.constant 0 : i32
      %dma_start3A_73 = tpu.memref_slice %arg28[%add3A_52, %dma_start3A_72] : memref<10240x16xf32, #tpu.memory_space<vmem_shared>> -> memref<128x16xf32, #tpu.memory_space<vmem_shared>>
      tpu.enqueue_dma source(%dma_start3A_73 : memref<128x16xf32, #tpu.memory_space<vmem_shared>>) target(%dma_start3A_71 : memref<128x16xf32, #tpu.memory_space<hbm>>) target_semaphore(%run_scoped3A : memref<!tpu.dma_semaphore, #tpu.memory_space<semaphore_mem>>)
      %dma_wait3A_74 = arith.constant 0 : i32
      %dma_wait3A_75 = tpu.memref_slice %arg7[%add3A_55, %dma_wait3A_74] : memref<20480x16xf32, #tpu.memory_space<hbm>> -> memref<128x16xf32, #tpu.memory_space<hbm>>
      %dma_wait3A_76 = arith.constant 0 : i32
      %dma_wait3A_77 = tpu.memref_slice %arg28[%add3A_52, %dma_wait3A_76] : memref<10240x16xf32, #tpu.memory_space<vmem_shared>> -> memref<128x16xf32, #tpu.memory_space<vmem_shared>>
      tpu.wait_dma2 semaphore(%run_scoped3A : memref<!tpu.dma_semaphore, #tpu.memory_space<semaphore_mem>>) src(%dma_wait3A_77 : memref<128x16xf32, #tpu.memory_space<vmem_shared>>) dst(%dma_wait3A_75 : memref<128x16xf32, #tpu.memory_space<hbm>>)
      tpu.yield
    }) : () -> ()
    %add3A_56 = arith.constant 256 : i32
    %add3A_57 = arith.addi %mul3A_18, %add3A_56 : i32
    %mul3A_58 = arith.constant 10240 : i32
    %mul3A_59 = arith.muli %arg0, %mul3A_58 : i32
    %add3A_60 = arith.addi %mul3A_59, %add3A_57 : i32
    "tpu.region"() ({
      %run_scoped3A = tpu.sem_alloc : memref<!tpu.dma_semaphore, #tpu.memory_space<semaphore_mem>>
      %dma_start3A = arith.constant 0 : i32
      %dma_start3A_71 = tpu.memref_slice %arg6[%add3A_60, %dma_start3A] : memref<20480x64xf32, #tpu.memory_space<hbm>> -> memref<128x64xf32, #tpu.memory_space<hbm>>
      %dma_start3A_72 = arith.constant 0 : i32
      %dma_start3A_73 = tpu.memref_slice %arg27[%add3A_57, %dma_start3A_72] : memref<10240x64xf32, #tpu.memory_space<vmem_shared>> -> memref<128x64xf32, #tpu.memory_space<vmem_shared>>
      tpu.enqueue_dma source(%dma_start3A_73 : memref<128x64xf32, #tpu.memory_space<vmem_shared>>) target(%dma_start3A_71 : memref<128x64xf32, #tpu.memory_space<hbm>>) target_semaphore(%run_scoped3A : memref<!tpu.dma_semaphore, #tpu.memory_space<semaphore_mem>>)
      %dma_wait3A_74 = arith.constant 0 : i32
      %dma_wait3A_75 = tpu.memref_slice %arg6[%add3A_60, %dma_wait3A_74] : memref<20480x64xf32, #tpu.memory_space<hbm>> -> memref<128x64xf32, #tpu.memory_space<hbm>>
      %dma_wait3A_76 = arith.constant 0 : i32
      %dma_wait3A_77 = tpu.memref_slice %arg27[%add3A_57, %dma_wait3A_76] : memref<10240x64xf32, #tpu.memory_space<vmem_shared>> -> memref<128x64xf32, #tpu.memory_space<vmem_shared>>
      tpu.wait_dma2 semaphore(%run_scoped3A : memref<!tpu.dma_semaphore, #tpu.memory_space<semaphore_mem>>) src(%dma_wait3A_77 : memref<128x64xf32, #tpu.memory_space<vmem_shared>>) dst(%dma_wait3A_75 : memref<128x64xf32, #tpu.memory_space<hbm>>)
      tpu.yield
    }) : () -> ()
    "tpu.region"() ({
      %run_scoped3A = tpu.sem_alloc : memref<!tpu.dma_semaphore, #tpu.memory_space<semaphore_mem>>
      %dma_start3A = arith.constant 0 : i32
      %dma_start3A_71 = tpu.memref_slice %arg7[%add3A_60, %dma_start3A] : memref<20480x16xf32, #tpu.memory_space<hbm>> -> memref<128x16xf32, #tpu.memory_space<hbm>>
      %dma_start3A_72 = arith.constant 0 : i32
      %dma_start3A_73 = tpu.memref_slice %arg28[%add3A_57, %dma_start3A_72] : memref<10240x16xf32, #tpu.memory_space<vmem_shared>> -> memref<128x16xf32, #tpu.memory_space<vmem_shared>>
      tpu.enqueue_dma source(%dma_start3A_73 : memref<128x16xf32, #tpu.memory_space<vmem_shared>>) target(%dma_start3A_71 : memref<128x16xf32, #tpu.memory_space<hbm>>) target_semaphore(%run_scoped3A : memref<!tpu.dma_semaphore, #tpu.memory_space<semaphore_mem>>)
      %dma_wait3A_74 = arith.constant 0 : i32
      %dma_wait3A_75 = tpu.memref_slice %arg7[%add3A_60, %dma_wait3A_74] : memref<20480x16xf32, #tpu.memory_space<hbm>> -> memref<128x16xf32, #tpu.memory_space<hbm>>
      %dma_wait3A_76 = arith.constant 0 : i32
      %dma_wait3A_77 = tpu.memref_slice %arg28[%add3A_57, %dma_wait3A_76] : memref<10240x16xf32, #tpu.memory_space<vmem_shared>> -> memref<128x16xf32, #tpu.memory_space<vmem_shared>>
      tpu.wait_dma2 semaphore(%run_scoped3A : memref<!tpu.dma_semaphore, #tpu.memory_space<semaphore_mem>>) src(%dma_wait3A_77 : memref<128x16xf32, #tpu.memory_space<vmem_shared>>) dst(%dma_wait3A_75 : memref<128x16xf32, #tpu.memory_space<hbm>>)
      tpu.yield
    }) : () -> ()
    %add3A_61 = arith.constant 384 : i32
    %add3A_62 = arith.addi %mul3A_18, %add3A_61 : i32
    %mul3A_63 = arith.constant 10240 : i32
    %mul3A_64 = arith.muli %arg0, %mul3A_63 : i32
    %add3A_65 = arith.addi %mul3A_64, %add3A_62 : i32
    "tpu.region"() ({
      %run_scoped3A = tpu.sem_alloc : memref<!tpu.dma_semaphore, #tpu.memory_space<semaphore_mem>>
      %dma_start3A = arith.constant 0 : i32
      %dma_start3A_71 = tpu.memref_slice %arg6[%add3A_65, %dma_start3A] : memref<20480x64xf32, #tpu.memory_space<hbm>> -> memref<128x64xf32, #tpu.memory_space<hbm>>
      %dma_start3A_72 = arith.constant 0 : i32
      %dma_start3A_73 = tpu.memref_slice %arg27[%add3A_62, %dma_start3A_72] : memref<10240x64xf32, #tpu.memory_space<vmem_shared>> -> memref<128x64xf32, #tpu.memory_space<vmem_shared>>
      tpu.enqueue_dma source(%dma_start3A_73 : memref<128x64xf32, #tpu.memory_space<vmem_shared>>) target(%dma_start3A_71 : memref<128x64xf32, #tpu.memory_space<hbm>>) target_semaphore(%run_scoped3A : memref<!tpu.dma_semaphore, #tpu.memory_space<semaphore_mem>>)
      %dma_wait3A_74 = arith.constant 0 : i32
      %dma_wait3A_75 = tpu.memref_slice %arg6[%add3A_65, %dma_wait3A_74] : memref<20480x64xf32, #tpu.memory_space<hbm>> -> memref<128x64xf32, #tpu.memory_space<hbm>>
      %dma_wait3A_76 = arith.constant 0 : i32
      %dma_wait3A_77 = tpu.memref_slice %arg27[%add3A_62, %dma_wait3A_76] : memref<10240x64xf32, #tpu.memory_space<vmem_shared>> -> memref<128x64xf32, #tpu.memory_space<vmem_shared>>
      tpu.wait_dma2 semaphore(%run_scoped3A : memref<!tpu.dma_semaphore, #tpu.memory_space<semaphore_mem>>) src(%dma_wait3A_77 : memref<128x64xf32, #tpu.memory_space<vmem_shared>>) dst(%dma_wait3A_75 : memref<128x64xf32, #tpu.memory_space<hbm>>)
      tpu.yield
    }) : () -> ()
    "tpu.region"() ({
      %run_scoped3A = tpu.sem_alloc : memref<!tpu.dma_semaphore, #tpu.memory_space<semaphore_mem>>
      %dma_start3A = arith.constant 0 : i32
      %dma_start3A_71 = tpu.memref_slice %arg7[%add3A_65, %dma_start3A] : memref<20480x16xf32, #tpu.memory_space<hbm>> -> memref<128x16xf32, #tpu.memory_space<hbm>>
      %dma_start3A_72 = arith.constant 0 : i32
      %dma_start3A_73 = tpu.memref_slice %arg28[%add3A_62, %dma_start3A_72] : memref<10240x16xf32, #tpu.memory_space<vmem_shared>> -> memref<128x16xf32, #tpu.memory_space<vmem_shared>>
      tpu.enqueue_dma source(%dma_start3A_73 : memref<128x16xf32, #tpu.memory_space<vmem_shared>>) target(%dma_start3A_71 : memref<128x16xf32, #tpu.memory_space<hbm>>) target_semaphore(%run_scoped3A : memref<!tpu.dma_semaphore, #tpu.memory_space<semaphore_mem>>)
      %dma_wait3A_74 = arith.constant 0 : i32
      %dma_wait3A_75 = tpu.memref_slice %arg7[%add3A_65, %dma_wait3A_74] : memref<20480x16xf32, #tpu.memory_space<hbm>> -> memref<128x16xf32, #tpu.memory_space<hbm>>
      %dma_wait3A_76 = arith.constant 0 : i32
      %dma_wait3A_77 = tpu.memref_slice %arg28[%add3A_62, %dma_wait3A_76] : memref<10240x16xf32, #tpu.memory_space<vmem_shared>> -> memref<128x16xf32, #tpu.memory_space<vmem_shared>>
      tpu.wait_dma2 semaphore(%run_scoped3A : memref<!tpu.dma_semaphore, #tpu.memory_space<semaphore_mem>>) src(%dma_wait3A_77 : memref<128x16xf32, #tpu.memory_space<vmem_shared>>) dst(%dma_wait3A_75 : memref<128x16xf32, #tpu.memory_space<hbm>>)
      tpu.yield
    }) : () -> ()
    %add3A_66 = arith.constant 512 : i32
    %add3A_67 = arith.addi %mul3A_18, %add3A_66 : i32
    %mul3A_68 = arith.constant 10240 : i32
    %mul3A_69 = arith.muli %arg0, %mul3A_68 : i32
    %add3A_70 = arith.addi %mul3A_69, %add3A_67 : i32
    "tpu.region"() ({
      %run_scoped3A = tpu.sem_alloc : memref<!tpu.dma_semaphore, #tpu.memory_space<semaphore_mem>>
      %dma_start3A = arith.constant 0 : i32
      %dma_start3A_71 = tpu.memref_slice %arg6[%add3A_70, %dma_start3A] : memref<20480x64xf32, #tpu.memory_space<hbm>> -> memref<128x64xf32, #tpu.memory_space<hbm>>
      %dma_start3A_72 = arith.constant 0 : i32
      %dma_start3A_73 = tpu.memref_slice %arg27[%add3A_67, %dma_start3A_72] : memref<10240x64xf32, #tpu.memory_space<vmem_shared>> -> memref<128x64xf32, #tpu.memory_space<vmem_shared>>
      tpu.enqueue_dma source(%dma_start3A_73 : memref<128x64xf32, #tpu.memory_space<vmem_shared>>) target(%dma_start3A_71 : memref<128x64xf32, #tpu.memory_space<hbm>>) target_semaphore(%run_scoped3A : memref<!tpu.dma_semaphore, #tpu.memory_space<semaphore_mem>>)
      %dma_wait3A_74 = arith.constant 0 : i32
      %dma_wait3A_75 = tpu.memref_slice %arg6[%add3A_70, %dma_wait3A_74] : memref<20480x64xf32, #tpu.memory_space<hbm>> -> memref<128x64xf32, #tpu.memory_space<hbm>>
      %dma_wait3A_76 = arith.constant 0 : i32
      %dma_wait3A_77 = tpu.memref_slice %arg27[%add3A_67, %dma_wait3A_76] : memref<10240x64xf32, #tpu.memory_space<vmem_shared>> -> memref<128x64xf32, #tpu.memory_space<vmem_shared>>
      tpu.wait_dma2 semaphore(%run_scoped3A : memref<!tpu.dma_semaphore, #tpu.memory_space<semaphore_mem>>) src(%dma_wait3A_77 : memref<128x64xf32, #tpu.memory_space<vmem_shared>>) dst(%dma_wait3A_75 : memref<128x64xf32, #tpu.memory_space<hbm>>)
      tpu.yield
    }) : () -> ()
    "tpu.region"() ({
      %run_scoped3A = tpu.sem_alloc : memref<!tpu.dma_semaphore, #tpu.memory_space<semaphore_mem>>
      %dma_start3A = arith.constant 0 : i32
      %dma_start3A_71 = tpu.memref_slice %arg7[%add3A_70, %dma_start3A] : memref<20480x16xf32, #tpu.memory_space<hbm>> -> memref<128x16xf32, #tpu.memory_space<hbm>>
      %dma_start3A_72 = arith.constant 0 : i32
      %dma_start3A_73 = tpu.memref_slice %arg28[%add3A_67, %dma_start3A_72] : memref<10240x16xf32, #tpu.memory_space<vmem_shared>> -> memref<128x16xf32, #tpu.memory_space<vmem_shared>>
      tpu.enqueue_dma source(%dma_start3A_73 : memref<128x16xf32, #tpu.memory_space<vmem_shared>>) target(%dma_start3A_71 : memref<128x16xf32, #tpu.memory_space<hbm>>) target_semaphore(%run_scoped3A : memref<!tpu.dma_semaphore, #tpu.memory_space<semaphore_mem>>)
      %dma_wait3A_74 = arith.constant 0 : i32
      %dma_wait3A_75 = tpu.memref_slice %arg7[%add3A_70, %dma_wait3A_74] : memref<20480x16xf32, #tpu.memory_space<hbm>> -> memref<128x16xf32, #tpu.memory_space<hbm>>
      %dma_wait3A_76 = arith.constant 0 : i32
      %dma_wait3A_77 = tpu.memref_slice %arg28[%add3A_67, %dma_wait3A_76] : memref<10240x16xf32, #tpu.memory_space<vmem_shared>> -> memref<128x16xf32, #tpu.memory_space<vmem_shared>>
      tpu.wait_dma2 semaphore(%run_scoped3A : memref<!tpu.dma_semaphore, #tpu.memory_space<semaphore_mem>>) src(%dma_wait3A_77 : memref<128x16xf32, #tpu.memory_space<vmem_shared>>) dst(%dma_wait3A_75 : memref<128x16xf32, #tpu.memory_space<hbm>>)
      tpu.yield
    }) : () -> ()
    return
  }
}

module attributes {stable_mosaic.version = 14 : i64} {
  func.func @_mm1_body(%arg0: memref<10000x128xf32, #tpu.memory_space<vmem>>, %arg1: memref<256x128xf32, #tpu.memory_space<vmem>>, %arg2: memref<1x128xf32, #tpu.memory_space<vmem>>, %arg3: memref<20000x64xf32, #tpu.memory_space<vmem>>, %arg4: memref<20000x64xf32, #tpu.memory_space<vmem>>) attributes {dimension_semantics = [], scalar_prefetch = 0 : i64, scratch_operands = 0 : i64, tpu.core_type = #tpu.core_type<tc>} {
    %get3A = arith.constant 0 : index
    %get3A_0 = arith.constant 0 : index
    %get3A_1 = vector.load %arg0[%get3A, %get3A_0] : memref<10000x128xf32, #tpu.memory_space<vmem>>, vector<10000x128xf32>
    %get3A_2 = arith.constant 0 : index
    %get3A_3 = arith.constant 0 : index
    %get3A_4 = vector.load %arg1[%get3A_2, %get3A_3] : memref<256x128xf32, #tpu.memory_space<vmem>>, vector<128x128xf32>
    %get3A_5 = arith.constant 128 : index
    %get3A_6 = arith.constant 0 : index
    %get3A_7 = vector.load %arg1[%get3A_5, %get3A_6] : memref<256x128xf32, #tpu.memory_space<vmem>>, vector<128x128xf32>
    %sub3A = arith.subf %get3A_4, %get3A_7 : vector<128x128xf32>
    %dot_general3A = arith.constant dense<0.000000e+00> : vector<10000x128xf32>
    %dot_general3A_8 = tpu.matmul %get3A_1, %sub3A, %dot_general3A {dimension_numbers = #tpu.dot_dimension_numbers<[1], [0], [0], [1], [0, 0, 1, 1], [], []>, transpose_lhs_hint = false} : vector<10000x128xf32>, vector<128x128xf32>, vector<10000x128xf32> -> vector<10000x128xf32>
    %get3A_9 = arith.constant 0 : index
    %get3A_10 = arith.constant 0 : index
    %get3A_11 = vector.load %arg2[%get3A_9, %get3A_10] : memref<1x128xf32, #tpu.memory_space<vmem>>, vector<1x128xf32>
    %add3A = vector.broadcast %get3A_11 : vector<1x128xf32> to vector<10000x128xf32>
    %add3A_12 = arith.addf %dot_general3A_8, %add3A : vector<10000x128xf32>
    %dot_general3A_13 = arith.constant dense<0.000000e+00> : vector<10000x128xf32>
    %dot_general3A_14 = tpu.matmul %get3A_1, %get3A_7, %dot_general3A_13 {dimension_numbers = #tpu.dot_dimension_numbers<[1], [0], [0], [1], [0, 0, 1, 1], [], []>, transpose_lhs_hint = false} : vector<10000x128xf32>, vector<128x128xf32>, vector<10000x128xf32> -> vector<10000x128xf32>
    %slice3A = vector.extract_strided_slice %add3A_12 {offsets = [0, 0], sizes = [10000, 64], strides = [1, 1]} : vector<10000x128xf32> to vector<10000x64xf32>
    %swap3A = arith.constant 0 : index
    %swap3A_15 = arith.constant 0 : index
    %swap3A_16 = vector.load %arg3[%swap3A, %swap3A_15] : memref<20000x64xf32, #tpu.memory_space<vmem>>, vector<10000x64xf32>
    tpu.vector_store %arg3[%swap3A, %swap3A_15], %slice3A {strides = array<i32>} : memref<20000x64xf32, #tpu.memory_space<vmem>>, vector<10000x64xf32>,
    %slice3A_17 = vector.extract_strided_slice %add3A_12 {offsets = [0, 64], sizes = [10000, 64], strides = [1, 1]} : vector<10000x128xf32> to vector<10000x64xf32>
    %swap3A_18 = arith.constant 10000 : index
    %swap3A_19 = arith.constant 0 : index
    %swap3A_20 = vector.load %arg3[%swap3A_18, %swap3A_19] : memref<20000x64xf32, #tpu.memory_space<vmem>>, vector<10000x64xf32>
    tpu.vector_store %arg3[%swap3A_18, %swap3A_19], %slice3A_17 {strides = array<i32>} : memref<20000x64xf32, #tpu.memory_space<vmem>>, vector<10000x64xf32>,
    %slice3A_21 = vector.extract_strided_slice %dot_general3A_14 {offsets = [0, 0], sizes = [10000, 64], strides = [1, 1]} : vector<10000x128xf32> to vector<10000x64xf32>
    %swap3A_22 = arith.constant 0 : index
    %swap3A_23 = arith.constant 0 : index
    %swap3A_24 = vector.load %arg4[%swap3A_22, %swap3A_23] : memref<20000x64xf32, #tpu.memory_space<vmem>>, vector<10000x64xf32>
    tpu.vector_store %arg4[%swap3A_22, %swap3A_23], %slice3A_21 {strides = array<i32>} : memref<20000x64xf32, #tpu.memory_space<vmem>>, vector<10000x64xf32>,
    %slice3A_25 = vector.extract_strided_slice %dot_general3A_14 {offsets = [0, 64], sizes = [10000, 64], strides = [1, 1]} : vector<10000x128xf32> to vector<10000x64xf32>
    %swap3A_26 = arith.constant 10000 : index
    %swap3A_27 = arith.constant 0 : index
    %swap3A_28 = vector.load %arg4[%swap3A_26, %swap3A_27] : memref<20000x64xf32, #tpu.memory_space<vmem>>, vector<10000x64xf32>
    tpu.vector_store %arg4[%swap3A_26, %swap3A_27], %slice3A_25 {strides = array<i32>} : memref<20000x64xf32, #tpu.memory_space<vmem>>, vector<10000x64xf32>,
    return
  }
}

module attributes {stable_mosaic.version = 14 : i64} {
  func.func @_mm2_body(%arg0: memref<2x10240x64xf32, #tpu.memory_space<vmem>>, %arg1: memref<2x10240x16xf32, #tpu.memory_space<vmem>>, %arg2: memref<128x128xf32, #tpu.memory_space<vmem>>, %arg3: memref<1x128xf32, #tpu.memory_space<vmem>>, %arg4: memref<10000x128xf32, #tpu.memory_space<vmem>>) attributes {dimension_semantics = [], scalar_prefetch = 0 : i64, scratch_operands = 0 : i64, tpu.core_type = #tpu.core_type<tc>} {
    %get3A = arith.constant 0 : index
    %get3A_0 = arith.constant 0 : index
    %get3A_1 = arith.constant 0 : index
    %get3A_2 = vector.load %arg0[%get3A, %get3A_0, %get3A_1] : memref<2x10240x64xf32, #tpu.memory_space<vmem>>, vector<1x10000x64xf32>
    %get3A_3 = vector.shape_cast %get3A_2 : vector<1x10000x64xf32> to vector<10000x64xf32>
    %get3A_4 = arith.constant 1 : index
    %get3A_5 = arith.constant 0 : index
    %get3A_6 = arith.constant 0 : index
    %get3A_7 = vector.load %arg0[%get3A_4, %get3A_5, %get3A_6] : memref<2x10240x64xf32, #tpu.memory_space<vmem>>, vector<1x10000x64xf32>
    %get3A_8 = vector.shape_cast %get3A_7 : vector<1x10000x64xf32> to vector<10000x64xf32>
    %concatenate3A = tpu.concatenate %get3A_3, %get3A_8 in 1 : vector<10000x64xf32>, vector<10000x64xf32> -> vector<10000x128xf32>
    %get3A_9 = arith.constant 0 : index
    %get3A_10 = arith.constant 0 : index
    %get3A_11 = arith.constant 0 : index
    %get3A_12 = vector.load %arg1[%get3A_9, %get3A_10, %get3A_11] : memref<2x10240x16xf32, #tpu.memory_space<vmem>>, vector<1x10000x1xf32>
    %get3A_13 = vector.shape_cast %get3A_12 : vector<1x10000x1xf32> to vector<10000x1xf32>
    %get3A_14 = arith.constant 0 : index
    %get3A_15 = arith.constant 0 : index
    %get3A_16 = vector.load %arg2[%get3A_14, %get3A_15] : memref<128x128xf32, #tpu.memory_space<vmem>>, vector<128x128xf32>
    %dot_general3A = arith.constant dense<0.000000e+00> : vector<10000x128xf32>
    %dot_general3A_17 = tpu.matmul %concatenate3A, %get3A_16, %dot_general3A {dimension_numbers = #tpu.dot_dimension_numbers<[1], [0], [0], [1], [0, 0, 1, 1], [], []>, transpose_lhs_hint = false} : vector<10000x128xf32>, vector<128x128xf32>, vector<10000x128xf32> -> vector<10000x128xf32>
    %get3A_18 = arith.constant 0 : index
    %get3A_19 = arith.constant 0 : index
    %get3A_20 = vector.load %arg3[%get3A_18, %get3A_19] : memref<1x128xf32, #tpu.memory_space<vmem>>, vector<1x128xf32>
    %mul3A = vector.broadcast %get3A_13 : vector<10000x1xf32> to vector<10000x128xf32>
    %mul3A_21 = vector.broadcast %get3A_20 : vector<1x128xf32> to vector<10000x128xf32>
    %mul3A_22 = arith.mulf %mul3A, %mul3A_21 : vector<10000x128xf32>
    %add3A = arith.addf %dot_general3A_17, %mul3A_22 : vector<10000x128xf32>
    %swap3A = arith.constant 0 : index
    %swap3A_23 = arith.constant 0 : index
    %swap3A_24 = vector.load %arg4[%swap3A, %swap3A_23] : memref<10000x128xf32, #tpu.memory_space<vmem>>, vector<10000x128xf32>
    tpu.vector_store %arg4[%swap3A, %swap3A_23], %add3A {strides = array<i32>} : memref<10000x128xf32, #tpu.memory_space<vmem>>, vector<10000x128xf32>,
    return
  }
}

</mosaic_0001>

<sc_bundles>
// kernel: kernel.5.cloned.1.call-start
scs
__scs_entry_jumppad:
0x0: {  	(pc) =	sbr.rel $0x88, $3  }
0x1: {  	(tag) =	ssettag $0x0;
	lr =	simm.s32 $0x1  }
0x2: {  	[smem:$0x3F9B] =	sst lr;
	_ =	strace $0xD0000000  }
0x3: {  	_ = 	snop  }
0x4: {  	_ = 	snop  }
0x5: {  	_ = 	snop  }
0x6: {  	_ = 	snop  }
0x7: {  	_ = 	snop  }
__scs_overlays_trampoline_lowered:
0x8: {  	[smem:$0x3FAA] =	sst s0  }
0x9: {  	[smem:$0x3FAB] =	sst s1  }
0xa: {  	[smem:$0x3FAC] =	sst s2  }
0xb: {  	[smem:$0x3FAD] =	sst s3  }
0xc: {  	[smem:$0x3FAE] =	sst s4  }
0xd: {  	[smem:$0x3FAF] =	sst s5  }
0xe: {  	[smem:$0x3FB0] =	sst s6  }
0xf: {  	[smem:$0x3FB1] =	sst s7  }
0x10: {  	[smem:$0x3FB2] =	sst s8  }
0x11: {  	[smem:$0x3FB3] =	sst s9;
	s0 =	simm.s32 @!p0 $0x0  }
0x12: {  	s1 =	sld [smem:$0x3F99];
	s0 =	simm.s32 @p0 $0x1  }
0x13: {  	[smem:$0x3FB4] =	sst s0;
	s0 =	simm.s32 @!p1 $0x0  }
0x14: {  	s2 =	sld [smem:$0x3F98];
	s0 =	simm.s32 @p1 $0x1  }
0x15: {  	[smem:$0x3FB5] =	sst s0;
	s0 =	simm.s32 @!p2 $0x0  }
0x16: {  	s3 =	sld [smem:$0x3FDB];
	s0 =	simm.s32 @p2 $0x1  }
0x17: {  	s4 =	simm.s32 $0x1BF5;
	[smem:$0x3FB7] =	sst s0  }
0x18: {  	s0 =	sld [smem:$0x3F9A];
	_ =	swait.ge [sflag:s4], $0x0  }
0x19: {  	s7 =	sld [smem:$0x3F9B]  }
0x1a: {  	s8 =	sadd.s32 $0xFFFFE003, lr  }
0x1b: {  	s9 =	sadd.s32 $0xFFFFFEF7, lr;
	s5 =	simm.s32 $0xFFFFFFFF;
	p2 =	slt.u32 s8, $0xFFFFF086  }
0x1c: {  	p1 =	slt.u32 s9, $0xF7A;
	s5 =	simm.s32 @!p2 $0x0  }
0x1d: {  	s5 =	simm.s32 @p1 $0x1;
	p0 =	seq.s32 s7, s2  }
0x1e: {  	s7 =	smul.u32 @!p0 $0xF7A, s2;
	p2 =	seq.s32 @!p0 s5, $0x0  }
0x1f: {  	s9 =	smul.u32 $0xF7A, s1;
	s8 =	simm.s32 @!p0 $0x1BF5;
	p2 =	por !p2, p0  }
0x20: {  	[sflag:s8] =	ssyncset.s32 @!p0 $0xFFFFF086;
	s6 =	sadd.s32 @!p0 s3, s7;
	s7 =	simm.s32 @!p0 $0x108  }
0x21: {  	s3 =	sadd.s32 s3, s9;
	s6 =	sadd.s32 @!p0 $0x88, s6;
	s7 =	simm.s32 @p2 $0x1082  }
0x22: {  	[simem:s7], [sflag:s8] =	dma.local @!p0 [hbm:s6], $0xF7A  }
0x23: {  	s9 =	sor.u32 $0xD0000000, s2;
	s6 =	simm.s32 $0x108;
	_ =	swait.ge @!p0 [sflag:s8], $0x0  }
0x24: {  	s3 =	sadd.s32 $0x88, s3;
	s6 =	simm.s32 @!p1 $0x1082;
	[sflag:s4] =	ssyncset.s32 $0xFFFFF086  }
0x25: {  	[simem:s6], [sflag:s4] =	dma.local [hbm:s3], $0xF7A  }
0x26: {  	[smem:$0x3F9B] =	sst s1;
	(tag) =	ssettag s2;
	_ =	strace s9  }
0x27: {  	s1 =	sld [smem:$0x3FAB]  }
0x28: {  	s2 =	sld [smem:$0x3FAC]  }
0x29: {  	s4 =	sld [smem:$0x3FAE]  }
0x2a: {  	p0 =	seq.s32 s5, $0x0;
	s5 =	sld [smem:$0x3FAF]  }
0x2b: {  	s6 =	sld [smem:$0x3FB0]  }
0x2c: {  	s7 =	sld [smem:$0x3FB1]  }
0x2d: {  	s3 =	simm.s32 $0x108;
	s8 =	sld [smem:$0x3FB2]  }
0x2e: {  	s3 =	simm.s32 @!p0 $0x1082;
	s9 =	sld [smem:$0x3FB3]  }
0x2f: {  	lr =	sadd.s32 s0, s3;
	s0 =	sld [smem:$0x3FAA]  }
0x30: {  	s3 =	sld [smem:$0x3FAD]  }
0x31: {  	[smem:$0x3FB6] =	sst s10  }
0x32: {  	s10 =	sld [smem:$0x3FB4];
	_ =	sdelay $0x3  }
0x33: {  	p0 =	seq.s32 s10, $0x1;
	s10 =	sld [smem:$0x3FB6];
	_ =	sdelay $0x3  }
0x34: {  	[smem:$0x3FB6] =	sst s10  }
0x35: {  	s10 =	sld [smem:$0x3FB5];
	_ =	sdelay $0x3  }
0x36: {  	p1 =	seq.s32 s10, $0x1;
	s10 =	sld [smem:$0x3FB6];
	_ =	sdelay $0x3  }
0x37: {  	[smem:$0x3FB6] =	sst s10  }
0x38: {  	s10 =	sld [smem:$0x3FB7]  }
0x39: {  	_ = 	snop;
	(pc) =	sbr.ind lr, $3  }
0x3a: {  	_ = 	snop  }
0x3b: {  	_ = 	snop  }
0x3c: {  	p2 =	seq.s32 s10, $0x1;
	s10 =	sld [smem:$0x3FB6]  }
0x3d: {  	_ =	shalt  }
0x3e: {  	_ =	shalt  }
0x3f: {  	_ =	shalt  }
0x40: {  	_ =	shalt  }
0x41: {  	_ =	shalt  }
0x42: {  	_ =	shalt  }
0x43: {  	_ =	shalt  }
0x44: {  	_ =	shalt  }
0x45: {  	_ =	shalt  }
0x46: {  	_ =	shalt  }
0x47: {  	_ =	shalt  }
0x48: {  	_ =	shalt  }
0x49: {  	_ =	shalt  }
0x4a: {  	_ =	shalt  }
0x4b: {  	_ =	shalt  }
0x4c: {  	_ =	shalt  }
0x4d: {  	_ =	shalt  }
0x4e: {  	_ =	shalt  }
0x4f: {  	_ =	shalt  }
0x50: {  	_ =	shalt  }
0x51: {  	_ =	shalt  }
0x52: {  	_ =	shalt  }
0x53: {  	_ =	shalt  }
0x54: {  	_ =	shalt  }
0x55: {  	_ =	shalt  }
0x56: {  	_ =	shalt  }
0x57: {  	_ =	shalt  }
0x58: {  	_ =	shalt  }
0x59: {  	_ =	shalt  }
0x5a: {  	_ =	shalt  }
0x5b: {  	_ =	shalt  }
0x5c: {  	_ =	shalt  }
0x5d: {  	_ =	shalt  }
0x5e: {  	_ =	shalt  }
0x5f: {  	_ =	shalt  }
0x60: {  	_ =	shalt  }
0x61: {  	_ =	shalt  }
0x62: {  	_ =	shalt  }
0x63: {  	_ =	shalt  }
0x64: {  	_ =	shalt  }
0x65: {  	_ =	shalt  }
0x66: {  	_ =	shalt  }
0x67: {  	_ =	shalt  }
0x68: {  	_ =	shalt  }
0x69: {  	_ =	shalt  }
0x6a: {  	_ =	shalt  }
0x6b: {  	_ =	shalt  }
0x6c: {  	_ =	shalt  }
0x6d: {  	_ =	shalt  }
0x6e: {  	_ =	shalt  }
0x6f: {  	_ =	shalt  }
0x70: {  	_ =	shalt  }
0x71: {  	_ =	shalt  }
0x72: {  	_ =	shalt  }
0x73: {  	_ =	shalt  }
0x74: {  	_ =	shalt  }
0x75: {  	_ =	shalt  }
0x76: {  	_ =	shalt  }
0x77: {  	_ =	shalt  }
0x78: {  	_ =	shalt  }
0x79: {  	_ =	shalt  }
0x7a: {  	_ =	shalt  }
0x7b: {  	_ =	shalt  }
0x7c: {  	_ =	shalt  }
0x7d: {  	_ =	shalt  }
0x7e: {  	_ =	shalt  }
0x7f: {  	_ =	shalt  }
0x80: {  	_ =	shalt  }
0x81: {  	_ =	shalt  }
0x82: {  	_ =	shalt  }
0x83: {  	_ =	shalt  }
0x84: {  	_ =	shalt  }
0x85: {  	_ =	shalt  }
0x86: {  	_ =	shalt  }
0x87: {  	_ =	shalt  }
.Lfunc_end0:
.L_simem_size_0:
called_computation_lowered:
.L_overlay_start_0:
0x88: {  	s2 =	sld [smem:$0x3FD9]  }
0x89: {  	s3 =	sld [smem:$0x3FFE];
	_ =	sdelay $0x1  }
0x8a: {  	s1 =	srdreg.scid  }
0x8b: {  	s0 =	sand.u32 $0x1, s1  }
0x8c: {  	s17 =	sshll.u32 s0, $0xA;
	s2 =	sadd.s32 s3, s2  }
0x8d: {  	s2 =	sadd.s32 s2, s17  }
0x8e: {  	[smem:$0x3FC2] =	sst s2  }
0x8f: {  	_ = 	snop  }
0x90: {  	s2 =	sld [smem:$0x3FD0];
	(tm) =	ssettm $0x1  }
0x91: {  	s18 =	sld [smem:$0x3FFB];
	_ =	sdelay $0x3  }
0x92: {  	_ =	strace s18  }
0x93: {  	s3 =	sld [smem:$0x3FFC];
	_ =	sdelay $0x3  }
0x94: {  	_ =	strace s3  }
0x95: {  	s3 =	sld [smem:$0x3FFD];
	_ =	sdelay $0x3  }
0x96: {  	_ =	strace s3  }
0x97: {  	_ =	strace $0x8FFFFFFF  }
0x98: {  	s19 =	sld [smem:$0x3FDB];
	_ =	sdelay $0x1  }
0x99: {  	s4 =	simm.s32 $_scs_section_size  }
0x9a: {  	s5 =	simm.s32 $_size__tile_overlayer_lowered;
	s6 =	simm.s32 $_tile_overlayer_lowered  }
0x9b: {  	s22 =	simm.s32 $0x1BFF;
	s21 =	sshll.u32 s6, $0x1;
	s3 =	sadd.s32 s4, s19  }
0x9c: {  	s7 =	simm.s32 $0x0;
	s20 =	sshll.u32 s5, $0x1;
	s5 =	sadd.s32 s21, s3  }
0x9d: {  	[timem:s7], [sflag:s22] =	dma.local [hbm:s5], s20  }
0x9e: {  	_ =	swait.ge [sflag:s22], s20  }
0x9f: {  	s4 =	ssub.s32 $0x0, s20;
	[sflag:s22] =	ssyncset.done $0x0  }
0xa0: {  	[sflag:s22] =	ssyncadd.s32 s4;
	_ =	sdelay $0x1  }
0xa1: {  	s23 =	simm.s32 $0x1B8B  }
0xa2: {  	_ =	swait.ge [sflag:s23], $0x1  }
0xa3: {  	[sflag:s23] =	ssyncset.done $0x0  }
0xa4: {  	s25 =	simm.s32 $0x1B8E;
	s24 =	sld [smem:$0x3FFE];
	[sflag:s23] =	ssyncadd.s32 $0xFFFFFFFF  }
0xa5: {  	s26 =	simm.s32 $execute0_lowered;
	[smem:$0x3FD2] =	sst s25  }
0xa6: {  	s5 =	sshll.u32 s26, $0x1;
	_ =	strace $0x80000046;
	[dreg:$0x1] =	wrdreg $0xFFFFFFFF  }
0xa7: {  	s28 =	simm.s32 $_size_execute0_lowered;
	s3 =	sadd.s32 s3, s5;
	[dreg:$0x0] =	wrdreg $0x0  }
0xa8: {  	s5 =	sshll.u32 s28, $0x1;
	[dreg:$0x2] =	wrdreg s3  }
0xa9: {  	[dreg:$0x3] =	wrdreg s5  }
0xaa: {  	[dreg:$0x4] =	wrdreg $0xC0  }
0xab: {  	_ =	task [dreg:s7], $0x5FFFF  }
0xac: {  	[dreg:$0x1] =	wrdreg $0xFFFFFFFF  }
0xad: {  	[dreg:$0x0] =	wrdreg $0x60  }
0xae: {  	[dreg:$0x2] =	wrdreg s2  }
0xaf: {  	[dreg:$0x3] =	wrdreg s24  }
0xb0: {  	[dreg:$0x4] =	wrdreg $0x5D200  }
0xb1: {  	[dreg:$0x5] =	wrdreg $0xFD200  }
0xb2: {  	[dreg:$0x6] =	wrdreg $0x9  }
0xb3: {  	_ =	task.clear_ibuf [dreg:s7], $0x7FFFF;
	_ =	strace $0x90000046  }
0xb4: {  	s29 =	simm.s32 $0x9;
	_ =	strace $0x80000048  }
0xb5: {  	_ =	swait.ge [sflag:s29], $0x1  }
0xb6: {  	[sflag:s29] =	ssyncadd.s32 $0xFFFFFFFF  }
0xb7: {  	_ =	strace $0x90000048  }
0xb8: {  	_ =	sfence  }
0xb9: {  	s30 =	sld [smem:$0x0];
	_ =	sdelay $0x2  }
0xba: {  	s31 =	sshll.u32 s1, $0xD;
	s1 =	sshrl.u32 s1, $0x2  }
0xbb: {  	s3 =	sand.u32 $0x4000, s31;
	s1 =	sadd.s32 s1, s30  }
0xbc: {  	s0 =	sor.u32 s3, s0;
	s1 =	sshll.u32 s1, $0x11  }
0xbd: {  	s0 =	sor.u32 s1, s0  }
0xbe: {  	s0 =	sadd.s32 $0x8F2B, s0  }
0xbf: {  	[sflag:s0] =	ssyncadd.remote.s32 $0x1  }
0xc0: {  	_ =	sfence.sel $0xFFFF  }
0xc1: {  	[dreg:$0x0] =	wrdreg $0xFFFFFFFF;
	(pc) =	sbr.abs _section_cstart, $3  }
0xc2: {  	[dreg:$0x1] =	wrdreg $0xFFFFFFFF  }
0xc3: {  	_ =	task.clear_ibuf [dreg:s7], $0x2FFFF;
	_ =	strace $0x9FFFFFFF  }
0xc4: {  	(tm) =	ssettm $0x7FFFFFFF  }
0xc5: {  	_ =	shalt  }
tec
execute0_lowered:
.L_overlay_start_1:
0x0: {  	(tag) =	ssettag $0x1  }
0x1: {  	s1 =	rddreg [dreg:$0x0]  }
0x2: {  	s0 =	rddreg [dreg:$0x1]  }
0x3: {  	s2 =	rddreg [dreg:$0x2]  }
0x4: {  	s3 =	rddreg [dreg:$0x3];
	s5 =	simm.s32 $0x0;
	s4 =	srdreg.scid  }
0x5: {  	s22 =	stileid.u32;
	s30 =	simm.s32 $0x3020;
	[smem:$0x7FF] =	sst s5  }
0x6: {  	s4 =	sand.u32 $0x1, s4;
	s6 =	sadd.s32 $0x4F200, s0;
	s8 =	smul.u32 $0x280, s22  }
0x7: {  	s9 =	sadd.s32 $0x14C00, s0;
	s12 =	sadd.s32 $0x3CC00, s0;
	s31 =	smul.u32 $0xFA, s22  }
0x8: {  	_ =	strace $0x80000047;
	s7 =	ssub.s32 $0x2, s4;
	s11 =	smul.u32 $0x2800, s4  }
0x9: {  	s10 =	sshrl.u32 s7, $0x1;
	s13 =	sadd.s32 $0x100, s8;
	s16 =	sadd.s32 $0x180, s8  }
0xa: {  	s7 =	ssub.s32 s7, s10;
	s10 =	sadd.s32 $0x80, s8;
	s14 =	sadd.s32 s8, s11  }
0xb: {  	s8 =	sadd.s32 $0x200, s8;
	s26 =	sadd.s32 s11, s13;
	s28 =	sadd.s32 s11, s16  }
0xc: {  	s15 =	sadd.s32 s11, s10;
	s17 =	sshll.u32 s14, $0x3;
	s11 =	sadd.s32 s11, s8  }
0xd: {  	s19 =	sshll.u32 s26, $0x3;
	s20 =	sshll.u32 s28, $0x3;
	s14 =	sshll.u32 s14, $0x1  }
0xe: {  	s24 =	sshll.u32 s26, $0x1;
	s26 =	smul.u32 $0xA000, s22;
	s18 =	sshll.u32 s15, $0x3  }
0xf: {  	s17 =	sadd.s32 s9, s17;
	s21 =	sshll.u32 s11, $0x3;
	s19 =	sadd.s32 s9, s19  }
0x10: {  	s20 =	sadd.s32 s9, s20;
	s15 =	sshll.u32 s15, $0x1;
	[dreg:$0x5] =	wrdreg s17  }
0x11: {  	s14 =	sadd.s32 s12, s14;
	s11 =	sshll.u32 s11, $0x1;
	[dreg:$0x7] =	wrdreg s19  }
0x12: {  	s25 =	sadd.s32 s9, s18;
	[dreg:$0x8] =	wrdreg s20;
	s9 =	sadd.s32 s9, s21  }
0x13: {  	s21 =	smul.u32 $0x28000, s22;
	[dreg:$0xa] =	wrdreg s14;
	s23 =	sadd.s32 s12, s15  }
0x14: {  	s14 =	sadd.s32 s12, s24;
	s11 =	sadd.s32 s12, s11;
	[dreg:$0x6] =	wrdreg s25  }
0x15: {  	s17 =	sadd.s32 $0xAE00, s0;
	s18 =	sadd.s32 $0x1000, s0;
	[dreg:$0x9] =	wrdreg s9  }
0x16: {  	s15 =	sshll.u32 s13, $0x4;
	s19 =	sshll.u32 s16, $0x6;
	[dreg:$0xb] =	wrdreg s23  }
0x17: {  	s24 =	sshll.u32 s8, $0x6;
	s22 =	simm.s32 $0x5;
	[dreg:$0xc] =	wrdreg s14  }
0x18: {  	s25 =	sshll.u32 s28, $0x1;
	[dreg:$0xe] =	wrdreg s11;
	s23 =	smul.u32 $0x2710, s4  }
0x19: {  	s4 =	sshrl.u32 s26, $0x2;
	s9 =	sshll.u32 s10, $0x6;
	s11 =	sshll.u32 s10, $0x4  }
0x1a: {  	s20 =	sadd.s32 s19, s2;
	s10 =	simm.s32 $0x50;
	s19 =	simm.s32 $0x4  }
0x1b: {  	s14 =	sadd.s32 s12, s25;
	s28 =	sshrl.u32 s21, $0x2;
	s0 =	sadd.s32 s4, s3  }
0x1c: {  	s12 =	sadd.s32 s11, s3;
	[dreg:$0x15] =	wrdreg s20;
	s21 =	sshll.u32 s16, $0x4  }
0x1d: {  	s25 =	sshll.u32 s8, $0x4;
	s4 =	simm.s32 $0x7;
	s8 =	simm.s32 $0x29E0  }
0x1e: {  	s11 =	simm.s32 $0xA0;
	s16 =	simm.s32 $0x2;
	[dreg:$0xd] =	wrdreg s14  }
0x1f: {  	s20 =	simm.s32 $0x14F0;
	s29 =	sadd.s32 s28, s2;
	[dreg:$0x10] =	wrdreg s0  }
0x20: {  	s0 =	sadd.s32 s9, s2;
	[dreg:$0x12] =	wrdreg s12;
	s14 =	sshll.u32 s13, $0x6  }
0x21: {  	s26 =	sadd.s32 s25, s3;
	s28 =	smax.u32 s7, $0x1;
	[dreg:$0x11] =	wrdreg s0  }
0x22: {  	s7 =	simm.s32 $0x5520;
	s9 =	simm.s32 $0x2D00;
	[dreg:$0x18] =	wrdreg s26  }
0x23: {  	s12 =	simm.s32 $0xF0;
	s13 =	simm.s32 $0x1;
	[dreg:$0x19] =	wrdreg s28  }
0x24: {  	v0 =	vmov s23;
	s23 =	simm.s32 $0x1540;
	s0 =	sadd.s32 s14, s2;
	[dreg:$0xf] =	wrdreg s29  }
0x25: {  	s25 =	simm.s32 $0x0;
	[dreg:$0x13] =	wrdreg s0;
	s0 =	sadd.s32 s15, s3  }
0x26: {  	s14 =	simm.s32 $0x1590;
	[dreg:$0x14] =	wrdreg s0;
	s0 =	sadd.s32 s21, s3  }
0x27: {  	s15 =	simm.s32 $0x15E0;
	[dreg:$0x16] =	wrdreg s0;
	s0 =	sadd.s32 s24, s2  }
0x28: {  	v1 =	vimm.f32 $0.0e+00;
	v2 =	vimm.f32 $1.000000000e+00;
	s21 =	simm.s32 $0x3;
	s24 =	simm.s32 $0x6;
	[dreg:$0x17] =	wrdreg s0  }
.LBB2_1:
0x29: {  	s0 =	simm.s32 $0x3540;
	s26 =	simm.s32 $0x0  }
.LBB2_2:
0x2a: {  	p0 =	sne.s32 s26, $0x1FC0  }
.Ltmp0:
0x2b: {  	[tilespmem:s0+$0xFFFFFFE0] =	vst v1;
	(pc) =	sbr.rel @p0 .LBB2_2-.Ltmp0, $4  }
0x2c: {  	[tilespmem:s0+$0xFFFFFFF0] =	vst v1  }
0x2d: {  	[tilespmem:s0+$0x0] =	vst v1  }
0x2e: {  	[tilespmem:s0+$0x10] =	vst v1;
	s28 =	sshra.s32 s26, $0x2  }
0x2f: {  	s0 =	sadd.s32 $0x40, s0;
	s26 =	sadd.s32 $0x40, s26;
	[tilespmem:s28+$0x5520] =	vst v1  }
0x30: {  	s0 =	simm.s32 $0x40;
	s26 =	simm.s32 $0x0  }
.LBB2_4:
0x31: {  	p0 =	sne.s32 s0, $0x13C0;
	[tilespmem:s26+$0x3020] =	vst v2;
	s26 =	smov.u32 s0;
	s0 =	sadd.s32 $0x40, s0  }
.Ltmp1:
0x32: {  	(pc) =	sbr.rel @p0 .LBB2_4-.Ltmp1, $2  }
0x33: {  	_ =	sdelay $0x2  }
0x34: {  	s26 =	sshra.s32 s26, $0x2  }
0x35: {  	[tilespmem:s26+$0x3020] =	vst v2;
	s26 =	simm.s32 $0x3520  }
0x36: {  	[spmem:s29] =	stream.linear.scatter [tilespmem:s26], [sflag:$0x7], $0x2000, $0x38;
	[tilespmem:$0x12520] =	vst v63  }
0x37: {  	_ =	swait.ge [sflag:s4], $0x2000  }
0x38: {  	[sflag:s4] =	ssyncset.done $0x0  }
0x39: {  	s0 =	rddreg [dreg:$0x10];
	[sflag:s4] =	ssyncadd.s32 $0xFFFFE000  }
0x3a: {  	[spmem:s0] =	stream.linear.scatter [tilespmem:s7], [sflag:$0x7], $0x800, $0x38;
	[tilespmem:$0x12520] =	vst v63  }
0x3b: {  	_ =	swait.ge [sflag:s4], $0x800  }
0x3c: {  	[sflag:s4] =	ssyncset.done $0x0  }
0x3d: {  	s28 =	rddreg [dreg:$0x11];
	[sflag:s4] =	ssyncadd.s32 $0xFFFFF800  }
0x3e: {  	[spmem:s28] =	stream.linear.scatter [tilespmem:s26], [sflag:$0x7], $0x2000, $0x38;
	[tilespmem:$0x12520] =	vst v63  }
0x3f: {  	_ =	swait.ge [sflag:s4], $0x2000  }
0x40: {  	[sflag:s4] =	ssyncset.done $0x0  }
0x41: {  	s29 =	rddreg [dreg:$0x12];
	[sflag:s4] =	ssyncadd.s32 $0xFFFFE000  }
0x42: {  	[spmem:s29] =	stream.linear.scatter [tilespmem:s7], [sflag:$0x7], $0x800, $0x38;
	[tilespmem:$0x12520] =	vst v63  }
0x43: {  	_ =	swait.ge [sflag:s4], $0x800  }
0x44: {  	[sflag:s4] =	ssyncset.done $0x0  }
0x45: {  	s28 =	rddreg [dreg:$0x13];
	[sflag:s4] =	ssyncadd.s32 $0xFFFFF800  }
0x46: {  	[spmem:s28] =	stream.linear.scatter [tilespmem:s26], [sflag:$0x7], $0x2000, $0x38;
	[tilespmem:$0x12520] =	vst v63  }
0x47: {  	_ =	swait.ge [sflag:s4], $0x2000  }
0x48: {  	[sflag:s4] =	ssyncset.done $0x0  }
0x49: {  	s29 =	rddreg [dreg:$0x14];
	[sflag:s4] =	ssyncadd.s32 $0xFFFFE000  }
0x4a: {  	[spmem:s29] =	stream.linear.scatter [tilespmem:s7], [sflag:$0x7], $0x800, $0x38;
	[tilespmem:$0x12520] =	vst v63  }
0x4b: {  	_ =	swait.ge [sflag:s4], $0x800  }
0x4c: {  	[sflag:s4] =	ssyncset.done $0x0  }
0x4d: {  	s28 =	rddreg [dreg:$0x15];
	[sflag:s4] =	ssyncadd.s32 $0xFFFFF800  }
0x4e: {  	[spmem:s28] =	stream.linear.scatter [tilespmem:s26], [sflag:$0x7], $0x2000, $0x38;
	[tilespmem:$0x12520] =	vst v63  }
0x4f: {  	_ =	swait.ge [sflag:s4], $0x2000  }
0x50: {  	[sflag:s4] =	ssyncset.done $0x0  }
0x51: {  	s29 =	rddreg [dreg:$0x16];
	[sflag:s4] =	ssyncadd.s32 $0xFFFFE000  }
0x52: {  	[spmem:s29] =	stream.linear.scatter [tilespmem:s7], [sflag:$0x7], $0x800, $0x38;
	[tilespmem:$0x12520] =	vst v63  }
0x53: {  	_ =	swait.ge [sflag:s4], $0x800  }
0x54: {  	[sflag:s4] =	ssyncset.done $0x0  }
0x55: {  	s28 =	rddreg [dreg:$0x17];
	[sflag:s4] =	ssyncadd.s32 $0xFFFFF800  }
0x56: {  	[spmem:s28] =	stream.linear.scatter [tilespmem:s26], [sflag:$0x7], $0x2000, $0x38;
	[tilespmem:$0x12520] =	vst v63  }
0x57: {  	_ =	swait.ge [sflag:s4], $0x2000  }
0x58: {  	[sflag:s4] =	ssyncset.done $0x0  }
0x59: {  	s29 =	rddreg [dreg:$0x18];
	[sflag:s4] =	ssyncadd.s32 $0xFFFFE000  }
0x5a: {  	[spmem:s29] =	stream.linear.scatter [tilespmem:s7], [sflag:$0x7], $0x800, $0x38;
	[tilespmem:$0x12520] =	vst v63  }
0x5b: {  	_ =	swait.ge [sflag:s4], $0x800  }
0x5c: {  	[sflag:s4] =	ssyncset.done $0x0  }
0x5d: {  	[sflag:s4] =	ssyncadd.s32 $0xFFFFF800  }
0x5e: {  	s26 =	simm.s32 $0x0;
	[bflag:$0x0] =	sbarrier.arrive $0xFFFF  }
.LBB2_6:
0x5f: {  	s0 =	smul.u32 $0xA, s26;
	_ =	sdelay $0x1  }
0x60: {  	s0 =	sadd.s32 s31, s0  }
0x61: {  	s0 =	smul.u32 $0xA, s0;
	_ =	sdelay $0x1  }
0x62: {  	s28 =	sadd.s32 s17, s0  }
0x63: {  	[tilespmem:s8], [sflag:$0x7] =	stream.linear.gather [hbm4b:s28+s5], $0x320, $0x38;
	[tilespmem:$0x12520] =	vst v63  }
0x64: {  	_ =	swait.ge [sflag:s4], $0x320  }
0x65: {  	[sflag:s4] =	ssyncset.done $0x0  }
0x66: {  	s0 =	sadd.s32 s18, s0;
	[sflag:s4] =	ssyncadd.s32 $0xFFFFFCE0  }
0x67: {  	[tilespmem:s9], [sflag:$0x7] =	stream.linear.gather [hbm4b:s0+s5], $0x320, $0x38;
	[tilespmem:$0x12520] =	vst v63  }
0x68: {  	_ =	swait.ge [sflag:s4], $0x320  }
0x69: {  	p0 =	seq.s32 s26, $0x0;
	[sflag:s4] =	ssyncset.done $0x0  }
0x6a: {  	s0 =	simm.s32 @!p0 $0x3;
	[sflag:s4] =	ssyncadd.s32 $0xFFFFFCE0  }
0x6b: {  	_ =	swait.ge @!p0 [sflag:s0], $0x1400  }
0x6c: {  	[sflag:s0] =	ssyncset.done @!p0 $0x0  }
0x6d: {  	[sflag:s0] =	ssyncadd.s32 @!p0 $0xFFFFEC00  }
0x6e: {  	_ =	swait.ge @!p0 [sflag:s0], $0x500  }
0x6f: {  	[sflag:s0] =	ssyncset.done @!p0 $0x0  }
0x70: {  	[sflag:s0] =	ssyncadd.s32 @!p0 $0xFFFFFB00  }
0x71: {  	v3 =	vld [tilespmem:$0x2D00]  }
0x72: {  	v4 =	vld [tilespmem:$0x29E0];
	_ =	sdelay $0x1  }
0x73: {  	v5 =	vld [tilespmem:$0x2D10]  }
0x74: {  	v6 =	vld [tilespmem:$0x29F0]  }
0x75: {  	[tilespmem:$0x50] =	vst v3;
	v3 =	vadd.s32 v0, v3  }
0x76: {  	[tilespmem:$0xA0] =	vst v3;
	v3 =	vadd.s32 v0, v4;
	v4 =	vld [tilespmem:$0x2D20]  }
0x77: {  	[tilespmem:$0x0] =	vst v3;
	v3 =	vld [tilespmem:$0x2A00]  }
0x78: {  	[tilespmem:$0x60] =	vst v5;
	v5 =	vadd.s32 v0, v5  }
0x79: {  	[tilespmem:$0xB0] =	vst v5;
	v5 =	vadd.s32 v0, v6;
	v6 =	vld [tilespmem:$0x2D30]  }
0x7a: {  	[tilespmem:$0x10] =	vst v5;
	v5 =	vld [tilespmem:$0x2A10]  }
0x7b: {  	[tilespmem:$0x70] =	vst v4;
	v4 =	vadd.s32 v0, v4  }
0x7c: {  	[tilespmem:$0xC0] =	vst v4;
	v3 =	vadd.s32 v0, v3;
	v4 =	vld [tilespmem:$0x2D40]  }
0x7d: {  	[tilespmem:$0x20] =	vst v3;
	v3 =	vld [tilespmem:$0x2A20]  }
0x7e: {  	[tilespmem:$0x80] =	vst v6;
	v6 =	vadd.s32 v0, v6  }
0x7f: {  	[tilespmem:$0xD0] =	vst v6;
	v5 =	vadd.s32 v0, v5  }
0x80: {  	[tilespmem:$0x30] =	vst v5  }
0x81: {  	[tilespmem:$0x90] =	vst v4;
	v4 =	vadd.s32 v0, v4  }
0x82: {  	[tilespmem:$0xE0] =	vst v4;
	v3 =	vadd.s32 v0, v3  }
0x83: {  	[tilespmem:$0x40] =	vst v3  }
0x84: {  	[tilespmem:s12], [sflag:$0x1] =	stream.indirect.gather [hbm4b:s1+s10], $0x40, s11, s10, $0xb8;
	[tilespmem:$0x12520] =	vst v63  }
0x85: {  	_ =	swait.ge [sflag:s13], $0x1400  }
0x86: {  	[sflag:s13] =	ssyncset.done $0x0  }
0x87: {  	s0 =	simm.s32 @!p0 $0x6;
	[sflag:s13] =	ssyncadd.s32 $0xFFFFEC00  }
0x88: {  	[tilespmem:s12], [sflag:$0x2] =	stream.indirect.gather.add.f32 [hbm:s6], $0x40, s5, s10, $0xb8;
	[tilespmem:$0x12520] =	vst v63  }
0x89: {  	_ =	swait.ge @!p0 [sflag:s0], $0x1400  }
0x8a: {  	[sflag:s0] =	ssyncset.done @!p0 $0x0  }
0x8b: {  	[sflag:s0] =	ssyncadd.s32 @!p0 $0xFFFFEC00  }
0x8c: {  	_ =	swait.ge @!p0 [sflag:s0], $0x500  }
0x8d: {  	[sflag:s0] =	ssyncset.done @!p0 $0x0  }
0x8e: {  	[sflag:s0] =	ssyncadd.s32 @!p0 $0xFFFFFB00  }
0x8f: {  	v3 =	vld [tilespmem:$0x2D50]  }
0x90: {  	v4 =	vld [tilespmem:$0x2A30];
	_ =	sdelay $0x1  }
0x91: {  	v5 =	vld [tilespmem:$0x2D60]  }
0x92: {  	v6 =	vld [tilespmem:$0x2A40]  }
0x93: {  	[tilespmem:$0x1540] =	vst v3;
	v3 =	vadd.s32 v0, v3  }
0x94: {  	[tilespmem:$0x1590] =	vst v3;
	v3 =	vadd.s32 v0, v4;
	v4 =	vld [tilespmem:$0x2D70]  }
0x95: {  	[tilespmem:$0x14F0] =	vst v3;
	v3 =	vld [tilespmem:$0x2A50]  }
0x96: {  	[tilespmem:$0x1550] =	vst v5;
	v5 =	vadd.s32 v0, v5  }
0x97: {  	[tilespmem:$0x15A0] =	vst v5;
	v5 =	vadd.s32 v0, v6;
	v6 =	vld [tilespmem:$0x2D80]  }
0x98: {  	[tilespmem:$0x1500] =	vst v5;
	v5 =	vld [tilespmem:$0x2A60]  }
0x99: {  	[tilespmem:$0x1560] =	vst v4;
	v4 =	vadd.s32 v0, v4  }
0x9a: {  	[tilespmem:$0x15B0] =	vst v4;
	v3 =	vadd.s32 v0, v3;
	v4 =	vld [tilespmem:$0x2D90]  }
0x9b: {  	[tilespmem:$0x1510] =	vst v3;
	v3 =	vld [tilespmem:$0x2A70]  }
0x9c: {  	[tilespmem:$0x1570] =	vst v6;
	v6 =	vadd.s32 v0, v6  }
0x9d: {  	[tilespmem:$0x15C0] =	vst v6;
	v5 =	vadd.s32 v0, v5  }
0x9e: {  	[tilespmem:$0x1520] =	vst v5  }
0x9f: {  	[tilespmem:$0x1580] =	vst v4;
	v4 =	vadd.s32 v0, v4  }
0xa0: {  	[tilespmem:$0x15D0] =	vst v4;
	v3 =	vadd.s32 v0, v3  }
0xa1: {  	[tilespmem:$0x1530] =	vst v3  }
0xa2: {  	[tilespmem:s15], [sflag:$0x4] =	stream.indirect.gather [hbm4b:s1+s10], $0x40, s14, s10, $0xb8;
	[tilespmem:$0x12520] =	vst v63  }
0xa3: {  	_ =	swait.ge [sflag:s16], $0x1400  }
0xa4: {  	[sflag:s16] =	ssyncset.done $0x0  }
0xa5: {  	s28 =	simm.s32 $0x170;
	[sflag:s16] =	ssyncadd.s32 $0xFFFFEC00  }
0xa6: {  	v3 =	vld [tilespmem:s28+$0xFFFFFF80]  }
0xa7: {  	v4 =	vld [tilespmem:s28+$0xFFFFFF90]  }
0xa8: {  	v5 =	vld [tilespmem:s28+$0xFFFFFFA0]  }
0xa9: {  	v6 =	vld [tilespmem:s28+$0xFFFFFFB0]  }
0xaa: {  	v7 =	vld [tilespmem:s28+$0xFFFFFFC0]  }
0xab: {  	v8 =	vld [tilespmem:s28+$0xFFFFFFD0];
	v3 =	vmax.f32 v3, $0.0e+00  }
0xac: {  	[tilespmem:s28+$0xFFFFFF80] =	vst v3;
	v3 =	vmax.f32 v4, $0.0e+00;
	v4 =	vld [tilespmem:s28+$0xFFFFFFE0]  }
0xad: {  	[tilespmem:s28+$0xFFFFFF90] =	vst v3;
	v3 =	vmax.f32 v5, $0.0e+00;
	v5 =	vld [tilespmem:s28+$0x0]  }
0xae: {  	[tilespmem:s28+$0xFFFFFFA0] =	vst v3;
	v3 =	vmax.f32 v6, $0.0e+00;
	v6 =	vld [tilespmem:s28+$0x10]  }
0xaf: {  	[tilespmem:s28+$0xFFFFFFB0] =	vst v3;
	v3 =	vmax.f32 v7, $0.0e+00;
	v7 =	vld [tilespmem:s28+$0x20]  }
0xb0: {  	[tilespmem:s28+$0xFFFFFFC0] =	vst v3;
	v3 =	vmax.f32 v8, $0.0e+00;
	v8 =	vld [tilespmem:s28+$0x30]  }
0xb1: {  	[tilespmem:s28+$0xFFFFFFD0] =	vst v3;
	v4 =	vmax.f32 v4, $0.0e+00;
	v3 =	vld [tilespmem:s28+$0x40]  }
0xb2: {  	[tilespmem:s28+$0xFFFFFFE0] =	vst v4;
	v5 =	vmax.f32 v5, $0.0e+00;
	v4 =	vld [tilespmem:s28+$0x50]  }
0xb3: {  	[tilespmem:s28+$0x0] =	vst v5;
	v6 =	vmax.f32 v6, $0.0e+00;
	v5 =	vld [tilespmem:s28+$0x60]  }
0xb4: {  	[tilespmem:s28+$0x10] =	vst v6;
	v9 =	vmax.f32 v7, $0.0e+00;
	v7 =	vld [tilespmem:s28+$0x70]  }
0xb5: {  	s29 =	simm.s32 $0x0;
	s0 =	simm.s32 $0x270;
	v6 =	vld [tilespmem:s28+$0xFFFFFFF0];
	[tilespmem:s28+$0x20] =	vst v9;
	v8 =	vmax.f32 v8, $0.0e+00  }
.LBB2_7:
0xb6: {  	v9 =	vld [tilespmem:s0+$0xFFFFFF80];
	[tilespmem:s28+$0x30] =	vst v8;
	v3 =	vmax.f32 v3, $0.0e+00  }
0xb7: {  	v8 =	vld [tilespmem:s0+$0xFFFFFF90];
	[tilespmem:s28+$0x40] =	vst v3;
	v3 =	vmax.f32 v4, $0.0e+00  }
0xb8: {  	v4 =	vld [tilespmem:s0+$0xFFFFFFA0];
	[tilespmem:s28+$0x50] =	vst v3;
	v3 =	vmax.f32 v5, $0.0e+00  }
0xb9: {  	v5 =	vld [tilespmem:s0+$0xFFFFFFB0];
	[tilespmem:s28+$0x60] =	vst v3;
	v3 =	vmax.f32 v7, $0.0e+00  }
0xba: {  	v7 =	vld [tilespmem:s0+$0xFFFFFFC0];
	v6 =	vmax.f32 v6, $0.0e+00;
	[tilespmem:s28+$0x70] =	vst v3  }
0xbb: {  	v3 =	vmax.f32 v9, $0.0e+00;
	v9 =	vld [tilespmem:s0+$0xFFFFFFD0];
	[tilespmem:s28+$0xFFFFFFF0] =	vst v6;
	s28 =	smov.u32 s0  }
0xbc: {  	[tilespmem:s0+$0xFFFFFF80] =	vst v3;
	v3 =	vmax.f32 v8, $0.0e+00;
	v6 =	vld [tilespmem:s0+$0xFFFFFFE0]  }
0xbd: {  	[tilespmem:s0+$0xFFFFFF90] =	vst v3;
	v3 =	vmax.f32 v4, $0.0e+00;
	v4 =	vld [tilespmem:s0+$0x0]  }
0xbe: {  	[tilespmem:s0+$0xFFFFFFA0] =	vst v3;
	v3 =	vmax.f32 v5, $0.0e+00;
	v5 =	vld [tilespmem:s0+$0x10]  }
0xbf: {  	s29 =	sadd.s32 $0x4, s29;
	[tilespmem:s0+$0xFFFFFFB0] =	vst v3;
	v3 =	vmax.f32 v7, $0.0e+00;
	v7 =	vld [tilespmem:s0+$0x20]  }
0xc0: {  	p0 =	slt.u32 s29, $0x4C;
	[tilespmem:s0+$0xFFFFFFC0] =	vst v3;
	v3 =	vmax.f32 v9, $0.0e+00;
	v8 =	vld [tilespmem:s0+$0x30]  }
.Ltmp2:
0xc1: {  	[tilespmem:s0+$0xFFFFFFD0] =	vst v3;
	v6 =	vmax.f32 v6, $0.0e+00;
	v3 =	vld [tilespmem:s0+$0x40];
	(pc) =	sbr.rel @p0 .LBB2_7-.Ltmp2, $4  }
0xc2: {  	[tilespmem:s0+$0xFFFFFFE0] =	vst v6;
	v6 =	vmax.f32 v4, $0.0e+00;
	v4 =	vld [tilespmem:s0+$0x50]  }
0xc3: {  	[tilespmem:s0+$0x0] =	vst v6;
	v6 =	vmax.f32 v5, $0.0e+00;
	v5 =	vld [tilespmem:s0+$0x60]  }
0xc4: {  	[tilespmem:s0+$0x10] =	vst v6;
	v9 =	vmax.f32 v7, $0.0e+00;
	v7 =	vld [tilespmem:s0+$0x70]  }
0xc5: {  	s0 =	sadd.s32 $0x100, s0;
	v6 =	vld [tilespmem:s28+$0xFFFFFFF0];
	[tilespmem:s28+$0x20] =	vst v9;
	v8 =	vmax.f32 v8, $0.0e+00  }
0xc6: {  	[tilespmem:s28+$0x30] =	vst v8;
	v3 =	vmax.f32 v3, $0.0e+00  }
0xc7: {  	[tilespmem:s28+$0x40] =	vst v3;
	v3 =	vmax.f32 v4, $0.0e+00  }
0xc8: {  	[tilespmem:s28+$0x50] =	vst v3;
	v3 =	vmax.f32 v5, $0.0e+00  }
0xc9: {  	[tilespmem:s28+$0x60] =	vst v3;
	v3 =	vmax.f32 v7, $0.0e+00  }
0xca: {  	v4 =	vmax.f32 v6, $0.0e+00;
	[tilespmem:s28+$0x70] =	vst v3  }
0xcb: {  	[tilespmem:s28+$0xFFFFFFF0] =	vst v4  }
0xcc: {  	[spmem:s2] =	stream.indirect.scatter.add.f32 [tilespmem:s12], [sflag:$0x3], $0x40, s10, s10, $0xb8;
	[tilespmem:$0x12520] =	vst v63  }
0xcd: {  	_ = 	snop  }
0xce: {  	[spmem:s3] =	stream.indirect.scatter.add.f32 [tilespmem:s30], [sflag:$0x3], $0x10, s10, s10, $0xb8;
	[tilespmem:$0x12520] =	vst v63  }
0xcf: {  	_ =	swait.ge [sflag:s19], $0x1400  }
0xd0: {  	[sflag:s19] =	ssyncset.done $0x0  }
0xd1: {  	[sflag:s19] =	ssyncadd.s32 $0xFFFFEC00  }
0xd2: {  	[tilespmem:s15], [sflag:$0x5] =	stream.indirect.gather.add.f32 [hbm:s6], $0x40, s20, s10, $0xb8;
	[tilespmem:$0x12520] =	vst v63  }
0xd3: {  	_ =	swait.ge [sflag:s21], $0x1400  }
0xd4: {  	[sflag:s21] =	ssyncset.done $0x0  }
0xd5: {  	[sflag:s21] =	ssyncadd.s32 $0xFFFFEC00  }
0xd6: {  	_ =	swait.ge [sflag:s21], $0x500  }
0xd7: {  	[sflag:s21] =	ssyncset.done $0x0  }
0xd8: {  	[sflag:s21] =	ssyncadd.s32 $0xFFFFFB00  }
0xd9: {  	v3 =	vld [tilespmem:$0x2DA0]  }
0xda: {  	v4 =	vld [tilespmem:$0x2A80];
	_ =	sdelay $0x1  }
0xdb: {  	v5 =	vld [tilespmem:$0x2DB0]  }
0xdc: {  	v6 =	vld [tilespmem:$0x2A90]  }
0xdd: {  	[tilespmem:$0x50] =	vst v3;
	v3 =	vadd.s32 v0, v3  }
0xde: {  	[tilespmem:$0xA0] =	vst v3;
	v3 =	vadd.s32 v0, v4;
	v4 =	vld [tilespmem:$0x2DC0]  }
0xdf: {  	[tilespmem:$0x0] =	vst v3;
	v3 =	vld [tilespmem:$0x2AA0]  }
0xe0: {  	[tilespmem:$0x60] =	vst v5;
	v5 =	vadd.s32 v0, v5  }
0xe1: {  	[tilespmem:$0xB0] =	vst v5;
	v5 =	vadd.s32 v0, v6;
	v6 =	vld [tilespmem:$0x2DD0]  }
0xe2: {  	[tilespmem:$0x10] =	vst v5;
	v5 =	vld [tilespmem:$0x2AB0]  }
0xe3: {  	[tilespmem:$0x70] =	vst v4;
	v4 =	vadd.s32 v0, v4  }
0xe4: {  	[tilespmem:$0xC0] =	vst v4;
	v3 =	vadd.s32 v0, v3;
	v4 =	vld [tilespmem:$0x2DE0]  }
0xe5: {  	[tilespmem:$0x20] =	vst v3;
	v3 =	vld [tilespmem:$0x2AC0]  }
0xe6: {  	[tilespmem:$0x80] =	vst v6;
	v6 =	vadd.s32 v0, v6  }
0xe7: {  	[tilespmem:$0xD0] =	vst v6;
	v5 =	vadd.s32 v0, v5  }
0xe8: {  	[tilespmem:$0x30] =	vst v5  }
0xe9: {  	[tilespmem:$0x90] =	vst v4;
	v4 =	vadd.s32 v0, v4  }
0xea: {  	[tilespmem:$0xE0] =	vst v4;
	v3 =	vadd.s32 v0, v3  }
0xeb: {  	[tilespmem:$0x40] =	vst v3  }
0xec: {  	[tilespmem:s12], [sflag:$0x1] =	stream.indirect.gather [hbm4b:s1+s10], $0x40, s11, s10, $0xb8;
	[tilespmem:$0x12520] =	vst v63  }
0xed: {  	_ =	swait.ge [sflag:s22], $0x1400  }
0xee: {  	[sflag:s22] =	ssyncset.done $0x0  }
0xef: {  	s28 =	simm.s32 $0x1660;
	[sflag:s22] =	ssyncadd.s32 $0xFFFFEC00  }
0xf0: {  	v3 =	vld [tilespmem:s28+$0xFFFFFF80]  }
0xf1: {  	v4 =	vld [tilespmem:s28+$0xFFFFFF90]  }
0xf2: {  	v5 =	vld [tilespmem:s28+$0xFFFFFFA0]  }
0xf3: {  	v6 =	vld [tilespmem:s28+$0xFFFFFFB0]  }
0xf4: {  	v7 =	vld [tilespmem:s28+$0xFFFFFFC0]  }
0xf5: {  	v8 =	vld [tilespmem:s28+$0xFFFFFFD0];
	v3 =	vmax.f32 v3, $0.0e+00  }
0xf6: {  	[tilespmem:s28+$0xFFFFFF80] =	vst v3;
	v3 =	vmax.f32 v4, $0.0e+00;
	v4 =	vld [tilespmem:s28+$0xFFFFFFE0]  }
0xf7: {  	[tilespmem:s28+$0xFFFFFF90] =	vst v3;
	v3 =	vmax.f32 v5, $0.0e+00;
	v5 =	vld [tilespmem:s28+$0x0]  }
0xf8: {  	[tilespmem:s28+$0xFFFFFFA0] =	vst v3;
	v3 =	vmax.f32 v6, $0.0e+00;
	v6 =	vld [tilespmem:s28+$0x10]  }
0xf9: {  	[tilespmem:s28+$0xFFFFFFB0] =	vst v3;
	v3 =	vmax.f32 v7, $0.0e+00;
	v7 =	vld [tilespmem:s28+$0x20]  }
0xfa: {  	[tilespmem:s28+$0xFFFFFFC0] =	vst v3;
	v3 =	vmax.f32 v8, $0.0e+00;
	v8 =	vld [tilespmem:s28+$0x30]  }
0xfb: {  	[tilespmem:s28+$0xFFFFFFD0] =	vst v3;
	v4 =	vmax.f32 v4, $0.0e+00;
	v3 =	vld [tilespmem:s28+$0x40]  }
0xfc: {  	[tilespmem:s28+$0xFFFFFFE0] =	vst v4;
	v5 =	vmax.f32 v5, $0.0e+00;
	v4 =	vld [tilespmem:s28+$0x50]  }
0xfd: {  	[tilespmem:s28+$0x0] =	vst v5;
	v6 =	vmax.f32 v6, $0.0e+00;
	v5 =	vld [tilespmem:s28+$0x60]  }
0xfe: {  	[tilespmem:s28+$0x10] =	vst v6;
	v9 =	vmax.f32 v7, $0.0e+00;
	v7 =	vld [tilespmem:s28+$0x70]  }
0xff: {  	s29 =	simm.s32 $0x0;
	s0 =	simm.s32 $0x1760;
	v6 =	vld [tilespmem:s28+$0xFFFFFFF0];
	[tilespmem:s28+$0x20] =	vst v9;
	v8 =	vmax.f32 v8, $0.0e+00  }
.LBB2_9:
0x100: {  	v9 =	vld [tilespmem:s0+$0xFFFFFF80];
	[tilespmem:s28+$0x30] =	vst v8;
	v3 =	vmax.f32 v3, $0.0e+00  }
0x101: {  	v8 =	vld [tilespmem:s0+$0xFFFFFF90];
	[tilespmem:s28+$0x40] =	vst v3;
	v3 =	vmax.f32 v4, $0.0e+00  }
0x102: {  	v4 =	vld [tilespmem:s0+$0xFFFFFFA0];
	[tilespmem:s28+$0x50] =	vst v3;
	v3 =	vmax.f32 v5, $0.0e+00  }
0x103: {  	v5 =	vld [tilespmem:s0+$0xFFFFFFB0];
	[tilespmem:s28+$0x60] =	vst v3;
	v3 =	vmax.f32 v7, $0.0e+00  }
0x104: {  	v7 =	vld [tilespmem:s0+$0xFFFFFFC0];
	v6 =	vmax.f32 v6, $0.0e+00;
	[tilespmem:s28+$0x70] =	vst v3  }
0x105: {  	v3 =	vmax.f32 v9, $0.0e+00;
	v9 =	vld [tilespmem:s0+$0xFFFFFFD0];
	[tilespmem:s28+$0xFFFFFFF0] =	vst v6;
	s28 =	smov.u32 s0  }
0x106: {  	[tilespmem:s0+$0xFFFFFF80] =	vst v3;
	v3 =	vmax.f32 v8, $0.0e+00;
	v6 =	vld [tilespmem:s0+$0xFFFFFFE0]  }
0x107: {  	[tilespmem:s0+$0xFFFFFF90] =	vst v3;
	v3 =	vmax.f32 v4, $0.0e+00;
	v4 =	vld [tilespmem:s0+$0x0]  }
0x108: {  	[tilespmem:s0+$0xFFFFFFA0] =	vst v3;
	v3 =	vmax.f32 v5, $0.0e+00;
	v5 =	vld [tilespmem:s0+$0x10]  }
0x109: {  	s29 =	sadd.s32 $0x4, s29;
	[tilespmem:s0+$0xFFFFFFB0] =	vst v3;
	v3 =	vmax.f32 v7, $0.0e+00;
	v7 =	vld [tilespmem:s0+$0x20]  }
0x10a: {  	p0 =	slt.u32 s29, $0x4C;
	[tilespmem:s0+$0xFFFFFFC0] =	vst v3;
	v3 =	vmax.f32 v9, $0.0e+00;
	v8 =	vld [tilespmem:s0+$0x30]  }
.Ltmp3:
0x10b: {  	[tilespmem:s0+$0xFFFFFFD0] =	vst v3;
	v6 =	vmax.f32 v6, $0.0e+00;
	v3 =	vld [tilespmem:s0+$0x40];
	(pc) =	sbr.rel @p0 .LBB2_9-.Ltmp3, $4  }
0x10c: {  	[tilespmem:s0+$0xFFFFFFE0] =	vst v6;
	v6 =	vmax.f32 v4, $0.0e+00;
	v4 =	vld [tilespmem:s0+$0x50]  }
0x10d: {  	[tilespmem:s0+$0x0] =	vst v6;
	v6 =	vmax.f32 v5, $0.0e+00;
	v5 =	vld [tilespmem:s0+$0x60]  }
0x10e: {  	[tilespmem:s0+$0x10] =	vst v6;
	v9 =	vmax.f32 v7, $0.0e+00;
	v7 =	vld [tilespmem:s0+$0x70]  }
0x10f: {  	s0 =	sadd.s32 $0x100, s0;
	v6 =	vld [tilespmem:s28+$0xFFFFFFF0];
	[tilespmem:s28+$0x20] =	vst v9;
	v8 =	vmax.f32 v8, $0.0e+00  }
0x110: {  	[tilespmem:s28+$0x30] =	vst v8;
	v3 =	vmax.f32 v3, $0.0e+00  }
0x111: {  	[tilespmem:s28+$0x40] =	vst v3;
	v3 =	vmax.f32 v4, $0.0e+00  }
0x112: {  	[tilespmem:s28+$0x50] =	vst v3;
	v3 =	vmax.f32 v5, $0.0e+00  }
0x113: {  	[tilespmem:s28+$0x60] =	vst v3;
	v3 =	vmax.f32 v7, $0.0e+00  }
0x114: {  	v4 =	vmax.f32 v6, $0.0e+00;
	[tilespmem:s28+$0x70] =	vst v3  }
0x115: {  	[tilespmem:s28+$0xFFFFFFF0] =	vst v4  }
0x116: {  	[spmem:s2] =	stream.indirect.scatter.add.f32 [tilespmem:s15], [sflag:$0x6], $0x40, s23, s10, $0xb8;
	[tilespmem:$0x12520] =	vst v63  }
0x117: {  	_ = 	snop  }
0x118: {  	[spmem:s3] =	stream.indirect.scatter.add.f32 [tilespmem:s30], [sflag:$0x6], $0x10, s23, s10, $0xb8;
	[tilespmem:$0x12520] =	vst v63  }
0x119: {  	_ =	swait.ge [sflag:s13], $0x1400  }
0x11a: {  	[sflag:s13] =	ssyncset.done $0x0  }
0x11b: {  	[sflag:s13] =	ssyncadd.s32 $0xFFFFEC00  }
0x11c: {  	[tilespmem:s12], [sflag:$0x2] =	stream.indirect.gather.add.f32 [hbm:s6], $0x40, s5, s10, $0xb8;
	[tilespmem:$0x12520] =	vst v63  }
0x11d: {  	_ =	swait.ge [sflag:s24], $0x1400  }
0x11e: {  	[sflag:s24] =	ssyncset.done $0x0  }
0x11f: {  	[sflag:s24] =	ssyncadd.s32 $0xFFFFEC00  }
0x120: {  	_ =	swait.ge [sflag:s24], $0x500  }
0x121: {  	[sflag:s24] =	ssyncset.done $0x0  }
0x122: {  	[sflag:s24] =	ssyncadd.s32 $0xFFFFFB00  }
0x123: {  	v3 =	vld [tilespmem:$0x2DF0]  }
0x124: {  	v4 =	vld [tilespmem:$0x2AD0];
	_ =	sdelay $0x1  }
0x125: {  	v5 =	vld [tilespmem:$0x2E00]  }
0x126: {  	v6 =	vld [tilespmem:$0x2AE0]  }
0x127: {  	[tilespmem:$0x1540] =	vst v3;
	v3 =	vadd.s32 v0, v3  }
0x128: {  	[tilespmem:$0x1590] =	vst v3;
	v3 =	vadd.s32 v0, v4;
	v4 =	vld [tilespmem:$0x2E10]  }
0x129: {  	[tilespmem:$0x14F0] =	vst v3;
	v3 =	vld [tilespmem:$0x2AF0]  }
0x12a: {  	[tilespmem:$0x1550] =	vst v5;
	v5 =	vadd.s32 v0, v5  }
0x12b: {  	[tilespmem:$0x15A0] =	vst v5;
	v5 =	vadd.s32 v0, v6;
	v6 =	vld [tilespmem:$0x2E20]  }
0x12c: {  	[tilespmem:$0x1500] =	vst v5;
	v5 =	vld [tilespmem:$0x2B00]  }
0x12d: {  	[tilespmem:$0x1560] =	vst v4;
	v4 =	vadd.s32 v0, v4  }
0x12e: {  	[tilespmem:$0x15B0] =	vst v4;
	v3 =	vadd.s32 v0, v3;
	v4 =	vld [tilespmem:$0x2E30]  }
0x12f: {  	[tilespmem:$0x1510] =	vst v3;
	v3 =	vld [tilespmem:$0x2B10]  }
0x130: {  	[tilespmem:$0x1570] =	vst v6;
	v6 =	vadd.s32 v0, v6  }
0x131: {  	[tilespmem:$0x15C0] =	vst v6;
	v5 =	vadd.s32 v0, v5  }
0x132: {  	[tilespmem:$0x1520] =	vst v5  }
0x133: {  	[tilespmem:$0x1580] =	vst v4;
	v4 =	vadd.s32 v0, v4  }
0x134: {  	[tilespmem:$0x15D0] =	vst v4;
	v3 =	vadd.s32 v0, v3  }
0x135: {  	[tilespmem:$0x1530] =	vst v3  }
0x136: {  	[tilespmem:s15], [sflag:$0x4] =	stream.indirect.gather [hbm4b:s1+s10], $0x40, s14, s10, $0xb8;
	[tilespmem:$0x12520] =	vst v63  }
0x137: {  	_ =	swait.ge [sflag:s16], $0x1400  }
0x138: {  	[sflag:s16] =	ssyncset.done $0x0  }
0x139: {  	s28 =	simm.s32 $0x170;
	[sflag:s16] =	ssyncadd.s32 $0xFFFFEC00  }
0x13a: {  	v3 =	vld [tilespmem:s28+$0xFFFFFF80]  }
0x13b: {  	v4 =	vld [tilespmem:s28+$0xFFFFFF90]  }
0x13c: {  	v5 =	vld [tilespmem:s28+$0xFFFFFFA0]  }
0x13d: {  	v6 =	vld [tilespmem:s28+$0xFFFFFFB0]  }
0x13e: {  	v7 =	vld [tilespmem:s28+$0xFFFFFFC0]  }
0x13f: {  	v8 =	vld [tilespmem:s28+$0xFFFFFFD0];
	v3 =	vmax.f32 v3, $0.0e+00  }
0x140: {  	[tilespmem:s28+$0xFFFFFF80] =	vst v3;
	v3 =	vmax.f32 v4, $0.0e+00;
	v4 =	vld [tilespmem:s28+$0xFFFFFFE0]  }
0x141: {  	[tilespmem:s28+$0xFFFFFF90] =	vst v3;
	v3 =	vmax.f32 v5, $0.0e+00;
	v5 =	vld [tilespmem:s28+$0x0]  }
0x142: {  	[tilespmem:s28+$0xFFFFFFA0] =	vst v3;
	v3 =	vmax.f32 v6, $0.0e+00;
	v6 =	vld [tilespmem:s28+$0x10]  }
0x143: {  	[tilespmem:s28+$0xFFFFFFB0] =	vst v3;
	v3 =	vmax.f32 v7, $0.0e+00;
	v7 =	vld [tilespmem:s28+$0x20]  }
0x144: {  	[tilespmem:s28+$0xFFFFFFC0] =	vst v3;
	v3 =	vmax.f32 v8, $0.0e+00;
	v8 =	vld [tilespmem:s28+$0x30]  }
0x145: {  	[tilespmem:s28+$0xFFFFFFD0] =	vst v3;
	v4 =	vmax.f32 v4, $0.0e+00;
	v3 =	vld [tilespmem:s28+$0x40]  }
0x146: {  	[tilespmem:s28+$0xFFFFFFE0] =	vst v4;
	v5 =	vmax.f32 v5, $0.0e+00;
	v4 =	vld [tilespmem:s28+$0x50]  }
0x147: {  	[tilespmem:s28+$0x0] =	vst v5;
	v6 =	vmax.f32 v6, $0.0e+00;
	v5 =	vld [tilespmem:s28+$0x60]  }
0x148: {  	[tilespmem:s28+$0x10] =	vst v6;
	v9 =	vmax.f32 v7, $0.0e+00;
	v7 =	vld [tilespmem:s28+$0x70]  }
0x149: {  	s29 =	simm.s32 $0x0;
	s0 =	simm.s32 $0x270;
	v6 =	vld [tilespmem:s28+$0xFFFFFFF0];
	[tilespmem:s28+$0x20] =	vst v9;
	v8 =	vmax.f32 v8, $0.0e+00  }
.LBB2_11:
0x14a: {  	v9 =	vld [tilespmem:s0+$0xFFFFFF80];
	[tilespmem:s28+$0x30] =	vst v8;
	v3 =	vmax.f32 v3, $0.0e+00  }
0x14b: {  	v8 =	vld [tilespmem:s0+$0xFFFFFF90];
	[tilespmem:s28+$0x40] =	vst v3;
	v3 =	vmax.f32 v4, $0.0e+00  }
0x14c: {  	v4 =	vld [tilespmem:s0+$0xFFFFFFA0];
	[tilespmem:s28+$0x50] =	vst v3;
	v3 =	vmax.f32 v5, $0.0e+00  }
0x14d: {  	v5 =	vld [tilespmem:s0+$0xFFFFFFB0];
	[tilespmem:s28+$0x60] =	vst v3;
	v3 =	vmax.f32 v7, $0.0e+00  }
0x14e: {  	v7 =	vld [tilespmem:s0+$0xFFFFFFC0];
	v6 =	vmax.f32 v6, $0.0e+00;
	[tilespmem:s28+$0x70] =	vst v3  }
0x14f: {  	v3 =	vmax.f32 v9, $0.0e+00;
	v9 =	vld [tilespmem:s0+$0xFFFFFFD0];
	[tilespmem:s28+$0xFFFFFFF0] =	vst v6;
	s28 =	smov.u32 s0  }
0x150: {  	[tilespmem:s0+$0xFFFFFF80] =	vst v3;
	v3 =	vmax.f32 v8, $0.0e+00;
	v6 =	vld [tilespmem:s0+$0xFFFFFFE0]  }
0x151: {  	[tilespmem:s0+$0xFFFFFF90] =	vst v3;
	v3 =	vmax.f32 v4, $0.0e+00;
	v4 =	vld [tilespmem:s0+$0x0]  }
0x152: {  	[tilespmem:s0+$0xFFFFFFA0] =	vst v3;
	v3 =	vmax.f32 v5, $0.0e+00;
	v5 =	vld [tilespmem:s0+$0x10]  }
0x153: {  	s29 =	sadd.s32 $0x4, s29;
	[tilespmem:s0+$0xFFFFFFB0] =	vst v3;
	v3 =	vmax.f32 v7, $0.0e+00;
	v7 =	vld [tilespmem:s0+$0x20]  }
0x154: {  	p0 =	slt.u32 s29, $0x4C;
	[tilespmem:s0+$0xFFFFFFC0] =	vst v3;
	v3 =	vmax.f32 v9, $0.0e+00;
	v8 =	vld [tilespmem:s0+$0x30]  }
.Ltmp4:
0x155: {  	[tilespmem:s0+$0xFFFFFFD0] =	vst v3;
	v6 =	vmax.f32 v6, $0.0e+00;
	v3 =	vld [tilespmem:s0+$0x40];
	(pc) =	sbr.rel @p0 .LBB2_11-.Ltmp4, $4  }
0x156: {  	[tilespmem:s0+$0xFFFFFFE0] =	vst v6;
	v6 =	vmax.f32 v4, $0.0e+00;
	v4 =	vld [tilespmem:s0+$0x50]  }
0x157: {  	[tilespmem:s0+$0x0] =	vst v6;
	v6 =	vmax.f32 v5, $0.0e+00;
	v5 =	vld [tilespmem:s0+$0x60]  }
0x158: {  	[tilespmem:s0+$0x10] =	vst v6;
	v9 =	vmax.f32 v7, $0.0e+00;
	v7 =	vld [tilespmem:s0+$0x70]  }
0x159: {  	s0 =	sadd.s32 $0x100, s0;
	v6 =	vld [tilespmem:s28+$0xFFFFFFF0];
	[tilespmem:s28+$0x20] =	vst v9;
	v8 =	vmax.f32 v8, $0.0e+00  }
0x15a: {  	[tilespmem:s28+$0x30] =	vst v8;
	v3 =	vmax.f32 v3, $0.0e+00  }
0x15b: {  	[tilespmem:s28+$0x40] =	vst v3;
	v3 =	vmax.f32 v4, $0.0e+00  }
0x15c: {  	[tilespmem:s28+$0x50] =	vst v3;
	v3 =	vmax.f32 v5, $0.0e+00  }
0x15d: {  	[tilespmem:s28+$0x60] =	vst v3;
	v3 =	vmax.f32 v7, $0.0e+00  }
0x15e: {  	v4 =	vmax.f32 v6, $0.0e+00;
	[tilespmem:s28+$0x70] =	vst v3  }
0x15f: {  	[tilespmem:s28+$0xFFFFFFF0] =	vst v4  }
0x160: {  	[spmem:s2] =	stream.indirect.scatter.add.f32 [tilespmem:s12], [sflag:$0x3], $0x40, s10, s10, $0xb8;
	[tilespmem:$0x12520] =	vst v63  }
0x161: {  	_ = 	snop  }
0x162: {  	[spmem:s3] =	stream.indirect.scatter.add.f32 [tilespmem:s30], [sflag:$0x3], $0x10, s10, s10, $0xb8;
	[tilespmem:$0x12520] =	vst v63  }
0x163: {  	_ =	swait.ge [sflag:s19], $0x1400  }
0x164: {  	[sflag:s19] =	ssyncset.done $0x0  }
0x165: {  	[sflag:s19] =	ssyncadd.s32 $0xFFFFEC00  }
0x166: {  	[tilespmem:s15], [sflag:$0x5] =	stream.indirect.gather.add.f32 [hbm:s6], $0x40, s20, s10, $0xb8;
	[tilespmem:$0x12520] =	vst v63  }
0x167: {  	_ =	swait.ge [sflag:s21], $0x1400  }
0x168: {  	[sflag:s21] =	ssyncset.done $0x0  }
0x169: {  	[sflag:s21] =	ssyncadd.s32 $0xFFFFEC00  }
0x16a: {  	_ =	swait.ge [sflag:s21], $0x500  }
0x16b: {  	[sflag:s21] =	ssyncset.done $0x0  }
0x16c: {  	[sflag:s21] =	ssyncadd.s32 $0xFFFFFB00  }
0x16d: {  	v3 =	vld [tilespmem:$0x2E40]  }
0x16e: {  	v4 =	vld [tilespmem:$0x2B20];
	_ =	sdelay $0x1  }
0x16f: {  	v5 =	vld [tilespmem:$0x2E50]  }
0x170: {  	v6 =	vld [tilespmem:$0x2B30]  }
0x171: {  	[tilespmem:$0x50] =	vst v3;
	v3 =	vadd.s32 v0, v3  }
0x172: {  	[tilespmem:$0xA0] =	vst v3;
	v3 =	vadd.s32 v0, v4;
	v4 =	vld [tilespmem:$0x2E60]  }
0x173: {  	[tilespmem:$0x0] =	vst v3;
	v3 =	vld [tilespmem:$0x2B40]  }
0x174: {  	[tilespmem:$0x60] =	vst v5;
	v5 =	vadd.s32 v0, v5  }
0x175: {  	[tilespmem:$0xB0] =	vst v5;
	v5 =	vadd.s32 v0, v6;
	v6 =	vld [tilespmem:$0x2E70]  }
0x176: {  	[tilespmem:$0x10] =	vst v5;
	v5 =	vld [tilespmem:$0x2B50]  }
0x177: {  	[tilespmem:$0x70] =	vst v4;
	v4 =	vadd.s32 v0, v4  }
0x178: {  	[tilespmem:$0xC0] =	vst v4;
	v3 =	vadd.s32 v0, v3;
	v4 =	vld [tilespmem:$0x2E80]  }
0x179: {  	[tilespmem:$0x20] =	vst v3;
	v3 =	vld [tilespmem:$0x2B60]  }
0x17a: {  	[tilespmem:$0x80] =	vst v6;
	v6 =	vadd.s32 v0, v6  }
0x17b: {  	[tilespmem:$0xD0] =	vst v6;
	v5 =	vadd.s32 v0, v5  }
0x17c: {  	[tilespmem:$0x30] =	vst v5  }
0x17d: {  	[tilespmem:$0x90] =	vst v4;
	v4 =	vadd.s32 v0, v4  }
0x17e: {  	[tilespmem:$0xE0] =	vst v4;
	v3 =	vadd.s32 v0, v3  }
0x17f: {  	[tilespmem:$0x40] =	vst v3  }
0x180: {  	[tilespmem:s12], [sflag:$0x1] =	stream.indirect.gather [hbm4b:s1+s10], $0x40, s11, s10, $0xb8;
	[tilespmem:$0x12520] =	vst v63  }
0x181: {  	_ =	swait.ge [sflag:s22], $0x1400  }
0x182: {  	[sflag:s22] =	ssyncset.done $0x0  }
0x183: {  	s28 =	simm.s32 $0x1660;
	[sflag:s22] =	ssyncadd.s32 $0xFFFFEC00  }
0x184: {  	v3 =	vld [tilespmem:s28+$0xFFFFFF80]  }
0x185: {  	v4 =	vld [tilespmem:s28+$0xFFFFFF90]  }
0x186: {  	v5 =	vld [tilespmem:s28+$0xFFFFFFA0]  }
0x187: {  	v6 =	vld [tilespmem:s28+$0xFFFFFFB0]  }
0x188: {  	v7 =	vld [tilespmem:s28+$0xFFFFFFC0]  }
0x189: {  	v8 =	vld [tilespmem:s28+$0xFFFFFFD0];
	v3 =	vmax.f32 v3, $0.0e+00  }
0x18a: {  	[tilespmem:s28+$0xFFFFFF80] =	vst v3;
	v3 =	vmax.f32 v4, $0.0e+00;
	v4 =	vld [tilespmem:s28+$0xFFFFFFE0]  }
0x18b: {  	[tilespmem:s28+$0xFFFFFF90] =	vst v3;
	v3 =	vmax.f32 v5, $0.0e+00;
	v5 =	vld [tilespmem:s28+$0x0]  }
0x18c: {  	[tilespmem:s28+$0xFFFFFFA0] =	vst v3;
	v3 =	vmax.f32 v6, $0.0e+00;
	v6 =	vld [tilespmem:s28+$0x10]  }
0x18d: {  	[tilespmem:s28+$0xFFFFFFB0] =	vst v3;
	v3 =	vmax.f32 v7, $0.0e+00;
	v7 =	vld [tilespmem:s28+$0x20]  }
0x18e: {  	[tilespmem:s28+$0xFFFFFFC0] =	vst v3;
	v3 =	vmax.f32 v8, $0.0e+00;
	v8 =	vld [tilespmem:s28+$0x30]  }
0x18f: {  	[tilespmem:s28+$0xFFFFFFD0] =	vst v3;
	v4 =	vmax.f32 v4, $0.0e+00;
	v3 =	vld [tilespmem:s28+$0x40]  }
0x190: {  	[tilespmem:s28+$0xFFFFFFE0] =	vst v4;
	v5 =	vmax.f32 v5, $0.0e+00;
	v4 =	vld [tilespmem:s28+$0x50]  }
0x191: {  	[tilespmem:s28+$0x0] =	vst v5;
	v6 =	vmax.f32 v6, $0.0e+00;
	v5 =	vld [tilespmem:s28+$0x60]  }
0x192: {  	[tilespmem:s28+$0x10] =	vst v6;
	v9 =	vmax.f32 v7, $0.0e+00;
	v7 =	vld [tilespmem:s28+$0x70]  }
0x193: {  	s29 =	simm.s32 $0x0;
	s0 =	simm.s32 $0x1760;
	v6 =	vld [tilespmem:s28+$0xFFFFFFF0];
	[tilespmem:s28+$0x20] =	vst v9;
	v8 =	vmax.f32 v8, $0.0e+00  }
.LBB2_13:
0x194: {  	v9 =	vld [tilespmem:s0+$0xFFFFFF80];
	[tilespmem:s28+$0x30] =	vst v8;
	v3 =	vmax.f32 v3, $0.0e+00  }
0x195: {  	v8 =	vld [tilespmem:s0+$0xFFFFFF90];
	[tilespmem:s28+$0x40] =	vst v3;
	v3 =	vmax.f32 v4, $0.0e+00  }
0x196: {  	v4 =	vld [tilespmem:s0+$0xFFFFFFA0];
	[tilespmem:s28+$0x50] =	vst v3;
	v3 =	vmax.f32 v5, $0.0e+00  }
0x197: {  	v5 =	vld [tilespmem:s0+$0xFFFFFFB0];
	[tilespmem:s28+$0x60] =	vst v3;
	v3 =	vmax.f32 v7, $0.0e+00  }
0x198: {  	v7 =	vld [tilespmem:s0+$0xFFFFFFC0];
	v6 =	vmax.f32 v6, $0.0e+00;
	[tilespmem:s28+$0x70] =	vst v3  }
0x199: {  	v3 =	vmax.f32 v9, $0.0e+00;
	v9 =	vld [tilespmem:s0+$0xFFFFFFD0];
	[tilespmem:s28+$0xFFFFFFF0] =	vst v6;
	s28 =	smov.u32 s0  }
0x19a: {  	[tilespmem:s0+$0xFFFFFF80] =	vst v3;
	v3 =	vmax.f32 v8, $0.0e+00;
	v6 =	vld [tilespmem:s0+$0xFFFFFFE0]  }
0x19b: {  	[tilespmem:s0+$0xFFFFFF90] =	vst v3;
	v3 =	vmax.f32 v4, $0.0e+00;
	v4 =	vld [tilespmem:s0+$0x0]  }
0x19c: {  	[tilespmem:s0+$0xFFFFFFA0] =	vst v3;
	v3 =	vmax.f32 v5, $0.0e+00;
	v5 =	vld [tilespmem:s0+$0x10]  }
0x19d: {  	s29 =	sadd.s32 $0x4, s29;
	[tilespmem:s0+$0xFFFFFFB0] =	vst v3;
	v3 =	vmax.f32 v7, $0.0e+00;
	v7 =	vld [tilespmem:s0+$0x20]  }
0x19e: {  	p0 =	slt.u32 s29, $0x4C;
	[tilespmem:s0+$0xFFFFFFC0] =	vst v3;
	v3 =	vmax.f32 v9, $0.0e+00;
	v8 =	vld [tilespmem:s0+$0x30]  }
.Ltmp5:
0x19f: {  	[tilespmem:s0+$0xFFFFFFD0] =	vst v3;
	v6 =	vmax.f32 v6, $0.0e+00;
	v3 =	vld [tilespmem:s0+$0x40];
	(pc) =	sbr.rel @p0 .LBB2_13-.Ltmp5, $4  }
0x1a0: {  	[tilespmem:s0+$0xFFFFFFE0] =	vst v6;
	v6 =	vmax.f32 v4, $0.0e+00;
	v4 =	vld [tilespmem:s0+$0x50]  }
0x1a1: {  	[tilespmem:s0+$0x0] =	vst v6;
	v6 =	vmax.f32 v5, $0.0e+00;
	v5 =	vld [tilespmem:s0+$0x60]  }
0x1a2: {  	[tilespmem:s0+$0x10] =	vst v6;
	v9 =	vmax.f32 v7, $0.0e+00;
	v7 =	vld [tilespmem:s0+$0x70]  }
0x1a3: {  	s0 =	sadd.s32 $0x100, s0;
	v6 =	vld [tilespmem:s28+$0xFFFFFFF0];
	[tilespmem:s28+$0x20] =	vst v9;
	v8 =	vmax.f32 v8, $0.0e+00  }
0x1a4: {  	[tilespmem:s28+$0x30] =	vst v8;
	v3 =	vmax.f32 v3, $0.0e+00  }
0x1a5: {  	[tilespmem:s28+$0x40] =	vst v3;
	v3 =	vmax.f32 v4, $0.0e+00  }
0x1a6: {  	[tilespmem:s28+$0x50] =	vst v3;
	v3 =	vmax.f32 v5, $0.0e+00  }
0x1a7: {  	[tilespmem:s28+$0x60] =	vst v3;
	v3 =	vmax.f32 v7, $0.0e+00  }
0x1a8: {  	v4 =	vmax.f32 v6, $0.0e+00;
	[tilespmem:s28+$0x70] =	vst v3  }
0x1a9: {  	[tilespmem:s28+$0xFFFFFFF0] =	vst v4  }
0x1aa: {  	[spmem:s2] =	stream.indirect.scatter.add.f32 [tilespmem:s15], [sflag:$0x6], $0x40, s23, s10, $0xb8;
	[tilespmem:$0x12520] =	vst v63  }
0x1ab: {  	_ = 	snop  }
0x1ac: {  	[spmem:s3] =	stream.indirect.scatter.add.f32 [tilespmem:s30], [sflag:$0x6], $0x10, s23, s10, $0xb8;
	[tilespmem:$0x12520] =	vst v63  }
0x1ad: {  	_ =	swait.ge [sflag:s13], $0x1400  }
0x1ae: {  	[sflag:s13] =	ssyncset.done $0x0  }
0x1af: {  	[sflag:s13] =	ssyncadd.s32 $0xFFFFEC00  }
0x1b0: {  	[tilespmem:s12], [sflag:$0x2] =	stream.indirect.gather.add.f32 [hbm:s6], $0x40, s5, s10, $0xb8;
	[tilespmem:$0x12520] =	vst v63  }
0x1b1: {  	_ =	swait.ge [sflag:s24], $0x1400  }
0x1b2: {  	[sflag:s24] =	ssyncset.done $0x0  }
0x1b3: {  	[sflag:s24] =	ssyncadd.s32 $0xFFFFEC00  }
0x1b4: {  	_ =	swait.ge [sflag:s24], $0x500  }
0x1b5: {  	[sflag:s24] =	ssyncset.done $0x0  }
0x1b6: {  	[sflag:s24] =	ssyncadd.s32 $0xFFFFFB00  }
0x1b7: {  	v3 =	vld [tilespmem:$0x2E90]  }
0x1b8: {  	v4 =	vld [tilespmem:$0x2B70];
	_ =	sdelay $0x1  }
0x1b9: {  	v5 =	vld [tilespmem:$0x2EA0]  }
0x1ba: {  	v6 =	vld [tilespmem:$0x2B80]  }
0x1bb: {  	[tilespmem:$0x1540] =	vst v3;
	v3 =	vadd.s32 v0, v3  }
0x1bc: {  	[tilespmem:$0x1590] =	vst v3;
	v3 =	vadd.s32 v0, v4;
	v4 =	vld [tilespmem:$0x2EB0]  }
0x1bd: {  	[tilespmem:$0x14F0] =	vst v3;
	v3 =	vld [tilespmem:$0x2B90]  }
0x1be: {  	[tilespmem:$0x1550] =	vst v5;
	v5 =	vadd.s32 v0, v5  }
0x1bf: {  	[tilespmem:$0x15A0] =	vst v5;
	v5 =	vadd.s32 v0, v6;
	v6 =	vld [tilespmem:$0x2EC0]  }
0x1c0: {  	[tilespmem:$0x1500] =	vst v5;
	v5 =	vld [tilespmem:$0x2BA0]  }
0x1c1: {  	[tilespmem:$0x1560] =	vst v4;
	v4 =	vadd.s32 v0, v4  }
0x1c2: {  	[tilespmem:$0x15B0] =	vst v4;
	v3 =	vadd.s32 v0, v3;
	v4 =	vld [tilespmem:$0x2ED0]  }
0x1c3: {  	[tilespmem:$0x1510] =	vst v3;
	v3 =	vld [tilespmem:$0x2BB0]  }
0x1c4: {  	[tilespmem:$0x1570] =	vst v6;
	v6 =	vadd.s32 v0, v6  }
0x1c5: {  	[tilespmem:$0x15C0] =	vst v6;
	v5 =	vadd.s32 v0, v5  }
0x1c6: {  	[tilespmem:$0x1520] =	vst v5  }
0x1c7: {  	[tilespmem:$0x1580] =	vst v4;
	v4 =	vadd.s32 v0, v4  }
0x1c8: {  	[tilespmem:$0x15D0] =	vst v4;
	v3 =	vadd.s32 v0, v3  }
0x1c9: {  	[tilespmem:$0x1530] =	vst v3  }
0x1ca: {  	[tilespmem:s15], [sflag:$0x4] =	stream.indirect.gather [hbm4b:s1+s10], $0x40, s14, s10, $0xb8;
	[tilespmem:$0x12520] =	vst v63  }
0x1cb: {  	_ =	swait.ge [sflag:s16], $0x1400  }
0x1cc: {  	[sflag:s16] =	ssyncset.done $0x0  }
0x1cd: {  	s28 =	simm.s32 $0x170;
	[sflag:s16] =	ssyncadd.s32 $0xFFFFEC00  }
0x1ce: {  	v3 =	vld [tilespmem:s28+$0xFFFFFF80]  }
0x1cf: {  	v4 =	vld [tilespmem:s28+$0xFFFFFF90]  }
0x1d0: {  	v5 =	vld [tilespmem:s28+$0xFFFFFFA0]  }
0x1d1: {  	v6 =	vld [tilespmem:s28+$0xFFFFFFB0]  }
0x1d2: {  	v7 =	vld [tilespmem:s28+$0xFFFFFFC0]  }
0x1d3: {  	v8 =	vld [tilespmem:s28+$0xFFFFFFD0];
	v3 =	vmax.f32 v3, $0.0e+00  }
0x1d4: {  	[tilespmem:s28+$0xFFFFFF80] =	vst v3;
	v3 =	vmax.f32 v4, $0.0e+00;
	v4 =	vld [tilespmem:s28+$0xFFFFFFE0]  }
0x1d5: {  	[tilespmem:s28+$0xFFFFFF90] =	vst v3;
	v3 =	vmax.f32 v5, $0.0e+00;
	v5 =	vld [tilespmem:s28+$0x0]  }
0x1d6: {  	[tilespmem:s28+$0xFFFFFFA0] =	vst v3;
	v3 =	vmax.f32 v6, $0.0e+00;
	v6 =	vld [tilespmem:s28+$0x10]  }
0x1d7: {  	[tilespmem:s28+$0xFFFFFFB0] =	vst v3;
	v3 =	vmax.f32 v7, $0.0e+00;
	v7 =	vld [tilespmem:s28+$0x20]  }
0x1d8: {  	[tilespmem:s28+$0xFFFFFFC0] =	vst v3;
	v3 =	vmax.f32 v8, $0.0e+00;
	v8 =	vld [tilespmem:s28+$0x30]  }
0x1d9: {  	[tilespmem:s28+$0xFFFFFFD0] =	vst v3;
	v4 =	vmax.f32 v4, $0.0e+00;
	v3 =	vld [tilespmem:s28+$0x40]  }
0x1da: {  	[tilespmem:s28+$0xFFFFFFE0] =	vst v4;
	v5 =	vmax.f32 v5, $0.0e+00;
	v4 =	vld [tilespmem:s28+$0x50]  }
0x1db: {  	[tilespmem:s28+$0x0] =	vst v5;
	v6 =	vmax.f32 v6, $0.0e+00;
	v5 =	vld [tilespmem:s28+$0x60]  }
0x1dc: {  	[tilespmem:s28+$0x10] =	vst v6;
	v9 =	vmax.f32 v7, $0.0e+00;
	v7 =	vld [tilespmem:s28+$0x70]  }
0x1dd: {  	s29 =	simm.s32 $0x0;
	s0 =	simm.s32 $0x270;
	v6 =	vld [tilespmem:s28+$0xFFFFFFF0];
	[tilespmem:s28+$0x20] =	vst v9;
	v8 =	vmax.f32 v8, $0.0e+00  }
.LBB2_15:
0x1de: {  	v9 =	vld [tilespmem:s0+$0xFFFFFF80];
	[tilespmem:s28+$0x30] =	vst v8;
	v3 =	vmax.f32 v3, $0.0e+00  }
0x1df: {  	v8 =	vld [tilespmem:s0+$0xFFFFFF90];
	[tilespmem:s28+$0x40] =	vst v3;
	v3 =	vmax.f32 v4, $0.0e+00  }
0x1e0: {  	v4 =	vld [tilespmem:s0+$0xFFFFFFA0];
	[tilespmem:s28+$0x50] =	vst v3;
	v3 =	vmax.f32 v5, $0.0e+00  }
0x1e1: {  	v5 =	vld [tilespmem:s0+$0xFFFFFFB0];
	[tilespmem:s28+$0x60] =	vst v3;
	v3 =	vmax.f32 v7, $0.0e+00  }
0x1e2: {  	v7 =	vld [tilespmem:s0+$0xFFFFFFC0];
	v6 =	vmax.f32 v6, $0.0e+00;
	[tilespmem:s28+$0x70] =	vst v3  }
0x1e3: {  	v3 =	vmax.f32 v9, $0.0e+00;
	v9 =	vld [tilespmem:s0+$0xFFFFFFD0];
	[tilespmem:s28+$0xFFFFFFF0] =	vst v6;
	s28 =	smov.u32 s0  }
0x1e4: {  	[tilespmem:s0+$0xFFFFFF80] =	vst v3;
	v3 =	vmax.f32 v8, $0.0e+00;
	v6 =	vld [tilespmem:s0+$0xFFFFFFE0]  }
0x1e5: {  	[tilespmem:s0+$0xFFFFFF90] =	vst v3;
	v3 =	vmax.f32 v4, $0.0e+00;
	v4 =	vld [tilespmem:s0+$0x0]  }
0x1e6: {  	[tilespmem:s0+$0xFFFFFFA0] =	vst v3;
	v3 =	vmax.f32 v5, $0.0e+00;
	v5 =	vld [tilespmem:s0+$0x10]  }
0x1e7: {  	s29 =	sadd.s32 $0x4, s29;
	[tilespmem:s0+$0xFFFFFFB0] =	vst v3;
	v3 =	vmax.f32 v7, $0.0e+00;
	v7 =	vld [tilespmem:s0+$0x20]  }
0x1e8: {  	p0 =	slt.u32 s29, $0x4C;
	[tilespmem:s0+$0xFFFFFFC0] =	vst v3;
	v3 =	vmax.f32 v9, $0.0e+00;
	v8 =	vld [tilespmem:s0+$0x30]  }
.Ltmp6:
0x1e9: {  	[tilespmem:s0+$0xFFFFFFD0] =	vst v3;
	v6 =	vmax.f32 v6, $0.0e+00;
	v3 =	vld [tilespmem:s0+$0x40];
	(pc) =	sbr.rel @p0 .LBB2_15-.Ltmp6, $4  }
0x1ea: {  	[tilespmem:s0+$0xFFFFFFE0] =	vst v6;
	v6 =	vmax.f32 v4, $0.0e+00;
	v4 =	vld [tilespmem:s0+$0x50]  }
0x1eb: {  	[tilespmem:s0+$0x0] =	vst v6;
	v6 =	vmax.f32 v5, $0.0e+00;
	v5 =	vld [tilespmem:s0+$0x60]  }
0x1ec: {  	[tilespmem:s0+$0x10] =	vst v6;
	v9 =	vmax.f32 v7, $0.0e+00;
	v7 =	vld [tilespmem:s0+$0x70]  }
0x1ed: {  	s0 =	sadd.s32 $0x100, s0;
	v6 =	vld [tilespmem:s28+$0xFFFFFFF0];
	[tilespmem:s28+$0x20] =	vst v9;
	v8 =	vmax.f32 v8, $0.0e+00  }
0x1ee: {  	[tilespmem:s28+$0x30] =	vst v8;
	v3 =	vmax.f32 v3, $0.0e+00  }
0x1ef: {  	[tilespmem:s28+$0x40] =	vst v3;
	v3 =	vmax.f32 v4, $0.0e+00  }
0x1f0: {  	[tilespmem:s28+$0x50] =	vst v3;
	v3 =	vmax.f32 v5, $0.0e+00  }
0x1f1: {  	[tilespmem:s28+$0x60] =	vst v3;
	v3 =	vmax.f32 v7, $0.0e+00  }
0x1f2: {  	v4 =	vmax.f32 v6, $0.0e+00;
	[tilespmem:s28+$0x70] =	vst v3  }
0x1f3: {  	[tilespmem:s28+$0xFFFFFFF0] =	vst v4  }
0x1f4: {  	[spmem:s2] =	stream.indirect.scatter.add.f32 [tilespmem:s12], [sflag:$0x3], $0x40, s10, s10, $0xb8;
	[tilespmem:$0x12520] =	vst v63  }
0x1f5: {  	_ = 	snop  }
0x1f6: {  	[spmem:s3] =	stream.indirect.scatter.add.f32 [tilespmem:s30], [sflag:$0x3], $0x10, s10, s10, $0xb8;
	[tilespmem:$0x12520] =	vst v63  }
0x1f7: {  	_ =	swait.ge [sflag:s19], $0x1400  }
0x1f8: {  	[sflag:s19] =	ssyncset.done $0x0  }
0x1f9: {  	[sflag:s19] =	ssyncadd.s32 $0xFFFFEC00  }
0x1fa: {  	[tilespmem:s15], [sflag:$0x5] =	stream.indirect.gather.add.f32 [hbm:s6], $0x40, s20, s10, $0xb8;
	[tilespmem:$0x12520] =	vst v63  }
0x1fb: {  	_ =	swait.ge [sflag:s21], $0x1400  }
0x1fc: {  	[sflag:s21] =	ssyncset.done $0x0  }
0x1fd: {  	[sflag:s21] =	ssyncadd.s32 $0xFFFFEC00  }
0x1fe: {  	_ =	swait.ge [sflag:s21], $0x500  }
0x1ff: {  	[sflag:s21] =	ssyncset.done $0x0  }
0x200: {  	[sflag:s21] =	ssyncadd.s32 $0xFFFFFB00  }
0x201: {  	v3 =	vld [tilespmem:$0x2EE0]  }
0x202: {  	v4 =	vld [tilespmem:$0x2BC0];
	_ =	sdelay $0x1  }
0x203: {  	v5 =	vld [tilespmem:$0x2EF0]  }
0x204: {  	v6 =	vld [tilespmem:$0x2BD0]  }
0x205: {  	[tilespmem:$0x50] =	vst v3;
	v3 =	vadd.s32 v0, v3  }
0x206: {  	[tilespmem:$0xA0] =	vst v3;
	v3 =	vadd.s32 v0, v4;
	v4 =	vld [tilespmem:$0x2F00]  }
0x207: {  	[tilespmem:$0x0] =	vst v3;
	v3 =	vld [tilespmem:$0x2BE0]  }
0x208: {  	[tilespmem:$0x60] =	vst v5;
	v5 =	vadd.s32 v0, v5  }
0x209: {  	[tilespmem:$0xB0] =	vst v5;
	v5 =	vadd.s32 v0, v6;
	v6 =	vld [tilespmem:$0x2F10]  }
0x20a: {  	[tilespmem:$0x10] =	vst v5;
	v5 =	vld [tilespmem:$0x2BF0]  }
0x20b: {  	[tilespmem:$0x70] =	vst v4;
	v4 =	vadd.s32 v0, v4  }
0x20c: {  	[tilespmem:$0xC0] =	vst v4;
	v3 =	vadd.s32 v0, v3;
	v4 =	vld [tilespmem:$0x2F20]  }
0x20d: {  	[tilespmem:$0x20] =	vst v3;
	v3 =	vld [tilespmem:$0x2C00]  }
0x20e: {  	[tilespmem:$0x80] =	vst v6;
	v6 =	vadd.s32 v0, v6  }
0x20f: {  	[tilespmem:$0xD0] =	vst v6;
	v5 =	vadd.s32 v0, v5  }
0x210: {  	[tilespmem:$0x30] =	vst v5  }
0x211: {  	[tilespmem:$0x90] =	vst v4;
	v4 =	vadd.s32 v0, v4  }
0x212: {  	[tilespmem:$0xE0] =	vst v4;
	v3 =	vadd.s32 v0, v3  }
0x213: {  	[tilespmem:$0x40] =	vst v3  }
0x214: {  	[tilespmem:s12], [sflag:$0x1] =	stream.indirect.gather [hbm4b:s1+s10], $0x40, s11, s10, $0xb8;
	[tilespmem:$0x12520] =	vst v63  }
0x215: {  	_ =	swait.ge [sflag:s22], $0x1400  }
0x216: {  	[sflag:s22] =	ssyncset.done $0x0  }
0x217: {  	s28 =	simm.s32 $0x1660;
	[sflag:s22] =	ssyncadd.s32 $0xFFFFEC00  }
0x218: {  	v3 =	vld [tilespmem:s28+$0xFFFFFF80]  }
0x219: {  	v4 =	vld [tilespmem:s28+$0xFFFFFF90]  }
0x21a: {  	v5 =	vld [tilespmem:s28+$0xFFFFFFA0]  }
0x21b: {  	v6 =	vld [tilespmem:s28+$0xFFFFFFB0]  }
0x21c: {  	v7 =	vld [tilespmem:s28+$0xFFFFFFC0]  }
0x21d: {  	v8 =	vld [tilespmem:s28+$0xFFFFFFD0];
	v3 =	vmax.f32 v3, $0.0e+00  }
0x21e: {  	[tilespmem:s28+$0xFFFFFF80] =	vst v3;
	v3 =	vmax.f32 v4, $0.0e+00;
	v4 =	vld [tilespmem:s28+$0xFFFFFFE0]  }
0x21f: {  	[tilespmem:s28+$0xFFFFFF90] =	vst v3;
	v3 =	vmax.f32 v5, $0.0e+00;
	v5 =	vld [tilespmem:s28+$0x0]  }
0x220: {  	[tilespmem:s28+$0xFFFFFFA0] =	vst v3;
	v3 =	vmax.f32 v6, $0.0e+00;
	v6 =	vld [tilespmem:s28+$0x10]  }
0x221: {  	[tilespmem:s28+$0xFFFFFFB0] =	vst v3;
	v3 =	vmax.f32 v7, $0.0e+00;
	v7 =	vld [tilespmem:s28+$0x20]  }
0x222: {  	[tilespmem:s28+$0xFFFFFFC0] =	vst v3;
	v3 =	vmax.f32 v8, $0.0e+00;
	v8 =	vld [tilespmem:s28+$0x30]  }
0x223: {  	[tilespmem:s28+$0xFFFFFFD0] =	vst v3;
	v4 =	vmax.f32 v4, $0.0e+00;
	v3 =	vld [tilespmem:s28+$0x40]  }
0x224: {  	[tilespmem:s28+$0xFFFFFFE0] =	vst v4;
	v5 =	vmax.f32 v5, $0.0e+00;
	v4 =	vld [tilespmem:s28+$0x50]  }
0x225: {  	[tilespmem:s28+$0x0] =	vst v5;
	v6 =	vmax.f32 v6, $0.0e+00;
	v5 =	vld [tilespmem:s28+$0x60]  }
0x226: {  	[tilespmem:s28+$0x10] =	vst v6;
	v9 =	vmax.f32 v7, $0.0e+00;
	v7 =	vld [tilespmem:s28+$0x70]  }
0x227: {  	s29 =	simm.s32 $0x0;
	s0 =	simm.s32 $0x1760;
	v6 =	vld [tilespmem:s28+$0xFFFFFFF0];
	[tilespmem:s28+$0x20] =	vst v9;
	v8 =	vmax.f32 v8, $0.0e+00  }
.LBB2_17:
0x228: {  	v9 =	vld [tilespmem:s0+$0xFFFFFF80];
	[tilespmem:s28+$0x30] =	vst v8;
	v3 =	vmax.f32 v3, $0.0e+00  }
0x229: {  	v8 =	vld [tilespmem:s0+$0xFFFFFF90];
	[tilespmem:s28+$0x40] =	vst v3;
	v3 =	vmax.f32 v4, $0.0e+00  }
0x22a: {  	v4 =	vld [tilespmem:s0+$0xFFFFFFA0];
	[tilespmem:s28+$0x50] =	vst v3;
	v3 =	vmax.f32 v5, $0.0e+00  }
0x22b: {  	v5 =	vld [tilespmem:s0+$0xFFFFFFB0];
	[tilespmem:s28+$0x60] =	vst v3;
	v3 =	vmax.f32 v7, $0.0e+00  }
0x22c: {  	v7 =	vld [tilespmem:s0+$0xFFFFFFC0];
	v6 =	vmax.f32 v6, $0.0e+00;
	[tilespmem:s28+$0x70] =	vst v3  }
0x22d: {  	v3 =	vmax.f32 v9, $0.0e+00;
	v9 =	vld [tilespmem:s0+$0xFFFFFFD0];
	[tilespmem:s28+$0xFFFFFFF0] =	vst v6;
	s28 =	smov.u32 s0  }
0x22e: {  	[tilespmem:s0+$0xFFFFFF80] =	vst v3;
	v3 =	vmax.f32 v8, $0.0e+00;
	v6 =	vld [tilespmem:s0+$0xFFFFFFE0]  }
0x22f: {  	[tilespmem:s0+$0xFFFFFF90] =	vst v3;
	v3 =	vmax.f32 v4, $0.0e+00;
	v4 =	vld [tilespmem:s0+$0x0]  }
0x230: {  	[tilespmem:s0+$0xFFFFFFA0] =	vst v3;
	v3 =	vmax.f32 v5, $0.0e+00;
	v5 =	vld [tilespmem:s0+$0x10]  }
0x231: {  	s29 =	sadd.s32 $0x4, s29;
	[tilespmem:s0+$0xFFFFFFB0] =	vst v3;
	v3 =	vmax.f32 v7, $0.0e+00;
	v7 =	vld [tilespmem:s0+$0x20]  }
0x232: {  	p0 =	slt.u32 s29, $0x4C;
	[tilespmem:s0+$0xFFFFFFC0] =	vst v3;
	v3 =	vmax.f32 v9, $0.0e+00;
	v8 =	vld [tilespmem:s0+$0x30]  }
.Ltmp7:
0x233: {  	[tilespmem:s0+$0xFFFFFFD0] =	vst v3;
	v6 =	vmax.f32 v6, $0.0e+00;
	v3 =	vld [tilespmem:s0+$0x40];
	(pc) =	sbr.rel @p0 .LBB2_17-.Ltmp7, $4  }
0x234: {  	[tilespmem:s0+$0xFFFFFFE0] =	vst v6;
	v6 =	vmax.f32 v4, $0.0e+00;
	v4 =	vld [tilespmem:s0+$0x50]  }
0x235: {  	[tilespmem:s0+$0x0] =	vst v6;
	v6 =	vmax.f32 v5, $0.0e+00;
	v5 =	vld [tilespmem:s0+$0x60]  }
0x236: {  	[tilespmem:s0+$0x10] =	vst v6;
	v9 =	vmax.f32 v7, $0.0e+00;
	v7 =	vld [tilespmem:s0+$0x70]  }
0x237: {  	s0 =	sadd.s32 $0x100, s0;
	v6 =	vld [tilespmem:s28+$0xFFFFFFF0];
	[tilespmem:s28+$0x20] =	vst v9;
	v8 =	vmax.f32 v8, $0.0e+00  }
0x238: {  	[tilespmem:s28+$0x30] =	vst v8;
	v3 =	vmax.f32 v3, $0.0e+00  }
0x239: {  	[tilespmem:s28+$0x40] =	vst v3;
	v3 =	vmax.f32 v4, $0.0e+00  }
0x23a: {  	[tilespmem:s28+$0x50] =	vst v3;
	v3 =	vmax.f32 v5, $0.0e+00  }
0x23b: {  	[tilespmem:s28+$0x60] =	vst v3;
	v3 =	vmax.f32 v7, $0.0e+00  }
0x23c: {  	v4 =	vmax.f32 v6, $0.0e+00;
	[tilespmem:s28+$0x70] =	vst v3  }
0x23d: {  	[tilespmem:s28+$0xFFFFFFF0] =	vst v4  }
0x23e: {  	[spmem:s2] =	stream.indirect.scatter.add.f32 [tilespmem:s15], [sflag:$0x6], $0x40, s23, s10, $0xb8;
	[tilespmem:$0x12520] =	vst v63  }
0x23f: {  	_ = 	snop  }
0x240: {  	[spmem:s3] =	stream.indirect.scatter.add.f32 [tilespmem:s30], [sflag:$0x6], $0x10, s23, s10, $0xb8;
	[tilespmem:$0x12520] =	vst v63  }
0x241: {  	_ =	swait.ge [sflag:s13], $0x1400  }
0x242: {  	[sflag:s13] =	ssyncset.done $0x0  }
0x243: {  	[sflag:s13] =	ssyncadd.s32 $0xFFFFEC00  }
0x244: {  	[tilespmem:s12], [sflag:$0x2] =	stream.indirect.gather.add.f32 [hbm:s6], $0x40, s5, s10, $0xb8;
	[tilespmem:$0x12520] =	vst v63  }
0x245: {  	_ =	swait.ge [sflag:s24], $0x1400  }
0x246: {  	[sflag:s24] =	ssyncset.done $0x0  }
0x247: {  	[sflag:s24] =	ssyncadd.s32 $0xFFFFEC00  }
0x248: {  	_ =	swait.ge [sflag:s24], $0x500  }
0x249: {  	[sflag:s24] =	ssyncset.done $0x0  }
0x24a: {  	[sflag:s24] =	ssyncadd.s32 $0xFFFFFB00  }
0x24b: {  	v3 =	vld [tilespmem:$0x2F30]  }
0x24c: {  	v4 =	vld [tilespmem:$0x2C10];
	_ =	sdelay $0x1  }
0x24d: {  	v5 =	vld [tilespmem:$0x2F40]  }
0x24e: {  	v6 =	vld [tilespmem:$0x2C20]  }
0x24f: {  	[tilespmem:$0x1540] =	vst v3;
	v3 =	vadd.s32 v0, v3  }
0x250: {  	[tilespmem:$0x1590] =	vst v3;
	v3 =	vadd.s32 v0, v4;
	v4 =	vld [tilespmem:$0x2F50]  }
0x251: {  	[tilespmem:$0x14F0] =	vst v3;
	v3 =	vld [tilespmem:$0x2C30]  }
0x252: {  	[tilespmem:$0x1550] =	vst v5;
	v5 =	vadd.s32 v0, v5  }
0x253: {  	[tilespmem:$0x15A0] =	vst v5;
	v5 =	vadd.s32 v0, v6;
	v6 =	vld [tilespmem:$0x2F60]  }
0x254: {  	[tilespmem:$0x1500] =	vst v5;
	v5 =	vld [tilespmem:$0x2C40]  }
0x255: {  	[tilespmem:$0x1560] =	vst v4;
	v4 =	vadd.s32 v0, v4  }
0x256: {  	[tilespmem:$0x15B0] =	vst v4;
	v3 =	vadd.s32 v0, v3;
	v4 =	vld [tilespmem:$0x2F70]  }
0x257: {  	[tilespmem:$0x1510] =	vst v3;
	v3 =	vld [tilespmem:$0x2C50]  }
0x258: {  	[tilespmem:$0x1570] =	vst v6;
	v6 =	vadd.s32 v0, v6  }
0x259: {  	[tilespmem:$0x15C0] =	vst v6;
	v5 =	vadd.s32 v0, v5  }
0x25a: {  	[tilespmem:$0x1520] =	vst v5  }
0x25b: {  	[tilespmem:$0x1580] =	vst v4;
	v4 =	vadd.s32 v0, v4  }
0x25c: {  	[tilespmem:$0x15D0] =	vst v4;
	v3 =	vadd.s32 v0, v3  }
0x25d: {  	[tilespmem:$0x1530] =	vst v3  }
0x25e: {  	[tilespmem:s15], [sflag:$0x4] =	stream.indirect.gather [hbm4b:s1+s10], $0x40, s14, s10, $0xb8;
	[tilespmem:$0x12520] =	vst v63  }
0x25f: {  	_ =	swait.ge [sflag:s16], $0x1400  }
0x260: {  	[sflag:s16] =	ssyncset.done $0x0  }
0x261: {  	s28 =	simm.s32 $0x170;
	[sflag:s16] =	ssyncadd.s32 $0xFFFFEC00  }
0x262: {  	v3 =	vld [tilespmem:s28+$0xFFFFFF80]  }
0x263: {  	v4 =	vld [tilespmem:s28+$0xFFFFFF90]  }
0x264: {  	v5 =	vld [tilespmem:s28+$0xFFFFFFA0]  }
0x265: {  	v6 =	vld [tilespmem:s28+$0xFFFFFFB0]  }
0x266: {  	v7 =	vld [tilespmem:s28+$0xFFFFFFC0]  }
0x267: {  	v8 =	vld [tilespmem:s28+$0xFFFFFFD0];
	v3 =	vmax.f32 v3, $0.0e+00  }
0x268: {  	[tilespmem:s28+$0xFFFFFF80] =	vst v3;
	v3 =	vmax.f32 v4, $0.0e+00;
	v4 =	vld [tilespmem:s28+$0xFFFFFFE0]  }
0x269: {  	[tilespmem:s28+$0xFFFFFF90] =	vst v3;
	v3 =	vmax.f32 v5, $0.0e+00;
	v5 =	vld [tilespmem:s28+$0x0]  }
0x26a: {  	[tilespmem:s28+$0xFFFFFFA0] =	vst v3;
	v3 =	vmax.f32 v6, $0.0e+00;
	v6 =	vld [tilespmem:s28+$0x10]  }
0x26b: {  	[tilespmem:s28+$0xFFFFFFB0] =	vst v3;
	v3 =	vmax.f32 v7, $0.0e+00;
	v7 =	vld [tilespmem:s28+$0x20]  }
0x26c: {  	[tilespmem:s28+$0xFFFFFFC0] =	vst v3;
	v3 =	vmax.f32 v8, $0.0e+00;
	v8 =	vld [tilespmem:s28+$0x30]  }
0x26d: {  	[tilespmem:s28+$0xFFFFFFD0] =	vst v3;
	v4 =	vmax.f32 v4, $0.0e+00;
	v3 =	vld [tilespmem:s28+$0x40]  }
0x26e: {  	[tilespmem:s28+$0xFFFFFFE0] =	vst v4;
	v5 =	vmax.f32 v5, $0.0e+00;
	v4 =	vld [tilespmem:s28+$0x50]  }
0x26f: {  	[tilespmem:s28+$0x0] =	vst v5;
	v6 =	vmax.f32 v6, $0.0e+00;
	v5 =	vld [tilespmem:s28+$0x60]  }
0x270: {  	[tilespmem:s28+$0x10] =	vst v6;
	v9 =	vmax.f32 v7, $0.0e+00;
	v7 =	vld [tilespmem:s28+$0x70]  }
0x271: {  	s29 =	simm.s32 $0x0;
	s0 =	simm.s32 $0x270;
	v6 =	vld [tilespmem:s28+$0xFFFFFFF0];
	[tilespmem:s28+$0x20] =	vst v9;
	v8 =	vmax.f32 v8, $0.0e+00  }
.LBB2_19:
0x272: {  	v9 =	vld [tilespmem:s0+$0xFFFFFF80];
	[tilespmem:s28+$0x30] =	vst v8;
	v3 =	vmax.f32 v3, $0.0e+00  }
0x273: {  	v8 =	vld [tilespmem:s0+$0xFFFFFF90];
	[tilespmem:s28+$0x40] =	vst v3;
	v3 =	vmax.f32 v4, $0.0e+00  }
0x274: {  	v4 =	vld [tilespmem:s0+$0xFFFFFFA0];
	[tilespmem:s28+$0x50] =	vst v3;
	v3 =	vmax.f32 v5, $0.0e+00  }
0x275: {  	v5 =	vld [tilespmem:s0+$0xFFFFFFB0];
	[tilespmem:s28+$0x60] =	vst v3;
	v3 =	vmax.f32 v7, $0.0e+00  }
0x276: {  	v7 =	vld [tilespmem:s0+$0xFFFFFFC0];
	v6 =	vmax.f32 v6, $0.0e+00;
	[tilespmem:s28+$0x70] =	vst v3  }
0x277: {  	v3 =	vmax.f32 v9, $0.0e+00;
	v9 =	vld [tilespmem:s0+$0xFFFFFFD0];
	[tilespmem:s28+$0xFFFFFFF0] =	vst v6;
	s28 =	smov.u32 s0  }
0x278: {  	[tilespmem:s0+$0xFFFFFF80] =	vst v3;
	v3 =	vmax.f32 v8, $0.0e+00;
	v6 =	vld [tilespmem:s0+$0xFFFFFFE0]  }
0x279: {  	[tilespmem:s0+$0xFFFFFF90] =	vst v3;
	v3 =	vmax.f32 v4, $0.0e+00;
	v4 =	vld [tilespmem:s0+$0x0]  }
0x27a: {  	[tilespmem:s0+$0xFFFFFFA0] =	vst v3;
	v3 =	vmax.f32 v5, $0.0e+00;
	v5 =	vld [tilespmem:s0+$0x10]  }
0x27b: {  	s29 =	sadd.s32 $0x4, s29;
	[tilespmem:s0+$0xFFFFFFB0] =	vst v3;
	v3 =	vmax.f32 v7, $0.0e+00;
	v7 =	vld [tilespmem:s0+$0x20]  }
0x27c: {  	p0 =	slt.u32 s29, $0x4C;
	[tilespmem:s0+$0xFFFFFFC0] =	vst v3;
	v3 =	vmax.f32 v9, $0.0e+00;
	v8 =	vld [tilespmem:s0+$0x30]  }
.Ltmp8:
0x27d: {  	[tilespmem:s0+$0xFFFFFFD0] =	vst v3;
	v6 =	vmax.f32 v6, $0.0e+00;
	v3 =	vld [tilespmem:s0+$0x40];
	(pc) =	sbr.rel @p0 .LBB2_19-.Ltmp8, $4  }
0x27e: {  	[tilespmem:s0+$0xFFFFFFE0] =	vst v6;
	v6 =	vmax.f32 v4, $0.0e+00;
	v4 =	vld [tilespmem:s0+$0x50]  }
0x27f: {  	[tilespmem:s0+$0x0] =	vst v6;
	v6 =	vmax.f32 v5, $0.0e+00;
	v5 =	vld [tilespmem:s0+$0x60]  }
0x280: {  	[tilespmem:s0+$0x10] =	vst v6;
	v9 =	vmax.f32 v7, $0.0e+00;
	v7 =	vld [tilespmem:s0+$0x70]  }
0x281: {  	s0 =	sadd.s32 $0x100, s0;
	v6 =	vld [tilespmem:s28+$0xFFFFFFF0];
	[tilespmem:s28+$0x20] =	vst v9;
	v8 =	vmax.f32 v8, $0.0e+00  }
0x282: {  	[tilespmem:s28+$0x30] =	vst v8;
	v3 =	vmax.f32 v3, $0.0e+00  }
0x283: {  	[tilespmem:s28+$0x40] =	vst v3;
	v3 =	vmax.f32 v4, $0.0e+00  }
0x284: {  	[tilespmem:s28+$0x50] =	vst v3;
	v3 =	vmax.f32 v5, $0.0e+00  }
0x285: {  	[tilespmem:s28+$0x60] =	vst v3;
	v3 =	vmax.f32 v7, $0.0e+00  }
0x286: {  	v4 =	vmax.f32 v6, $0.0e+00;
	[tilespmem:s28+$0x70] =	vst v3  }
0x287: {  	[tilespmem:s28+$0xFFFFFFF0] =	vst v4  }
0x288: {  	[spmem:s2] =	stream.indirect.scatter.add.f32 [tilespmem:s12], [sflag:$0x3], $0x40, s10, s10, $0xb8;
	[tilespmem:$0x12520] =	vst v63  }
0x289: {  	_ = 	snop  }
0x28a: {  	[spmem:s3] =	stream.indirect.scatter.add.f32 [tilespmem:s30], [sflag:$0x3], $0x10, s10, s10, $0xb8;
	[tilespmem:$0x12520] =	vst v63  }
0x28b: {  	_ =	swait.ge [sflag:s19], $0x1400  }
0x28c: {  	[sflag:s19] =	ssyncset.done $0x0  }
0x28d: {  	[sflag:s19] =	ssyncadd.s32 $0xFFFFEC00  }
0x28e: {  	[tilespmem:s15], [sflag:$0x5] =	stream.indirect.gather.add.f32 [hbm:s6], $0x40, s20, s10, $0xb8;
	[tilespmem:$0x12520] =	vst v63  }
0x28f: {  	_ =	swait.ge [sflag:s21], $0x1400  }
0x290: {  	[sflag:s21] =	ssyncset.done $0x0  }
0x291: {  	[sflag:s21] =	ssyncadd.s32 $0xFFFFEC00  }
0x292: {  	_ =	swait.ge [sflag:s21], $0x500  }
0x293: {  	[sflag:s21] =	ssyncset.done $0x0  }
0x294: {  	[sflag:s21] =	ssyncadd.s32 $0xFFFFFB00  }
0x295: {  	v3 =	vld [tilespmem:$0x2F80]  }
0x296: {  	v4 =	vld [tilespmem:$0x2C60];
	_ =	sdelay $0x1  }
0x297: {  	v5 =	vld [tilespmem:$0x2F90]  }
0x298: {  	v6 =	vld [tilespmem:$0x2C70]  }
0x299: {  	[tilespmem:$0x50] =	vst v3;
	v3 =	vadd.s32 v0, v3  }
0x29a: {  	[tilespmem:$0xA0] =	vst v3;
	v3 =	vadd.s32 v0, v4;
	v4 =	vld [tilespmem:$0x2FA0]  }
0x29b: {  	[tilespmem:$0x0] =	vst v3;
	v3 =	vld [tilespmem:$0x2C80]  }
0x29c: {  	[tilespmem:$0x60] =	vst v5;
	v5 =	vadd.s32 v0, v5  }
0x29d: {  	[tilespmem:$0xB0] =	vst v5;
	v5 =	vadd.s32 v0, v6;
	v6 =	vld [tilespmem:$0x2FB0]  }
0x29e: {  	[tilespmem:$0x10] =	vst v5;
	v5 =	vld [tilespmem:$0x2C90]  }
0x29f: {  	[tilespmem:$0x70] =	vst v4;
	v4 =	vadd.s32 v0, v4  }
0x2a0: {  	[tilespmem:$0xC0] =	vst v4;
	v3 =	vadd.s32 v0, v3;
	v4 =	vld [tilespmem:$0x2FC0]  }
0x2a1: {  	[tilespmem:$0x20] =	vst v3;
	v3 =	vld [tilespmem:$0x2CA0]  }
0x2a2: {  	[tilespmem:$0x80] =	vst v6;
	v6 =	vadd.s32 v0, v6  }
0x2a3: {  	[tilespmem:$0xD0] =	vst v6;
	v5 =	vadd.s32 v0, v5  }
0x2a4: {  	[tilespmem:$0x30] =	vst v5  }
0x2a5: {  	[tilespmem:$0x90] =	vst v4;
	v4 =	vadd.s32 v0, v4  }
0x2a6: {  	[tilespmem:$0xE0] =	vst v4;
	v3 =	vadd.s32 v0, v3  }
0x2a7: {  	[tilespmem:$0x40] =	vst v3  }
0x2a8: {  	[tilespmem:s12], [sflag:$0x1] =	stream.indirect.gather [hbm4b:s1+s10], $0x40, s11, s10, $0xb8;
	[tilespmem:$0x12520] =	vst v63  }
0x2a9: {  	_ =	swait.ge [sflag:s22], $0x1400  }
0x2aa: {  	[sflag:s22] =	ssyncset.done $0x0  }
0x2ab: {  	s28 =	simm.s32 $0x1660;
	[sflag:s22] =	ssyncadd.s32 $0xFFFFEC00  }
0x2ac: {  	v3 =	vld [tilespmem:s28+$0xFFFFFF80]  }
0x2ad: {  	v4 =	vld [tilespmem:s28+$0xFFFFFF90]  }
0x2ae: {  	v5 =	vld [tilespmem:s28+$0xFFFFFFA0]  }
0x2af: {  	v6 =	vld [tilespmem:s28+$0xFFFFFFB0]  }
0x2b0: {  	v7 =	vld [tilespmem:s28+$0xFFFFFFC0]  }
0x2b1: {  	v8 =	vld [tilespmem:s28+$0xFFFFFFD0];
	v3 =	vmax.f32 v3, $0.0e+00  }
0x2b2: {  	[tilespmem:s28+$0xFFFFFF80] =	vst v3;
	v3 =	vmax.f32 v4, $0.0e+00;
	v4 =	vld [tilespmem:s28+$0xFFFFFFE0]  }
0x2b3: {  	[tilespmem:s28+$0xFFFFFF90] =	vst v3;
	v3 =	vmax.f32 v5, $0.0e+00;
	v5 =	vld [tilespmem:s28+$0x0]  }
0x2b4: {  	[tilespmem:s28+$0xFFFFFFA0] =	vst v3;
	v3 =	vmax.f32 v6, $0.0e+00;
	v6 =	vld [tilespmem:s28+$0x10]  }
0x2b5: {  	[tilespmem:s28+$0xFFFFFFB0] =	vst v3;
	v3 =	vmax.f32 v7, $0.0e+00;
	v7 =	vld [tilespmem:s28+$0x20]  }
0x2b6: {  	[tilespmem:s28+$0xFFFFFFC0] =	vst v3;
	v3 =	vmax.f32 v8, $0.0e+00;
	v8 =	vld [tilespmem:s28+$0x30]  }
0x2b7: {  	[tilespmem:s28+$0xFFFFFFD0] =	vst v3;
	v4 =	vmax.f32 v4, $0.0e+00;
	v3 =	vld [tilespmem:s28+$0x40]  }
0x2b8: {  	[tilespmem:s28+$0xFFFFFFE0] =	vst v4;
	v5 =	vmax.f32 v5, $0.0e+00;
	v4 =	vld [tilespmem:s28+$0x50]  }
0x2b9: {  	[tilespmem:s28+$0x0] =	vst v5;
	v6 =	vmax.f32 v6, $0.0e+00;
	v5 =	vld [tilespmem:s28+$0x60]  }
0x2ba: {  	[tilespmem:s28+$0x10] =	vst v6;
	v9 =	vmax.f32 v7, $0.0e+00;
	v7 =	vld [tilespmem:s28+$0x70]  }
0x2bb: {  	s29 =	simm.s32 $0x0;
	s0 =	simm.s32 $0x1760;
	v6 =	vld [tilespmem:s28+$0xFFFFFFF0];
	[tilespmem:s28+$0x20] =	vst v9;
	v8 =	vmax.f32 v8, $0.0e+00  }
.LBB2_21:
0x2bc: {  	v9 =	vld [tilespmem:s0+$0xFFFFFF80];
	[tilespmem:s28+$0x30] =	vst v8;
	v3 =	vmax.f32 v3, $0.0e+00  }
0x2bd: {  	v8 =	vld [tilespmem:s0+$0xFFFFFF90];
	[tilespmem:s28+$0x40] =	vst v3;
	v3 =	vmax.f32 v4, $0.0e+00  }
0x2be: {  	v4 =	vld [tilespmem:s0+$0xFFFFFFA0];
	[tilespmem:s28+$0x50] =	vst v3;
	v3 =	vmax.f32 v5, $0.0e+00  }
0x2bf: {  	v5 =	vld [tilespmem:s0+$0xFFFFFFB0];
	[tilespmem:s28+$0x60] =	vst v3;
	v3 =	vmax.f32 v7, $0.0e+00  }
0x2c0: {  	v7 =	vld [tilespmem:s0+$0xFFFFFFC0];
	v6 =	vmax.f32 v6, $0.0e+00;
	[tilespmem:s28+$0x70] =	vst v3  }
0x2c1: {  	v3 =	vmax.f32 v9, $0.0e+00;
	v9 =	vld [tilespmem:s0+$0xFFFFFFD0];
	[tilespmem:s28+$0xFFFFFFF0] =	vst v6;
	s28 =	smov.u32 s0  }
0x2c2: {  	[tilespmem:s0+$0xFFFFFF80] =	vst v3;
	v3 =	vmax.f32 v8, $0.0e+00;
	v6 =	vld [tilespmem:s0+$0xFFFFFFE0]  }
0x2c3: {  	[tilespmem:s0+$0xFFFFFF90] =	vst v3;
	v3 =	vmax.f32 v4, $0.0e+00;
	v4 =	vld [tilespmem:s0+$0x0]  }
0x2c4: {  	[tilespmem:s0+$0xFFFFFFA0] =	vst v3;
	v3 =	vmax.f32 v5, $0.0e+00;
	v5 =	vld [tilespmem:s0+$0x10]  }
0x2c5: {  	s29 =	sadd.s32 $0x4, s29;
	[tilespmem:s0+$0xFFFFFFB0] =	vst v3;
	v3 =	vmax.f32 v7, $0.0e+00;
	v7 =	vld [tilespmem:s0+$0x20]  }
0x2c6: {  	p0 =	slt.u32 s29, $0x4C;
	[tilespmem:s0+$0xFFFFFFC0] =	vst v3;
	v3 =	vmax.f32 v9, $0.0e+00;
	v8 =	vld [tilespmem:s0+$0x30]  }
.Ltmp9:
0x2c7: {  	[tilespmem:s0+$0xFFFFFFD0] =	vst v3;
	v6 =	vmax.f32 v6, $0.0e+00;
	v3 =	vld [tilespmem:s0+$0x40];
	(pc) =	sbr.rel @p0 .LBB2_21-.Ltmp9, $4  }
0x2c8: {  	[tilespmem:s0+$0xFFFFFFE0] =	vst v6;
	v6 =	vmax.f32 v4, $0.0e+00;
	v4 =	vld [tilespmem:s0+$0x50]  }
0x2c9: {  	[tilespmem:s0+$0x0] =	vst v6;
	v6 =	vmax.f32 v5, $0.0e+00;
	v5 =	vld [tilespmem:s0+$0x60]  }
0x2ca: {  	[tilespmem:s0+$0x10] =	vst v6;
	v9 =	vmax.f32 v7, $0.0e+00;
	v7 =	vld [tilespmem:s0+$0x70]  }
0x2cb: {  	s0 =	sadd.s32 $0x100, s0;
	v6 =	vld [tilespmem:s28+$0xFFFFFFF0];
	[tilespmem:s28+$0x20] =	vst v9;
	v8 =	vmax.f32 v8, $0.0e+00  }
0x2cc: {  	[tilespmem:s28+$0x30] =	vst v8;
	v3 =	vmax.f32 v3, $0.0e+00  }
0x2cd: {  	[tilespmem:s28+$0x40] =	vst v3;
	v3 =	vmax.f32 v4, $0.0e+00  }
0x2ce: {  	[tilespmem:s28+$0x50] =	vst v3;
	v3 =	vmax.f32 v5, $0.0e+00  }
0x2cf: {  	[tilespmem:s28+$0x60] =	vst v3;
	v3 =	vmax.f32 v7, $0.0e+00  }
0x2d0: {  	v4 =	vmax.f32 v6, $0.0e+00;
	[tilespmem:s28+$0x70] =	vst v3  }
0x2d1: {  	[tilespmem:s28+$0xFFFFFFF0] =	vst v4  }
0x2d2: {  	[spmem:s2] =	stream.indirect.scatter.add.f32 [tilespmem:s15], [sflag:$0x6], $0x40, s23, s10, $0xb8;
	[tilespmem:$0x12520] =	vst v63  }
0x2d3: {  	_ = 	snop  }
0x2d4: {  	[spmem:s3] =	stream.indirect.scatter.add.f32 [tilespmem:s30], [sflag:$0x6], $0x10, s23, s10, $0xb8;
	[tilespmem:$0x12520] =	vst v63  }
0x2d5: {  	_ =	swait.ge [sflag:s13], $0x1400  }
0x2d6: {  	[sflag:s13] =	ssyncset.done $0x0  }
0x2d7: {  	[sflag:s13] =	ssyncadd.s32 $0xFFFFEC00  }
0x2d8: {  	[tilespmem:s12], [sflag:$0x2] =	stream.indirect.gather.add.f32 [hbm:s6], $0x40, s5, s10, $0xb8;
	[tilespmem:$0x12520] =	vst v63  }
0x2d9: {  	_ =	swait.ge [sflag:s24], $0x1400  }
0x2da: {  	[sflag:s24] =	ssyncset.done $0x0  }
0x2db: {  	[sflag:s24] =	ssyncadd.s32 $0xFFFFEC00  }
0x2dc: {  	_ =	swait.ge [sflag:s24], $0x500  }
0x2dd: {  	[sflag:s24] =	ssyncset.done $0x0  }
0x2de: {  	[sflag:s24] =	ssyncadd.s32 $0xFFFFFB00  }
0x2df: {  	v3 =	vld [tilespmem:$0x2FD0]  }
0x2e0: {  	v4 =	vld [tilespmem:$0x2CB0];
	_ =	sdelay $0x1  }
0x2e1: {  	v5 =	vld [tilespmem:$0x2FE0]  }
0x2e2: {  	v6 =	vld [tilespmem:$0x2CC0]  }
0x2e3: {  	[tilespmem:$0x1540] =	vst v3;
	v3 =	vadd.s32 v0, v3  }
0x2e4: {  	[tilespmem:$0x1590] =	vst v3;
	v3 =	vadd.s32 v0, v4;
	v4 =	vld [tilespmem:$0x2FF0]  }
0x2e5: {  	[tilespmem:$0x14F0] =	vst v3;
	v3 =	vld [tilespmem:$0x2CD0]  }
0x2e6: {  	[tilespmem:$0x1550] =	vst v5;
	v5 =	vadd.s32 v0, v5  }
0x2e7: {  	[tilespmem:$0x15A0] =	vst v5;
	v5 =	vadd.s32 v0, v6;
	v6 =	vld [tilespmem:$0x3000]  }
0x2e8: {  	[tilespmem:$0x1500] =	vst v5;
	v5 =	vld [tilespmem:$0x2CE0]  }
0x2e9: {  	[tilespmem:$0x1560] =	vst v4;
	v4 =	vadd.s32 v0, v4  }
0x2ea: {  	[tilespmem:$0x15B0] =	vst v4;
	v3 =	vadd.s32 v0, v3;
	v4 =	vld [tilespmem:$0x3010]  }
0x2eb: {  	[tilespmem:$0x1510] =	vst v3;
	v3 =	vld [tilespmem:$0x2CF0]  }
0x2ec: {  	[tilespmem:$0x1570] =	vst v6;
	v6 =	vadd.s32 v0, v6  }
0x2ed: {  	[tilespmem:$0x15C0] =	vst v6;
	v5 =	vadd.s32 v0, v5  }
0x2ee: {  	[tilespmem:$0x1520] =	vst v5  }
0x2ef: {  	[tilespmem:$0x1580] =	vst v4;
	v4 =	vadd.s32 v0, v4  }
0x2f0: {  	[tilespmem:$0x15D0] =	vst v4;
	v3 =	vadd.s32 v0, v3  }
0x2f1: {  	[tilespmem:$0x1530] =	vst v3  }
0x2f2: {  	[tilespmem:s15], [sflag:$0x4] =	stream.indirect.gather [hbm4b:s1+s10], $0x40, s14, s10, $0xb8;
	[tilespmem:$0x12520] =	vst v63  }
0x2f3: {  	_ =	swait.ge [sflag:s16], $0x1400  }
0x2f4: {  	[sflag:s16] =	ssyncset.done $0x0  }
0x2f5: {  	s28 =	simm.s32 $0x170;
	[sflag:s16] =	ssyncadd.s32 $0xFFFFEC00  }
0x2f6: {  	v3 =	vld [tilespmem:s28+$0xFFFFFF80]  }
0x2f7: {  	v4 =	vld [tilespmem:s28+$0xFFFFFF90]  }
0x2f8: {  	v5 =	vld [tilespmem:s28+$0xFFFFFFA0]  }
0x2f9: {  	v6 =	vld [tilespmem:s28+$0xFFFFFFB0]  }
0x2fa: {  	v7 =	vld [tilespmem:s28+$0xFFFFFFC0]  }
0x2fb: {  	v8 =	vld [tilespmem:s28+$0xFFFFFFD0];
	v3 =	vmax.f32 v3, $0.0e+00  }
0x2fc: {  	[tilespmem:s28+$0xFFFFFF80] =	vst v3;
	v3 =	vmax.f32 v4, $0.0e+00;
	v4 =	vld [tilespmem:s28+$0xFFFFFFE0]  }
0x2fd: {  	[tilespmem:s28+$0xFFFFFF90] =	vst v3;
	v3 =	vmax.f32 v5, $0.0e+00;
	v5 =	vld [tilespmem:s28+$0x0]  }
0x2fe: {  	[tilespmem:s28+$0xFFFFFFA0] =	vst v3;
	v3 =	vmax.f32 v6, $0.0e+00;
	v6 =	vld [tilespmem:s28+$0x10]  }
0x2ff: {  	[tilespmem:s28+$0xFFFFFFB0] =	vst v3;
	v3 =	vmax.f32 v7, $0.0e+00;
	v7 =	vld [tilespmem:s28+$0x20]  }
0x300: {  	[tilespmem:s28+$0xFFFFFFC0] =	vst v3;
	v3 =	vmax.f32 v8, $0.0e+00;
	v8 =	vld [tilespmem:s28+$0x30]  }
0x301: {  	[tilespmem:s28+$0xFFFFFFD0] =	vst v3;
	v4 =	vmax.f32 v4, $0.0e+00;
	v3 =	vld [tilespmem:s28+$0x40]  }
0x302: {  	[tilespmem:s28+$0xFFFFFFE0] =	vst v4;
	v5 =	vmax.f32 v5, $0.0e+00;
	v4 =	vld [tilespmem:s28+$0x50]  }
0x303: {  	[tilespmem:s28+$0x0] =	vst v5;
	v6 =	vmax.f32 v6, $0.0e+00;
	v5 =	vld [tilespmem:s28+$0x60]  }
0x304: {  	[tilespmem:s28+$0x10] =	vst v6;
	v9 =	vmax.f32 v7, $0.0e+00;
	v7 =	vld [tilespmem:s28+$0x70]  }
0x305: {  	s29 =	simm.s32 $0x0;
	s0 =	simm.s32 $0x270;
	v6 =	vld [tilespmem:s28+$0xFFFFFFF0];
	[tilespmem:s28+$0x20] =	vst v9;
	v8 =	vmax.f32 v8, $0.0e+00  }
.LBB2_23:
0x306: {  	v9 =	vld [tilespmem:s0+$0xFFFFFF80];
	[tilespmem:s28+$0x30] =	vst v8;
	v3 =	vmax.f32 v3, $0.0e+00  }
0x307: {  	v8 =	vld [tilespmem:s0+$0xFFFFFF90];
	[tilespmem:s28+$0x40] =	vst v3;
	v3 =	vmax.f32 v4, $0.0e+00  }
0x308: {  	v4 =	vld [tilespmem:s0+$0xFFFFFFA0];
	[tilespmem:s28+$0x50] =	vst v3;
	v3 =	vmax.f32 v5, $0.0e+00  }
0x309: {  	v5 =	vld [tilespmem:s0+$0xFFFFFFB0];
	[tilespmem:s28+$0x60] =	vst v3;
	v3 =	vmax.f32 v7, $0.0e+00  }
0x30a: {  	v7 =	vld [tilespmem:s0+$0xFFFFFFC0];
	v6 =	vmax.f32 v6, $0.0e+00;
	[tilespmem:s28+$0x70] =	vst v3  }
0x30b: {  	v3 =	vmax.f32 v9, $0.0e+00;
	v9 =	vld [tilespmem:s0+$0xFFFFFFD0];
	[tilespmem:s28+$0xFFFFFFF0] =	vst v6;
	s28 =	smov.u32 s0  }
0x30c: {  	[tilespmem:s0+$0xFFFFFF80] =	vst v3;
	v3 =	vmax.f32 v8, $0.0e+00;
	v6 =	vld [tilespmem:s0+$0xFFFFFFE0]  }
0x30d: {  	[tilespmem:s0+$0xFFFFFF90] =	vst v3;
	v3 =	vmax.f32 v4, $0.0e+00;
	v4 =	vld [tilespmem:s0+$0x0]  }
0x30e: {  	[tilespmem:s0+$0xFFFFFFA0] =	vst v3;
	v3 =	vmax.f32 v5, $0.0e+00;
	v5 =	vld [tilespmem:s0+$0x10]  }
0x30f: {  	s29 =	sadd.s32 $0x4, s29;
	[tilespmem:s0+$0xFFFFFFB0] =	vst v3;
	v3 =	vmax.f32 v7, $0.0e+00;
	v7 =	vld [tilespmem:s0+$0x20]  }
0x310: {  	p0 =	slt.u32 s29, $0x4C;
	[tilespmem:s0+$0xFFFFFFC0] =	vst v3;
	v3 =	vmax.f32 v9, $0.0e+00;
	v8 =	vld [tilespmem:s0+$0x30]  }
.Ltmp10:
0x311: {  	[tilespmem:s0+$0xFFFFFFD0] =	vst v3;
	v6 =	vmax.f32 v6, $0.0e+00;
	v3 =	vld [tilespmem:s0+$0x40];
	(pc) =	sbr.rel @p0 .LBB2_23-.Ltmp10, $4  }
0x312: {  	[tilespmem:s0+$0xFFFFFFE0] =	vst v6;
	v6 =	vmax.f32 v4, $0.0e+00;
	v4 =	vld [tilespmem:s0+$0x50]  }
0x313: {  	[tilespmem:s0+$0x0] =	vst v6;
	v6 =	vmax.f32 v5, $0.0e+00;
	v5 =	vld [tilespmem:s0+$0x60]  }
0x314: {  	[tilespmem:s0+$0x10] =	vst v6;
	v9 =	vmax.f32 v7, $0.0e+00;
	v7 =	vld [tilespmem:s0+$0x70]  }
0x315: {  	s0 =	sadd.s32 $0x100, s0;
	v6 =	vld [tilespmem:s28+$0xFFFFFFF0];
	[tilespmem:s28+$0x20] =	vst v9;
	v8 =	vmax.f32 v8, $0.0e+00  }
0x316: {  	[tilespmem:s28+$0x30] =	vst v8;
	v3 =	vmax.f32 v3, $0.0e+00  }
0x317: {  	[tilespmem:s28+$0x40] =	vst v3;
	v3 =	vmax.f32 v4, $0.0e+00  }
0x318: {  	[tilespmem:s28+$0x50] =	vst v3;
	v3 =	vmax.f32 v5, $0.0e+00  }
0x319: {  	[tilespmem:s28+$0x60] =	vst v3;
	v3 =	vmax.f32 v7, $0.0e+00  }
0x31a: {  	v4 =	vmax.f32 v6, $0.0e+00;
	[tilespmem:s28+$0x70] =	vst v3  }
0x31b: {  	[tilespmem:s28+$0xFFFFFFF0] =	vst v4  }
0x31c: {  	[spmem:s2] =	stream.indirect.scatter.add.f32 [tilespmem:s12], [sflag:$0x3], $0x40, s10, s10, $0xb8;
	[tilespmem:$0x12520] =	vst v63  }
0x31d: {  	_ = 	snop  }
0x31e: {  	[spmem:s3] =	stream.indirect.scatter.add.f32 [tilespmem:s30], [sflag:$0x3], $0x10, s10, s10, $0xb8;
	[tilespmem:$0x12520] =	vst v63  }
0x31f: {  	_ =	swait.ge [sflag:s19], $0x1400  }
0x320: {  	[sflag:s19] =	ssyncset.done $0x0  }
0x321: {  	[sflag:s19] =	ssyncadd.s32 $0xFFFFEC00  }
0x322: {  	[tilespmem:s15], [sflag:$0x5] =	stream.indirect.gather.add.f32 [hbm:s6], $0x40, s20, s10, $0xb8;
	[tilespmem:$0x12520] =	vst v63  }
0x323: {  	_ =	swait.ge [sflag:s22], $0x1400  }
0x324: {  	[sflag:s22] =	ssyncset.done $0x0  }
0x325: {  	s28 =	simm.s32 $0x1660;
	[sflag:s22] =	ssyncadd.s32 $0xFFFFEC00  }
0x326: {  	v3 =	vld [tilespmem:s28+$0xFFFFFF80]  }
0x327: {  	v4 =	vld [tilespmem:s28+$0xFFFFFF90]  }
0x328: {  	v5 =	vld [tilespmem:s28+$0xFFFFFFA0]  }
0x329: {  	v6 =	vld [tilespmem:s28+$0xFFFFFFB0]  }
0x32a: {  	v7 =	vld [tilespmem:s28+$0xFFFFFFC0]  }
0x32b: {  	v8 =	vld [tilespmem:s28+$0xFFFFFFD0];
	v3 =	vmax.f32 v3, $0.0e+00  }
0x32c: {  	[tilespmem:s28+$0xFFFFFF80] =	vst v3;
	v3 =	vmax.f32 v4, $0.0e+00;
	v4 =	vld [tilespmem:s28+$0xFFFFFFE0]  }
0x32d: {  	[tilespmem:s28+$0xFFFFFF90] =	vst v3;
	v3 =	vmax.f32 v5, $0.0e+00;
	v5 =	vld [tilespmem:s28+$0x0]  }
0x32e: {  	[tilespmem:s28+$0xFFFFFFA0] =	vst v3;
	v3 =	vmax.f32 v6, $0.0e+00;
	v6 =	vld [tilespmem:s28+$0x10]  }
0x32f: {  	[tilespmem:s28+$0xFFFFFFB0] =	vst v3;
	v3 =	vmax.f32 v7, $0.0e+00;
	v7 =	vld [tilespmem:s28+$0x20]  }
0x330: {  	[tilespmem:s28+$0xFFFFFFC0] =	vst v3;
	v3 =	vmax.f32 v8, $0.0e+00;
	v8 =	vld [tilespmem:s28+$0x30]  }
0x331: {  	[tilespmem:s28+$0xFFFFFFD0] =	vst v3;
	v4 =	vmax.f32 v4, $0.0e+00;
	v3 =	vld [tilespmem:s28+$0x40]  }
0x332: {  	[tilespmem:s28+$0xFFFFFFE0] =	vst v4;
	v5 =	vmax.f32 v5, $0.0e+00;
	v4 =	vld [tilespmem:s28+$0x50]  }
0x333: {  	[tilespmem:s28+$0x0] =	vst v5;
	v6 =	vmax.f32 v6, $0.0e+00;
	v5 =	vld [tilespmem:s28+$0x60]  }
0x334: {  	[tilespmem:s28+$0x10] =	vst v6;
	v9 =	vmax.f32 v7, $0.0e+00;
	v7 =	vld [tilespmem:s28+$0x70]  }
0x335: {  	s29 =	simm.s32 $0x0;
	s0 =	simm.s32 $0x1760;
	v6 =	vld [tilespmem:s28+$0xFFFFFFF0];
	[tilespmem:s28+$0x20] =	vst v9;
	v8 =	vmax.f32 v8, $0.0e+00  }
.LBB2_25:
0x336: {  	v9 =	vld [tilespmem:s0+$0xFFFFFF80];
	[tilespmem:s28+$0x30] =	vst v8;
	v3 =	vmax.f32 v3, $0.0e+00  }
0x337: {  	v8 =	vld [tilespmem:s0+$0xFFFFFF90];
	[tilespmem:s28+$0x40] =	vst v3;
	v3 =	vmax.f32 v4, $0.0e+00  }
0x338: {  	v4 =	vld [tilespmem:s0+$0xFFFFFFA0];
	[tilespmem:s28+$0x50] =	vst v3;
	v3 =	vmax.f32 v5, $0.0e+00  }
0x339: {  	v5 =	vld [tilespmem:s0+$0xFFFFFFB0];
	[tilespmem:s28+$0x60] =	vst v3;
	v3 =	vmax.f32 v7, $0.0e+00  }
0x33a: {  	v7 =	vld [tilespmem:s0+$0xFFFFFFC0];
	v6 =	vmax.f32 v6, $0.0e+00;
	[tilespmem:s28+$0x70] =	vst v3  }
0x33b: {  	v3 =	vmax.f32 v9, $0.0e+00;
	v9 =	vld [tilespmem:s0+$0xFFFFFFD0];
	[tilespmem:s28+$0xFFFFFFF0] =	vst v6;
	s28 =	smov.u32 s0  }
0x33c: {  	[tilespmem:s0+$0xFFFFFF80] =	vst v3;
	v3 =	vmax.f32 v8, $0.0e+00;
	v6 =	vld [tilespmem:s0+$0xFFFFFFE0]  }
0x33d: {  	[tilespmem:s0+$0xFFFFFF90] =	vst v3;
	v3 =	vmax.f32 v4, $0.0e+00;
	v4 =	vld [tilespmem:s0+$0x0]  }
0x33e: {  	[tilespmem:s0+$0xFFFFFFA0] =	vst v3;
	v3 =	vmax.f32 v5, $0.0e+00;
	v5 =	vld [tilespmem:s0+$0x10]  }
0x33f: {  	s29 =	sadd.s32 $0x4, s29;
	[tilespmem:s0+$0xFFFFFFB0] =	vst v3;
	v3 =	vmax.f32 v7, $0.0e+00;
	v7 =	vld [tilespmem:s0+$0x20]  }
0x340: {  	p0 =	slt.u32 s29, $0x4C;
	[tilespmem:s0+$0xFFFFFFC0] =	vst v3;
	v3 =	vmax.f32 v9, $0.0e+00;
	v8 =	vld [tilespmem:s0+$0x30]  }
.Ltmp11:
0x341: {  	[tilespmem:s0+$0xFFFFFFD0] =	vst v3;
	v6 =	vmax.f32 v6, $0.0e+00;
	v3 =	vld [tilespmem:s0+$0x40];
	(pc) =	sbr.rel @p0 .LBB2_25-.Ltmp11, $4  }
0x342: {  	[tilespmem:s0+$0xFFFFFFE0] =	vst v6;
	v6 =	vmax.f32 v4, $0.0e+00;
	v4 =	vld [tilespmem:s0+$0x50]  }
0x343: {  	[tilespmem:s0+$0x0] =	vst v6;
	v6 =	vmax.f32 v5, $0.0e+00;
	v5 =	vld [tilespmem:s0+$0x60]  }
0x344: {  	[tilespmem:s0+$0x10] =	vst v6;
	v9 =	vmax.f32 v7, $0.0e+00;
	v7 =	vld [tilespmem:s0+$0x70]  }
0x345: {  	s0 =	sadd.s32 $0x100, s0;
	v6 =	vld [tilespmem:s28+$0xFFFFFFF0];
	[tilespmem:s28+$0x20] =	vst v9;
	v8 =	vmax.f32 v8, $0.0e+00  }
0x346: {  	[tilespmem:s28+$0x30] =	vst v8;
	v3 =	vmax.f32 v3, $0.0e+00  }
0x347: {  	[tilespmem:s28+$0x40] =	vst v3;
	v3 =	vmax.f32 v4, $0.0e+00  }
0x348: {  	s26 =	sadd.s32 $0x1, s26;
	[tilespmem:s28+$0x50] =	vst v3;
	v3 =	vmax.f32 v5, $0.0e+00  }
0x349: {  	p0 =	sne.s32 s26, $0x19;
	[tilespmem:s28+$0x60] =	vst v3;
	v3 =	vmax.f32 v7, $0.0e+00  }
.Ltmp12:
0x34a: {  	v63 =	vmax.f32 v6, $0.0e+00;
	[tilespmem:s28+$0x70] =	vst v3;
	(pc) =	sbr.rel @p0 .LBB2_6-.Ltmp12, $4  }
0x34b: {  	[tilespmem:s28+$0xFFFFFFF0] =	vst v63  }
0x34c: {  	[spmem:s2] =	stream.indirect.scatter.add.f32 [tilespmem:s15], [sflag:$0x6], $0x40, s23, s10, $0xb8;
	[tilespmem:$0x12520] =	vst v63  }
0x34d: {  	_ = 	snop  }
0x34e: {  	[spmem:s3] =	stream.indirect.scatter.add.f32 [tilespmem:s30], [sflag:$0x6], $0x10, s23, s10, $0xb8;
	[tilespmem:$0x12520] =	vst v63  }
0x34f: {  	_ =	swait.ge [sflag:s21], $0x1400  }
0x350: {  	[sflag:s21] =	ssyncset.done $0x0  }
0x351: {  	[sflag:s21] =	ssyncadd.s32 $0xFFFFEC00  }
0x352: {  	_ =	swait.ge [sflag:s21], $0x500  }
0x353: {  	[sflag:s21] =	ssyncset.done $0x0  }
0x354: {  	[sflag:s21] =	ssyncadd.s32 $0xFFFFFB00  }
0x355: {  	_ =	swait.ge [sflag:s24], $0x1400  }
0x356: {  	[sflag:s24] =	ssyncset.done $0x0  }
0x357: {  	[sflag:s24] =	ssyncadd.s32 $0xFFFFEC00  }
0x358: {  	_ =	swait.ge [sflag:s24], $0x500  }
0x359: {  	[sflag:s24] =	ssyncset.done $0x0  }
0x35a: {  	[sflag:s24] =	ssyncadd.s32 $0xFFFFFB00  }
0x35b: {  	s0 =	stileid.u32;
	[bflag:$0x0] =	sbarrier.arrive $0xFFFF  }
0x35c: {  	s0 =	sshll.u32 s0, $0x6;
	s29 =	rddreg [dreg:$0xf]  }
0x35d: {  	s0 =	sor.u32 $0x1C07, s0;
	s28 =	rddreg [dreg:$0x5];
	s26 =	sshrl.u32 s29, $0x3  }
0x35e: {  	[hbm:s28], [sflag:s0] =	dma.local [spmem:s26], $0x400  }
0x35f: {  	_ =	swait.ge [sflag:s4], $0x400  }
0x360: {  	[sflag:s4] =	ssyncset.done $0x0;
	s28 =	rddreg [dreg:$0x10]  }
0x361: {  	[sflag:s4] =	ssyncadd.s32 $0xFFFFFC00;
	s26 =	sshrl.u32 s28, $0x3;
	s28 =	rddreg [dreg:$0xa]  }
0x362: {  	[hbm:s28], [sflag:s0] =	dma.local [spmem:s26], $0x100  }
0x363: {  	_ =	swait.ge [sflag:s4], $0x100  }
0x364: {  	[sflag:s4] =	ssyncset.done $0x0;
	s28 =	rddreg [dreg:$0x11]  }
0x365: {  	[sflag:s4] =	ssyncadd.s32 $0xFFFFFF00;
	s26 =	sshrl.u32 s28, $0x3;
	s28 =	rddreg [dreg:$0x6]  }
0x366: {  	[hbm:s28], [sflag:s0] =	dma.local [spmem:s26], $0x400  }
0x367: {  	_ =	swait.ge [sflag:s4], $0x400  }
0x368: {  	[sflag:s4] =	ssyncset.done $0x0;
	s28 =	rddreg [dreg:$0x12]  }
0x369: {  	[sflag:s4] =	ssyncadd.s32 $0xFFFFFC00;
	s26 =	sshrl.u32 s28, $0x3;
	s28 =	rddreg [dreg:$0xb]  }
0x36a: {  	[hbm:s28], [sflag:s0] =	dma.local [spmem:s26], $0x100  }
0x36b: {  	_ =	swait.ge [sflag:s4], $0x100  }
0x36c: {  	[sflag:s4] =	ssyncset.done $0x0;
	s28 =	rddreg [dreg:$0x13]  }
0x36d: {  	[sflag:s4] =	ssyncadd.s32 $0xFFFFFF00;
	s26 =	sshrl.u32 s28, $0x3;
	s28 =	rddreg [dreg:$0x7]  }
0x36e: {  	[hbm:s28], [sflag:s0] =	dma.local [spmem:s26], $0x400  }
0x36f: {  	_ =	swait.ge [sflag:s4], $0x400  }
0x370: {  	[sflag:s4] =	ssyncset.done $0x0;
	s28 =	rddreg [dreg:$0x14]  }
0x371: {  	[sflag:s4] =	ssyncadd.s32 $0xFFFFFC00;
	s26 =	sshrl.u32 s28, $0x3;
	s28 =	rddreg [dreg:$0xc]  }
0x372: {  	[hbm:s28], [sflag:s0] =	dma.local [spmem:s26], $0x100  }
0x373: {  	_ =	swait.ge [sflag:s4], $0x100  }
0x374: {  	[sflag:s4] =	ssyncset.done $0x0;
	s28 =	rddreg [dreg:$0x15]  }
0x375: {  	[sflag:s4] =	ssyncadd.s32 $0xFFFFFF00;
	s26 =	sshrl.u32 s28, $0x3;
	s28 =	rddreg [dreg:$0x8]  }
0x376: {  	[hbm:s28], [sflag:s0] =	dma.local [spmem:s26], $0x400  }
0x377: {  	_ =	swait.ge [sflag:s4], $0x400  }
0x378: {  	[sflag:s4] =	ssyncset.done $0x0;
	s28 =	rddreg [dreg:$0x16]  }
0x379: {  	[sflag:s4] =	ssyncadd.s32 $0xFFFFFC00;
	s26 =	sshrl.u32 s28, $0x3;
	s28 =	rddreg [dreg:$0xd]  }
0x37a: {  	[hbm:s28], [sflag:s0] =	dma.local [spmem:s26], $0x100  }
0x37b: {  	_ =	swait.ge [sflag:s4], $0x100  }
0x37c: {  	[sflag:s4] =	ssyncset.done $0x0;
	s28 =	rddreg [dreg:$0x17]  }
0x37d: {  	[sflag:s4] =	ssyncadd.s32 $0xFFFFFF00;
	s26 =	sshrl.u32 s28, $0x3;
	s28 =	rddreg [dreg:$0x9]  }
0x37e: {  	[hbm:s28], [sflag:s0] =	dma.local [spmem:s26], $0x400  }
0x37f: {  	_ =	swait.ge [sflag:s4], $0x400  }
0x380: {  	[sflag:s4] =	ssyncset.done $0x0;
	s28 =	rddreg [dreg:$0x18]  }
0x381: {  	[sflag:s4] =	ssyncadd.s32 $0xFFFFFC00;
	s26 =	sshrl.u32 s28, $0x3;
	s28 =	rddreg [dreg:$0xe]  }
0x382: {  	[hbm:s28], [sflag:s0] =	dma.local [spmem:s26], $0x100  }
0x383: {  	_ =	swait.ge [sflag:s4], $0x100  }
0x384: {  	s25 =	sadd.s32 $0x1, s25;
	s28 =	rddreg [dreg:$0x19]  }
0x385: {  	p0 =	sne.s32 s25, s28  }
.Ltmp13:
0x386: {  	_ = 	snop;
	(pc) =	sbr.rel @p0 .LBB2_1-.Ltmp13, $3  }
0x387: {  	_ =	sdelay $0x1  }
0x388: {  	[sflag:s4] =	ssyncset.done $0x0  }
0x389: {  	[sflag:s4] =	ssyncadd.s32 $0xFFFFFF00  }
0x38a: {  	_ =	sfence.sel $0x180000  }
0x38b: {  	[bflag:$0x0] =	sbarrier.arrive $0xFFFF  }
0x38c: {  	_ =	strace $0x90000047  }
0x38d: {  	s0 =	stileid.u32;
	[bflag:$0x2] =	sbarrier.arrive $0xFFFF  }
0x38e: {  	p0 =	sne.s32 s0, $0x0;
	s0 =	rddreg [dreg:$0x4]  }
0x38f: {  	s0 =	sadd.s32 @!p0 $0x100000, s0  }
0x390: {  	[sflag:s0] =	ssyncadd.tile.s32 @!p0 $0x1;
	_ =	shalt  }
.Lfunc_end2:
_tile_overlayer_lowered:
.L_overlay_start_2:
0x391: {  	(tag) =	ssettag $0x2  }
0x392: {  	s0 =	rddreg [dreg:$0x0];
	s2 =	stileid.u32  }
0x393: {  	s1 =	rddreg [dreg:$0x1];
	p0 =	sne.s32 s2, $0x0  }
0x394: {  	s3 =	rddreg [dreg:$0x2];
	[bflag:$0x3] =	sbarrier.arrive $0xFFFF;
	s2 =	simm.s32 @!p0 $0x1C07  }
0x395: {  	[timem:s3], [sflag:s2] =	dma.local @!p0 [hbm:s0], s1  }
0x396: {  	s0 =	simm.s32 @!p0 $0x7  }
0x397: {  	_ =	swait.ge @!p0 [sflag:s0], s1  }
0x398: {  	s1 =	ssub.s32 @!p0 $0x0, s1;
	[sflag:s0] =	ssyncset.done @!p0 $0x0  }
0x399: {  	[sflag:s0] =	ssyncadd.s32 @!p0 s1  }
0x39a: {  	[bflag:$0x3] =	sbarrier.arrive $0xFFFF  }
0x39b: {  	_ =	shalt  }

</sc_bundles>
